<compile_context>
chip_gen: v7x
topology: tpu7x:2x2x1
jax: 0.10.2.dev20260603
libtpu: 0.0.44.dev20260713+nightly
codegen_flags: <defaults>
</compile_context>

<pallas_src>
import functools

import jax
import jax.numpy as jnp
from jax import lax
from jax.experimental import pallas as pl
from jax.experimental.pallas import tpu as pltpu
from jax.experimental.pallas import tpu_sc as plsc

NC = 2
NS = 16
NW = NC * NS

NE = 1000000
DIM = 16
NPLANE = 64
BT = 8
PL_W = NPLANE // NW


SPAN = 62
NBLK2 = 2 * 126
TPR = 7813
NT = 2 * TPR
DPITCH = TPR * 1024
LSLICE = DPITCH - 7 * 128


def _detile_body(ent3, tails, out3, buf, tbuf, wsem):
    wid = lax.axis_index("s") * NC + lax.axis_index("c")
    def per_blk(j, _):
        b = wid + j * NW
        @pl.when(b < NBLK2)
        def _():
            dt = lax.div(b, 126)
            blk = lax.rem(b, 126)
            pltpu.sync_copy(ent3.at[dt, :, pl.ds(blk * (SPAN * 128),
                                                 SPAN * 128)], buf)
            t0 = dt * TPR + blk * SPAN
            def per_t(c, _):
                pltpu.async_copy(buf.at[:, pl.ds(c * 128, 128)],
                                 out3.at[t0 + c], wsem)
                return 0
            lax.fori_loop(0, SPAN, per_t, 0)
            pltpu.make_async_copy(ent3.at[0, :, pl.ds(0, SPAN * 128)],
                                  buf, wsem).wait()
        return 0
    lax.fori_loop(0, 8, per_blk, 0)

    @pl.when(wid < 2)
    def _():
        pltpu.sync_copy(tails.at[wid], tbuf)
        pltpu.sync_copy(tbuf, out3.at[wid * TPR + TPR - 1])


def _sc_body(ent_hbm, rel_hbm, h_hbm, r_hbm, t_hbm, v_hbm,
             hs_out, rs_out, ts_out, vs_out,
             relv, idxv, ridxv, ebuf, vidxv, vbuf, rbufs,
             gsem, vsem, wsem):
    wid = lax.axis_index("s") * NC + lax.axis_index("c")

    pltpu.sync_copy(rel_hbm, relv)

    def entity_issue(src_hbm, p):
        pltpu.sync_copy(src_hbm.at[p], idxv)
        def per_bt_x(bt, _):
            for g in range(8):
                v = idxv[bt, pl.ds(g * 16, 16)]
                idxv[bt, pl.ds(g * 16, 16)] = v + (v >> 7) * 896
            return 0
        lax.fori_loop(0, BT, per_bt_x, 0)
        def per_bt(bt, _):
            for dt in range(2):
                def per_d(ds_, _, dt=dt):
                    pltpu.async_copy(
                        ent_hbm.at[pl.ds(dt * DPITCH + ds_ * 128,
                                         LSLICE)].at[idxv.at[bt]],
                        ebuf.at[dt, bt, ds_], gsem)
                    return 0
                lax.fori_loop(0, 8, per_d, 0)
            return 0
        lax.fori_loop(0, BT, per_bt, 0)

    def entity_finish(dst_hbm, p):
        pltpu.make_async_copy(dst_hbm.at[p], ebuf, gsem).wait()
        pltpu.sync_copy(ebuf, dst_hbm.at[p])

    def vs_work():
        pltpu.sync_copy(v_hbm.at[wid], vidxv)
        for g in range(8):
            v = vidxv[0, pl.ds(g * 16, 16)]
            vidxv[0, pl.ds(g * 16, 16)] = v + (v >> 7) * 896
        for dt in range(2):
            def per_d(ds_, _, dt=dt):
                pltpu.async_copy(
                    ent_hbm.at[pl.ds(dt * DPITCH + ds_ * 128,
                                     LSLICE)].at[vidxv.at[0]],
                    vbuf.at[dt, ds_], vsem)
                return 0
            lax.fori_loop(0, 8, per_d, 0)
        for dt in range(2):
            pltpu.make_async_copy(vs_out.at[dt, 0], vbuf.at[dt], vsem).wait()
        for dt in range(2):
            pltpu.sync_copy(vbuf.at[dt], vs_out.at[dt, wid])

    rbuf = rbufs.at[0]

    def drain_rs_writes():
        pltpu.make_async_copy(rs_out.at[0, :, :, 0], rbuf, wsem).wait()

    def rs_half(p, bt0):
        def per_bt(q, _):
            bt = bt0 + q
            def per_group(g, _):
                rvec = ridxv[bt, g]
                def per_i(i, _):
                    row = i * 16
                    for j in range(16):
                        vals = plsc.load_gather(
                            relv,
                            [jnp.full((16,), row + j, jnp.int32), rvec])
                        rbuf[i, j // 8, j % 8, pl.ds(g * 16, 16)] = vals
                    return 0
                lax.fori_loop(0, DIM, per_i, 0)
                return 0
            lax.fori_loop(0, 8, per_group, 0)
            pltpu.async_copy(rbuf, rs_out.at[p, :, :, bt], wsem)
            drain_rs_writes()
            return 0
        lax.fori_loop(0, 4, per_bt, 0)

    for k in range(PL_W):
        p = wid * PL_W + k
        entity_issue(h_hbm, p)
        pltpu.sync_copy(r_hbm.at[p], ridxv)
        rs_half(p, 0)
        entity_finish(hs_out, p)
        entity_issue(t_hbm, p)
        rs_half(p, 4)
        entity_finish(ts_out, p)

    @pl.when(wid < BT)
    def _():
        vs_work()


@jax.jit
def _run(ent3, tails, rel_t, h_lin, r_lin, t_lin, v_lin):
    mesh = plsc.VectorSubcoreMesh(core_axis_name="c", subcore_axis_name="s")
    detile = functools.partial(
        pl.kernel,
        mesh=mesh,
        out_type=[jax.ShapeDtypeStruct((NT, 8, 128), jnp.float32)],
        scratch_types=[pltpu.VMEM((8, SPAN * 128), jnp.float32),
                       pltpu.VMEM((8, 128), jnp.float32),
                       pltpu.SemaphoreType.DMA],
    )(_detile_body)
    (out3,) = detile(ent3, tails)
    ent_flat = out3.reshape(NT * 1024)
    f = functools.partial(
        pl.kernel,
        mesh=mesh,
        compiler_params=pltpu.CompilerParams(needs_layout_passes=False),
        out_type=[
            jax.ShapeDtypeStruct((NPLANE, 2, BT, 8, 128), jnp.float32),
            jax.ShapeDtypeStruct((NPLANE, 16, 2, BT, 8, 128), jnp.float32),
            jax.ShapeDtypeStruct((NPLANE, 2, BT, 8, 128), jnp.float32),
            jax.ShapeDtypeStruct((2, BT, 8, 128), jnp.float32),
        ],
        scratch_types=[
            pltpu.VMEM((256, 32), jnp.float32),
            pltpu.VMEM((BT, 128), jnp.int32),
            pltpu.VMEM((BT, 8, 16), jnp.int32),
            pltpu.VMEM((2, BT, 8, 128), jnp.float32),
            pltpu.VMEM((1, 128), jnp.int32),
            pltpu.VMEM((2, 8, 128), jnp.float32),
            pltpu.VMEM((1, 16, 2, 8, 128), jnp.float32),
            pltpu.SemaphoreType.DMA,
            pltpu.SemaphoreType.DMA,
            pltpu.SemaphoreType.DMA,
        ],
    )(_sc_body)
    return f(ent_flat, rel_t, h_lin, r_lin, t_lin, v_lin)


def kernel(h_i, R_i, t_i, v_i, entity_emb, relation_emb):
    ent3 = jnp.transpose(entity_emb).reshape(2, 8, NE)
    tails = jnp.pad(
        jnp.transpose(entity_emb[7812 * 128:]).reshape(2, 8, 64),
        ((0, 0), (0, 0), (0, 64)))
    rel_t = jnp.transpose(relation_emb, (1, 2, 0)).reshape(256, 32)
    h_lin = jnp.transpose(h_i, (1, 2, 0)).reshape(NPLANE, BT, 128)
    r_lin = jnp.transpose(R_i, (1, 2, 0)).reshape(NPLANE, BT, 8, 16)
    t_lin = jnp.transpose(t_i, (1, 2, 0)).reshape(NPLANE, BT, 128)
    v_lin = v_i.reshape(BT, 1, 128)
    hz, rz, tz, vz = _run(ent3, tails, rel_t, h_lin, r_lin, t_lin, v_lin)
    hs = (hz.reshape(2, 32, 2, BT, 8, 128)
            .transpose(3, 5, 0, 1, 2, 4).reshape(1024, 2, 32, DIM))
    rs = (rz.reshape(2, 32, 16, 2, BT, 8, 128)
            .transpose(4, 6, 0, 1, 2, 3, 5).reshape(1024, 2, 32, DIM, DIM))
    ts = (tz.reshape(2, 32, 2, BT, 8, 128)
            .transpose(3, 5, 0, 1, 2, 4).reshape(1024, 2, 32, DIM))
    vs = vz.transpose(1, 3, 0, 2).reshape(1024, DIM)
    return (hs, rs, ts, vs)

# --- scband reference (transcript-rebuilt; emitter-appended) ---
"""Pipeline reference for scband-input-module-71863392797045 (READ-ONLY COPY).

The authoritative reference and input builder live on the scoring server;
editing this copy changes nothing except your own understanding.
"""

import jax, jax.numpy as jnp
import numpy as np

N_ENTITY = 1000000
N_RELATION = 32
DIM = 16

def _xavier_uniform(key, shape):
    fan_in, fan_out = shape[-2], shape[-1]
    a = jnp.sqrt(6.0 / (fan_in + fan_out))
    return jax.random.uniform(key, shape, dtype=jnp.float32, minval=-a, maxval=a)

def setup_inputs(seed: int = 0) -> dict:
    key = jax.random.key(seed)
    k1, k2, k3, k4, k5, k6 = jax.random.split(key, 6)
    h_i = jax.random.randint(k1, (1024, 2, 32), 0, N_ENTITY, dtype=jnp.int64 if jax.config.jax_enable_x64 else jnp.int32).astype(jnp.int32)
    R_i = jax.random.randint(k2, (1024, 2, 32), 0, N_RELATION).astype(jnp.int32)
    t_i = jax.random.randint(k3, (1024, 2, 32), 0, N_ENTITY).astype(jnp.int32)
    v_i = jax.random.randint(k4, (1024,), 0, N_ENTITY).astype(jnp.int32)
    entity_emb = _xavier_uniform(k5, (N_ENTITY, DIM))
    relation_emb = _xavier_uniform(k6, (N_RELATION, DIM, DIM))
    return {"h_i": h_i, "R_i": R_i, "t_i": t_i, "v_i": v_i, "entity_emb": entity_emb, "relation_emb": relation_emb}

def reference(h_i, R_i, t_i, v_i, entity_emb, relation_emb):
    batch_size, n_hop, n_memory = h_i.shape
    dim = entity_emb.shape[1]
    h_flat = h_i.reshape(-1)
    vs = jnp.take(entity_emb, v_i, axis=0)
    hs = jnp.take(entity_emb, h_flat, axis=0).reshape(-1, n_hop, n_memory, dim)
    Rs = jnp.take(relation_emb, R_i.reshape(-1), axis=0).reshape(-1, n_hop, n_memory, dim, dim)
    ts = jnp.take(entity_emb, t_i.reshape(-1), axis=0).reshape(-1, n_hop, n_memory, dim)
    return (hs, Rs, ts, vs)

if __name__ == "__main__":
    import jax
    _d = setup_inputs()
    print(jax.jit(kernel)(*tuple(_d.values())))

</pallas_src>

<mosaic_0001>
#map = affine_map<(d0, d1) -> (0)>
#map1 = affine_map<(d0, d1) -> (0, 0)>
#map2 = affine_map<(d0, d1) -> (0, 0, 0)>
#map3 = affine_map<(d0, d1) -> (0, 0, 0, 0)>
#map4 = affine_map<(d0, d1) -> (0, 0, 0, 0, 0)>
#map5 = affine_map<(d0, d1) -> (0, 0, 0, 0, 0, 0)>
module attributes {stable_mosaic.version = 14 : i64} {
  func.func @_sc_body(%arg0: i32, %arg1: i32, %arg2: memref<16001024xf32, #tpu.memory_space<hbm>>, %arg3: memref<256x32xf32, #tpu.memory_space<hbm>>, %arg4: memref<64x8x128xi32, #tpu.memory_space<hbm>>, %arg5: memref<64x8x8x16xi32, #tpu.memory_space<hbm>>, %arg6: memref<64x8x128xi32, #tpu.memory_space<hbm>>, %arg7: memref<8x1x128xi32, #tpu.memory_space<hbm>>, %arg8: memref<64x2x8x8x128xf32, #tpu.memory_space<hbm>>, %arg9: memref<64x16x2x8x8x128xf32, #tpu.memory_space<hbm>>, %arg10: memref<64x2x8x8x128xf32, #tpu.memory_space<hbm>>, %arg11: memref<2x8x8x128xf32, #tpu.memory_space<hbm>>, %arg12: memref<256x32xf32, #tpu.memory_space<vmem>>, %arg13: memref<8x128xi32, #tpu.memory_space<vmem>>, %arg14: memref<8x8x16xi32, #tpu.memory_space<vmem>>, %arg15: memref<2x8x8x128xf32, #tpu.memory_space<vmem>>, %arg16: memref<1x128xi32, #tpu.memory_space<vmem>>, %arg17: memref<2x8x128xf32, #tpu.memory_space<vmem>>, %arg18: memref<1x16x2x8x128xf32, #tpu.memory_space<vmem>>, %arg19: memref<!tpu.dma_semaphore, #tpu.memory_space<semaphore_mem>>, %arg20: memref<!tpu.dma_semaphore, #tpu.memory_space<semaphore_mem>>, %arg21: memref<!tpu.dma_semaphore, #tpu.memory_space<semaphore_mem>>) attributes {dimension_semantics = [#tpu.dimension_semantics<core_parallel>, #tpu.dimension_semantics<subcore_parallel>], iteration_bounds = array<i64: 2, 16>, scalar_prefetch = 0 : i64, scratch_operands = 10 : i64, tpu.core_type = #tpu.core_type<sc_vector_subcore>, window_params = [{transform_indices = #map}, {transform_indices = #map1}, {transform_indices = #map2}, {transform_indices = #map3}, {transform_indices = #map2}, {transform_indices = #map2}, {transform_indices = #map4}, {transform_indices = #map5}, {transform_indices = #map4}, {transform_indices = #map3}]} {
    %mul3A = arith.constant 2 : i32
    %mul3A_0 = arith.muli %arg1, %mul3A : i32
    %add3A = arith.addi %mul3A_0, %arg0 : i32
    "tpu.region"() ({
      %run_scoped3A = tpu.sem_alloc : memref<!tpu.dma_semaphore, #tpu.memory_space<semaphore_mem>>
      tpu.enqueue_dma source(%arg3 : memref<256x32xf32, #tpu.memory_space<hbm>>) target(%arg12 : memref<256x32xf32, #tpu.memory_space<vmem>>) target_semaphore(%run_scoped3A : memref<!tpu.dma_semaphore, #tpu.memory_space<semaphore_mem>>)
      tpu.wait_dma2 semaphore(%run_scoped3A : memref<!tpu.dma_semaphore, #tpu.memory_space<semaphore_mem>>) src(%arg3 : memref<256x32xf32, #tpu.memory_space<hbm>>) dst(%arg12 : memref<256x32xf32, #tpu.memory_space<vmem>>)
      tpu.yield
    }) : () -> ()
    %mul3A_1 = arith.constant 2 : i32
    %mul3A_2 = arith.muli %add3A, %mul3A_1 : i32
    %add3A_3 = arith.constant 0 : i32
    %add3A_4 = arith.addi %mul3A_2, %add3A_3 : i32
    "tpu.region"() ({
      %run_scoped3A = tpu.sem_alloc : memref<!tpu.dma_semaphore, #tpu.memory_space<semaphore_mem>>
      %dma_start3A = arith.constant 0 : i32
      %dma_start3A_145 = arith.constant 0 : i32
      %dma_start3A_146 = tpu.memref_slice %arg4[%add3A_4, %dma_start3A, %dma_start3A_145] : memref<64x8x128xi32, #tpu.memory_space<hbm>> -> memref<1x8x128xi32, #tpu.memory_space<hbm>>
      %dma_start3A_147 = tpu.memref_squeeze %dma_start3A_146 : memref<1x8x128xi32, #tpu.memory_space<hbm>> -> memref<8x128xi32, #tpu.memory_space<hbm>>
      %dma_start3A_148 = arith.constant 0 : i32
      %dma_start3A_149 = arith.constant 0 : i32
      %dma_start3A_150 = tpu.memref_slice %arg4[%add3A_4, %dma_start3A_148, %dma_start3A_149] : memref<64x8x128xi32, #tpu.memory_space<hbm>> -> memref<1x8x128xi32, #tpu.memory_space<hbm>>
      %dma_start3A_151 = tpu.memref_squeeze %dma_start3A_150 : memref<1x8x128xi32, #tpu.memory_space<hbm>> -> memref<8x128xi32, #tpu.memory_space<hbm>>
      tpu.enqueue_dma source(%dma_start3A_151 : memref<8x128xi32, #tpu.memory_space<hbm>>) target(%arg13 : memref<8x128xi32, #tpu.memory_space<vmem>>) target_semaphore(%run_scoped3A : memref<!tpu.dma_semaphore, #tpu.memory_space<semaphore_mem>>)
      %dma_wait3A_152 = arith.constant 0 : i32
      %dma_wait3A_153 = arith.constant 0 : i32
      %dma_wait3A_154 = tpu.memref_slice %arg4[%add3A_4, %dma_wait3A_152, %dma_wait3A_153] : memref<64x8x128xi32, #tpu.memory_space<hbm>> -> memref<1x8x128xi32, #tpu.memory_space<hbm>>
      %dma_wait3A_155 = tpu.memref_squeeze %dma_wait3A_154 : memref<1x8x128xi32, #tpu.memory_space<hbm>> -> memref<8x128xi32, #tpu.memory_space<hbm>>
      %dma_wait3A_156 = arith.constant 0 : i32
      %dma_wait3A_157 = arith.constant 0 : i32
      %dma_wait3A_158 = tpu.memref_slice %arg4[%add3A_4, %dma_wait3A_156, %dma_wait3A_157] : memref<64x8x128xi32, #tpu.memory_space<hbm>> -> memref<1x8x128xi32, #tpu.memory_space<hbm>>
      %dma_wait3A_159 = tpu.memref_squeeze %dma_wait3A_158 : memref<1x8x128xi32, #tpu.memory_space<hbm>> -> memref<8x128xi32, #tpu.memory_space<hbm>>
      tpu.wait_dma2 semaphore(%run_scoped3A : memref<!tpu.dma_semaphore, #tpu.memory_space<semaphore_mem>>) src(%dma_wait3A_159 : memref<8x128xi32, #tpu.memory_space<hbm>>) dst(%arg13 : memref<8x128xi32, #tpu.memory_space<vmem>>)
      tpu.yield
    }) : () -> ()
    %scan3A = arith.constant 0 : i32
    %scan3A_5 = arith.constant 0 : i32
    %scan3A_6 = arith.constant 8 : i32
    %scan3A_7 = arith.addi %scan3A_5, %scan3A_6 : i32
    %scan3A_8 = arith.constant 1 : i32
    %scan3A_9 = scf.for %scan3A_145 = %scan3A_5 to %scan3A_7 step %scan3A_8 iter_args(%scan3A_146 = %scan3A) -> (i32)  : i32 {
      %get3A = arith.index_cast %scan3A_145 : i32 to index
      %get3A_147 = arith.constant 0 : index
      %get3A_148 = tpu.vector_load %arg13[%get3A, %get3A_147] {strides = array<i32>} : memref<8x128xi32, #tpu.memory_space<vmem>>, vector<16xi32>,
      %shift_right_arithmetic3A = arith.constant 7 : i32
      %shift_right_arithmetic3A_149 = vector.broadcast %shift_right_arithmetic3A : i32 to vector<16xi32>
      %shift_right_arithmetic3A_150 = arith.shrsi %get3A_148, %shift_right_arithmetic3A_149 : vector<16xi32>
      %mul3A_151 = arith.constant 896 : i32
      %mul3A_152 = vector.broadcast %mul3A_151 : i32 to vector<16xi32>
      %mul3A_153 = arith.muli %shift_right_arithmetic3A_150, %mul3A_152 : vector<16xi32>
      %add3A_154 = arith.addi %get3A_148, %mul3A_153 : vector<16xi32>
      %swap3A = arith.index_cast %scan3A_145 : i32 to index
      %swap3A_155 = arith.constant 0 : index
      %swap3A_156 = tpu.vector_load %arg13[%swap3A, %swap3A_155] {strides = array<i32>} : memref<8x128xi32, #tpu.memory_space<vmem>>, vector<16xi32>,
      tpu.vector_store %arg13[%swap3A, %swap3A_155], %add3A_154 {strides = array<i32>} : memref<8x128xi32, #tpu.memory_space<vmem>>, vector<16xi32>,
      %get3A_157 = arith.index_cast %scan3A_145 : i32 to index
      %get3A_158 = arith.constant 16 : index
      %get3A_159 = tpu.vector_load %arg13[%get3A_157, %get3A_158] {strides = array<i32>} : memref<8x128xi32, #tpu.memory_space<vmem>>, vector<16xi32>,
      %shift_right_arithmetic3A_160 = arith.constant 7 : i32
      %shift_right_arithmetic3A_161 = vector.broadcast %shift_right_arithmetic3A_160 : i32 to vector<16xi32>
      %shift_right_arithmetic3A_162 = arith.shrsi %get3A_159, %shift_right_arithmetic3A_161 : vector<16xi32>
      %mul3A_163 = arith.constant 896 : i32
      %mul3A_164 = vector.broadcast %mul3A_163 : i32 to vector<16xi32>
      %mul3A_165 = arith.muli %shift_right_arithmetic3A_162, %mul3A_164 : vector<16xi32>
      %add3A_166 = arith.addi %get3A_159, %mul3A_165 : vector<16xi32>
      %swap3A_167 = arith.index_cast %scan3A_145 : i32 to index
      %swap3A_168 = arith.constant 16 : index
      %swap3A_169 = tpu.vector_load %arg13[%swap3A_167, %swap3A_168] {strides = array<i32>} : memref<8x128xi32, #tpu.memory_space<vmem>>, vector<16xi32>,
      tpu.vector_store %arg13[%swap3A_167, %swap3A_168], %add3A_166 {strides = array<i32>} : memref<8x128xi32, #tpu.memory_space<vmem>>, vector<16xi32>,
      %get3A_170 = arith.index_cast %scan3A_145 : i32 to index
      %get3A_171 = arith.constant 32 : index
      %get3A_172 = tpu.vector_load %arg13[%get3A_170, %get3A_171] {strides = array<i32>} : memref<8x128xi32, #tpu.memory_space<vmem>>, vector<16xi32>,
      %shift_right_arithmetic3A_173 = arith.constant 7 : i32
      %shift_right_arithmetic3A_174 = vector.broadcast %shift_right_arithmetic3A_173 : i32 to vector<16xi32>
      %shift_right_arithmetic3A_175 = arith.shrsi %get3A_172, %shift_right_arithmetic3A_174 : vector<16xi32>
      %mul3A_176 = arith.constant 896 : i32
      %mul3A_177 = vector.broadcast %mul3A_176 : i32 to vector<16xi32>
      %mul3A_178 = arith.muli %shift_right_arithmetic3A_175, %mul3A_177 : vector<16xi32>
      %add3A_179 = arith.addi %get3A_172, %mul3A_178 : vector<16xi32>
      %swap3A_180 = arith.index_cast %scan3A_145 : i32 to index
      %swap3A_181 = arith.constant 32 : index
      %swap3A_182 = tpu.vector_load %arg13[%swap3A_180, %swap3A_181] {strides = array<i32>} : memref<8x128xi32, #tpu.memory_space<vmem>>, vector<16xi32>,
      tpu.vector_store %arg13[%swap3A_180, %swap3A_181], %add3A_179 {strides = array<i32>} : memref<8x128xi32, #tpu.memory_space<vmem>>, vector<16xi32>,
      %get3A_183 = arith.index_cast %scan3A_145 : i32 to index
      %get3A_184 = arith.constant 48 : index
      %get3A_185 = tpu.vector_load %arg13[%get3A_183, %get3A_184] {strides = array<i32>} : memref<8x128xi32, #tpu.memory_space<vmem>>, vector<16xi32>,
      %shift_right_arithmetic3A_186 = arith.constant 7 : i32
      %shift_right_arithmetic3A_187 = vector.broadcast %shift_right_arithmetic3A_186 : i32 to vector<16xi32>
      %shift_right_arithmetic3A_188 = arith.shrsi %get3A_185, %shift_right_arithmetic3A_187 : vector<16xi32>
      %mul3A_189 = arith.constant 896 : i32
      %mul3A_190 = vector.broadcast %mul3A_189 : i32 to vector<16xi32>
      %mul3A_191 = arith.muli %shift_right_arithmetic3A_188, %mul3A_190 : vector<16xi32>
      %add3A_192 = arith.addi %get3A_185, %mul3A_191 : vector<16xi32>
      %swap3A_193 = arith.index_cast %scan3A_145 : i32 to index
      %swap3A_194 = arith.constant 48 : index
      %swap3A_195 = tpu.vector_load %arg13[%swap3A_193, %swap3A_194] {strides = array<i32>} : memref<8x128xi32, #tpu.memory_space<vmem>>, vector<16xi32>,
      tpu.vector_store %arg13[%swap3A_193, %swap3A_194], %add3A_192 {strides = array<i32>} : memref<8x128xi32, #tpu.memory_space<vmem>>, vector<16xi32>,
      %get3A_196 = arith.index_cast %scan3A_145 : i32 to index
      %get3A_197 = arith.constant 64 : index
      %get3A_198 = tpu.vector_load %arg13[%get3A_196, %get3A_197] {strides = array<i32>} : memref<8x128xi32, #tpu.memory_space<vmem>>, vector<16xi32>,
      %shift_right_arithmetic3A_199 = arith.constant 7 : i32
      %shift_right_arithmetic3A_200 = vector.broadcast %shift_right_arithmetic3A_199 : i32 to vector<16xi32>
      %shift_right_arithmetic3A_201 = arith.shrsi %get3A_198, %shift_right_arithmetic3A_200 : vector<16xi32>
      %mul3A_202 = arith.constant 896 : i32
      %mul3A_203 = vector.broadcast %mul3A_202 : i32 to vector<16xi32>
      %mul3A_204 = arith.muli %shift_right_arithmetic3A_201, %mul3A_203 : vector<16xi32>
      %add3A_205 = arith.addi %get3A_198, %mul3A_204 : vector<16xi32>
      %swap3A_206 = arith.index_cast %scan3A_145 : i32 to index
      %swap3A_207 = arith.constant 64 : index
      %swap3A_208 = tpu.vector_load %arg13[%swap3A_206, %swap3A_207] {strides = array<i32>} : memref<8x128xi32, #tpu.memory_space<vmem>>, vector<16xi32>,
      tpu.vector_store %arg13[%swap3A_206, %swap3A_207], %add3A_205 {strides = array<i32>} : memref<8x128xi32, #tpu.memory_space<vmem>>, vector<16xi32>,
      %get3A_209 = arith.index_cast %scan3A_145 : i32 to index
      %get3A_210 = arith.constant 80 : index
      %get3A_211 = tpu.vector_load %arg13[%get3A_209, %get3A_210] {strides = array<i32>} : memref<8x128xi32, #tpu.memory_space<vmem>>, vector<16xi32>,
      %shift_right_arithmetic3A_212 = arith.constant 7 : i32
      %shift_right_arithmetic3A_213 = vector.broadcast %shift_right_arithmetic3A_212 : i32 to vector<16xi32>
      %shift_right_arithmetic3A_214 = arith.shrsi %get3A_211, %shift_right_arithmetic3A_213 : vector<16xi32>
      %mul3A_215 = arith.constant 896 : i32
      %mul3A_216 = vector.broadcast %mul3A_215 : i32 to vector<16xi32>
      %mul3A_217 = arith.muli %shift_right_arithmetic3A_214, %mul3A_216 : vector<16xi32>
      %add3A_218 = arith.addi %get3A_211, %mul3A_217 : vector<16xi32>
      %swap3A_219 = arith.index_cast %scan3A_145 : i32 to index
      %swap3A_220 = arith.constant 80 : index
      %swap3A_221 = tpu.vector_load %arg13[%swap3A_219, %swap3A_220] {strides = array<i32>} : memref<8x128xi32, #tpu.memory_space<vmem>>, vector<16xi32>,
      tpu.vector_store %arg13[%swap3A_219, %swap3A_220], %add3A_218 {strides = array<i32>} : memref<8x128xi32, #tpu.memory_space<vmem>>, vector<16xi32>,
      %get3A_222 = arith.index_cast %scan3A_145 : i32 to index
      %get3A_223 = arith.constant 96 : index
      %get3A_224 = tpu.vector_load %arg13[%get3A_222, %get3A_223] {strides = array<i32>} : memref<8x128xi32, #tpu.memory_space<vmem>>, vector<16xi32>,
      %shift_right_arithmetic3A_225 = arith.constant 7 : i32
      %shift_right_arithmetic3A_226 = vector.broadcast %shift_right_arithmetic3A_225 : i32 to vector<16xi32>
      %shift_right_arithmetic3A_227 = arith.shrsi %get3A_224, %shift_right_arithmetic3A_226 : vector<16xi32>
      %mul3A_228 = arith.constant 896 : i32
      %mul3A_229 = vector.broadcast %mul3A_228 : i32 to vector<16xi32>
      %mul3A_230 = arith.muli %shift_right_arithmetic3A_227, %mul3A_229 : vector<16xi32>
      %add3A_231 = arith.addi %get3A_224, %mul3A_230 : vector<16xi32>
      %swap3A_232 = arith.index_cast %scan3A_145 : i32 to index
      %swap3A_233 = arith.constant 96 : index
      %swap3A_234 = tpu.vector_load %arg13[%swap3A_232, %swap3A_233] {strides = array<i32>} : memref<8x128xi32, #tpu.memory_space<vmem>>, vector<16xi32>,
      tpu.vector_store %arg13[%swap3A_232, %swap3A_233], %add3A_231 {strides = array<i32>} : memref<8x128xi32, #tpu.memory_space<vmem>>, vector<16xi32>,
      %get3A_235 = arith.index_cast %scan3A_145 : i32 to index
      %get3A_236 = arith.constant 112 : index
      %get3A_237 = tpu.vector_load %arg13[%get3A_235, %get3A_236] {strides = array<i32>} : memref<8x128xi32, #tpu.memory_space<vmem>>, vector<16xi32>,
      %shift_right_arithmetic3A_238 = arith.constant 7 : i32
      %shift_right_arithmetic3A_239 = vector.broadcast %shift_right_arithmetic3A_238 : i32 to vector<16xi32>
      %shift_right_arithmetic3A_240 = arith.shrsi %get3A_237, %shift_right_arithmetic3A_239 : vector<16xi32>
      %mul3A_241 = arith.constant 896 : i32
      %mul3A_242 = vector.broadcast %mul3A_241 : i32 to vector<16xi32>
      %mul3A_243 = arith.muli %shift_right_arithmetic3A_240, %mul3A_242 : vector<16xi32>
      %add3A_244 = arith.addi %get3A_237, %mul3A_243 : vector<16xi32>
      %swap3A_245 = arith.index_cast %scan3A_145 : i32 to index
      %swap3A_246 = arith.constant 112 : index
      %swap3A_247 = tpu.vector_load %arg13[%swap3A_245, %swap3A_246] {strides = array<i32>} : memref<8x128xi32, #tpu.memory_space<vmem>>, vector<16xi32>,
      tpu.vector_store %arg13[%swap3A_245, %swap3A_246], %add3A_244 {strides = array<i32>} : memref<8x128xi32, #tpu.memory_space<vmem>>, vector<16xi32>,
      %scan3A_248 = arith.constant 0 : i32
      scf.yield %scan3A_248 : i32
    }
    %scan3A_10 = arith.constant 8 : i32
    %scan3A_11 = arith.constant 0 : i32
    %scan3A_12 = arith.constant 0 : i32
    %scan3A_13 = arith.constant 8 : i32
    %scan3A_14 = arith.addi %scan3A_12, %scan3A_13 : i32
    %scan3A_15 = arith.constant 1 : i32
    %scan3A_16 = scf.for %scan3A_145 = %scan3A_12 to %scan3A_14 step %scan3A_15 iter_args(%scan3A_146 = %scan3A_11) -> (i32)  : i32 {
      %scan3A_147 = arith.constant 0 : i32
      %scan3A_148 = arith.constant 0 : i32
      %scan3A_149 = arith.constant 8 : i32
      %scan3A_150 = arith.addi %scan3A_148, %scan3A_149 : i32
      %scan3A_151 = arith.constant 1 : i32
      %scan3A_152 = scf.for %scan3A_162 = %scan3A_148 to %scan3A_150 step %scan3A_151 iter_args(%scan3A_163 = %scan3A_147) -> (i32)  : i32 {
        %mul3A_164 = arith.constant 128 : i32
        %mul3A_165 = arith.muli %scan3A_162, %mul3A_164 : i32
        %add3A_166 = arith.constant 0 : i32
        %add3A_167 = arith.addi %add3A_166, %mul3A_165 : i32
        %dma_start3A = arith.constant 0 : i32
        %dma_start3A_168 = arith.constant 0 : i32
        %dma_start3A_169 = tpu.memref_slice %arg15[%dma_start3A, %scan3A_145, %scan3A_162, %dma_start3A_168] : memref<2x8x8x128xf32, #tpu.memory_space<vmem>> -> memref<1x1x1x128xf32, #tpu.memory_space<vmem>>
        %dma_start3A_170 = tpu.memref_squeeze %dma_start3A_169 : memref<1x1x1x128xf32, #tpu.memory_space<vmem>> -> memref<128xf32, #tpu.memory_space<vmem>>
        %dma_start3A_171 = arith.constant 0 : i32
        %dma_start3A_172 = tpu.memref_slice %arg13[%scan3A_145, %dma_start3A_171] : memref<8x128xi32, #tpu.memory_space<vmem>> -> memref<1x128xi32, #tpu.memory_space<vmem>>
        %dma_start3A_173 = tpu.memref_squeeze %dma_start3A_172 : memref<1x128xi32, #tpu.memory_space<vmem>> -> memref<128xi32, #tpu.memory_space<vmem>>
        %dma_start3A_174 = tpu.memref_slice %arg2[%add3A_167] : memref<16001024xf32, #tpu.memory_space<hbm>> -> memref<7999616xf32, #tpu.memory_space<hbm>>
        %dma_start3A_175 = arith.constant 0 : i32
        %dma_start3A_176 = tpu.memref_slice %dma_start3A_174[%dma_start3A_175] : memref<7999616xf32, #tpu.memory_space<hbm>> -> memref<7999616xf32, #tpu.memory_space<hbm>>
        tpu.enqueue_indirect_dma source(%dma_start3A_176 : memref<7999616xf32, #tpu.memory_space<hbm>>) target(%dma_start3A_170 : memref<128xf32, #tpu.memory_space<vmem>>) offsets(%dma_start3A_173 : memref<128xi32, #tpu.memory_space<vmem>>) semaphore(%arg19 : memref<!tpu.dma_semaphore, #tpu.memory_space<semaphore_mem>>)
        %scan3A_177 = arith.constant 0 : i32
        scf.yield %scan3A_177 : i32
      }
      %scan3A_153 = arith.constant 8 : i32
      %scan3A_154 = arith.constant 0 : i32
      %scan3A_155 = arith.constant 0 : i32
      %scan3A_156 = arith.constant 8 : i32
      %scan3A_157 = arith.addi %scan3A_155, %scan3A_156 : i32
      %scan3A_158 = arith.constant 1 : i32
      %scan3A_159 = scf.for %scan3A_162 = %scan3A_155 to %scan3A_157 step %scan3A_158 iter_args(%scan3A_163 = %scan3A_154) -> (i32)  : i32 {
        %mul3A_164 = arith.constant 128 : i32
        %mul3A_165 = arith.muli %scan3A_162, %mul3A_164 : i32
        %add3A_166 = arith.constant 8000512 : i32
        %add3A_167 = arith.addi %add3A_166, %mul3A_165 : i32
        %dma_start3A = arith.constant 1 : i32
        %dma_start3A_168 = arith.constant 0 : i32
        %dma_start3A_169 = tpu.memref_slice %arg15[%dma_start3A, %scan3A_145, %scan3A_162, %dma_start3A_168] : memref<2x8x8x128xf32, #tpu.memory_space<vmem>> -> memref<1x1x1x128xf32, #tpu.memory_space<vmem>>
        %dma_start3A_170 = tpu.memref_squeeze %dma_start3A_169 : memref<1x1x1x128xf32, #tpu.memory_space<vmem>> -> memref<128xf32, #tpu.memory_space<vmem>>
        %dma_start3A_171 = arith.constant 0 : i32
        %dma_start3A_172 = tpu.memref_slice %arg13[%scan3A_145, %dma_start3A_171] : memref<8x128xi32, #tpu.memory_space<vmem>> -> memref<1x128xi32, #tpu.memory_space<vmem>>
        %dma_start3A_173 = tpu.memref_squeeze %dma_start3A_172 : memref<1x128xi32, #tpu.memory_space<vmem>> -> memref<128xi32, #tpu.memory_space<vmem>>
        %dma_start3A_174 = tpu.memref_slice %arg2[%add3A_167] : memref<16001024xf32, #tpu.memory_space<hbm>> -> memref<7999616xf32, #tpu.memory_space<hbm>>
        %dma_start3A_175 = arith.constant 0 : i32
        %dma_start3A_176 = tpu.memref_slice %dma_start3A_174[%dma_start3A_175] : memref<7999616xf32, #tpu.memory_space<hbm>> -> memref<7999616xf32, #tpu.memory_space<hbm>>
        tpu.enqueue_indirect_dma source(%dma_start3A_176 : memref<7999616xf32, #tpu.memory_space<hbm>>) target(%dma_start3A_170 : memref<128xf32, #tpu.memory_space<vmem>>) offsets(%dma_start3A_173 : memref<128xi32, #tpu.memory_space<vmem>>) semaphore(%arg19 : memref<!tpu.dma_semaphore, #tpu.memory_space<semaphore_mem>>)
        %scan3A_177 = arith.constant 0 : i32
        scf.yield %scan3A_177 : i32
      }
      %scan3A_160 = arith.constant 8 : i32
      %scan3A_161 = arith.constant 0 : i32
      scf.yield %scan3A_161 : i32
    }
    %scan3A_17 = arith.constant 8 : i32
    "tpu.region"() ({
      %run_scoped3A = tpu.sem_alloc : memref<!tpu.dma_semaphore, #tpu.memory_space<semaphore_mem>>
      %dma_start3A = arith.constant 0 : i32
      %dma_start3A_145 = arith.constant 0 : i32
      %dma_start3A_146 = arith.constant 0 : i32
      %dma_start3A_147 = tpu.memref_slice %arg5[%add3A_4, %dma_start3A, %dma_start3A_145, %dma_start3A_146] : memref<64x8x8x16xi32, #tpu.memory_space<hbm>> -> memref<1x8x8x16xi32, #tpu.memory_space<hbm>>
      %dma_start3A_148 = tpu.memref_squeeze %dma_start3A_147 : memref<1x8x8x16xi32, #tpu.memory_space<hbm>> -> memref<8x8x16xi32, #tpu.memory_space<hbm>>
      %dma_start3A_149 = arith.constant 0 : i32
      %dma_start3A_150 = arith.constant 0 : i32
      %dma_start3A_151 = arith.constant 0 : i32
      %dma_start3A_152 = tpu.memref_slice %arg5[%add3A_4, %dma_start3A_149, %dma_start3A_150, %dma_start3A_151] : memref<64x8x8x16xi32, #tpu.memory_space<hbm>> -> memref<1x8x8x16xi32, #tpu.memory_space<hbm>>
      %dma_start3A_153 = tpu.memref_squeeze %dma_start3A_152 : memref<1x8x8x16xi32, #tpu.memory_space<hbm>> -> memref<8x8x16xi32, #tpu.memory_space<hbm>>
      tpu.enqueue_dma source(%dma_start3A_153 : memref<8x8x16xi32, #tpu.memory_space<hbm>>) target(%arg14 : memref<8x8x16xi32, #tpu.memory_space<vmem>>) target_semaphore(%run_scoped3A : memref<!tpu.dma_semaphore, #tpu.memory_space<semaphore_mem>>)
      %dma_wait3A_154 = arith.constant 0 : i32
      %dma_wait3A_155 = arith.constant 0 : i32
      %dma_wait3A_156 = arith.constant 0 : i32
      %dma_wait3A_157 = tpu.memref_slice %arg5[%add3A_4, %dma_wait3A_154, %dma_wait3A_155, %dma_wait3A_156] : memref<64x8x8x16xi32, #tpu.memory_space<hbm>> -> memref<1x8x8x16xi32, #tpu.memory_space<hbm>>
      %dma_wait3A_158 = tpu.memref_squeeze %dma_wait3A_157 : memref<1x8x8x16xi32, #tpu.memory_space<hbm>> -> memref<8x8x16xi32, #tpu.memory_space<hbm>>
      %dma_wait3A_159 = arith.constant 0 : i32
      %dma_wait3A_160 = arith.constant 0 : i32
      %dma_wait3A_161 = arith.constant 0 : i32
      %dma_wait3A_162 = tpu.memref_slice %arg5[%add3A_4, %dma_wait3A_159, %dma_wait3A_160, %dma_wait3A_161] : memref<64x8x8x16xi32, #tpu.memory_space<hbm>> -> memref<1x8x8x16xi32, #tpu.memory_space<hbm>>
      %dma_wait3A_163 = tpu.memref_squeeze %dma_wait3A_162 : memref<1x8x8x16xi32, #tpu.memory_space<hbm>> -> memref<8x8x16xi32, #tpu.memory_space<hbm>>
      tpu.wait_dma2 semaphore(%run_scoped3A : memref<!tpu.dma_semaphore, #tpu.memory_space<semaphore_mem>>) src(%dma_wait3A_163 : memref<8x8x16xi32, #tpu.memory_space<hbm>>) dst(%arg14 : memref<8x8x16xi32, #tpu.memory_space<vmem>>)
      tpu.yield
    }) : () -> ()
    %scan3A_18 = arith.constant 0 : i32
    %scan3A_19 = arith.constant 0 : i32
    %scan3A_20 = arith.constant 0 : i32
    %scan3A_21 = arith.constant 4 : i32
    %scan3A_22 = arith.addi %scan3A_20, %scan3A_21 : i32
    %scan3A_23 = arith.constant 1 : i32
    %scan3A_24 = scf.for %scan3A_145 = %scan3A_20 to %scan3A_22 step %scan3A_23 iter_args(%scan3A_146 = %scan3A_19) -> (i32)  : i32 {
      %add3A_147 = arith.constant 0 : i32
      %add3A_148 = arith.addi %add3A_147, %scan3A_145 : i32
      %scan3A_149 = arith.constant 0 : i32
      %scan3A_150 = arith.constant 0 : i32
      %scan3A_151 = arith.constant 8 : i32
      %scan3A_152 = arith.addi %scan3A_150, %scan3A_151 : i32
      %scan3A_153 = arith.constant 1 : i32
      %scan3A_154 = scf.for %scan3A_206 = %scan3A_150 to %scan3A_152 step %scan3A_153 iter_args(%scan3A_207 = %scan3A_149) -> (i32)  : i32 {
        %get3A = arith.index_cast %add3A_148 : i32 to index
        %get3A_208 = arith.index_cast %scan3A_206 : i32 to index
        %get3A_209 = arith.constant 0 : index
        %get3A_210 = tpu.vector_load %arg14[%get3A, %get3A_208, %get3A_209] {strides = array<i32>} : memref<8x8x16xi32, #tpu.memory_space<vmem>>, vector<16xi32>,
        %scan3A_211 = arith.constant 0 : i32
        %scan3A_212 = arith.constant 0 : i32
        %scan3A_213 = arith.constant 16 : i32
        %scan3A_214 = arith.addi %scan3A_212, %scan3A_213 : i32
        %scan3A_215 = arith.constant 1 : i32
        %scan3A_216 = scf.for %scan3A_219 = %scan3A_212 to %scan3A_214 step %scan3A_215 iter_args(%scan3A_220 = %scan3A_211) -> (i32)  : i32 {
          %mul3A_221 = arith.constant 16 : i32
          %mul3A_222 = arith.muli %scan3A_219, %mul3A_221 : i32
          %add3A_223 = arith.constant 0 : i32
          %add3A_224 = arith.addi %mul3A_222, %add3A_223 : i32
          %broadcast_in_dim3A = vector.broadcast %add3A_224 : i32 to vector<16xi32>
          %gather3A = tpu.vector_load_idx %arg12[%broadcast_in_dim3A, %get3A_210] : memref<256x32xf32, #tpu.memory_space<vmem>>[vector<16xi32>, vector<16xi32>], vector<16xf32>,
          %mul3A_225 = arith.constant 16 : i32
          %mul3A_226 = arith.muli %scan3A_206, %mul3A_225 : i32
          %swap3A = arith.constant 0 : i32
          %swap3A_227 = arith.constant 0 : i32
          %swap3A_228 = arith.constant 0 : i32
          %swap3A_229 = arith.constant 0 : i32
          %swap3A_230 = arith.constant 0 : i32
          %swap3A_231 = arith.constant 0 : i32
          %swap3A_232 = tpu.memref_slice %arg18[%scan3A_18, %swap3A_228, %swap3A_229, %swap3A_230, %swap3A_231] : memref<1x16x2x8x128xf32, #tpu.memory_space<vmem>> -> memref<1x16x2x8x128xf32, #tpu.memory_space<vmem>>
          %swap3A_233 = tpu.memref_squeeze %swap3A_232 : memref<1x16x2x8x128xf32, #tpu.memory_space<vmem>> -> memref<16x2x8x128xf32, #tpu.memory_space<vmem>>
          %swap3A_234 = arith.index_cast %scan3A_219 : i32 to index
          %swap3A_235 = arith.index_cast %swap3A : i32 to index
          %swap3A_236 = arith.index_cast %swap3A_227 : i32 to index
          %swap3A_237 = arith.index_cast %mul3A_226 : i32 to index
          %swap3A_238 = tpu.vector_load %swap3A_233[%swap3A_234, %swap3A_235, %swap3A_236, %swap3A_237] {strides = array<i32>} : memref<16x2x8x128xf32, #tpu.memory_space<vmem>>, vector<16xf32>,
          tpu.vector_store %swap3A_233[%swap3A_234, %swap3A_235, %swap3A_236, %swap3A_237], %gather3A {strides = array<i32>} : memref<16x2x8x128xf32, #tpu.memory_space<vmem>>, vector<16xf32>,
          %add3A_239 = arith.constant 1 : i32
          %add3A_240 = arith.addi %mul3A_222, %add3A_239 : i32
          %broadcast_in_dim3A_241 = vector.broadcast %add3A_240 : i32 to vector<16xi32>
          %gather3A_242 = tpu.vector_load_idx %arg12[%broadcast_in_dim3A_241, %get3A_210] : memref<256x32xf32, #tpu.memory_space<vmem>>[vector<16xi32>, vector<16xi32>], vector<16xf32>,
          %mul3A_243 = arith.constant 16 : i32
          %mul3A_244 = arith.muli %scan3A_206, %mul3A_243 : i32
          %swap3A_245 = arith.constant 0 : i32
          %swap3A_246 = arith.constant 1 : i32
          %swap3A_247 = arith.constant 0 : i32
          %swap3A_248 = arith.constant 0 : i32
          %swap3A_249 = arith.constant 0 : i32
          %swap3A_250 = arith.constant 0 : i32
          %swap3A_251 = tpu.memref_slice %arg18[%scan3A_18, %swap3A_247, %swap3A_248, %swap3A_249, %swap3A_250] : memref<1x16x2x8x128xf32, #tpu.memory_space<vmem>> -> memref<1x16x2x8x128xf32, #tpu.memory_space<vmem>>
          %swap3A_252 = tpu.memref_squeeze %swap3A_251 : memref<1x16x2x8x128xf32, #tpu.memory_space<vmem>> -> memref<16x2x8x128xf32, #tpu.memory_space<vmem>>
          %swap3A_253 = arith.index_cast %scan3A_219 : i32 to index
          %swap3A_254 = arith.index_cast %swap3A_245 : i32 to index
          %swap3A_255 = arith.index_cast %swap3A_246 : i32 to index
          %swap3A_256 = arith.index_cast %mul3A_244 : i32 to index
          %swap3A_257 = tpu.vector_load %swap3A_252[%swap3A_253, %swap3A_254, %swap3A_255, %swap3A_256] {strides = array<i32>} : memref<16x2x8x128xf32, #tpu.memory_space<vmem>>, vector<16xf32>,
          tpu.vector_store %swap3A_252[%swap3A_253, %swap3A_254, %swap3A_255, %swap3A_256], %gather3A_242 {strides = array<i32>} : memref<16x2x8x128xf32, #tpu.memory_space<vmem>>, vector<16xf32>,
          %add3A_258 = arith.constant 2 : i32
          %add3A_259 = arith.addi %mul3A_222, %add3A_258 : i32
          %broadcast_in_dim3A_260 = vector.broadcast %add3A_259 : i32 to vector<16xi32>
          %gather3A_261 = tpu.vector_load_idx %arg12[%broadcast_in_dim3A_260, %get3A_210] : memref<256x32xf32, #tpu.memory_space<vmem>>[vector<16xi32>, vector<16xi32>], vector<16xf32>,
          %mul3A_262 = arith.constant 16 : i32
          %mul3A_263 = arith.muli %scan3A_206, %mul3A_262 : i32
          %swap3A_264 = arith.constant 0 : i32
          %swap3A_265 = arith.constant 2 : i32
          %swap3A_266 = arith.constant 0 : i32
          %swap3A_267 = arith.constant 0 : i32
          %swap3A_268 = arith.constant 0 : i32
          %swap3A_269 = arith.constant 0 : i32
          %swap3A_270 = tpu.memref_slice %arg18[%scan3A_18, %swap3A_266, %swap3A_267, %swap3A_268, %swap3A_269] : memref<1x16x2x8x128xf32, #tpu.memory_space<vmem>> -> memref<1x16x2x8x128xf32, #tpu.memory_space<vmem>>
          %swap3A_271 = tpu.memref_squeeze %swap3A_270 : memref<1x16x2x8x128xf32, #tpu.memory_space<vmem>> -> memref<16x2x8x128xf32, #tpu.memory_space<vmem>>
          %swap3A_272 = arith.index_cast %scan3A_219 : i32 to index
          %swap3A_273 = arith.index_cast %swap3A_264 : i32 to index
          %swap3A_274 = arith.index_cast %swap3A_265 : i32 to index
          %swap3A_275 = arith.index_cast %mul3A_263 : i32 to index
          %swap3A_276 = tpu.vector_load %swap3A_271[%swap3A_272, %swap3A_273, %swap3A_274, %swap3A_275] {strides = array<i32>} : memref<16x2x8x128xf32, #tpu.memory_space<vmem>>, vector<16xf32>,
          tpu.vector_store %swap3A_271[%swap3A_272, %swap3A_273, %swap3A_274, %swap3A_275], %gather3A_261 {strides = array<i32>} : memref<16x2x8x128xf32, #tpu.memory_space<vmem>>, vector<16xf32>,
          %add3A_277 = arith.constant 3 : i32
          %add3A_278 = arith.addi %mul3A_222, %add3A_277 : i32
          %broadcast_in_dim3A_279 = vector.broadcast %add3A_278 : i32 to vector<16xi32>
          %gather3A_280 = tpu.vector_load_idx %arg12[%broadcast_in_dim3A_279, %get3A_210] : memref<256x32xf32, #tpu.memory_space<vmem>>[vector<16xi32>, vector<16xi32>], vector<16xf32>,
          %mul3A_281 = arith.constant 16 : i32
          %mul3A_282 = arith.muli %scan3A_206, %mul3A_281 : i32
          %swap3A_283 = arith.constant 0 : i32
          %swap3A_284 = arith.constant 3 : i32
          %swap3A_285 = arith.constant 0 : i32
          %swap3A_286 = arith.constant 0 : i32
          %swap3A_287 = arith.constant 0 : i32
          %swap3A_288 = arith.constant 0 : i32
          %swap3A_289 = tpu.memref_slice %arg18[%scan3A_18, %swap3A_285, %swap3A_286, %swap3A_287, %swap3A_288] : memref<1x16x2x8x128xf32, #tpu.memory_space<vmem>> -> memref<1x16x2x8x128xf32, #tpu.memory_space<vmem>>
          %swap3A_290 = tpu.memref_squeeze %swap3A_289 : memref<1x16x2x8x128xf32, #tpu.memory_space<vmem>> -> memref<16x2x8x128xf32, #tpu.memory_space<vmem>>
          %swap3A_291 = arith.index_cast %scan3A_219 : i32 to index
          %swap3A_292 = arith.index_cast %swap3A_283 : i32 to index
          %swap3A_293 = arith.index_cast %swap3A_284 : i32 to index
          %swap3A_294 = arith.index_cast %mul3A_282 : i32 to index
          %swap3A_295 = tpu.vector_load %swap3A_290[%swap3A_291, %swap3A_292, %swap3A_293, %swap3A_294] {strides = array<i32>} : memref<16x2x8x128xf32, #tpu.memory_space<vmem>>, vector<16xf32>,
          tpu.vector_store %swap3A_290[%swap3A_291, %swap3A_292, %swap3A_293, %swap3A_294], %gather3A_280 {strides = array<i32>} : memref<16x2x8x128xf32, #tpu.memory_space<vmem>>, vector<16xf32>,
          %add3A_296 = arith.constant 4 : i32
          %add3A_297 = arith.addi %mul3A_222, %add3A_296 : i32
          %broadcast_in_dim3A_298 = vector.broadcast %add3A_297 : i32 to vector<16xi32>
          %gather3A_299 = tpu.vector_load_idx %arg12[%broadcast_in_dim3A_298, %get3A_210] : memref<256x32xf32, #tpu.memory_space<vmem>>[vector<16xi32>, vector<16xi32>], vector<16xf32>,
          %mul3A_300 = arith.constant 16 : i32
          %mul3A_301 = arith.muli %scan3A_206, %mul3A_300 : i32
          %swap3A_302 = arith.constant 0 : i32
          %swap3A_303 = arith.constant 4 : i32
          %swap3A_304 = arith.constant 0 : i32
          %swap3A_305 = arith.constant 0 : i32
          %swap3A_306 = arith.constant 0 : i32
          %swap3A_307 = arith.constant 0 : i32
          %swap3A_308 = tpu.memref_slice %arg18[%scan3A_18, %swap3A_304, %swap3A_305, %swap3A_306, %swap3A_307] : memref<1x16x2x8x128xf32, #tpu.memory_space<vmem>> -> memref<1x16x2x8x128xf32, #tpu.memory_space<vmem>>
          %swap3A_309 = tpu.memref_squeeze %swap3A_308 : memref<1x16x2x8x128xf32, #tpu.memory_space<vmem>> -> memref<16x2x8x128xf32, #tpu.memory_space<vmem>>
          %swap3A_310 = arith.index_cast %scan3A_219 : i32 to index
          %swap3A_311 = arith.index_cast %swap3A_302 : i32 to index
          %swap3A_312 = arith.index_cast %swap3A_303 : i32 to index
          %swap3A_313 = arith.index_cast %mul3A_301 : i32 to index
          %swap3A_314 = tpu.vector_load %swap3A_309[%swap3A_310, %swap3A_311, %swap3A_312, %swap3A_313] {strides = array<i32>} : memref<16x2x8x128xf32, #tpu.memory_space<vmem>>, vector<16xf32>,
          tpu.vector_store %swap3A_309[%swap3A_310, %swap3A_311, %swap3A_312, %swap3A_313], %gather3A_299 {strides = array<i32>} : memref<16x2x8x128xf32, #tpu.memory_space<vmem>>, vector<16xf32>,
          %add3A_315 = arith.constant 5 : i32
          %add3A_316 = arith.addi %mul3A_222, %add3A_315 : i32
          %broadcast_in_dim3A_317 = vector.broadcast %add3A_316 : i32 to vector<16xi32>
          %gather3A_318 = tpu.vector_load_idx %arg12[%broadcast_in_dim3A_317, %get3A_210] : memref<256x32xf32, #tpu.memory_space<vmem>>[vector<16xi32>, vector<16xi32>], vector<16xf32>,
          %mul3A_319 = arith.constant 16 : i32
          %mul3A_320 = arith.muli %scan3A_206, %mul3A_319 : i32
          %swap3A_321 = arith.constant 0 : i32
          %swap3A_322 = arith.constant 5 : i32
          %swap3A_323 = arith.constant 0 : i32
          %swap3A_324 = arith.constant 0 : i32
          %swap3A_325 = arith.constant 0 : i32
          %swap3A_326 = arith.constant 0 : i32
          %swap3A_327 = tpu.memref_slice %arg18[%scan3A_18, %swap3A_323, %swap3A_324, %swap3A_325, %swap3A_326] : memref<1x16x2x8x128xf32, #tpu.memory_space<vmem>> -> memref<1x16x2x8x128xf32, #tpu.memory_space<vmem>>
          %swap3A_328 = tpu.memref_squeeze %swap3A_327 : memref<1x16x2x8x128xf32, #tpu.memory_space<vmem>> -> memref<16x2x8x128xf32, #tpu.memory_space<vmem>>
          %swap3A_329 = arith.index_cast %scan3A_219 : i32 to index
          %swap3A_330 = arith.index_cast %swap3A_321 : i32 to index
          %swap3A_331 = arith.index_cast %swap3A_322 : i32 to index
          %swap3A_332 = arith.index_cast %mul3A_320 : i32 to index
          %swap3A_333 = tpu.vector_load %swap3A_328[%swap3A_329, %swap3A_330, %swap3A_331, %swap3A_332] {strides = array<i32>} : memref<16x2x8x128xf32, #tpu.memory_space<vmem>>, vector<16xf32>,
          tpu.vector_store %swap3A_328[%swap3A_329, %swap3A_330, %swap3A_331, %swap3A_332], %gather3A_318 {strides = array<i32>} : memref<16x2x8x128xf32, #tpu.memory_space<vmem>>, vector<16xf32>,
          %add3A_334 = arith.constant 6 : i32
          %add3A_335 = arith.addi %mul3A_222, %add3A_334 : i32
          %broadcast_in_dim3A_336 = vector.broadcast %add3A_335 : i32 to vector<16xi32>
          %gather3A_337 = tpu.vector_load_idx %arg12[%broadcast_in_dim3A_336, %get3A_210] : memref<256x32xf32, #tpu.memory_space<vmem>>[vector<16xi32>, vector<16xi32>], vector<16xf32>,
          %mul3A_338 = arith.constant 16 : i32
          %mul3A_339 = arith.muli %scan3A_206, %mul3A_338 : i32
          %swap3A_340 = arith.constant 0 : i32
          %swap3A_341 = arith.constant 6 : i32
          %swap3A_342 = arith.constant 0 : i32
          %swap3A_343 = arith.constant 0 : i32
          %swap3A_344 = arith.constant 0 : i32
          %swap3A_345 = arith.constant 0 : i32
          %swap3A_346 = tpu.memref_slice %arg18[%scan3A_18, %swap3A_342, %swap3A_343, %swap3A_344, %swap3A_345] : memref<1x16x2x8x128xf32, #tpu.memory_space<vmem>> -> memref<1x16x2x8x128xf32, #tpu.memory_space<vmem>>
          %swap3A_347 = tpu.memref_squeeze %swap3A_346 : memref<1x16x2x8x128xf32, #tpu.memory_space<vmem>> -> memref<16x2x8x128xf32, #tpu.memory_space<vmem>>
          %swap3A_348 = arith.index_cast %scan3A_219 : i32 to index
          %swap3A_349 = arith.index_cast %swap3A_340 : i32 to index
          %swap3A_350 = arith.index_cast %swap3A_341 : i32 to index
          %swap3A_351 = arith.index_cast %mul3A_339 : i32 to index
          %swap3A_352 = tpu.vector_load %swap3A_347[%swap3A_348, %swap3A_349, %swap3A_350, %swap3A_351] {strides = array<i32>} : memref<16x2x8x128xf32, #tpu.memory_space<vmem>>, vector<16xf32>,
          tpu.vector_store %swap3A_347[%swap3A_348, %swap3A_349, %swap3A_350, %swap3A_351], %gather3A_337 {strides = array<i32>} : memref<16x2x8x128xf32, #tpu.memory_space<vmem>>, vector<16xf32>,
          %add3A_353 = arith.constant 7 : i32
          %add3A_354 = arith.addi %mul3A_222, %add3A_353 : i32
          %broadcast_in_dim3A_355 = vector.broadcast %add3A_354 : i32 to vector<16xi32>
          %gather3A_356 = tpu.vector_load_idx %arg12[%broadcast_in_dim3A_355, %get3A_210] : memref<256x32xf32, #tpu.memory_space<vmem>>[vector<16xi32>, vector<16xi32>], vector<16xf32>,
          %mul3A_357 = arith.constant 16 : i32
          %mul3A_358 = arith.muli %scan3A_206, %mul3A_357 : i32
          %swap3A_359 = arith.constant 0 : i32
          %swap3A_360 = arith.constant 7 : i32
          %swap3A_361 = arith.constant 0 : i32
          %swap3A_362 = arith.constant 0 : i32
          %swap3A_363 = arith.constant 0 : i32
          %swap3A_364 = arith.constant 0 : i32
          %swap3A_365 = tpu.memref_slice %arg18[%scan3A_18, %swap3A_361, %swap3A_362, %swap3A_363, %swap3A_364] : memref<1x16x2x8x128xf32, #tpu.memory_space<vmem>> -> memref<1x16x2x8x128xf32, #tpu.memory_space<vmem>>
          %swap3A_366 = tpu.memref_squeeze %swap3A_365 : memref<1x16x2x8x128xf32, #tpu.memory_space<vmem>> -> memref<16x2x8x128xf32, #tpu.memory_space<vmem>>
          %swap3A_367 = arith.index_cast %scan3A_219 : i32 to index
          %swap3A_368 = arith.index_cast %swap3A_359 : i32 to index
          %swap3A_369 = arith.index_cast %swap3A_360 : i32 to index
          %swap3A_370 = arith.index_cast %mul3A_358 : i32 to index
          %swap3A_371 = tpu.vector_load %swap3A_366[%swap3A_367, %swap3A_368, %swap3A_369, %swap3A_370] {strides = array<i32>} : memref<16x2x8x128xf32, #tpu.memory_space<vmem>>, vector<16xf32>,
          tpu.vector_store %swap3A_366[%swap3A_367, %swap3A_368, %swap3A_369, %swap3A_370], %gather3A_356 {strides = array<i32>} : memref<16x2x8x128xf32, #tpu.memory_space<vmem>>, vector<16xf32>,
          %add3A_372 = arith.constant 8 : i32
          %add3A_373 = arith.addi %mul3A_222, %add3A_372 : i32
          %broadcast_in_dim3A_374 = vector.broadcast %add3A_373 : i32 to vector<16xi32>
          %gather3A_375 = tpu.vector_load_idx %arg12[%broadcast_in_dim3A_374, %get3A_210] : memref<256x32xf32, #tpu.memory_space<vmem>>[vector<16xi32>, vector<16xi32>], vector<16xf32>,
          %mul3A_376 = arith.constant 16 : i32
          %mul3A_377 = arith.muli %scan3A_206, %mul3A_376 : i32
          %swap3A_378 = arith.constant 1 : i32
          %swap3A_379 = arith.constant 0 : i32
          %swap3A_380 = arith.constant 0 : i32
          %swap3A_381 = arith.constant 0 : i32
          %swap3A_382 = arith.constant 0 : i32
          %swap3A_383 = arith.constant 0 : i32
          %swap3A_384 = tpu.memref_slice %arg18[%scan3A_18, %swap3A_380, %swap3A_381, %swap3A_382, %swap3A_383] : memref<1x16x2x8x128xf32, #tpu.memory_space<vmem>> -> memref<1x16x2x8x128xf32, #tpu.memory_space<vmem>>
          %swap3A_385 = tpu.memref_squeeze %swap3A_384 : memref<1x16x2x8x128xf32, #tpu.memory_space<vmem>> -> memref<16x2x8x128xf32, #tpu.memory_space<vmem>>
          %swap3A_386 = arith.index_cast %scan3A_219 : i32 to index
          %swap3A_387 = arith.index_cast %swap3A_378 : i32 to index
          %swap3A_388 = arith.index_cast %swap3A_379 : i32 to index
          %swap3A_389 = arith.index_cast %mul3A_377 : i32 to index
          %swap3A_390 = tpu.vector_load %swap3A_385[%swap3A_386, %swap3A_387, %swap3A_388, %swap3A_389] {strides = array<i32>} : memref<16x2x8x128xf32, #tpu.memory_space<vmem>>, vector<16xf32>,
          tpu.vector_store %swap3A_385[%swap3A_386, %swap3A_387, %swap3A_388, %swap3A_389], %gather3A_375 {strides = array<i32>} : memref<16x2x8x128xf32, #tpu.memory_space<vmem>>, vector<16xf32>,
          %add3A_391 = arith.constant 9 : i32
          %add3A_392 = arith.addi %mul3A_222, %add3A_391 : i32
          %broadcast_in_dim3A_393 = vector.broadcast %add3A_392 : i32 to vector<16xi32>
          %gather3A_394 = tpu.vector_load_idx %arg12[%broadcast_in_dim3A_393, %get3A_210] : memref<256x32xf32, #tpu.memory_space<vmem>>[vector<16xi32>, vector<16xi32>], vector<16xf32>,
          %mul3A_395 = arith.constant 16 : i32
          %mul3A_396 = arith.muli %scan3A_206, %mul3A_395 : i32
          %swap3A_397 = arith.constant 1 : i32
          %swap3A_398 = arith.constant 1 : i32
          %swap3A_399 = arith.constant 0 : i32
          %swap3A_400 = arith.constant 0 : i32
          %swap3A_401 = arith.constant 0 : i32
          %swap3A_402 = arith.constant 0 : i32
          %swap3A_403 = tpu.memref_slice %arg18[%scan3A_18, %swap3A_399, %swap3A_400, %swap3A_401, %swap3A_402] : memref<1x16x2x8x128xf32, #tpu.memory_space<vmem>> -> memref<1x16x2x8x128xf32, #tpu.memory_space<vmem>>
          %swap3A_404 = tpu.memref_squeeze %swap3A_403 : memref<1x16x2x8x128xf32, #tpu.memory_space<vmem>> -> memref<16x2x8x128xf32, #tpu.memory_space<vmem>>
          %swap3A_405 = arith.index_cast %scan3A_219 : i32 to index
          %swap3A_406 = arith.index_cast %swap3A_397 : i32 to index
          %swap3A_407 = arith.index_cast %swap3A_398 : i32 to index
          %swap3A_408 = arith.index_cast %mul3A_396 : i32 to index
          %swap3A_409 = tpu.vector_load %swap3A_404[%swap3A_405, %swap3A_406, %swap3A_407, %swap3A_408] {strides = array<i32>} : memref<16x2x8x128xf32, #tpu.memory_space<vmem>>, vector<16xf32>,
          tpu.vector_store %swap3A_404[%swap3A_405, %swap3A_406, %swap3A_407, %swap3A_408], %gather3A_394 {strides = array<i32>} : memref<16x2x8x128xf32, #tpu.memory_space<vmem>>, vector<16xf32>,
          %add3A_410 = arith.constant 10 : i32
          %add3A_411 = arith.addi %mul3A_222, %add3A_410 : i32
          %broadcast_in_dim3A_412 = vector.broadcast %add3A_411 : i32 to vector<16xi32>
          %gather3A_413 = tpu.vector_load_idx %arg12[%broadcast_in_dim3A_412, %get3A_210] : memref<256x32xf32, #tpu.memory_space<vmem>>[vector<16xi32>, vector<16xi32>], vector<16xf32>,
          %mul3A_414 = arith.constant 16 : i32
          %mul3A_415 = arith.muli %scan3A_206, %mul3A_414 : i32
          %swap3A_416 = arith.constant 1 : i32
          %swap3A_417 = arith.constant 2 : i32
          %swap3A_418 = arith.constant 0 : i32
          %swap3A_419 = arith.constant 0 : i32
          %swap3A_420 = arith.constant 0 : i32
          %swap3A_421 = arith.constant 0 : i32
          %swap3A_422 = tpu.memref_slice %arg18[%scan3A_18, %swap3A_418, %swap3A_419, %swap3A_420, %swap3A_421] : memref<1x16x2x8x128xf32, #tpu.memory_space<vmem>> -> memref<1x16x2x8x128xf32, #tpu.memory_space<vmem>>
          %swap3A_423 = tpu.memref_squeeze %swap3A_422 : memref<1x16x2x8x128xf32, #tpu.memory_space<vmem>> -> memref<16x2x8x128xf32, #tpu.memory_space<vmem>>
          %swap3A_424 = arith.index_cast %scan3A_219 : i32 to index
          %swap3A_425 = arith.index_cast %swap3A_416 : i32 to index
          %swap3A_426 = arith.index_cast %swap3A_417 : i32 to index
          %swap3A_427 = arith.index_cast %mul3A_415 : i32 to index
          %swap3A_428 = tpu.vector_load %swap3A_423[%swap3A_424, %swap3A_425, %swap3A_426, %swap3A_427] {strides = array<i32>} : memref<16x2x8x128xf32, #tpu.memory_space<vmem>>, vector<16xf32>,
          tpu.vector_store %swap3A_423[%swap3A_424, %swap3A_425, %swap3A_426, %swap3A_427], %gather3A_413 {strides = array<i32>} : memref<16x2x8x128xf32, #tpu.memory_space<vmem>>, vector<16xf32>,
          %add3A_429 = arith.constant 11 : i32
          %add3A_430 = arith.addi %mul3A_222, %add3A_429 : i32
          %broadcast_in_dim3A_431 = vector.broadcast %add3A_430 : i32 to vector<16xi32>
          %gather3A_432 = tpu.vector_load_idx %arg12[%broadcast_in_dim3A_431, %get3A_210] : memref<256x32xf32, #tpu.memory_space<vmem>>[vector<16xi32>, vector<16xi32>], vector<16xf32>,
          %mul3A_433 = arith.constant 16 : i32
          %mul3A_434 = arith.muli %scan3A_206, %mul3A_433 : i32
          %swap3A_435 = arith.constant 1 : i32
          %swap3A_436 = arith.constant 3 : i32
          %swap3A_437 = arith.constant 0 : i32
          %swap3A_438 = arith.constant 0 : i32
          %swap3A_439 = arith.constant 0 : i32
          %swap3A_440 = arith.constant 0 : i32
          %swap3A_441 = tpu.memref_slice %arg18[%scan3A_18, %swap3A_437, %swap3A_438, %swap3A_439, %swap3A_440] : memref<1x16x2x8x128xf32, #tpu.memory_space<vmem>> -> memref<1x16x2x8x128xf32, #tpu.memory_space<vmem>>
          %swap3A_442 = tpu.memref_squeeze %swap3A_441 : memref<1x16x2x8x128xf32, #tpu.memory_space<vmem>> -> memref<16x2x8x128xf32, #tpu.memory_space<vmem>>
          %swap3A_443 = arith.index_cast %scan3A_219 : i32 to index
          %swap3A_444 = arith.index_cast %swap3A_435 : i32 to index
          %swap3A_445 = arith.index_cast %swap3A_436 : i32 to index
          %swap3A_446 = arith.index_cast %mul3A_434 : i32 to index
          %swap3A_447 = tpu.vector_load %swap3A_442[%swap3A_443, %swap3A_444, %swap3A_445, %swap3A_446] {strides = array<i32>} : memref<16x2x8x128xf32, #tpu.memory_space<vmem>>, vector<16xf32>,
          tpu.vector_store %swap3A_442[%swap3A_443, %swap3A_444, %swap3A_445, %swap3A_446], %gather3A_432 {strides = array<i32>} : memref<16x2x8x128xf32, #tpu.memory_space<vmem>>, vector<16xf32>,
          %add3A_448 = arith.constant 12 : i32
          %add3A_449 = arith.addi %mul3A_222, %add3A_448 : i32
          %broadcast_in_dim3A_450 = vector.broadcast %add3A_449 : i32 to vector<16xi32>
          %gather3A_451 = tpu.vector_load_idx %arg12[%broadcast_in_dim3A_450, %get3A_210] : memref<256x32xf32, #tpu.memory_space<vmem>>[vector<16xi32>, vector<16xi32>], vector<16xf32>,
          %mul3A_452 = arith.constant 16 : i32
          %mul3A_453 = arith.muli %scan3A_206, %mul3A_452 : i32
          %swap3A_454 = arith.constant 1 : i32
          %swap3A_455 = arith.constant 4 : i32
          %swap3A_456 = arith.constant 0 : i32
          %swap3A_457 = arith.constant 0 : i32
          %swap3A_458 = arith.constant 0 : i32
          %swap3A_459 = arith.constant 0 : i32
          %swap3A_460 = tpu.memref_slice %arg18[%scan3A_18, %swap3A_456, %swap3A_457, %swap3A_458, %swap3A_459] : memref<1x16x2x8x128xf32, #tpu.memory_space<vmem>> -> memref<1x16x2x8x128xf32, #tpu.memory_space<vmem>>
          %swap3A_461 = tpu.memref_squeeze %swap3A_460 : memref<1x16x2x8x128xf32, #tpu.memory_space<vmem>> -> memref<16x2x8x128xf32, #tpu.memory_space<vmem>>
          %swap3A_462 = arith.index_cast %scan3A_219 : i32 to index
          %swap3A_463 = arith.index_cast %swap3A_454 : i32 to index
          %swap3A_464 = arith.index_cast %swap3A_455 : i32 to index
          %swap3A_465 = arith.index_cast %mul3A_453 : i32 to index
          %swap3A_466 = tpu.vector_load %swap3A_461[%swap3A_462, %swap3A_463, %swap3A_464, %swap3A_465] {strides = array<i32>} : memref<16x2x8x128xf32, #tpu.memory_space<vmem>>, vector<16xf32>,
          tpu.vector_store %swap3A_461[%swap3A_462, %swap3A_463, %swap3A_464, %swap3A_465], %gather3A_451 {strides = array<i32>} : memref<16x2x8x128xf32, #tpu.memory_space<vmem>>, vector<16xf32>,
          %add3A_467 = arith.constant 13 : i32
          %add3A_468 = arith.addi %mul3A_222, %add3A_467 : i32
          %broadcast_in_dim3A_469 = vector.broadcast %add3A_468 : i32 to vector<16xi32>
          %gather3A_470 = tpu.vector_load_idx %arg12[%broadcast_in_dim3A_469, %get3A_210] : memref<256x32xf32, #tpu.memory_space<vmem>>[vector<16xi32>, vector<16xi32>], vector<16xf32>,
          %mul3A_471 = arith.constant 16 : i32
          %mul3A_472 = arith.muli %scan3A_206, %mul3A_471 : i32
          %swap3A_473 = arith.constant 1 : i32
          %swap3A_474 = arith.constant 5 : i32
          %swap3A_475 = arith.constant 0 : i32
          %swap3A_476 = arith.constant 0 : i32
          %swap3A_477 = arith.constant 0 : i32
          %swap3A_478 = arith.constant 0 : i32
          %swap3A_479 = tpu.memref_slice %arg18[%scan3A_18, %swap3A_475, %swap3A_476, %swap3A_477, %swap3A_478] : memref<1x16x2x8x128xf32, #tpu.memory_space<vmem>> -> memref<1x16x2x8x128xf32, #tpu.memory_space<vmem>>
          %swap3A_480 = tpu.memref_squeeze %swap3A_479 : memref<1x16x2x8x128xf32, #tpu.memory_space<vmem>> -> memref<16x2x8x128xf32, #tpu.memory_space<vmem>>
          %swap3A_481 = arith.index_cast %scan3A_219 : i32 to index
          %swap3A_482 = arith.index_cast %swap3A_473 : i32 to index
          %swap3A_483 = arith.index_cast %swap3A_474 : i32 to index
          %swap3A_484 = arith.index_cast %mul3A_472 : i32 to index
          %swap3A_485 = tpu.vector_load %swap3A_480[%swap3A_481, %swap3A_482, %swap3A_483, %swap3A_484] {strides = array<i32>} : memref<16x2x8x128xf32, #tpu.memory_space<vmem>>, vector<16xf32>,
          tpu.vector_store %swap3A_480[%swap3A_481, %swap3A_482, %swap3A_483, %swap3A_484], %gather3A_470 {strides = array<i32>} : memref<16x2x8x128xf32, #tpu.memory_space<vmem>>, vector<16xf32>,
          %add3A_486 = arith.constant 14 : i32
          %add3A_487 = arith.addi %mul3A_222, %add3A_486 : i32
          %broadcast_in_dim3A_488 = vector.broadcast %add3A_487 : i32 to vector<16xi32>
          %gather3A_489 = tpu.vector_load_idx %arg12[%broadcast_in_dim3A_488, %get3A_210] : memref<256x32xf32, #tpu.memory_space<vmem>>[vector<16xi32>, vector<16xi32>], vector<16xf32>,
          %mul3A_490 = arith.constant 16 : i32
          %mul3A_491 = arith.muli %scan3A_206, %mul3A_490 : i32
          %swap3A_492 = arith.constant 1 : i32
          %swap3A_493 = arith.constant 6 : i32
          %swap3A_494 = arith.constant 0 : i32
          %swap3A_495 = arith.constant 0 : i32
          %swap3A_496 = arith.constant 0 : i32
          %swap3A_497 = arith.constant 0 : i32
          %swap3A_498 = tpu.memref_slice %arg18[%scan3A_18, %swap3A_494, %swap3A_495, %swap3A_496, %swap3A_497] : memref<1x16x2x8x128xf32, #tpu.memory_space<vmem>> -> memref<1x16x2x8x128xf32, #tpu.memory_space<vmem>>
          %swap3A_499 = tpu.memref_squeeze %swap3A_498 : memref<1x16x2x8x128xf32, #tpu.memory_space<vmem>> -> memref<16x2x8x128xf32, #tpu.memory_space<vmem>>
          %swap3A_500 = arith.index_cast %scan3A_219 : i32 to index
          %swap3A_501 = arith.index_cast %swap3A_492 : i32 to index
          %swap3A_502 = arith.index_cast %swap3A_493 : i32 to index
          %swap3A_503 = arith.index_cast %mul3A_491 : i32 to index
          %swap3A_504 = tpu.vector_load %swap3A_499[%swap3A_500, %swap3A_501, %swap3A_502, %swap3A_503] {strides = array<i32>} : memref<16x2x8x128xf32, #tpu.memory_space<vmem>>, vector<16xf32>,
          tpu.vector_store %swap3A_499[%swap3A_500, %swap3A_501, %swap3A_502, %swap3A_503], %gather3A_489 {strides = array<i32>} : memref<16x2x8x128xf32, #tpu.memory_space<vmem>>, vector<16xf32>,
          %add3A_505 = arith.constant 15 : i32
          %add3A_506 = arith.addi %mul3A_222, %add3A_505 : i32
          %broadcast_in_dim3A_507 = vector.broadcast %add3A_506 : i32 to vector<16xi32>
          %gather3A_508 = tpu.vector_load_idx %arg12[%broadcast_in_dim3A_507, %get3A_210] : memref<256x32xf32, #tpu.memory_space<vmem>>[vector<16xi32>, vector<16xi32>], vector<16xf32>,
          %mul3A_509 = arith.constant 16 : i32
          %mul3A_510 = arith.muli %scan3A_206, %mul3A_509 : i32
          %swap3A_511 = arith.constant 1 : i32
          %swap3A_512 = arith.constant 7 : i32
          %swap3A_513 = arith.constant 0 : i32
          %swap3A_514 = arith.constant 0 : i32
          %swap3A_515 = arith.constant 0 : i32
          %swap3A_516 = arith.constant 0 : i32
          %swap3A_517 = tpu.memref_slice %arg18[%scan3A_18, %swap3A_513, %swap3A_514, %swap3A_515, %swap3A_516] : memref<1x16x2x8x128xf32, #tpu.memory_space<vmem>> -> memref<1x16x2x8x128xf32, #tpu.memory_space<vmem>>
          %swap3A_518 = tpu.memref_squeeze %swap3A_517 : memref<1x16x2x8x128xf32, #tpu.memory_space<vmem>> -> memref<16x2x8x128xf32, #tpu.memory_space<vmem>>
          %swap3A_519 = arith.index_cast %scan3A_219 : i32 to index
          %swap3A_520 = arith.index_cast %swap3A_511 : i32 to index
          %swap3A_521 = arith.index_cast %swap3A_512 : i32 to index
          %swap3A_522 = arith.index_cast %mul3A_510 : i32 to index
          %swap3A_523 = tpu.vector_load %swap3A_518[%swap3A_519, %swap3A_520, %swap3A_521, %swap3A_522] {strides = array<i32>} : memref<16x2x8x128xf32, #tpu.memory_space<vmem>>, vector<16xf32>,
          tpu.vector_store %swap3A_518[%swap3A_519, %swap3A_520, %swap3A_521, %swap3A_522], %gather3A_508 {strides = array<i32>} : memref<16x2x8x128xf32, #tpu.memory_space<vmem>>, vector<16xf32>,
          %scan3A_524 = arith.constant 0 : i32
          scf.yield %scan3A_524 : i32
        }
        %scan3A_217 = arith.constant 16 : i32
        %scan3A_218 = arith.constant 0 : i32
        scf.yield %scan3A_218 : i32
      }
      %scan3A_155 = arith.constant 8 : i32
      %dma_start3A = arith.constant 0 : i32
      %dma_start3A_156 = arith.constant 0 : i32
      %dma_start3A_157 = arith.constant 0 : i32
      %dma_start3A_158 = arith.constant 0 : i32
      %dma_start3A_159 = tpu.memref_slice %arg18[%scan3A_18, %dma_start3A, %dma_start3A_156, %dma_start3A_157, %dma_start3A_158] : memref<1x16x2x8x128xf32, #tpu.memory_space<vmem>> -> memref<1x16x2x8x128xf32, #tpu.memory_space<vmem>>
      %dma_start3A_160 = tpu.memref_squeeze %dma_start3A_159 : memref<1x16x2x8x128xf32, #tpu.memory_space<vmem>> -> memref<16x2x8x128xf32, #tpu.memory_space<vmem>>
      %dma_start3A_161 = arith.constant 0 : i32
      %dma_start3A_162 = arith.constant 0 : i32
      %dma_start3A_163 = arith.constant 0 : i32
      %dma_start3A_164 = arith.constant 0 : i32
      %dma_start3A_165 = tpu.memref_slice %arg9[%add3A_4, %dma_start3A_161, %dma_start3A_162, %add3A_148, %dma_start3A_163, %dma_start3A_164] : memref<64x16x2x8x8x128xf32, #tpu.memory_space<hbm>> -> memref<1x16x2x1x8x128xf32, #tpu.memory_space<hbm>>
      %dma_start3A_166 = tpu.memref_squeeze %dma_start3A_165 : memref<1x16x2x1x8x128xf32, #tpu.memory_space<hbm>> -> memref<16x2x8x128xf32, #tpu.memory_space<hbm>>
      %dma_start3A_167 = arith.constant 0 : i32
      %dma_start3A_168 = arith.constant 0 : i32
      %dma_start3A_169 = arith.constant 0 : i32
      %dma_start3A_170 = arith.constant 0 : i32
      %dma_start3A_171 = tpu.memref_slice %arg9[%add3A_4, %dma_start3A_167, %dma_start3A_168, %add3A_148, %dma_start3A_169, %dma_start3A_170] : memref<64x16x2x8x8x128xf32, #tpu.memory_space<hbm>> -> memref<1x16x2x1x8x128xf32, #tpu.memory_space<hbm>>
      %dma_start3A_172 = tpu.memref_squeeze %dma_start3A_171 : memref<1x16x2x1x8x128xf32, #tpu.memory_space<hbm>> -> memref<16x2x8x128xf32, #tpu.memory_space<hbm>>
      %dma_start3A_173 = arith.constant 0 : i32
      %dma_start3A_174 = arith.constant 0 : i32
      %dma_start3A_175 = arith.constant 0 : i32
      %dma_start3A_176 = arith.constant 0 : i32
      %dma_start3A_177 = tpu.memref_slice %arg18[%scan3A_18, %dma_start3A_173, %dma_start3A_174, %dma_start3A_175, %dma_start3A_176] : memref<1x16x2x8x128xf32, #tpu.memory_space<vmem>> -> memref<1x16x2x8x128xf32, #tpu.memory_space<vmem>>
      %dma_start3A_178 = tpu.memref_squeeze %dma_start3A_177 : memref<1x16x2x8x128xf32, #tpu.memory_space<vmem>> -> memref<16x2x8x128xf32, #tpu.memory_space<vmem>>
      tpu.enqueue_dma source(%dma_start3A_178 : memref<16x2x8x128xf32, #tpu.memory_space<vmem>>) target(%dma_start3A_172 : memref<16x2x8x128xf32, #tpu.memory_space<hbm>>) target_semaphore(%arg21 : memref<!tpu.dma_semaphore, #tpu.memory_space<semaphore_mem>>)
      %dma_wait3A_179 = arith.constant 0 : i32
      %dma_wait3A_180 = arith.constant 0 : i32
      %dma_wait3A_181 = arith.constant 0 : i32
      %dma_wait3A_182 = arith.constant 0 : i32
      %dma_wait3A_183 = arith.constant 0 : i32
      %dma_wait3A_184 = arith.constant 0 : i32
      %dma_wait3A_185 = tpu.memref_slice %arg18[%scan3A_18, %dma_wait3A_181, %dma_wait3A_182, %dma_wait3A_183, %dma_wait3A_184] : memref<1x16x2x8x128xf32, #tpu.memory_space<vmem>> -> memref<1x16x2x8x128xf32, #tpu.memory_space<vmem>>
      %dma_wait3A_186 = tpu.memref_squeeze %dma_wait3A_185 : memref<1x16x2x8x128xf32, #tpu.memory_space<vmem>> -> memref<16x2x8x128xf32, #tpu.memory_space<vmem>>
      %dma_wait3A_187 = arith.constant 0 : i32
      %dma_wait3A_188 = arith.constant 0 : i32
      %dma_wait3A_189 = arith.constant 0 : i32
      %dma_wait3A_190 = arith.constant 0 : i32
      %dma_wait3A_191 = tpu.memref_slice %arg9[%dma_wait3A_179, %dma_wait3A_187, %dma_wait3A_188, %dma_wait3A_180, %dma_wait3A_189, %dma_wait3A_190] : memref<64x16x2x8x8x128xf32, #tpu.memory_space<hbm>> -> memref<1x16x2x1x8x128xf32, #tpu.memory_space<hbm>>
      %dma_wait3A_192 = tpu.memref_squeeze %dma_wait3A_191 : memref<1x16x2x1x8x128xf32, #tpu.memory_space<hbm>> -> memref<16x2x8x128xf32, #tpu.memory_space<hbm>>
      %dma_wait3A_193 = arith.constant 0 : i32
      %dma_wait3A_194 = arith.constant 0 : i32
      %dma_wait3A_195 = arith.constant 0 : i32
      %dma_wait3A_196 = arith.constant 0 : i32
      %dma_wait3A_197 = tpu.memref_slice %arg18[%scan3A_18, %dma_wait3A_193, %dma_wait3A_194, %dma_wait3A_195, %dma_wait3A_196] : memref<1x16x2x8x128xf32, #tpu.memory_space<vmem>> -> memref<1x16x2x8x128xf32, #tpu.memory_space<vmem>>
      %dma_wait3A_198 = tpu.memref_squeeze %dma_wait3A_197 : memref<1x16x2x8x128xf32, #tpu.memory_space<vmem>> -> memref<16x2x8x128xf32, #tpu.memory_space<vmem>>
      %dma_wait3A_199 = arith.constant 0 : i32
      %dma_wait3A_200 = arith.constant 0 : i32
      %dma_wait3A_201 = arith.constant 0 : i32
      %dma_wait3A_202 = arith.constant 0 : i32
      %dma_wait3A_203 = tpu.memref_slice %arg9[%dma_wait3A_179, %dma_wait3A_199, %dma_wait3A_200, %dma_wait3A_180, %dma_wait3A_201, %dma_wait3A_202] : memref<64x16x2x8x8x128xf32, #tpu.memory_space<hbm>> -> memref<1x16x2x1x8x128xf32, #tpu.memory_space<hbm>>
      %dma_wait3A_204 = tpu.memref_squeeze %dma_wait3A_203 : memref<1x16x2x1x8x128xf32, #tpu.memory_space<hbm>> -> memref<16x2x8x128xf32, #tpu.memory_space<hbm>>
      tpu.wait_dma2 semaphore(%arg21 : memref<!tpu.dma_semaphore, #tpu.memory_space<semaphore_mem>>) src(%dma_wait3A_204 : memref<16x2x8x128xf32, #tpu.memory_space<hbm>>) dst(%dma_wait3A_198 : memref<16x2x8x128xf32, #tpu.memory_space<vmem>>)
      %scan3A_205 = arith.constant 0 : i32
      scf.yield %scan3A_205 : i32
    }
    %scan3A_25 = arith.constant 4 : i32
    %dma_wait3A = arith.constant 0 : i32
    %dma_wait3A_26 = arith.constant 0 : i32
    %dma_wait3A_27 = arith.constant 0 : i32
    %dma_wait3A_28 = arith.constant 0 : i32
    %dma_wait3A_29 = tpu.memref_slice %arg8[%add3A_4, %dma_wait3A, %dma_wait3A_26, %dma_wait3A_27, %dma_wait3A_28] : memref<64x2x8x8x128xf32, #tpu.memory_space<hbm>> -> memref<1x2x8x8x128xf32, #tpu.memory_space<hbm>>
    %dma_wait3A_30 = tpu.memref_squeeze %dma_wait3A_29 : memref<1x2x8x8x128xf32, #tpu.memory_space<hbm>> -> memref<2x8x8x128xf32, #tpu.memory_space<hbm>>
    %dma_wait3A_31 = arith.constant 0 : i32
    %dma_wait3A_32 = arith.constant 0 : i32
    %dma_wait3A_33 = arith.constant 0 : i32
    %dma_wait3A_34 = arith.constant 0 : i32
    %dma_wait3A_35 = tpu.memref_slice %arg8[%add3A_4, %dma_wait3A_31, %dma_wait3A_32, %dma_wait3A_33, %dma_wait3A_34] : memref<64x2x8x8x128xf32, #tpu.memory_space<hbm>> -> memref<1x2x8x8x128xf32, #tpu.memory_space<hbm>>
    %dma_wait3A_36 = tpu.memref_squeeze %dma_wait3A_35 : memref<1x2x8x8x128xf32, #tpu.memory_space<hbm>> -> memref<2x8x8x128xf32, #tpu.memory_space<hbm>>
    tpu.wait_dma2 semaphore(%arg19 : memref<!tpu.dma_semaphore, #tpu.memory_space<semaphore_mem>>) src(%dma_wait3A_36 : memref<2x8x8x128xf32, #tpu.memory_space<hbm>>) dst(%arg15 : memref<2x8x8x128xf32, #tpu.memory_space<vmem>>)
    "tpu.region"() ({
      %run_scoped3A = tpu.sem_alloc : memref<!tpu.dma_semaphore, #tpu.memory_space<semaphore_mem>>
      %dma_start3A = arith.constant 0 : i32
      %dma_start3A_145 = arith.constant 0 : i32
      %dma_start3A_146 = arith.constant 0 : i32
      %dma_start3A_147 = arith.constant 0 : i32
      %dma_start3A_148 = tpu.memref_slice %arg8[%add3A_4, %dma_start3A, %dma_start3A_145, %dma_start3A_146, %dma_start3A_147] : memref<64x2x8x8x128xf32, #tpu.memory_space<hbm>> -> memref<1x2x8x8x128xf32, #tpu.memory_space<hbm>>
      %dma_start3A_149 = tpu.memref_squeeze %dma_start3A_148 : memref<1x2x8x8x128xf32, #tpu.memory_space<hbm>> -> memref<2x8x8x128xf32, #tpu.memory_space<hbm>>
      %dma_start3A_150 = arith.constant 0 : i32
      %dma_start3A_151 = arith.constant 0 : i32
      %dma_start3A_152 = arith.constant 0 : i32
      %dma_start3A_153 = arith.constant 0 : i32
      %dma_start3A_154 = tpu.memref_slice %arg8[%add3A_4, %dma_start3A_150, %dma_start3A_151, %dma_start3A_152, %dma_start3A_153] : memref<64x2x8x8x128xf32, #tpu.memory_space<hbm>> -> memref<1x2x8x8x128xf32, #tpu.memory_space<hbm>>
      %dma_start3A_155 = tpu.memref_squeeze %dma_start3A_154 : memref<1x2x8x8x128xf32, #tpu.memory_space<hbm>> -> memref<2x8x8x128xf32, #tpu.memory_space<hbm>>
      tpu.enqueue_dma source(%arg15 : memref<2x8x8x128xf32, #tpu.memory_space<vmem>>) target(%dma_start3A_155 : memref<2x8x8x128xf32, #tpu.memory_space<hbm>>) target_semaphore(%run_scoped3A : memref<!tpu.dma_semaphore, #tpu.memory_space<semaphore_mem>>)
      %dma_wait3A_156 = arith.constant 0 : i32
      %dma_wait3A_157 = arith.constant 0 : i32
      %dma_wait3A_158 = arith.constant 0 : i32
      %dma_wait3A_159 = arith.constant 0 : i32
      %dma_wait3A_160 = tpu.memref_slice %arg8[%add3A_4, %dma_wait3A_156, %dma_wait3A_157, %dma_wait3A_158, %dma_wait3A_159] : memref<64x2x8x8x128xf32, #tpu.memory_space<hbm>> -> memref<1x2x8x8x128xf32, #tpu.memory_space<hbm>>
      %dma_wait3A_161 = tpu.memref_squeeze %dma_wait3A_160 : memref<1x2x8x8x128xf32, #tpu.memory_space<hbm>> -> memref<2x8x8x128xf32, #tpu.memory_space<hbm>>
      %dma_wait3A_162 = arith.constant 0 : i32
      %dma_wait3A_163 = arith.constant 0 : i32
      %dma_wait3A_164 = arith.constant 0 : i32
      %dma_wait3A_165 = arith.constant 0 : i32
      %dma_wait3A_166 = tpu.memref_slice %arg8[%add3A_4, %dma_wait3A_162, %dma_wait3A_163, %dma_wait3A_164, %dma_wait3A_165] : memref<64x2x8x8x128xf32, #tpu.memory_space<hbm>> -> memref<1x2x8x8x128xf32, #tpu.memory_space<hbm>>
      %dma_wait3A_167 = tpu.memref_squeeze %dma_wait3A_166 : memref<1x2x8x8x128xf32, #tpu.memory_space<hbm>> -> memref<2x8x8x128xf32, #tpu.memory_space<hbm>>
      tpu.wait_dma2 semaphore(%run_scoped3A : memref<!tpu.dma_semaphore, #tpu.memory_space<semaphore_mem>>) src(%arg15 : memref<2x8x8x128xf32, #tpu.memory_space<vmem>>) dst(%dma_wait3A_167 : memref<2x8x8x128xf32, #tpu.memory_space<hbm>>)
      tpu.yield
    }) : () -> ()
    "tpu.region"() ({
      %run_scoped3A = tpu.sem_alloc : memref<!tpu.dma_semaphore, #tpu.memory_space<semaphore_mem>>
      %dma_start3A = arith.constant 0 : i32
      %dma_start3A_145 = arith.constant 0 : i32
      %dma_start3A_146 = tpu.memref_slice %arg6[%add3A_4, %dma_start3A, %dma_start3A_145] : memref<64x8x128xi32, #tpu.memory_space<hbm>> -> memref<1x8x128xi32, #tpu.memory_space<hbm>>
      %dma_start3A_147 = tpu.memref_squeeze %dma_start3A_146 : memref<1x8x128xi32, #tpu.memory_space<hbm>> -> memref<8x128xi32, #tpu.memory_space<hbm>>
      %dma_start3A_148 = arith.constant 0 : i32
      %dma_start3A_149 = arith.constant 0 : i32
      %dma_start3A_150 = tpu.memref_slice %arg6[%add3A_4, %dma_start3A_148, %dma_start3A_149] : memref<64x8x128xi32, #tpu.memory_space<hbm>> -> memref<1x8x128xi32, #tpu.memory_space<hbm>>
      %dma_start3A_151 = tpu.memref_squeeze %dma_start3A_150 : memref<1x8x128xi32, #tpu.memory_space<hbm>> -> memref<8x128xi32, #tpu.memory_space<hbm>>
      tpu.enqueue_dma source(%dma_start3A_151 : memref<8x128xi32, #tpu.memory_space<hbm>>) target(%arg13 : memref<8x128xi32, #tpu.memory_space<vmem>>) target_semaphore(%run_scoped3A : memref<!tpu.dma_semaphore, #tpu.memory_space<semaphore_mem>>)
      %dma_wait3A_152 = arith.constant 0 : i32
      %dma_wait3A_153 = arith.constant 0 : i32
      %dma_wait3A_154 = tpu.memref_slice %arg6[%add3A_4, %dma_wait3A_152, %dma_wait3A_153] : memref<64x8x128xi32, #tpu.memory_space<hbm>> -> memref<1x8x128xi32, #tpu.memory_space<hbm>>
      %dma_wait3A_155 = tpu.memref_squeeze %dma_wait3A_154 : memref<1x8x128xi32, #tpu.memory_space<hbm>> -> memref<8x128xi32, #tpu.memory_space<hbm>>
      %dma_wait3A_156 = arith.constant 0 : i32
      %dma_wait3A_157 = arith.constant 0 : i32
      %dma_wait3A_158 = tpu.memref_slice %arg6[%add3A_4, %dma_wait3A_156, %dma_wait3A_157] : memref<64x8x128xi32, #tpu.memory_space<hbm>> -> memref<1x8x128xi32, #tpu.memory_space<hbm>>
      %dma_wait3A_159 = tpu.memref_squeeze %dma_wait3A_158 : memref<1x8x128xi32, #tpu.memory_space<hbm>> -> memref<8x128xi32, #tpu.memory_space<hbm>>
      tpu.wait_dma2 semaphore(%run_scoped3A : memref<!tpu.dma_semaphore, #tpu.memory_space<semaphore_mem>>) src(%dma_wait3A_159 : memref<8x128xi32, #tpu.memory_space<hbm>>) dst(%arg13 : memref<8x128xi32, #tpu.memory_space<vmem>>)
      tpu.yield
    }) : () -> ()
    %scan3A_37 = arith.constant 0 : i32
    %scan3A_38 = arith.constant 0 : i32
    %scan3A_39 = arith.constant 8 : i32
    %scan3A_40 = arith.addi %scan3A_38, %scan3A_39 : i32
    %scan3A_41 = arith.constant 1 : i32
    %scan3A_42 = scf.for %scan3A_145 = %scan3A_38 to %scan3A_40 step %scan3A_41 iter_args(%scan3A_146 = %scan3A_37) -> (i32)  : i32 {
      %get3A = arith.index_cast %scan3A_145 : i32 to index
      %get3A_147 = arith.constant 0 : index
      %get3A_148 = tpu.vector_load %arg13[%get3A, %get3A_147] {strides = array<i32>} : memref<8x128xi32, #tpu.memory_space<vmem>>, vector<16xi32>,
      %shift_right_arithmetic3A = arith.constant 7 : i32
      %shift_right_arithmetic3A_149 = vector.broadcast %shift_right_arithmetic3A : i32 to vector<16xi32>
      %shift_right_arithmetic3A_150 = arith.shrsi %get3A_148, %shift_right_arithmetic3A_149 : vector<16xi32>
      %mul3A_151 = arith.constant 896 : i32
      %mul3A_152 = vector.broadcast %mul3A_151 : i32 to vector<16xi32>
      %mul3A_153 = arith.muli %shift_right_arithmetic3A_150, %mul3A_152 : vector<16xi32>
      %add3A_154 = arith.addi %get3A_148, %mul3A_153 : vector<16xi32>
      %swap3A = arith.index_cast %scan3A_145 : i32 to index
      %swap3A_155 = arith.constant 0 : index
      %swap3A_156 = tpu.vector_load %arg13[%swap3A, %swap3A_155] {strides = array<i32>} : memref<8x128xi32, #tpu.memory_space<vmem>>, vector<16xi32>,
      tpu.vector_store %arg13[%swap3A, %swap3A_155], %add3A_154 {strides = array<i32>} : memref<8x128xi32, #tpu.memory_space<vmem>>, vector<16xi32>,
      %get3A_157 = arith.index_cast %scan3A_145 : i32 to index
      %get3A_158 = arith.constant 16 : index
      %get3A_159 = tpu.vector_load %arg13[%get3A_157, %get3A_158] {strides = array<i32>} : memref<8x128xi32, #tpu.memory_space<vmem>>, vector<16xi32>,
      %shift_right_arithmetic3A_160 = arith.constant 7 : i32
      %shift_right_arithmetic3A_161 = vector.broadcast %shift_right_arithmetic3A_160 : i32 to vector<16xi32>
      %shift_right_arithmetic3A_162 = arith.shrsi %get3A_159, %shift_right_arithmetic3A_161 : vector<16xi32>
      %mul3A_163 = arith.constant 896 : i32
      %mul3A_164 = vector.broadcast %mul3A_163 : i32 to vector<16xi32>
      %mul3A_165 = arith.muli %shift_right_arithmetic3A_162, %mul3A_164 : vector<16xi32>
      %add3A_166 = arith.addi %get3A_159, %mul3A_165 : vector<16xi32>
      %swap3A_167 = arith.index_cast %scan3A_145 : i32 to index
      %swap3A_168 = arith.constant 16 : index
      %swap3A_169 = tpu.vector_load %arg13[%swap3A_167, %swap3A_168] {strides = array<i32>} : memref<8x128xi32, #tpu.memory_space<vmem>>, vector<16xi32>,
      tpu.vector_store %arg13[%swap3A_167, %swap3A_168], %add3A_166 {strides = array<i32>} : memref<8x128xi32, #tpu.memory_space<vmem>>, vector<16xi32>,
      %get3A_170 = arith.index_cast %scan3A_145 : i32 to index
      %get3A_171 = arith.constant 32 : index
      %get3A_172 = tpu.vector_load %arg13[%get3A_170, %get3A_171] {strides = array<i32>} : memref<8x128xi32, #tpu.memory_space<vmem>>, vector<16xi32>,
      %shift_right_arithmetic3A_173 = arith.constant 7 : i32
      %shift_right_arithmetic3A_174 = vector.broadcast %shift_right_arithmetic3A_173 : i32 to vector<16xi32>
      %shift_right_arithmetic3A_175 = arith.shrsi %get3A_172, %shift_right_arithmetic3A_174 : vector<16xi32>
      %mul3A_176 = arith.constant 896 : i32
      %mul3A_177 = vector.broadcast %mul3A_176 : i32 to vector<16xi32>
      %mul3A_178 = arith.muli %shift_right_arithmetic3A_175, %mul3A_177 : vector<16xi32>
      %add3A_179 = arith.addi %get3A_172, %mul3A_178 : vector<16xi32>
      %swap3A_180 = arith.index_cast %scan3A_145 : i32 to index
      %swap3A_181 = arith.constant 32 : index
      %swap3A_182 = tpu.vector_load %arg13[%swap3A_180, %swap3A_181] {strides = array<i32>} : memref<8x128xi32, #tpu.memory_space<vmem>>, vector<16xi32>,
      tpu.vector_store %arg13[%swap3A_180, %swap3A_181], %add3A_179 {strides = array<i32>} : memref<8x128xi32, #tpu.memory_space<vmem>>, vector<16xi32>,
      %get3A_183 = arith.index_cast %scan3A_145 : i32 to index
      %get3A_184 = arith.constant 48 : index
      %get3A_185 = tpu.vector_load %arg13[%get3A_183, %get3A_184] {strides = array<i32>} : memref<8x128xi32, #tpu.memory_space<vmem>>, vector<16xi32>,
      %shift_right_arithmetic3A_186 = arith.constant 7 : i32
      %shift_right_arithmetic3A_187 = vector.broadcast %shift_right_arithmetic3A_186 : i32 to vector<16xi32>
      %shift_right_arithmetic3A_188 = arith.shrsi %get3A_185, %shift_right_arithmetic3A_187 : vector<16xi32>
      %mul3A_189 = arith.constant 896 : i32
      %mul3A_190 = vector.broadcast %mul3A_189 : i32 to vector<16xi32>
      %mul3A_191 = arith.muli %shift_right_arithmetic3A_188, %mul3A_190 : vector<16xi32>
      %add3A_192 = arith.addi %get3A_185, %mul3A_191 : vector<16xi32>
      %swap3A_193 = arith.index_cast %scan3A_145 : i32 to index
      %swap3A_194 = arith.constant 48 : index
      %swap3A_195 = tpu.vector_load %arg13[%swap3A_193, %swap3A_194] {strides = array<i32>} : memref<8x128xi32, #tpu.memory_space<vmem>>, vector<16xi32>,
      tpu.vector_store %arg13[%swap3A_193, %swap3A_194], %add3A_192 {strides = array<i32>} : memref<8x128xi32, #tpu.memory_space<vmem>>, vector<16xi32>,
      %get3A_196 = arith.index_cast %scan3A_145 : i32 to index
      %get3A_197 = arith.constant 64 : index
      %get3A_198 = tpu.vector_load %arg13[%get3A_196, %get3A_197] {strides = array<i32>} : memref<8x128xi32, #tpu.memory_space<vmem>>, vector<16xi32>,
      %shift_right_arithmetic3A_199 = arith.constant 7 : i32
      %shift_right_arithmetic3A_200 = vector.broadcast %shift_right_arithmetic3A_199 : i32 to vector<16xi32>
      %shift_right_arithmetic3A_201 = arith.shrsi %get3A_198, %shift_right_arithmetic3A_200 : vector<16xi32>
      %mul3A_202 = arith.constant 896 : i32
      %mul3A_203 = vector.broadcast %mul3A_202 : i32 to vector<16xi32>
      %mul3A_204 = arith.muli %shift_right_arithmetic3A_201, %mul3A_203 : vector<16xi32>
      %add3A_205 = arith.addi %get3A_198, %mul3A_204 : vector<16xi32>
      %swap3A_206 = arith.index_cast %scan3A_145 : i32 to index
      %swap3A_207 = arith.constant 64 : index
      %swap3A_208 = tpu.vector_load %arg13[%swap3A_206, %swap3A_207] {strides = array<i32>} : memref<8x128xi32, #tpu.memory_space<vmem>>, vector<16xi32>,
      tpu.vector_store %arg13[%swap3A_206, %swap3A_207], %add3A_205 {strides = array<i32>} : memref<8x128xi32, #tpu.memory_space<vmem>>, vector<16xi32>,
      %get3A_209 = arith.index_cast %scan3A_145 : i32 to index
      %get3A_210 = arith.constant 80 : index
      %get3A_211 = tpu.vector_load %arg13[%get3A_209, %get3A_210] {strides = array<i32>} : memref<8x128xi32, #tpu.memory_space<vmem>>, vector<16xi32>,
      %shift_right_arithmetic3A_212 = arith.constant 7 : i32
      %shift_right_arithmetic3A_213 = vector.broadcast %shift_right_arithmetic3A_212 : i32 to vector<16xi32>
      %shift_right_arithmetic3A_214 = arith.shrsi %get3A_211, %shift_right_arithmetic3A_213 : vector<16xi32>
      %mul3A_215 = arith.constant 896 : i32
      %mul3A_216 = vector.broadcast %mul3A_215 : i32 to vector<16xi32>
      %mul3A_217 = arith.muli %shift_right_arithmetic3A_214, %mul3A_216 : vector<16xi32>
      %add3A_218 = arith.addi %get3A_211, %mul3A_217 : vector<16xi32>
      %swap3A_219 = arith.index_cast %scan3A_145 : i32 to index
      %swap3A_220 = arith.constant 80 : index
      %swap3A_221 = tpu.vector_load %arg13[%swap3A_219, %swap3A_220] {strides = array<i32>} : memref<8x128xi32, #tpu.memory_space<vmem>>, vector<16xi32>,
      tpu.vector_store %arg13[%swap3A_219, %swap3A_220], %add3A_218 {strides = array<i32>} : memref<8x128xi32, #tpu.memory_space<vmem>>, vector<16xi32>,
      %get3A_222 = arith.index_cast %scan3A_145 : i32 to index
      %get3A_223 = arith.constant 96 : index
      %get3A_224 = tpu.vector_load %arg13[%get3A_222, %get3A_223] {strides = array<i32>} : memref<8x128xi32, #tpu.memory_space<vmem>>, vector<16xi32>,
      %shift_right_arithmetic3A_225 = arith.constant 7 : i32
      %shift_right_arithmetic3A_226 = vector.broadcast %shift_right_arithmetic3A_225 : i32 to vector<16xi32>
      %shift_right_arithmetic3A_227 = arith.shrsi %get3A_224, %shift_right_arithmetic3A_226 : vector<16xi32>
      %mul3A_228 = arith.constant 896 : i32
      %mul3A_229 = vector.broadcast %mul3A_228 : i32 to vector<16xi32>
      %mul3A_230 = arith.muli %shift_right_arithmetic3A_227, %mul3A_229 : vector<16xi32>
      %add3A_231 = arith.addi %get3A_224, %mul3A_230 : vector<16xi32>
      %swap3A_232 = arith.index_cast %scan3A_145 : i32 to index
      %swap3A_233 = arith.constant 96 : index
      %swap3A_234 = tpu.vector_load %arg13[%swap3A_232, %swap3A_233] {strides = array<i32>} : memref<8x128xi32, #tpu.memory_space<vmem>>, vector<16xi32>,
      tpu.vector_store %arg13[%swap3A_232, %swap3A_233], %add3A_231 {strides = array<i32>} : memref<8x128xi32, #tpu.memory_space<vmem>>, vector<16xi32>,
      %get3A_235 = arith.index_cast %scan3A_145 : i32 to index
      %get3A_236 = arith.constant 112 : index
      %get3A_237 = tpu.vector_load %arg13[%get3A_235, %get3A_236] {strides = array<i32>} : memref<8x128xi32, #tpu.memory_space<vmem>>, vector<16xi32>,
      %shift_right_arithmetic3A_238 = arith.constant 7 : i32
      %shift_right_arithmetic3A_239 = vector.broadcast %shift_right_arithmetic3A_238 : i32 to vector<16xi32>
      %shift_right_arithmetic3A_240 = arith.shrsi %get3A_237, %shift_right_arithmetic3A_239 : vector<16xi32>
      %mul3A_241 = arith.constant 896 : i32
      %mul3A_242 = vector.broadcast %mul3A_241 : i32 to vector<16xi32>
      %mul3A_243 = arith.muli %shift_right_arithmetic3A_240, %mul3A_242 : vector<16xi32>
      %add3A_244 = arith.addi %get3A_237, %mul3A_243 : vector<16xi32>
      %swap3A_245 = arith.index_cast %scan3A_145 : i32 to index
      %swap3A_246 = arith.constant 112 : index
      %swap3A_247 = tpu.vector_load %arg13[%swap3A_245, %swap3A_246] {strides = array<i32>} : memref<8x128xi32, #tpu.memory_space<vmem>>, vector<16xi32>,
      tpu.vector_store %arg13[%swap3A_245, %swap3A_246], %add3A_244 {strides = array<i32>} : memref<8x128xi32, #tpu.memory_space<vmem>>, vector<16xi32>,
      %scan3A_248 = arith.constant 0 : i32
      scf.yield %scan3A_248 : i32
    }
    %scan3A_43 = arith.constant 8 : i32
    %scan3A_44 = arith.constant 0 : i32
    %scan3A_45 = arith.constant 0 : i32
    %scan3A_46 = arith.constant 8 : i32
    %scan3A_47 = arith.addi %scan3A_45, %scan3A_46 : i32
    %scan3A_48 = arith.constant 1 : i32
    %scan3A_49 = scf.for %scan3A_145 = %scan3A_45 to %scan3A_47 step %scan3A_48 iter_args(%scan3A_146 = %scan3A_44) -> (i32)  : i32 {
      %scan3A_147 = arith.constant 0 : i32
      %scan3A_148 = arith.constant 0 : i32
      %scan3A_149 = arith.constant 8 : i32
      %scan3A_150 = arith.addi %scan3A_148, %scan3A_149 : i32
      %scan3A_151 = arith.constant 1 : i32
      %scan3A_152 = scf.for %scan3A_162 = %scan3A_148 to %scan3A_150 step %scan3A_151 iter_args(%scan3A_163 = %scan3A_147) -> (i32)  : i32 {
        %mul3A_164 = arith.constant 128 : i32
        %mul3A_165 = arith.muli %scan3A_162, %mul3A_164 : i32
        %add3A_166 = arith.constant 0 : i32
        %add3A_167 = arith.addi %add3A_166, %mul3A_165 : i32
        %dma_start3A = arith.constant 0 : i32
        %dma_start3A_168 = arith.constant 0 : i32
        %dma_start3A_169 = tpu.memref_slice %arg15[%dma_start3A, %scan3A_145, %scan3A_162, %dma_start3A_168] : memref<2x8x8x128xf32, #tpu.memory_space<vmem>> -> memref<1x1x1x128xf32, #tpu.memory_space<vmem>>
        %dma_start3A_170 = tpu.memref_squeeze %dma_start3A_169 : memref<1x1x1x128xf32, #tpu.memory_space<vmem>> -> memref<128xf32, #tpu.memory_space<vmem>>
        %dma_start3A_171 = arith.constant 0 : i32
        %dma_start3A_172 = tpu.memref_slice %arg13[%scan3A_145, %dma_start3A_171] : memref<8x128xi32, #tpu.memory_space<vmem>> -> memref<1x128xi32, #tpu.memory_space<vmem>>
        %dma_start3A_173 = tpu.memref_squeeze %dma_start3A_172 : memref<1x128xi32, #tpu.memory_space<vmem>> -> memref<128xi32, #tpu.memory_space<vmem>>
        %dma_start3A_174 = tpu.memref_slice %arg2[%add3A_167] : memref<16001024xf32, #tpu.memory_space<hbm>> -> memref<7999616xf32, #tpu.memory_space<hbm>>
        %dma_start3A_175 = arith.constant 0 : i32
        %dma_start3A_176 = tpu.memref_slice %dma_start3A_174[%dma_start3A_175] : memref<7999616xf32, #tpu.memory_space<hbm>> -> memref<7999616xf32, #tpu.memory_space<hbm>>
        tpu.enqueue_indirect_dma source(%dma_start3A_176 : memref<7999616xf32, #tpu.memory_space<hbm>>) target(%dma_start3A_170 : memref<128xf32, #tpu.memory_space<vmem>>) offsets(%dma_start3A_173 : memref<128xi32, #tpu.memory_space<vmem>>) semaphore(%arg19 : memref<!tpu.dma_semaphore, #tpu.memory_space<semaphore_mem>>)
        %scan3A_177 = arith.constant 0 : i32
        scf.yield %scan3A_177 : i32
      }
      %scan3A_153 = arith.constant 8 : i32
      %scan3A_154 = arith.constant 0 : i32
      %scan3A_155 = arith.constant 0 : i32
      %scan3A_156 = arith.constant 8 : i32
      %scan3A_157 = arith.addi %scan3A_155, %scan3A_156 : i32
      %scan3A_158 = arith.constant 1 : i32
      %scan3A_159 = scf.for %scan3A_162 = %scan3A_155 to %scan3A_157 step %scan3A_158 iter_args(%scan3A_163 = %scan3A_154) -> (i32)  : i32 {
        %mul3A_164 = arith.constant 128 : i32
        %mul3A_165 = arith.muli %scan3A_162, %mul3A_164 : i32
        %add3A_166 = arith.constant 8000512 : i32
        %add3A_167 = arith.addi %add3A_166, %mul3A_165 : i32
        %dma_start3A = arith.constant 1 : i32
        %dma_start3A_168 = arith.constant 0 : i32
        %dma_start3A_169 = tpu.memref_slice %arg15[%dma_start3A, %scan3A_145, %scan3A_162, %dma_start3A_168] : memref<2x8x8x128xf32, #tpu.memory_space<vmem>> -> memref<1x1x1x128xf32, #tpu.memory_space<vmem>>
        %dma_start3A_170 = tpu.memref_squeeze %dma_start3A_169 : memref<1x1x1x128xf32, #tpu.memory_space<vmem>> -> memref<128xf32, #tpu.memory_space<vmem>>
        %dma_start3A_171 = arith.constant 0 : i32
        %dma_start3A_172 = tpu.memref_slice %arg13[%scan3A_145, %dma_start3A_171] : memref<8x128xi32, #tpu.memory_space<vmem>> -> memref<1x128xi32, #tpu.memory_space<vmem>>
        %dma_start3A_173 = tpu.memref_squeeze %dma_start3A_172 : memref<1x128xi32, #tpu.memory_space<vmem>> -> memref<128xi32, #tpu.memory_space<vmem>>
        %dma_start3A_174 = tpu.memref_slice %arg2[%add3A_167] : memref<16001024xf32, #tpu.memory_space<hbm>> -> memref<7999616xf32, #tpu.memory_space<hbm>>
        %dma_start3A_175 = arith.constant 0 : i32
        %dma_start3A_176 = tpu.memref_slice %dma_start3A_174[%dma_start3A_175] : memref<7999616xf32, #tpu.memory_space<hbm>> -> memref<7999616xf32, #tpu.memory_space<hbm>>
        tpu.enqueue_indirect_dma source(%dma_start3A_176 : memref<7999616xf32, #tpu.memory_space<hbm>>) target(%dma_start3A_170 : memref<128xf32, #tpu.memory_space<vmem>>) offsets(%dma_start3A_173 : memref<128xi32, #tpu.memory_space<vmem>>) semaphore(%arg19 : memref<!tpu.dma_semaphore, #tpu.memory_space<semaphore_mem>>)
        %scan3A_177 = arith.constant 0 : i32
        scf.yield %scan3A_177 : i32
      }
      %scan3A_160 = arith.constant 8 : i32
      %scan3A_161 = arith.constant 0 : i32
      scf.yield %scan3A_161 : i32
    }
    %scan3A_50 = arith.constant 8 : i32
    %scan3A_51 = arith.constant 0 : i32
    %scan3A_52 = arith.constant 0 : i32
    %scan3A_53 = arith.constant 0 : i32
    %scan3A_54 = arith.constant 4 : i32
    %scan3A_55 = arith.addi %scan3A_53, %scan3A_54 : i32
    %scan3A_56 = arith.constant 1 : i32
    %scan3A_57 = scf.for %scan3A_145 = %scan3A_53 to %scan3A_55 step %scan3A_56 iter_args(%scan3A_146 = %scan3A_52) -> (i32)  : i32 {
      %add3A_147 = arith.constant 4 : i32
      %add3A_148 = arith.addi %add3A_147, %scan3A_145 : i32
      %scan3A_149 = arith.constant 0 : i32
      %scan3A_150 = arith.constant 0 : i32
      %scan3A_151 = arith.constant 8 : i32
      %scan3A_152 = arith.addi %scan3A_150, %scan3A_151 : i32
      %scan3A_153 = arith.constant 1 : i32
      %scan3A_154 = scf.for %scan3A_206 = %scan3A_150 to %scan3A_152 step %scan3A_153 iter_args(%scan3A_207 = %scan3A_149) -> (i32)  : i32 {
        %get3A = arith.index_cast %add3A_148 : i32 to index
        %get3A_208 = arith.index_cast %scan3A_206 : i32 to index
        %get3A_209 = arith.constant 0 : index
        %get3A_210 = tpu.vector_load %arg14[%get3A, %get3A_208, %get3A_209] {strides = array<i32>} : memref<8x8x16xi32, #tpu.memory_space<vmem>>, vector<16xi32>,
        %scan3A_211 = arith.constant 0 : i32
        %scan3A_212 = arith.constant 0 : i32
        %scan3A_213 = arith.constant 16 : i32
        %scan3A_214 = arith.addi %scan3A_212, %scan3A_213 : i32
        %scan3A_215 = arith.constant 1 : i32
        %scan3A_216 = scf.for %scan3A_219 = %scan3A_212 to %scan3A_214 step %scan3A_215 iter_args(%scan3A_220 = %scan3A_211) -> (i32)  : i32 {
          %mul3A_221 = arith.constant 16 : i32
          %mul3A_222 = arith.muli %scan3A_219, %mul3A_221 : i32
          %add3A_223 = arith.constant 0 : i32
          %add3A_224 = arith.addi %mul3A_222, %add3A_223 : i32
          %broadcast_in_dim3A = vector.broadcast %add3A_224 : i32 to vector<16xi32>
          %gather3A = tpu.vector_load_idx %arg12[%broadcast_in_dim3A, %get3A_210] : memref<256x32xf32, #tpu.memory_space<vmem>>[vector<16xi32>, vector<16xi32>], vector<16xf32>,
          %mul3A_225 = arith.constant 16 : i32
          %mul3A_226 = arith.muli %scan3A_206, %mul3A_225 : i32
          %swap3A = arith.constant 0 : i32
          %swap3A_227 = arith.constant 0 : i32
          %swap3A_228 = arith.constant 0 : i32
          %swap3A_229 = arith.constant 0 : i32
          %swap3A_230 = arith.constant 0 : i32
          %swap3A_231 = arith.constant 0 : i32
          %swap3A_232 = tpu.memref_slice %arg18[%scan3A_51, %swap3A_228, %swap3A_229, %swap3A_230, %swap3A_231] : memref<1x16x2x8x128xf32, #tpu.memory_space<vmem>> -> memref<1x16x2x8x128xf32, #tpu.memory_space<vmem>>
          %swap3A_233 = tpu.memref_squeeze %swap3A_232 : memref<1x16x2x8x128xf32, #tpu.memory_space<vmem>> -> memref<16x2x8x128xf32, #tpu.memory_space<vmem>>
          %swap3A_234 = arith.index_cast %scan3A_219 : i32 to index
          %swap3A_235 = arith.index_cast %swap3A : i32 to index
          %swap3A_236 = arith.index_cast %swap3A_227 : i32 to index
          %swap3A_237 = arith.index_cast %mul3A_226 : i32 to index
          %swap3A_238 = tpu.vector_load %swap3A_233[%swap3A_234, %swap3A_235, %swap3A_236, %swap3A_237] {strides = array<i32>} : memref<16x2x8x128xf32, #tpu.memory_space<vmem>>, vector<16xf32>,
          tpu.vector_store %swap3A_233[%swap3A_234, %swap3A_235, %swap3A_236, %swap3A_237], %gather3A {strides = array<i32>} : memref<16x2x8x128xf32, #tpu.memory_space<vmem>>, vector<16xf32>,
          %add3A_239 = arith.constant 1 : i32
          %add3A_240 = arith.addi %mul3A_222, %add3A_239 : i32
          %broadcast_in_dim3A_241 = vector.broadcast %add3A_240 : i32 to vector<16xi32>
          %gather3A_242 = tpu.vector_load_idx %arg12[%broadcast_in_dim3A_241, %get3A_210] : memref<256x32xf32, #tpu.memory_space<vmem>>[vector<16xi32>, vector<16xi32>], vector<16xf32>,
          %mul3A_243 = arith.constant 16 : i32
          %mul3A_244 = arith.muli %scan3A_206, %mul3A_243 : i32
          %swap3A_245 = arith.constant 0 : i32
          %swap3A_246 = arith.constant 1 : i32
          %swap3A_247 = arith.constant 0 : i32
          %swap3A_248 = arith.constant 0 : i32
          %swap3A_249 = arith.constant 0 : i32
          %swap3A_250 = arith.constant 0 : i32
          %swap3A_251 = tpu.memref_slice %arg18[%scan3A_51, %swap3A_247, %swap3A_248, %swap3A_249, %swap3A_250] : memref<1x16x2x8x128xf32, #tpu.memory_space<vmem>> -> memref<1x16x2x8x128xf32, #tpu.memory_space<vmem>>
          %swap3A_252 = tpu.memref_squeeze %swap3A_251 : memref<1x16x2x8x128xf32, #tpu.memory_space<vmem>> -> memref<16x2x8x128xf32, #tpu.memory_space<vmem>>
          %swap3A_253 = arith.index_cast %scan3A_219 : i32 to index
          %swap3A_254 = arith.index_cast %swap3A_245 : i32 to index
          %swap3A_255 = arith.index_cast %swap3A_246 : i32 to index
          %swap3A_256 = arith.index_cast %mul3A_244 : i32 to index
          %swap3A_257 = tpu.vector_load %swap3A_252[%swap3A_253, %swap3A_254, %swap3A_255, %swap3A_256] {strides = array<i32>} : memref<16x2x8x128xf32, #tpu.memory_space<vmem>>, vector<16xf32>,
          tpu.vector_store %swap3A_252[%swap3A_253, %swap3A_254, %swap3A_255, %swap3A_256], %gather3A_242 {strides = array<i32>} : memref<16x2x8x128xf32, #tpu.memory_space<vmem>>, vector<16xf32>,
          %add3A_258 = arith.constant 2 : i32
          %add3A_259 = arith.addi %mul3A_222, %add3A_258 : i32
          %broadcast_in_dim3A_260 = vector.broadcast %add3A_259 : i32 to vector<16xi32>
          %gather3A_261 = tpu.vector_load_idx %arg12[%broadcast_in_dim3A_260, %get3A_210] : memref<256x32xf32, #tpu.memory_space<vmem>>[vector<16xi32>, vector<16xi32>], vector<16xf32>,
          %mul3A_262 = arith.constant 16 : i32
          %mul3A_263 = arith.muli %scan3A_206, %mul3A_262 : i32
          %swap3A_264 = arith.constant 0 : i32
          %swap3A_265 = arith.constant 2 : i32
          %swap3A_266 = arith.constant 0 : i32
          %swap3A_267 = arith.constant 0 : i32
          %swap3A_268 = arith.constant 0 : i32
          %swap3A_269 = arith.constant 0 : i32
          %swap3A_270 = tpu.memref_slice %arg18[%scan3A_51, %swap3A_266, %swap3A_267, %swap3A_268, %swap3A_269] : memref<1x16x2x8x128xf32, #tpu.memory_space<vmem>> -> memref<1x16x2x8x128xf32, #tpu.memory_space<vmem>>
          %swap3A_271 = tpu.memref_squeeze %swap3A_270 : memref<1x16x2x8x128xf32, #tpu.memory_space<vmem>> -> memref<16x2x8x128xf32, #tpu.memory_space<vmem>>
          %swap3A_272 = arith.index_cast %scan3A_219 : i32 to index
          %swap3A_273 = arith.index_cast %swap3A_264 : i32 to index
          %swap3A_274 = arith.index_cast %swap3A_265 : i32 to index
          %swap3A_275 = arith.index_cast %mul3A_263 : i32 to index
          %swap3A_276 = tpu.vector_load %swap3A_271[%swap3A_272, %swap3A_273, %swap3A_274, %swap3A_275] {strides = array<i32>} : memref<16x2x8x128xf32, #tpu.memory_space<vmem>>, vector<16xf32>,
          tpu.vector_store %swap3A_271[%swap3A_272, %swap3A_273, %swap3A_274, %swap3A_275], %gather3A_261 {strides = array<i32>} : memref<16x2x8x128xf32, #tpu.memory_space<vmem>>, vector<16xf32>,
          %add3A_277 = arith.constant 3 : i32
          %add3A_278 = arith.addi %mul3A_222, %add3A_277 : i32
          %broadcast_in_dim3A_279 = vector.broadcast %add3A_278 : i32 to vector<16xi32>
          %gather3A_280 = tpu.vector_load_idx %arg12[%broadcast_in_dim3A_279, %get3A_210] : memref<256x32xf32, #tpu.memory_space<vmem>>[vector<16xi32>, vector<16xi32>], vector<16xf32>,
          %mul3A_281 = arith.constant 16 : i32
          %mul3A_282 = arith.muli %scan3A_206, %mul3A_281 : i32
          %swap3A_283 = arith.constant 0 : i32
          %swap3A_284 = arith.constant 3 : i32
          %swap3A_285 = arith.constant 0 : i32
          %swap3A_286 = arith.constant 0 : i32
          %swap3A_287 = arith.constant 0 : i32
          %swap3A_288 = arith.constant 0 : i32
          %swap3A_289 = tpu.memref_slice %arg18[%scan3A_51, %swap3A_285, %swap3A_286, %swap3A_287, %swap3A_288] : memref<1x16x2x8x128xf32, #tpu.memory_space<vmem>> -> memref<1x16x2x8x128xf32, #tpu.memory_space<vmem>>
          %swap3A_290 = tpu.memref_squeeze %swap3A_289 : memref<1x16x2x8x128xf32, #tpu.memory_space<vmem>> -> memref<16x2x8x128xf32, #tpu.memory_space<vmem>>
          %swap3A_291 = arith.index_cast %scan3A_219 : i32 to index
          %swap3A_292 = arith.index_cast %swap3A_283 : i32 to index
          %swap3A_293 = arith.index_cast %swap3A_284 : i32 to index
          %swap3A_294 = arith.index_cast %mul3A_282 : i32 to index
          %swap3A_295 = tpu.vector_load %swap3A_290[%swap3A_291, %swap3A_292, %swap3A_293, %swap3A_294] {strides = array<i32>} : memref<16x2x8x128xf32, #tpu.memory_space<vmem>>, vector<16xf32>,
          tpu.vector_store %swap3A_290[%swap3A_291, %swap3A_292, %swap3A_293, %swap3A_294], %gather3A_280 {strides = array<i32>} : memref<16x2x8x128xf32, #tpu.memory_space<vmem>>, vector<16xf32>,
          %add3A_296 = arith.constant 4 : i32
          %add3A_297 = arith.addi %mul3A_222, %add3A_296 : i32
          %broadcast_in_dim3A_298 = vector.broadcast %add3A_297 : i32 to vector<16xi32>
          %gather3A_299 = tpu.vector_load_idx %arg12[%broadcast_in_dim3A_298, %get3A_210] : memref<256x32xf32, #tpu.memory_space<vmem>>[vector<16xi32>, vector<16xi32>], vector<16xf32>,
          %mul3A_300 = arith.constant 16 : i32
          %mul3A_301 = arith.muli %scan3A_206, %mul3A_300 : i32
          %swap3A_302 = arith.constant 0 : i32
          %swap3A_303 = arith.constant 4 : i32
          %swap3A_304 = arith.constant 0 : i32
          %swap3A_305 = arith.constant 0 : i32
          %swap3A_306 = arith.constant 0 : i32
          %swap3A_307 = arith.constant 0 : i32
          %swap3A_308 = tpu.memref_slice %arg18[%scan3A_51, %swap3A_304, %swap3A_305, %swap3A_306, %swap3A_307] : memref<1x16x2x8x128xf32, #tpu.memory_space<vmem>> -> memref<1x16x2x8x128xf32, #tpu.memory_space<vmem>>
          %swap3A_309 = tpu.memref_squeeze %swap3A_308 : memref<1x16x2x8x128xf32, #tpu.memory_space<vmem>> -> memref<16x2x8x128xf32, #tpu.memory_space<vmem>>
          %swap3A_310 = arith.index_cast %scan3A_219 : i32 to index
          %swap3A_311 = arith.index_cast %swap3A_302 : i32 to index
          %swap3A_312 = arith.index_cast %swap3A_303 : i32 to index
          %swap3A_313 = arith.index_cast %mul3A_301 : i32 to index
          %swap3A_314 = tpu.vector_load %swap3A_309[%swap3A_310, %swap3A_311, %swap3A_312, %swap3A_313] {strides = array<i32>} : memref<16x2x8x128xf32, #tpu.memory_space<vmem>>, vector<16xf32>,
          tpu.vector_store %swap3A_309[%swap3A_310, %swap3A_311, %swap3A_312, %swap3A_313], %gather3A_299 {strides = array<i32>} : memref<16x2x8x128xf32, #tpu.memory_space<vmem>>, vector<16xf32>,
          %add3A_315 = arith.constant 5 : i32
          %add3A_316 = arith.addi %mul3A_222, %add3A_315 : i32
          %broadcast_in_dim3A_317 = vector.broadcast %add3A_316 : i32 to vector<16xi32>
          %gather3A_318 = tpu.vector_load_idx %arg12[%broadcast_in_dim3A_317, %get3A_210] : memref<256x32xf32, #tpu.memory_space<vmem>>[vector<16xi32>, vector<16xi32>], vector<16xf32>,
          %mul3A_319 = arith.constant 16 : i32
          %mul3A_320 = arith.muli %scan3A_206, %mul3A_319 : i32
          %swap3A_321 = arith.constant 0 : i32
          %swap3A_322 = arith.constant 5 : i32
          %swap3A_323 = arith.constant 0 : i32
          %swap3A_324 = arith.constant 0 : i32
          %swap3A_325 = arith.constant 0 : i32
          %swap3A_326 = arith.constant 0 : i32
          %swap3A_327 = tpu.memref_slice %arg18[%scan3A_51, %swap3A_323, %swap3A_324, %swap3A_325, %swap3A_326] : memref<1x16x2x8x128xf32, #tpu.memory_space<vmem>> -> memref<1x16x2x8x128xf32, #tpu.memory_space<vmem>>
          %swap3A_328 = tpu.memref_squeeze %swap3A_327 : memref<1x16x2x8x128xf32, #tpu.memory_space<vmem>> -> memref<16x2x8x128xf32, #tpu.memory_space<vmem>>
          %swap3A_329 = arith.index_cast %scan3A_219 : i32 to index
          %swap3A_330 = arith.index_cast %swap3A_321 : i32 to index
          %swap3A_331 = arith.index_cast %swap3A_322 : i32 to index
          %swap3A_332 = arith.index_cast %mul3A_320 : i32 to index
          %swap3A_333 = tpu.vector_load %swap3A_328[%swap3A_329, %swap3A_330, %swap3A_331, %swap3A_332] {strides = array<i32>} : memref<16x2x8x128xf32, #tpu.memory_space<vmem>>, vector<16xf32>,
          tpu.vector_store %swap3A_328[%swap3A_329, %swap3A_330, %swap3A_331, %swap3A_332], %gather3A_318 {strides = array<i32>} : memref<16x2x8x128xf32, #tpu.memory_space<vmem>>, vector<16xf32>,
          %add3A_334 = arith.constant 6 : i32
          %add3A_335 = arith.addi %mul3A_222, %add3A_334 : i32
          %broadcast_in_dim3A_336 = vector.broadcast %add3A_335 : i32 to vector<16xi32>
          %gather3A_337 = tpu.vector_load_idx %arg12[%broadcast_in_dim3A_336, %get3A_210] : memref<256x32xf32, #tpu.memory_space<vmem>>[vector<16xi32>, vector<16xi32>], vector<16xf32>,
          %mul3A_338 = arith.constant 16 : i32
          %mul3A_339 = arith.muli %scan3A_206, %mul3A_338 : i32
          %swap3A_340 = arith.constant 0 : i32
          %swap3A_341 = arith.constant 6 : i32
          %swap3A_342 = arith.constant 0 : i32
          %swap3A_343 = arith.constant 0 : i32
          %swap3A_344 = arith.constant 0 : i32
          %swap3A_345 = arith.constant 0 : i32
          %swap3A_346 = tpu.memref_slice %arg18[%scan3A_51, %swap3A_342, %swap3A_343, %swap3A_344, %swap3A_345] : memref<1x16x2x8x128xf32, #tpu.memory_space<vmem>> -> memref<1x16x2x8x128xf32, #tpu.memory_space<vmem>>
          %swap3A_347 = tpu.memref_squeeze %swap3A_346 : memref<1x16x2x8x128xf32, #tpu.memory_space<vmem>> -> memref<16x2x8x128xf32, #tpu.memory_space<vmem>>
          %swap3A_348 = arith.index_cast %scan3A_219 : i32 to index
          %swap3A_349 = arith.index_cast %swap3A_340 : i32 to index
          %swap3A_350 = arith.index_cast %swap3A_341 : i32 to index
          %swap3A_351 = arith.index_cast %mul3A_339 : i32 to index
          %swap3A_352 = tpu.vector_load %swap3A_347[%swap3A_348, %swap3A_349, %swap3A_350, %swap3A_351] {strides = array<i32>} : memref<16x2x8x128xf32, #tpu.memory_space<vmem>>, vector<16xf32>,
          tpu.vector_store %swap3A_347[%swap3A_348, %swap3A_349, %swap3A_350, %swap3A_351], %gather3A_337 {strides = array<i32>} : memref<16x2x8x128xf32, #tpu.memory_space<vmem>>, vector<16xf32>,
          %add3A_353 = arith.constant 7 : i32
          %add3A_354 = arith.addi %mul3A_222, %add3A_353 : i32
          %broadcast_in_dim3A_355 = vector.broadcast %add3A_354 : i32 to vector<16xi32>
          %gather3A_356 = tpu.vector_load_idx %arg12[%broadcast_in_dim3A_355, %get3A_210] : memref<256x32xf32, #tpu.memory_space<vmem>>[vector<16xi32>, vector<16xi32>], vector<16xf32>,
          %mul3A_357 = arith.constant 16 : i32
          %mul3A_358 = arith.muli %scan3A_206, %mul3A_357 : i32
          %swap3A_359 = arith.constant 0 : i32
          %swap3A_360 = arith.constant 7 : i32
          %swap3A_361 = arith.constant 0 : i32
          %swap3A_362 = arith.constant 0 : i32
          %swap3A_363 = arith.constant 0 : i32
          %swap3A_364 = arith.constant 0 : i32
          %swap3A_365 = tpu.memref_slice %arg18[%scan3A_51, %swap3A_361, %swap3A_362, %swap3A_363, %swap3A_364] : memref<1x16x2x8x128xf32, #tpu.memory_space<vmem>> -> memref<1x16x2x8x128xf32, #tpu.memory_space<vmem>>
          %swap3A_366 = tpu.memref_squeeze %swap3A_365 : memref<1x16x2x8x128xf32, #tpu.memory_space<vmem>> -> memref<16x2x8x128xf32, #tpu.memory_space<vmem>>
          %swap3A_367 = arith.index_cast %scan3A_219 : i32 to index
          %swap3A_368 = arith.index_cast %swap3A_359 : i32 to index
          %swap3A_369 = arith.index_cast %swap3A_360 : i32 to index
          %swap3A_370 = arith.index_cast %mul3A_358 : i32 to index
          %swap3A_371 = tpu.vector_load %swap3A_366[%swap3A_367, %swap3A_368, %swap3A_369, %swap3A_370] {strides = array<i32>} : memref<16x2x8x128xf32, #tpu.memory_space<vmem>>, vector<16xf32>,
          tpu.vector_store %swap3A_366[%swap3A_367, %swap3A_368, %swap3A_369, %swap3A_370], %gather3A_356 {strides = array<i32>} : memref<16x2x8x128xf32, #tpu.memory_space<vmem>>, vector<16xf32>,
          %add3A_372 = arith.constant 8 : i32
          %add3A_373 = arith.addi %mul3A_222, %add3A_372 : i32
          %broadcast_in_dim3A_374 = vector.broadcast %add3A_373 : i32 to vector<16xi32>
          %gather3A_375 = tpu.vector_load_idx %arg12[%broadcast_in_dim3A_374, %get3A_210] : memref<256x32xf32, #tpu.memory_space<vmem>>[vector<16xi32>, vector<16xi32>], vector<16xf32>,
          %mul3A_376 = arith.constant 16 : i32
          %mul3A_377 = arith.muli %scan3A_206, %mul3A_376 : i32
          %swap3A_378 = arith.constant 1 : i32
          %swap3A_379 = arith.constant 0 : i32
          %swap3A_380 = arith.constant 0 : i32
          %swap3A_381 = arith.constant 0 : i32
          %swap3A_382 = arith.constant 0 : i32
          %swap3A_383 = arith.constant 0 : i32
          %swap3A_384 = tpu.memref_slice %arg18[%scan3A_51, %swap3A_380, %swap3A_381, %swap3A_382, %swap3A_383] : memref<1x16x2x8x128xf32, #tpu.memory_space<vmem>> -> memref<1x16x2x8x128xf32, #tpu.memory_space<vmem>>
          %swap3A_385 = tpu.memref_squeeze %swap3A_384 : memref<1x16x2x8x128xf32, #tpu.memory_space<vmem>> -> memref<16x2x8x128xf32, #tpu.memory_space<vmem>>
          %swap3A_386 = arith.index_cast %scan3A_219 : i32 to index
          %swap3A_387 = arith.index_cast %swap3A_378 : i32 to index
          %swap3A_388 = arith.index_cast %swap3A_379 : i32 to index
          %swap3A_389 = arith.index_cast %mul3A_377 : i32 to index
          %swap3A_390 = tpu.vector_load %swap3A_385[%swap3A_386, %swap3A_387, %swap3A_388, %swap3A_389] {strides = array<i32>} : memref<16x2x8x128xf32, #tpu.memory_space<vmem>>, vector<16xf32>,
          tpu.vector_store %swap3A_385[%swap3A_386, %swap3A_387, %swap3A_388, %swap3A_389], %gather3A_375 {strides = array<i32>} : memref<16x2x8x128xf32, #tpu.memory_space<vmem>>, vector<16xf32>,
          %add3A_391 = arith.constant 9 : i32
          %add3A_392 = arith.addi %mul3A_222, %add3A_391 : i32
          %broadcast_in_dim3A_393 = vector.broadcast %add3A_392 : i32 to vector<16xi32>
          %gather3A_394 = tpu.vector_load_idx %arg12[%broadcast_in_dim3A_393, %get3A_210] : memref<256x32xf32, #tpu.memory_space<vmem>>[vector<16xi32>, vector<16xi32>], vector<16xf32>,
          %mul3A_395 = arith.constant 16 : i32
          %mul3A_396 = arith.muli %scan3A_206, %mul3A_395 : i32
          %swap3A_397 = arith.constant 1 : i32
          %swap3A_398 = arith.constant 1 : i32
          %swap3A_399 = arith.constant 0 : i32
          %swap3A_400 = arith.constant 0 : i32
          %swap3A_401 = arith.constant 0 : i32
          %swap3A_402 = arith.constant 0 : i32
          %swap3A_403 = tpu.memref_slice %arg18[%scan3A_51, %swap3A_399, %swap3A_400, %swap3A_401, %swap3A_402] : memref<1x16x2x8x128xf32, #tpu.memory_space<vmem>> -> memref<1x16x2x8x128xf32, #tpu.memory_space<vmem>>
          %swap3A_404 = tpu.memref_squeeze %swap3A_403 : memref<1x16x2x8x128xf32, #tpu.memory_space<vmem>> -> memref<16x2x8x128xf32, #tpu.memory_space<vmem>>
          %swap3A_405 = arith.index_cast %scan3A_219 : i32 to index
          %swap3A_406 = arith.index_cast %swap3A_397 : i32 to index
          %swap3A_407 = arith.index_cast %swap3A_398 : i32 to index
          %swap3A_408 = arith.index_cast %mul3A_396 : i32 to index
          %swap3A_409 = tpu.vector_load %swap3A_404[%swap3A_405, %swap3A_406, %swap3A_407, %swap3A_408] {strides = array<i32>} : memref<16x2x8x128xf32, #tpu.memory_space<vmem>>, vector<16xf32>,
          tpu.vector_store %swap3A_404[%swap3A_405, %swap3A_406, %swap3A_407, %swap3A_408], %gather3A_394 {strides = array<i32>} : memref<16x2x8x128xf32, #tpu.memory_space<vmem>>, vector<16xf32>,
          %add3A_410 = arith.constant 10 : i32
          %add3A_411 = arith.addi %mul3A_222, %add3A_410 : i32
          %broadcast_in_dim3A_412 = vector.broadcast %add3A_411 : i32 to vector<16xi32>
          %gather3A_413 = tpu.vector_load_idx %arg12[%broadcast_in_dim3A_412, %get3A_210] : memref<256x32xf32, #tpu.memory_space<vmem>>[vector<16xi32>, vector<16xi32>], vector<16xf32>,
          %mul3A_414 = arith.constant 16 : i32
          %mul3A_415 = arith.muli %scan3A_206, %mul3A_414 : i32
          %swap3A_416 = arith.constant 1 : i32
          %swap3A_417 = arith.constant 2 : i32
          %swap3A_418 = arith.constant 0 : i32
          %swap3A_419 = arith.constant 0 : i32
          %swap3A_420 = arith.constant 0 : i32
          %swap3A_421 = arith.constant 0 : i32
          %swap3A_422 = tpu.memref_slice %arg18[%scan3A_51, %swap3A_418, %swap3A_419, %swap3A_420, %swap3A_421] : memref<1x16x2x8x128xf32, #tpu.memory_space<vmem>> -> memref<1x16x2x8x128xf32, #tpu.memory_space<vmem>>
          %swap3A_423 = tpu.memref_squeeze %swap3A_422 : memref<1x16x2x8x128xf32, #tpu.memory_space<vmem>> -> memref<16x2x8x128xf32, #tpu.memory_space<vmem>>
          %swap3A_424 = arith.index_cast %scan3A_219 : i32 to index
          %swap3A_425 = arith.index_cast %swap3A_416 : i32 to index
          %swap3A_426 = arith.index_cast %swap3A_417 : i32 to index
          %swap3A_427 = arith.index_cast %mul3A_415 : i32 to index
          %swap3A_428 = tpu.vector_load %swap3A_423[%swap3A_424, %swap3A_425, %swap3A_426, %swap3A_427] {strides = array<i32>} : memref<16x2x8x128xf32, #tpu.memory_space<vmem>>, vector<16xf32>,
          tpu.vector_store %swap3A_423[%swap3A_424, %swap3A_425, %swap3A_426, %swap3A_427], %gather3A_413 {strides = array<i32>} : memref<16x2x8x128xf32, #tpu.memory_space<vmem>>, vector<16xf32>,
          %add3A_429 = arith.constant 11 : i32
          %add3A_430 = arith.addi %mul3A_222, %add3A_429 : i32
          %broadcast_in_dim3A_431 = vector.broadcast %add3A_430 : i32 to vector<16xi32>
          %gather3A_432 = tpu.vector_load_idx %arg12[%broadcast_in_dim3A_431, %get3A_210] : memref<256x32xf32, #tpu.memory_space<vmem>>[vector<16xi32>, vector<16xi32>], vector<16xf32>,
          %mul3A_433 = arith.constant 16 : i32
          %mul3A_434 = arith.muli %scan3A_206, %mul3A_433 : i32
          %swap3A_435 = arith.constant 1 : i32
          %swap3A_436 = arith.constant 3 : i32
          %swap3A_437 = arith.constant 0 : i32
          %swap3A_438 = arith.constant 0 : i32
          %swap3A_439 = arith.constant 0 : i32
          %swap3A_440 = arith.constant 0 : i32
          %swap3A_441 = tpu.memref_slice %arg18[%scan3A_51, %swap3A_437, %swap3A_438, %swap3A_439, %swap3A_440] : memref<1x16x2x8x128xf32, #tpu.memory_space<vmem>> -> memref<1x16x2x8x128xf32, #tpu.memory_space<vmem>>
          %swap3A_442 = tpu.memref_squeeze %swap3A_441 : memref<1x16x2x8x128xf32, #tpu.memory_space<vmem>> -> memref<16x2x8x128xf32, #tpu.memory_space<vmem>>
          %swap3A_443 = arith.index_cast %scan3A_219 : i32 to index
          %swap3A_444 = arith.index_cast %swap3A_435 : i32 to index
          %swap3A_445 = arith.index_cast %swap3A_436 : i32 to index
          %swap3A_446 = arith.index_cast %mul3A_434 : i32 to index
          %swap3A_447 = tpu.vector_load %swap3A_442[%swap3A_443, %swap3A_444, %swap3A_445, %swap3A_446] {strides = array<i32>} : memref<16x2x8x128xf32, #tpu.memory_space<vmem>>, vector<16xf32>,
          tpu.vector_store %swap3A_442[%swap3A_443, %swap3A_444, %swap3A_445, %swap3A_446], %gather3A_432 {strides = array<i32>} : memref<16x2x8x128xf32, #tpu.memory_space<vmem>>, vector<16xf32>,
          %add3A_448 = arith.constant 12 : i32
          %add3A_449 = arith.addi %mul3A_222, %add3A_448 : i32
          %broadcast_in_dim3A_450 = vector.broadcast %add3A_449 : i32 to vector<16xi32>
          %gather3A_451 = tpu.vector_load_idx %arg12[%broadcast_in_dim3A_450, %get3A_210] : memref<256x32xf32, #tpu.memory_space<vmem>>[vector<16xi32>, vector<16xi32>], vector<16xf32>,
          %mul3A_452 = arith.constant 16 : i32
          %mul3A_453 = arith.muli %scan3A_206, %mul3A_452 : i32
          %swap3A_454 = arith.constant 1 : i32
          %swap3A_455 = arith.constant 4 : i32
          %swap3A_456 = arith.constant 0 : i32
          %swap3A_457 = arith.constant 0 : i32
          %swap3A_458 = arith.constant 0 : i32
          %swap3A_459 = arith.constant 0 : i32
          %swap3A_460 = tpu.memref_slice %arg18[%scan3A_51, %swap3A_456, %swap3A_457, %swap3A_458, %swap3A_459] : memref<1x16x2x8x128xf32, #tpu.memory_space<vmem>> -> memref<1x16x2x8x128xf32, #tpu.memory_space<vmem>>
          %swap3A_461 = tpu.memref_squeeze %swap3A_460 : memref<1x16x2x8x128xf32, #tpu.memory_space<vmem>> -> memref<16x2x8x128xf32, #tpu.memory_space<vmem>>
          %swap3A_462 = arith.index_cast %scan3A_219 : i32 to index
          %swap3A_463 = arith.index_cast %swap3A_454 : i32 to index
          %swap3A_464 = arith.index_cast %swap3A_455 : i32 to index
          %swap3A_465 = arith.index_cast %mul3A_453 : i32 to index
          %swap3A_466 = tpu.vector_load %swap3A_461[%swap3A_462, %swap3A_463, %swap3A_464, %swap3A_465] {strides = array<i32>} : memref<16x2x8x128xf32, #tpu.memory_space<vmem>>, vector<16xf32>,
          tpu.vector_store %swap3A_461[%swap3A_462, %swap3A_463, %swap3A_464, %swap3A_465], %gather3A_451 {strides = array<i32>} : memref<16x2x8x128xf32, #tpu.memory_space<vmem>>, vector<16xf32>,
          %add3A_467 = arith.constant 13 : i32
          %add3A_468 = arith.addi %mul3A_222, %add3A_467 : i32
          %broadcast_in_dim3A_469 = vector.broadcast %add3A_468 : i32 to vector<16xi32>
          %gather3A_470 = tpu.vector_load_idx %arg12[%broadcast_in_dim3A_469, %get3A_210] : memref<256x32xf32, #tpu.memory_space<vmem>>[vector<16xi32>, vector<16xi32>], vector<16xf32>,
          %mul3A_471 = arith.constant 16 : i32
          %mul3A_472 = arith.muli %scan3A_206, %mul3A_471 : i32
          %swap3A_473 = arith.constant 1 : i32
          %swap3A_474 = arith.constant 5 : i32
          %swap3A_475 = arith.constant 0 : i32
          %swap3A_476 = arith.constant 0 : i32
          %swap3A_477 = arith.constant 0 : i32
          %swap3A_478 = arith.constant 0 : i32
          %swap3A_479 = tpu.memref_slice %arg18[%scan3A_51, %swap3A_475, %swap3A_476, %swap3A_477, %swap3A_478] : memref<1x16x2x8x128xf32, #tpu.memory_space<vmem>> -> memref<1x16x2x8x128xf32, #tpu.memory_space<vmem>>
          %swap3A_480 = tpu.memref_squeeze %swap3A_479 : memref<1x16x2x8x128xf32, #tpu.memory_space<vmem>> -> memref<16x2x8x128xf32, #tpu.memory_space<vmem>>
          %swap3A_481 = arith.index_cast %scan3A_219 : i32 to index
          %swap3A_482 = arith.index_cast %swap3A_473 : i32 to index
          %swap3A_483 = arith.index_cast %swap3A_474 : i32 to index
          %swap3A_484 = arith.index_cast %mul3A_472 : i32 to index
          %swap3A_485 = tpu.vector_load %swap3A_480[%swap3A_481, %swap3A_482, %swap3A_483, %swap3A_484] {strides = array<i32>} : memref<16x2x8x128xf32, #tpu.memory_space<vmem>>, vector<16xf32>,
          tpu.vector_store %swap3A_480[%swap3A_481, %swap3A_482, %swap3A_483, %swap3A_484], %gather3A_470 {strides = array<i32>} : memref<16x2x8x128xf32, #tpu.memory_space<vmem>>, vector<16xf32>,
          %add3A_486 = arith.constant 14 : i32
          %add3A_487 = arith.addi %mul3A_222, %add3A_486 : i32
          %broadcast_in_dim3A_488 = vector.broadcast %add3A_487 : i32 to vector<16xi32>
          %gather3A_489 = tpu.vector_load_idx %arg12[%broadcast_in_dim3A_488, %get3A_210] : memref<256x32xf32, #tpu.memory_space<vmem>>[vector<16xi32>, vector<16xi32>], vector<16xf32>,
          %mul3A_490 = arith.constant 16 : i32
          %mul3A_491 = arith.muli %scan3A_206, %mul3A_490 : i32
          %swap3A_492 = arith.constant 1 : i32
          %swap3A_493 = arith.constant 6 : i32
          %swap3A_494 = arith.constant 0 : i32
          %swap3A_495 = arith.constant 0 : i32
          %swap3A_496 = arith.constant 0 : i32
          %swap3A_497 = arith.constant 0 : i32
          %swap3A_498 = tpu.memref_slice %arg18[%scan3A_51, %swap3A_494, %swap3A_495, %swap3A_496, %swap3A_497] : memref<1x16x2x8x128xf32, #tpu.memory_space<vmem>> -> memref<1x16x2x8x128xf32, #tpu.memory_space<vmem>>
          %swap3A_499 = tpu.memref_squeeze %swap3A_498 : memref<1x16x2x8x128xf32, #tpu.memory_space<vmem>> -> memref<16x2x8x128xf32, #tpu.memory_space<vmem>>
          %swap3A_500 = arith.index_cast %scan3A_219 : i32 to index
          %swap3A_501 = arith.index_cast %swap3A_492 : i32 to index
          %swap3A_502 = arith.index_cast %swap3A_493 : i32 to index
          %swap3A_503 = arith.index_cast %mul3A_491 : i32 to index
          %swap3A_504 = tpu.vector_load %swap3A_499[%swap3A_500, %swap3A_501, %swap3A_502, %swap3A_503] {strides = array<i32>} : memref<16x2x8x128xf32, #tpu.memory_space<vmem>>, vector<16xf32>,
          tpu.vector_store %swap3A_499[%swap3A_500, %swap3A_501, %swap3A_502, %swap3A_503], %gather3A_489 {strides = array<i32>} : memref<16x2x8x128xf32, #tpu.memory_space<vmem>>, vector<16xf32>,
          %add3A_505 = arith.constant 15 : i32
          %add3A_506 = arith.addi %mul3A_222, %add3A_505 : i32
          %broadcast_in_dim3A_507 = vector.broadcast %add3A_506 : i32 to vector<16xi32>
          %gather3A_508 = tpu.vector_load_idx %arg12[%broadcast_in_dim3A_507, %get3A_210] : memref<256x32xf32, #tpu.memory_space<vmem>>[vector<16xi32>, vector<16xi32>], vector<16xf32>,
          %mul3A_509 = arith.constant 16 : i32
          %mul3A_510 = arith.muli %scan3A_206, %mul3A_509 : i32
          %swap3A_511 = arith.constant 1 : i32
          %swap3A_512 = arith.constant 7 : i32
          %swap3A_513 = arith.constant 0 : i32
          %swap3A_514 = arith.constant 0 : i32
          %swap3A_515 = arith.constant 0 : i32
          %swap3A_516 = arith.constant 0 : i32
          %swap3A_517 = tpu.memref_slice %arg18[%scan3A_51, %swap3A_513, %swap3A_514, %swap3A_515, %swap3A_516] : memref<1x16x2x8x128xf32, #tpu.memory_space<vmem>> -> memref<1x16x2x8x128xf32, #tpu.memory_space<vmem>>
          %swap3A_518 = tpu.memref_squeeze %swap3A_517 : memref<1x16x2x8x128xf32, #tpu.memory_space<vmem>> -> memref<16x2x8x128xf32, #tpu.memory_space<vmem>>
          %swap3A_519 = arith.index_cast %scan3A_219 : i32 to index
          %swap3A_520 = arith.index_cast %swap3A_511 : i32 to index
          %swap3A_521 = arith.index_cast %swap3A_512 : i32 to index
          %swap3A_522 = arith.index_cast %mul3A_510 : i32 to index
          %swap3A_523 = tpu.vector_load %swap3A_518[%swap3A_519, %swap3A_520, %swap3A_521, %swap3A_522] {strides = array<i32>} : memref<16x2x8x128xf32, #tpu.memory_space<vmem>>, vector<16xf32>,
          tpu.vector_store %swap3A_518[%swap3A_519, %swap3A_520, %swap3A_521, %swap3A_522], %gather3A_508 {strides = array<i32>} : memref<16x2x8x128xf32, #tpu.memory_space<vmem>>, vector<16xf32>,
          %scan3A_524 = arith.constant 0 : i32
          scf.yield %scan3A_524 : i32
        }
        %scan3A_217 = arith.constant 16 : i32
        %scan3A_218 = arith.constant 0 : i32
        scf.yield %scan3A_218 : i32
      }
      %scan3A_155 = arith.constant 8 : i32
      %dma_start3A = arith.constant 0 : i32
      %dma_start3A_156 = arith.constant 0 : i32
      %dma_start3A_157 = arith.constant 0 : i32
      %dma_start3A_158 = arith.constant 0 : i32
      %dma_start3A_159 = tpu.memref_slice %arg18[%scan3A_51, %dma_start3A, %dma_start3A_156, %dma_start3A_157, %dma_start3A_158] : memref<1x16x2x8x128xf32, #tpu.memory_space<vmem>> -> memref<1x16x2x8x128xf32, #tpu.memory_space<vmem>>
      %dma_start3A_160 = tpu.memref_squeeze %dma_start3A_159 : memref<1x16x2x8x128xf32, #tpu.memory_space<vmem>> -> memref<16x2x8x128xf32, #tpu.memory_space<vmem>>
      %dma_start3A_161 = arith.constant 0 : i32
      %dma_start3A_162 = arith.constant 0 : i32
      %dma_start3A_163 = arith.constant 0 : i32
      %dma_start3A_164 = arith.constant 0 : i32
      %dma_start3A_165 = tpu.memref_slice %arg9[%add3A_4, %dma_start3A_161, %dma_start3A_162, %add3A_148, %dma_start3A_163, %dma_start3A_164] : memref<64x16x2x8x8x128xf32, #tpu.memory_space<hbm>> -> memref<1x16x2x1x8x128xf32, #tpu.memory_space<hbm>>
      %dma_start3A_166 = tpu.memref_squeeze %dma_start3A_165 : memref<1x16x2x1x8x128xf32, #tpu.memory_space<hbm>> -> memref<16x2x8x128xf32, #tpu.memory_space<hbm>>
      %dma_start3A_167 = arith.constant 0 : i32
      %dma_start3A_168 = arith.constant 0 : i32
      %dma_start3A_169 = arith.constant 0 : i32
      %dma_start3A_170 = arith.constant 0 : i32
      %dma_start3A_171 = tpu.memref_slice %arg9[%add3A_4, %dma_start3A_167, %dma_start3A_168, %add3A_148, %dma_start3A_169, %dma_start3A_170] : memref<64x16x2x8x8x128xf32, #tpu.memory_space<hbm>> -> memref<1x16x2x1x8x128xf32, #tpu.memory_space<hbm>>
      %dma_start3A_172 = tpu.memref_squeeze %dma_start3A_171 : memref<1x16x2x1x8x128xf32, #tpu.memory_space<hbm>> -> memref<16x2x8x128xf32, #tpu.memory_space<hbm>>
      %dma_start3A_173 = arith.constant 0 : i32
      %dma_start3A_174 = arith.constant 0 : i32
      %dma_start3A_175 = arith.constant 0 : i32
      %dma_start3A_176 = arith.constant 0 : i32
      %dma_start3A_177 = tpu.memref_slice %arg18[%scan3A_51, %dma_start3A_173, %dma_start3A_174, %dma_start3A_175, %dma_start3A_176] : memref<1x16x2x8x128xf32, #tpu.memory_space<vmem>> -> memref<1x16x2x8x128xf32, #tpu.memory_space<vmem>>
      %dma_start3A_178 = tpu.memref_squeeze %dma_start3A_177 : memref<1x16x2x8x128xf32, #tpu.memory_space<vmem>> -> memref<16x2x8x128xf32, #tpu.memory_space<vmem>>
      tpu.enqueue_dma source(%dma_start3A_178 : memref<16x2x8x128xf32, #tpu.memory_space<vmem>>) target(%dma_start3A_172 : memref<16x2x8x128xf32, #tpu.memory_space<hbm>>) target_semaphore(%arg21 : memref<!tpu.dma_semaphore, #tpu.memory_space<semaphore_mem>>)
      %dma_wait3A_179 = arith.constant 0 : i32
      %dma_wait3A_180 = arith.constant 0 : i32
      %dma_wait3A_181 = arith.constant 0 : i32
      %dma_wait3A_182 = arith.constant 0 : i32
      %dma_wait3A_183 = arith.constant 0 : i32
      %dma_wait3A_184 = arith.constant 0 : i32
      %dma_wait3A_185 = tpu.memref_slice %arg18[%scan3A_51, %dma_wait3A_181, %dma_wait3A_182, %dma_wait3A_183, %dma_wait3A_184] : memref<1x16x2x8x128xf32, #tpu.memory_space<vmem>> -> memref<1x16x2x8x128xf32, #tpu.memory_space<vmem>>
      %dma_wait3A_186 = tpu.memref_squeeze %dma_wait3A_185 : memref<1x16x2x8x128xf32, #tpu.memory_space<vmem>> -> memref<16x2x8x128xf32, #tpu.memory_space<vmem>>
      %dma_wait3A_187 = arith.constant 0 : i32
      %dma_wait3A_188 = arith.constant 0 : i32
      %dma_wait3A_189 = arith.constant 0 : i32
      %dma_wait3A_190 = arith.constant 0 : i32
      %dma_wait3A_191 = tpu.memref_slice %arg9[%dma_wait3A_179, %dma_wait3A_187, %dma_wait3A_188, %dma_wait3A_180, %dma_wait3A_189, %dma_wait3A_190] : memref<64x16x2x8x8x128xf32, #tpu.memory_space<hbm>> -> memref<1x16x2x1x8x128xf32, #tpu.memory_space<hbm>>
      %dma_wait3A_192 = tpu.memref_squeeze %dma_wait3A_191 : memref<1x16x2x1x8x128xf32, #tpu.memory_space<hbm>> -> memref<16x2x8x128xf32, #tpu.memory_space<hbm>>
      %dma_wait3A_193 = arith.constant 0 : i32
      %dma_wait3A_194 = arith.constant 0 : i32
      %dma_wait3A_195 = arith.constant 0 : i32
      %dma_wait3A_196 = arith.constant 0 : i32
      %dma_wait3A_197 = tpu.memref_slice %arg18[%scan3A_51, %dma_wait3A_193, %dma_wait3A_194, %dma_wait3A_195, %dma_wait3A_196] : memref<1x16x2x8x128xf32, #tpu.memory_space<vmem>> -> memref<1x16x2x8x128xf32, #tpu.memory_space<vmem>>
      %dma_wait3A_198 = tpu.memref_squeeze %dma_wait3A_197 : memref<1x16x2x8x128xf32, #tpu.memory_space<vmem>> -> memref<16x2x8x128xf32, #tpu.memory_space<vmem>>
      %dma_wait3A_199 = arith.constant 0 : i32
      %dma_wait3A_200 = arith.constant 0 : i32
      %dma_wait3A_201 = arith.constant 0 : i32
      %dma_wait3A_202 = arith.constant 0 : i32
      %dma_wait3A_203 = tpu.memref_slice %arg9[%dma_wait3A_179, %dma_wait3A_199, %dma_wait3A_200, %dma_wait3A_180, %dma_wait3A_201, %dma_wait3A_202] : memref<64x16x2x8x8x128xf32, #tpu.memory_space<hbm>> -> memref<1x16x2x1x8x128xf32, #tpu.memory_space<hbm>>
      %dma_wait3A_204 = tpu.memref_squeeze %dma_wait3A_203 : memref<1x16x2x1x8x128xf32, #tpu.memory_space<hbm>> -> memref<16x2x8x128xf32, #tpu.memory_space<hbm>>
      tpu.wait_dma2 semaphore(%arg21 : memref<!tpu.dma_semaphore, #tpu.memory_space<semaphore_mem>>) src(%dma_wait3A_204 : memref<16x2x8x128xf32, #tpu.memory_space<hbm>>) dst(%dma_wait3A_198 : memref<16x2x8x128xf32, #tpu.memory_space<vmem>>)
      %scan3A_205 = arith.constant 0 : i32
      scf.yield %scan3A_205 : i32
    }
    %scan3A_58 = arith.constant 4 : i32
    %dma_wait3A_59 = arith.constant 0 : i32
    %dma_wait3A_60 = arith.constant 0 : i32
    %dma_wait3A_61 = arith.constant 0 : i32
    %dma_wait3A_62 = arith.constant 0 : i32
    %dma_wait3A_63 = tpu.memref_slice %arg10[%add3A_4, %dma_wait3A_59, %dma_wait3A_60, %dma_wait3A_61, %dma_wait3A_62] : memref<64x2x8x8x128xf32, #tpu.memory_space<hbm>> -> memref<1x2x8x8x128xf32, #tpu.memory_space<hbm>>
    %dma_wait3A_64 = tpu.memref_squeeze %dma_wait3A_63 : memref<1x2x8x8x128xf32, #tpu.memory_space<hbm>> -> memref<2x8x8x128xf32, #tpu.memory_space<hbm>>
    %dma_wait3A_65 = arith.constant 0 : i32
    %dma_wait3A_66 = arith.constant 0 : i32
    %dma_wait3A_67 = arith.constant 0 : i32
    %dma_wait3A_68 = arith.constant 0 : i32
    %dma_wait3A_69 = tpu.memref_slice %arg10[%add3A_4, %dma_wait3A_65, %dma_wait3A_66, %dma_wait3A_67, %dma_wait3A_68] : memref<64x2x8x8x128xf32, #tpu.memory_space<hbm>> -> memref<1x2x8x8x128xf32, #tpu.memory_space<hbm>>
    %dma_wait3A_70 = tpu.memref_squeeze %dma_wait3A_69 : memref<1x2x8x8x128xf32, #tpu.memory_space<hbm>> -> memref<2x8x8x128xf32, #tpu.memory_space<hbm>>
    tpu.wait_dma2 semaphore(%arg19 : memref<!tpu.dma_semaphore, #tpu.memory_space<semaphore_mem>>) src(%dma_wait3A_70 : memref<2x8x8x128xf32, #tpu.memory_space<hbm>>) dst(%arg15 : memref<2x8x8x128xf32, #tpu.memory_space<vmem>>)
    "tpu.region"() ({
      %run_scoped3A = tpu.sem_alloc : memref<!tpu.dma_semaphore, #tpu.memory_space<semaphore_mem>>
      %dma_start3A = arith.constant 0 : i32
      %dma_start3A_145 = arith.constant 0 : i32
      %dma_start3A_146 = arith.constant 0 : i32
      %dma_start3A_147 = arith.constant 0 : i32
      %dma_start3A_148 = tpu.memref_slice %arg10[%add3A_4, %dma_start3A, %dma_start3A_145, %dma_start3A_146, %dma_start3A_147] : memref<64x2x8x8x128xf32, #tpu.memory_space<hbm>> -> memref<1x2x8x8x128xf32, #tpu.memory_space<hbm>>
      %dma_start3A_149 = tpu.memref_squeeze %dma_start3A_148 : memref<1x2x8x8x128xf32, #tpu.memory_space<hbm>> -> memref<2x8x8x128xf32, #tpu.memory_space<hbm>>
      %dma_start3A_150 = arith.constant 0 : i32
      %dma_start3A_151 = arith.constant 0 : i32
      %dma_start3A_152 = arith.constant 0 : i32
      %dma_start3A_153 = arith.constant 0 : i32
      %dma_start3A_154 = tpu.memref_slice %arg10[%add3A_4, %dma_start3A_150, %dma_start3A_151, %dma_start3A_152, %dma_start3A_153] : memref<64x2x8x8x128xf32, #tpu.memory_space<hbm>> -> memref<1x2x8x8x128xf32, #tpu.memory_space<hbm>>
      %dma_start3A_155 = tpu.memref_squeeze %dma_start3A_154 : memref<1x2x8x8x128xf32, #tpu.memory_space<hbm>> -> memref<2x8x8x128xf32, #tpu.memory_space<hbm>>
      tpu.enqueue_dma source(%arg15 : memref<2x8x8x128xf32, #tpu.memory_space<vmem>>) target(%dma_start3A_155 : memref<2x8x8x128xf32, #tpu.memory_space<hbm>>) target_semaphore(%run_scoped3A : memref<!tpu.dma_semaphore, #tpu.memory_space<semaphore_mem>>)
      %dma_wait3A_156 = arith.constant 0 : i32
      %dma_wait3A_157 = arith.constant 0 : i32
      %dma_wait3A_158 = arith.constant 0 : i32
      %dma_wait3A_159 = arith.constant 0 : i32
      %dma_wait3A_160 = tpu.memref_slice %arg10[%add3A_4, %dma_wait3A_156, %dma_wait3A_157, %dma_wait3A_158, %dma_wait3A_159] : memref<64x2x8x8x128xf32, #tpu.memory_space<hbm>> -> memref<1x2x8x8x128xf32, #tpu.memory_space<hbm>>
      %dma_wait3A_161 = tpu.memref_squeeze %dma_wait3A_160 : memref<1x2x8x8x128xf32, #tpu.memory_space<hbm>> -> memref<2x8x8x128xf32, #tpu.memory_space<hbm>>
      %dma_wait3A_162 = arith.constant 0 : i32
      %dma_wait3A_163 = arith.constant 0 : i32
      %dma_wait3A_164 = arith.constant 0 : i32
      %dma_wait3A_165 = arith.constant 0 : i32
      %dma_wait3A_166 = tpu.memref_slice %arg10[%add3A_4, %dma_wait3A_162, %dma_wait3A_163, %dma_wait3A_164, %dma_wait3A_165] : memref<64x2x8x8x128xf32, #tpu.memory_space<hbm>> -> memref<1x2x8x8x128xf32, #tpu.memory_space<hbm>>
      %dma_wait3A_167 = tpu.memref_squeeze %dma_wait3A_166 : memref<1x2x8x8x128xf32, #tpu.memory_space<hbm>> -> memref<2x8x8x128xf32, #tpu.memory_space<hbm>>
      tpu.wait_dma2 semaphore(%run_scoped3A : memref<!tpu.dma_semaphore, #tpu.memory_space<semaphore_mem>>) src(%arg15 : memref<2x8x8x128xf32, #tpu.memory_space<vmem>>) dst(%dma_wait3A_167 : memref<2x8x8x128xf32, #tpu.memory_space<hbm>>)
      tpu.yield
    }) : () -> ()
    %mul3A_71 = arith.constant 2 : i32
    %mul3A_72 = arith.muli %add3A, %mul3A_71 : i32
    %add3A_73 = arith.constant 1 : i32
    %add3A_74 = arith.addi %mul3A_72, %add3A_73 : i32
    "tpu.region"() ({
      %run_scoped3A = tpu.sem_alloc : memref<!tpu.dma_semaphore, #tpu.memory_space<semaphore_mem>>
      %dma_start3A = arith.constant 0 : i32
      %dma_start3A_145 = arith.constant 0 : i32
      %dma_start3A_146 = tpu.memref_slice %arg4[%add3A_74, %dma_start3A, %dma_start3A_145] : memref<64x8x128xi32, #tpu.memory_space<hbm>> -> memref<1x8x128xi32, #tpu.memory_space<hbm>>
      %dma_start3A_147 = tpu.memref_squeeze %dma_start3A_146 : memref<1x8x128xi32, #tpu.memory_space<hbm>> -> memref<8x128xi32, #tpu.memory_space<hbm>>
      %dma_start3A_148 = arith.constant 0 : i32
      %dma_start3A_149 = arith.constant 0 : i32
      %dma_start3A_150 = tpu.memref_slice %arg4[%add3A_74, %dma_start3A_148, %dma_start3A_149] : memref<64x8x128xi32, #tpu.memory_space<hbm>> -> memref<1x8x128xi32, #tpu.memory_space<hbm>>
      %dma_start3A_151 = tpu.memref_squeeze %dma_start3A_150 : memref<1x8x128xi32, #tpu.memory_space<hbm>> -> memref<8x128xi32, #tpu.memory_space<hbm>>
      tpu.enqueue_dma source(%dma_start3A_151 : memref<8x128xi32, #tpu.memory_space<hbm>>) target(%arg13 : memref<8x128xi32, #tpu.memory_space<vmem>>) target_semaphore(%run_scoped3A : memref<!tpu.dma_semaphore, #tpu.memory_space<semaphore_mem>>)
      %dma_wait3A_152 = arith.constant 0 : i32
      %dma_wait3A_153 = arith.constant 0 : i32
      %dma_wait3A_154 = tpu.memref_slice %arg4[%add3A_74, %dma_wait3A_152, %dma_wait3A_153] : memref<64x8x128xi32, #tpu.memory_space<hbm>> -> memref<1x8x128xi32, #tpu.memory_space<hbm>>
      %dma_wait3A_155 = tpu.memref_squeeze %dma_wait3A_154 : memref<1x8x128xi32, #tpu.memory_space<hbm>> -> memref<8x128xi32, #tpu.memory_space<hbm>>
      %dma_wait3A_156 = arith.constant 0 : i32
      %dma_wait3A_157 = arith.constant 0 : i32
      %dma_wait3A_158 = tpu.memref_slice %arg4[%add3A_74, %dma_wait3A_156, %dma_wait3A_157] : memref<64x8x128xi32, #tpu.memory_space<hbm>> -> memref<1x8x128xi32, #tpu.memory_space<hbm>>
      %dma_wait3A_159 = tpu.memref_squeeze %dma_wait3A_158 : memref<1x8x128xi32, #tpu.memory_space<hbm>> -> memref<8x128xi32, #tpu.memory_space<hbm>>
      tpu.wait_dma2 semaphore(%run_scoped3A : memref<!tpu.dma_semaphore, #tpu.memory_space<semaphore_mem>>) src(%dma_wait3A_159 : memref<8x128xi32, #tpu.memory_space<hbm>>) dst(%arg13 : memref<8x128xi32, #tpu.memory_space<vmem>>)
      tpu.yield
    }) : () -> ()
    %scan3A_75 = arith.constant 0 : i32
    %scan3A_76 = arith.constant 0 : i32
    %scan3A_77 = arith.constant 8 : i32
    %scan3A_78 = arith.addi %scan3A_76, %scan3A_77 : i32
    %scan3A_79 = arith.constant 1 : i32
    %scan3A_80 = scf.for %scan3A_145 = %scan3A_76 to %scan3A_78 step %scan3A_79 iter_args(%scan3A_146 = %scan3A_75) -> (i32)  : i32 {
      %get3A = arith.index_cast %scan3A_145 : i32 to index
      %get3A_147 = arith.constant 0 : index
      %get3A_148 = tpu.vector_load %arg13[%get3A, %get3A_147] {strides = array<i32>} : memref<8x128xi32, #tpu.memory_space<vmem>>, vector<16xi32>,
      %shift_right_arithmetic3A = arith.constant 7 : i32
      %shift_right_arithmetic3A_149 = vector.broadcast %shift_right_arithmetic3A : i32 to vector<16xi32>
      %shift_right_arithmetic3A_150 = arith.shrsi %get3A_148, %shift_right_arithmetic3A_149 : vector<16xi32>
      %mul3A_151 = arith.constant 896 : i32
      %mul3A_152 = vector.broadcast %mul3A_151 : i32 to vector<16xi32>
      %mul3A_153 = arith.muli %shift_right_arithmetic3A_150, %mul3A_152 : vector<16xi32>
      %add3A_154 = arith.addi %get3A_148, %mul3A_153 : vector<16xi32>
      %swap3A = arith.index_cast %scan3A_145 : i32 to index
      %swap3A_155 = arith.constant 0 : index
      %swap3A_156 = tpu.vector_load %arg13[%swap3A, %swap3A_155] {strides = array<i32>} : memref<8x128xi32, #tpu.memory_space<vmem>>, vector<16xi32>,
      tpu.vector_store %arg13[%swap3A, %swap3A_155], %add3A_154 {strides = array<i32>} : memref<8x128xi32, #tpu.memory_space<vmem>>, vector<16xi32>,
      %get3A_157 = arith.index_cast %scan3A_145 : i32 to index
      %get3A_158 = arith.constant 16 : index
      %get3A_159 = tpu.vector_load %arg13[%get3A_157, %get3A_158] {strides = array<i32>} : memref<8x128xi32, #tpu.memory_space<vmem>>, vector<16xi32>,
      %shift_right_arithmetic3A_160 = arith.constant 7 : i32
      %shift_right_arithmetic3A_161 = vector.broadcast %shift_right_arithmetic3A_160 : i32 to vector<16xi32>
      %shift_right_arithmetic3A_162 = arith.shrsi %get3A_159, %shift_right_arithmetic3A_161 : vector<16xi32>
      %mul3A_163 = arith.constant 896 : i32
      %mul3A_164 = vector.broadcast %mul3A_163 : i32 to vector<16xi32>
      %mul3A_165 = arith.muli %shift_right_arithmetic3A_162, %mul3A_164 : vector<16xi32>
      %add3A_166 = arith.addi %get3A_159, %mul3A_165 : vector<16xi32>
      %swap3A_167 = arith.index_cast %scan3A_145 : i32 to index
      %swap3A_168 = arith.constant 16 : index
      %swap3A_169 = tpu.vector_load %arg13[%swap3A_167, %swap3A_168] {strides = array<i32>} : memref<8x128xi32, #tpu.memory_space<vmem>>, vector<16xi32>,
      tpu.vector_store %arg13[%swap3A_167, %swap3A_168], %add3A_166 {strides = array<i32>} : memref<8x128xi32, #tpu.memory_space<vmem>>, vector<16xi32>,
      %get3A_170 = arith.index_cast %scan3A_145 : i32 to index
      %get3A_171 = arith.constant 32 : index
      %get3A_172 = tpu.vector_load %arg13[%get3A_170, %get3A_171] {strides = array<i32>} : memref<8x128xi32, #tpu.memory_space<vmem>>, vector<16xi32>,
      %shift_right_arithmetic3A_173 = arith.constant 7 : i32
      %shift_right_arithmetic3A_174 = vector.broadcast %shift_right_arithmetic3A_173 : i32 to vector<16xi32>
      %shift_right_arithmetic3A_175 = arith.shrsi %get3A_172, %shift_right_arithmetic3A_174 : vector<16xi32>
      %mul3A_176 = arith.constant 896 : i32
      %mul3A_177 = vector.broadcast %mul3A_176 : i32 to vector<16xi32>
      %mul3A_178 = arith.muli %shift_right_arithmetic3A_175, %mul3A_177 : vector<16xi32>
      %add3A_179 = arith.addi %get3A_172, %mul3A_178 : vector<16xi32>
      %swap3A_180 = arith.index_cast %scan3A_145 : i32 to index
      %swap3A_181 = arith.constant 32 : index
      %swap3A_182 = tpu.vector_load %arg13[%swap3A_180, %swap3A_181] {strides = array<i32>} : memref<8x128xi32, #tpu.memory_space<vmem>>, vector<16xi32>,
      tpu.vector_store %arg13[%swap3A_180, %swap3A_181], %add3A_179 {strides = array<i32>} : memref<8x128xi32, #tpu.memory_space<vmem>>, vector<16xi32>,
      %get3A_183 = arith.index_cast %scan3A_145 : i32 to index
      %get3A_184 = arith.constant 48 : index
      %get3A_185 = tpu.vector_load %arg13[%get3A_183, %get3A_184] {strides = array<i32>} : memref<8x128xi32, #tpu.memory_space<vmem>>, vector<16xi32>,
      %shift_right_arithmetic3A_186 = arith.constant 7 : i32
      %shift_right_arithmetic3A_187 = vector.broadcast %shift_right_arithmetic3A_186 : i32 to vector<16xi32>
      %shift_right_arithmetic3A_188 = arith.shrsi %get3A_185, %shift_right_arithmetic3A_187 : vector<16xi32>
      %mul3A_189 = arith.constant 896 : i32
      %mul3A_190 = vector.broadcast %mul3A_189 : i32 to vector<16xi32>
      %mul3A_191 = arith.muli %shift_right_arithmetic3A_188, %mul3A_190 : vector<16xi32>
      %add3A_192 = arith.addi %get3A_185, %mul3A_191 : vector<16xi32>
      %swap3A_193 = arith.index_cast %scan3A_145 : i32 to index
      %swap3A_194 = arith.constant 48 : index
      %swap3A_195 = tpu.vector_load %arg13[%swap3A_193, %swap3A_194] {strides = array<i32>} : memref<8x128xi32, #tpu.memory_space<vmem>>, vector<16xi32>,
      tpu.vector_store %arg13[%swap3A_193, %swap3A_194], %add3A_192 {strides = array<i32>} : memref<8x128xi32, #tpu.memory_space<vmem>>, vector<16xi32>,
      %get3A_196 = arith.index_cast %scan3A_145 : i32 to index
      %get3A_197 = arith.constant 64 : index
      %get3A_198 = tpu.vector_load %arg13[%get3A_196, %get3A_197] {strides = array<i32>} : memref<8x128xi32, #tpu.memory_space<vmem>>, vector<16xi32>,
      %shift_right_arithmetic3A_199 = arith.constant 7 : i32
      %shift_right_arithmetic3A_200 = vector.broadcast %shift_right_arithmetic3A_199 : i32 to vector<16xi32>
      %shift_right_arithmetic3A_201 = arith.shrsi %get3A_198, %shift_right_arithmetic3A_200 : vector<16xi32>
      %mul3A_202 = arith.constant 896 : i32
      %mul3A_203 = vector.broadcast %mul3A_202 : i32 to vector<16xi32>
      %mul3A_204 = arith.muli %shift_right_arithmetic3A_201, %mul3A_203 : vector<16xi32>
      %add3A_205 = arith.addi %get3A_198, %mul3A_204 : vector<16xi32>
      %swap3A_206 = arith.index_cast %scan3A_145 : i32 to index
      %swap3A_207 = arith.constant 64 : index
      %swap3A_208 = tpu.vector_load %arg13[%swap3A_206, %swap3A_207] {strides = array<i32>} : memref<8x128xi32, #tpu.memory_space<vmem>>, vector<16xi32>,
      tpu.vector_store %arg13[%swap3A_206, %swap3A_207], %add3A_205 {strides = array<i32>} : memref<8x128xi32, #tpu.memory_space<vmem>>, vector<16xi32>,
      %get3A_209 = arith.index_cast %scan3A_145 : i32 to index
      %get3A_210 = arith.constant 80 : index
      %get3A_211 = tpu.vector_load %arg13[%get3A_209, %get3A_210] {strides = array<i32>} : memref<8x128xi32, #tpu.memory_space<vmem>>, vector<16xi32>,
      %shift_right_arithmetic3A_212 = arith.constant 7 : i32
      %shift_right_arithmetic3A_213 = vector.broadcast %shift_right_arithmetic3A_212 : i32 to vector<16xi32>
      %shift_right_arithmetic3A_214 = arith.shrsi %get3A_211, %shift_right_arithmetic3A_213 : vector<16xi32>
      %mul3A_215 = arith.constant 896 : i32
      %mul3A_216 = vector.broadcast %mul3A_215 : i32 to vector<16xi32>
      %mul3A_217 = arith.muli %shift_right_arithmetic3A_214, %mul3A_216 : vector<16xi32>
      %add3A_218 = arith.addi %get3A_211, %mul3A_217 : vector<16xi32>
      %swap3A_219 = arith.index_cast %scan3A_145 : i32 to index
      %swap3A_220 = arith.constant 80 : index
      %swap3A_221 = tpu.vector_load %arg13[%swap3A_219, %swap3A_220] {strides = array<i32>} : memref<8x128xi32, #tpu.memory_space<vmem>>, vector<16xi32>,
      tpu.vector_store %arg13[%swap3A_219, %swap3A_220], %add3A_218 {strides = array<i32>} : memref<8x128xi32, #tpu.memory_space<vmem>>, vector<16xi32>,
      %get3A_222 = arith.index_cast %scan3A_145 : i32 to index
      %get3A_223 = arith.constant 96 : index
      %get3A_224 = tpu.vector_load %arg13[%get3A_222, %get3A_223] {strides = array<i32>} : memref<8x128xi32, #tpu.memory_space<vmem>>, vector<16xi32>,
      %shift_right_arithmetic3A_225 = arith.constant 7 : i32
      %shift_right_arithmetic3A_226 = vector.broadcast %shift_right_arithmetic3A_225 : i32 to vector<16xi32>
      %shift_right_arithmetic3A_227 = arith.shrsi %get3A_224, %shift_right_arithmetic3A_226 : vector<16xi32>
      %mul3A_228 = arith.constant 896 : i32
      %mul3A_229 = vector.broadcast %mul3A_228 : i32 to vector<16xi32>
      %mul3A_230 = arith.muli %shift_right_arithmetic3A_227, %mul3A_229 : vector<16xi32>
      %add3A_231 = arith.addi %get3A_224, %mul3A_230 : vector<16xi32>
      %swap3A_232 = arith.index_cast %scan3A_145 : i32 to index
      %swap3A_233 = arith.constant 96 : index
      %swap3A_234 = tpu.vector_load %arg13[%swap3A_232, %swap3A_233] {strides = array<i32>} : memref<8x128xi32, #tpu.memory_space<vmem>>, vector<16xi32>,
      tpu.vector_store %arg13[%swap3A_232, %swap3A_233], %add3A_231 {strides = array<i32>} : memref<8x128xi32, #tpu.memory_space<vmem>>, vector<16xi32>,
      %get3A_235 = arith.index_cast %scan3A_145 : i32 to index
      %get3A_236 = arith.constant 112 : index
      %get3A_237 = tpu.vector_load %arg13[%get3A_235, %get3A_236] {strides = array<i32>} : memref<8x128xi32, #tpu.memory_space<vmem>>, vector<16xi32>,
      %shift_right_arithmetic3A_238 = arith.constant 7 : i32
      %shift_right_arithmetic3A_239 = vector.broadcast %shift_right_arithmetic3A_238 : i32 to vector<16xi32>
      %shift_right_arithmetic3A_240 = arith.shrsi %get3A_237, %shift_right_arithmetic3A_239 : vector<16xi32>
      %mul3A_241 = arith.constant 896 : i32
      %mul3A_242 = vector.broadcast %mul3A_241 : i32 to vector<16xi32>
      %mul3A_243 = arith.muli %shift_right_arithmetic3A_240, %mul3A_242 : vector<16xi32>
      %add3A_244 = arith.addi %get3A_237, %mul3A_243 : vector<16xi32>
      %swap3A_245 = arith.index_cast %scan3A_145 : i32 to index
      %swap3A_246 = arith.constant 112 : index
      %swap3A_247 = tpu.vector_load %arg13[%swap3A_245, %swap3A_246] {strides = array<i32>} : memref<8x128xi32, #tpu.memory_space<vmem>>, vector<16xi32>,
      tpu.vector_store %arg13[%swap3A_245, %swap3A_246], %add3A_244 {strides = array<i32>} : memref<8x128xi32, #tpu.memory_space<vmem>>, vector<16xi32>,
      %scan3A_248 = arith.constant 0 : i32
      scf.yield %scan3A_248 : i32
    }
    %scan3A_81 = arith.constant 8 : i32
    %scan3A_82 = arith.constant 0 : i32
    %scan3A_83 = arith.constant 0 : i32
    %scan3A_84 = arith.constant 8 : i32
    %scan3A_85 = arith.addi %scan3A_83, %scan3A_84 : i32
    %scan3A_86 = arith.constant 1 : i32
    %scan3A_87 = scf.for %scan3A_145 = %scan3A_83 to %scan3A_85 step %scan3A_86 iter_args(%scan3A_146 = %scan3A_82) -> (i32)  : i32 {
      %scan3A_147 = arith.constant 0 : i32
      %scan3A_148 = arith.constant 0 : i32
      %scan3A_149 = arith.constant 8 : i32
      %scan3A_150 = arith.addi %scan3A_148, %scan3A_149 : i32
      %scan3A_151 = arith.constant 1 : i32
      %scan3A_152 = scf.for %scan3A_162 = %scan3A_148 to %scan3A_150 step %scan3A_151 iter_args(%scan3A_163 = %scan3A_147) -> (i32)  : i32 {
        %mul3A_164 = arith.constant 128 : i32
        %mul3A_165 = arith.muli %scan3A_162, %mul3A_164 : i32
        %add3A_166 = arith.constant 0 : i32
        %add3A_167 = arith.addi %add3A_166, %mul3A_165 : i32
        %dma_start3A = arith.constant 0 : i32
        %dma_start3A_168 = arith.constant 0 : i32
        %dma_start3A_169 = tpu.memref_slice %arg15[%dma_start3A, %scan3A_145, %scan3A_162, %dma_start3A_168] : memref<2x8x8x128xf32, #tpu.memory_space<vmem>> -> memref<1x1x1x128xf32, #tpu.memory_space<vmem>>
        %dma_start3A_170 = tpu.memref_squeeze %dma_start3A_169 : memref<1x1x1x128xf32, #tpu.memory_space<vmem>> -> memref<128xf32, #tpu.memory_space<vmem>>
        %dma_start3A_171 = arith.constant 0 : i32
        %dma_start3A_172 = tpu.memref_slice %arg13[%scan3A_145, %dma_start3A_171] : memref<8x128xi32, #tpu.memory_space<vmem>> -> memref<1x128xi32, #tpu.memory_space<vmem>>
        %dma_start3A_173 = tpu.memref_squeeze %dma_start3A_172 : memref<1x128xi32, #tpu.memory_space<vmem>> -> memref<128xi32, #tpu.memory_space<vmem>>
        %dma_start3A_174 = tpu.memref_slice %arg2[%add3A_167] : memref<16001024xf32, #tpu.memory_space<hbm>> -> memref<7999616xf32, #tpu.memory_space<hbm>>
        %dma_start3A_175 = arith.constant 0 : i32
        %dma_start3A_176 = tpu.memref_slice %dma_start3A_174[%dma_start3A_175] : memref<7999616xf32, #tpu.memory_space<hbm>> -> memref<7999616xf32, #tpu.memory_space<hbm>>
        tpu.enqueue_indirect_dma source(%dma_start3A_176 : memref<7999616xf32, #tpu.memory_space<hbm>>) target(%dma_start3A_170 : memref<128xf32, #tpu.memory_space<vmem>>) offsets(%dma_start3A_173 : memref<128xi32, #tpu.memory_space<vmem>>) semaphore(%arg19 : memref<!tpu.dma_semaphore, #tpu.memory_space<semaphore_mem>>)
        %scan3A_177 = arith.constant 0 : i32
        scf.yield %scan3A_177 : i32
      }
      %scan3A_153 = arith.constant 8 : i32
      %scan3A_154 = arith.constant 0 : i32
      %scan3A_155 = arith.constant 0 : i32
      %scan3A_156 = arith.constant 8 : i32
      %scan3A_157 = arith.addi %scan3A_155, %scan3A_156 : i32
      %scan3A_158 = arith.constant 1 : i32
      %scan3A_159 = scf.for %scan3A_162 = %scan3A_155 to %scan3A_157 step %scan3A_158 iter_args(%scan3A_163 = %scan3A_154) -> (i32)  : i32 {
        %mul3A_164 = arith.constant 128 : i32
        %mul3A_165 = arith.muli %scan3A_162, %mul3A_164 : i32
        %add3A_166 = arith.constant 8000512 : i32
        %add3A_167 = arith.addi %add3A_166, %mul3A_165 : i32
        %dma_start3A = arith.constant 1 : i32
        %dma_start3A_168 = arith.constant 0 : i32
        %dma_start3A_169 = tpu.memref_slice %arg15[%dma_start3A, %scan3A_145, %scan3A_162, %dma_start3A_168] : memref<2x8x8x128xf32, #tpu.memory_space<vmem>> -> memref<1x1x1x128xf32, #tpu.memory_space<vmem>>
        %dma_start3A_170 = tpu.memref_squeeze %dma_start3A_169 : memref<1x1x1x128xf32, #tpu.memory_space<vmem>> -> memref<128xf32, #tpu.memory_space<vmem>>
        %dma_start3A_171 = arith.constant 0 : i32
        %dma_start3A_172 = tpu.memref_slice %arg13[%scan3A_145, %dma_start3A_171] : memref<8x128xi32, #tpu.memory_space<vmem>> -> memref<1x128xi32, #tpu.memory_space<vmem>>
        %dma_start3A_173 = tpu.memref_squeeze %dma_start3A_172 : memref<1x128xi32, #tpu.memory_space<vmem>> -> memref<128xi32, #tpu.memory_space<vmem>>
        %dma_start3A_174 = tpu.memref_slice %arg2[%add3A_167] : memref<16001024xf32, #tpu.memory_space<hbm>> -> memref<7999616xf32, #tpu.memory_space<hbm>>
        %dma_start3A_175 = arith.constant 0 : i32
        %dma_start3A_176 = tpu.memref_slice %dma_start3A_174[%dma_start3A_175] : memref<7999616xf32, #tpu.memory_space<hbm>> -> memref<7999616xf32, #tpu.memory_space<hbm>>
        tpu.enqueue_indirect_dma source(%dma_start3A_176 : memref<7999616xf32, #tpu.memory_space<hbm>>) target(%dma_start3A_170 : memref<128xf32, #tpu.memory_space<vmem>>) offsets(%dma_start3A_173 : memref<128xi32, #tpu.memory_space<vmem>>) semaphore(%arg19 : memref<!tpu.dma_semaphore, #tpu.memory_space<semaphore_mem>>)
        %scan3A_177 = arith.constant 0 : i32
        scf.yield %scan3A_177 : i32
      }
      %scan3A_160 = arith.constant 8 : i32
      %scan3A_161 = arith.constant 0 : i32
      scf.yield %scan3A_161 : i32
    }
    %scan3A_88 = arith.constant 8 : i32
    "tpu.region"() ({
      %run_scoped3A = tpu.sem_alloc : memref<!tpu.dma_semaphore, #tpu.memory_space<semaphore_mem>>
      %dma_start3A = arith.constant 0 : i32
      %dma_start3A_145 = arith.constant 0 : i32
      %dma_start3A_146 = arith.constant 0 : i32
      %dma_start3A_147 = tpu.memref_slice %arg5[%add3A_74, %dma_start3A, %dma_start3A_145, %dma_start3A_146] : memref<64x8x8x16xi32, #tpu.memory_space<hbm>> -> memref<1x8x8x16xi32, #tpu.memory_space<hbm>>
      %dma_start3A_148 = tpu.memref_squeeze %dma_start3A_147 : memref<1x8x8x16xi32, #tpu.memory_space<hbm>> -> memref<8x8x16xi32, #tpu.memory_space<hbm>>
      %dma_start3A_149 = arith.constant 0 : i32
      %dma_start3A_150 = arith.constant 0 : i32
      %dma_start3A_151 = arith.constant 0 : i32
      %dma_start3A_152 = tpu.memref_slice %arg5[%add3A_74, %dma_start3A_149, %dma_start3A_150, %dma_start3A_151] : memref<64x8x8x16xi32, #tpu.memory_space<hbm>> -> memref<1x8x8x16xi32, #tpu.memory_space<hbm>>
      %dma_start3A_153 = tpu.memref_squeeze %dma_start3A_152 : memref<1x8x8x16xi32, #tpu.memory_space<hbm>> -> memref<8x8x16xi32, #tpu.memory_space<hbm>>
      tpu.enqueue_dma source(%dma_start3A_153 : memref<8x8x16xi32, #tpu.memory_space<hbm>>) target(%arg14 : memref<8x8x16xi32, #tpu.memory_space<vmem>>) target_semaphore(%run_scoped3A : memref<!tpu.dma_semaphore, #tpu.memory_space<semaphore_mem>>)
      %dma_wait3A_154 = arith.constant 0 : i32
      %dma_wait3A_155 = arith.constant 0 : i32
      %dma_wait3A_156 = arith.constant 0 : i32
      %dma_wait3A_157 = tpu.memref_slice %arg5[%add3A_74, %dma_wait3A_154, %dma_wait3A_155, %dma_wait3A_156] : memref<64x8x8x16xi32, #tpu.memory_space<hbm>> -> memref<1x8x8x16xi32, #tpu.memory_space<hbm>>
      %dma_wait3A_158 = tpu.memref_squeeze %dma_wait3A_157 : memref<1x8x8x16xi32, #tpu.memory_space<hbm>> -> memref<8x8x16xi32, #tpu.memory_space<hbm>>
      %dma_wait3A_159 = arith.constant 0 : i32
      %dma_wait3A_160 = arith.constant 0 : i32
      %dma_wait3A_161 = arith.constant 0 : i32
      %dma_wait3A_162 = tpu.memref_slice %arg5[%add3A_74, %dma_wait3A_159, %dma_wait3A_160, %dma_wait3A_161] : memref<64x8x8x16xi32, #tpu.memory_space<hbm>> -> memref<1x8x8x16xi32, #tpu.memory_space<hbm>>
      %dma_wait3A_163 = tpu.memref_squeeze %dma_wait3A_162 : memref<1x8x8x16xi32, #tpu.memory_space<hbm>> -> memref<8x8x16xi32, #tpu.memory_space<hbm>>
      tpu.wait_dma2 semaphore(%run_scoped3A : memref<!tpu.dma_semaphore, #tpu.memory_space<semaphore_mem>>) src(%dma_wait3A_163 : memref<8x8x16xi32, #tpu.memory_space<hbm>>) dst(%arg14 : memref<8x8x16xi32, #tpu.memory_space<vmem>>)
      tpu.yield
    }) : () -> ()
    %scan3A_89 = arith.constant 0 : i32
    %scan3A_90 = arith.constant 0 : i32
    %scan3A_91 = arith.constant 0 : i32
    %scan3A_92 = arith.constant 4 : i32
    %scan3A_93 = arith.addi %scan3A_91, %scan3A_92 : i32
    %scan3A_94 = arith.constant 1 : i32
    %scan3A_95 = scf.for %scan3A_145 = %scan3A_91 to %scan3A_93 step %scan3A_94 iter_args(%scan3A_146 = %scan3A_90) -> (i32)  : i32 {
      %add3A_147 = arith.constant 0 : i32
      %add3A_148 = arith.addi %add3A_147, %scan3A_145 : i32
      %scan3A_149 = arith.constant 0 : i32
      %scan3A_150 = arith.constant 0 : i32
      %scan3A_151 = arith.constant 8 : i32
      %scan3A_152 = arith.addi %scan3A_150, %scan3A_151 : i32
      %scan3A_153 = arith.constant 1 : i32
      %scan3A_154 = scf.for %scan3A_206 = %scan3A_150 to %scan3A_152 step %scan3A_153 iter_args(%scan3A_207 = %scan3A_149) -> (i32)  : i32 {
        %get3A = arith.index_cast %add3A_148 : i32 to index
        %get3A_208 = arith.index_cast %scan3A_206 : i32 to index
        %get3A_209 = arith.constant 0 : index
        %get3A_210 = tpu.vector_load %arg14[%get3A, %get3A_208, %get3A_209] {strides = array<i32>} : memref<8x8x16xi32, #tpu.memory_space<vmem>>, vector<16xi32>,
        %scan3A_211 = arith.constant 0 : i32
        %scan3A_212 = arith.constant 0 : i32
        %scan3A_213 = arith.constant 16 : i32
        %scan3A_214 = arith.addi %scan3A_212, %scan3A_213 : i32
        %scan3A_215 = arith.constant 1 : i32
        %scan3A_216 = scf.for %scan3A_219 = %scan3A_212 to %scan3A_214 step %scan3A_215 iter_args(%scan3A_220 = %scan3A_211) -> (i32)  : i32 {
          %mul3A_221 = arith.constant 16 : i32
          %mul3A_222 = arith.muli %scan3A_219, %mul3A_221 : i32
          %add3A_223 = arith.constant 0 : i32
          %add3A_224 = arith.addi %mul3A_222, %add3A_223 : i32
          %broadcast_in_dim3A = vector.broadcast %add3A_224 : i32 to vector<16xi32>
          %gather3A = tpu.vector_load_idx %arg12[%broadcast_in_dim3A, %get3A_210] : memref<256x32xf32, #tpu.memory_space<vmem>>[vector<16xi32>, vector<16xi32>], vector<16xf32>,
          %mul3A_225 = arith.constant 16 : i32
          %mul3A_226 = arith.muli %scan3A_206, %mul3A_225 : i32
          %swap3A = arith.constant 0 : i32
          %swap3A_227 = arith.constant 0 : i32
          %swap3A_228 = arith.constant 0 : i32
          %swap3A_229 = arith.constant 0 : i32
          %swap3A_230 = arith.constant 0 : i32
          %swap3A_231 = arith.constant 0 : i32
          %swap3A_232 = tpu.memref_slice %arg18[%scan3A_89, %swap3A_228, %swap3A_229, %swap3A_230, %swap3A_231] : memref<1x16x2x8x128xf32, #tpu.memory_space<vmem>> -> memref<1x16x2x8x128xf32, #tpu.memory_space<vmem>>
          %swap3A_233 = tpu.memref_squeeze %swap3A_232 : memref<1x16x2x8x128xf32, #tpu.memory_space<vmem>> -> memref<16x2x8x128xf32, #tpu.memory_space<vmem>>
          %swap3A_234 = arith.index_cast %scan3A_219 : i32 to index
          %swap3A_235 = arith.index_cast %swap3A : i32 to index
          %swap3A_236 = arith.index_cast %swap3A_227 : i32 to index
          %swap3A_237 = arith.index_cast %mul3A_226 : i32 to index
          %swap3A_238 = tpu.vector_load %swap3A_233[%swap3A_234, %swap3A_235, %swap3A_236, %swap3A_237] {strides = array<i32>} : memref<16x2x8x128xf32, #tpu.memory_space<vmem>>, vector<16xf32>,
          tpu.vector_store %swap3A_233[%swap3A_234, %swap3A_235, %swap3A_236, %swap3A_237], %gather3A {strides = array<i32>} : memref<16x2x8x128xf32, #tpu.memory_space<vmem>>, vector<16xf32>,
          %add3A_239 = arith.constant 1 : i32
          %add3A_240 = arith.addi %mul3A_222, %add3A_239 : i32
          %broadcast_in_dim3A_241 = vector.broadcast %add3A_240 : i32 to vector<16xi32>
          %gather3A_242 = tpu.vector_load_idx %arg12[%broadcast_in_dim3A_241, %get3A_210] : memref<256x32xf32, #tpu.memory_space<vmem>>[vector<16xi32>, vector<16xi32>], vector<16xf32>,
          %mul3A_243 = arith.constant 16 : i32
          %mul3A_244 = arith.muli %scan3A_206, %mul3A_243 : i32
          %swap3A_245 = arith.constant 0 : i32
          %swap3A_246 = arith.constant 1 : i32
          %swap3A_247 = arith.constant 0 : i32
          %swap3A_248 = arith.constant 0 : i32
          %swap3A_249 = arith.constant 0 : i32
          %swap3A_250 = arith.constant 0 : i32
          %swap3A_251 = tpu.memref_slice %arg18[%scan3A_89, %swap3A_247, %swap3A_248, %swap3A_249, %swap3A_250] : memref<1x16x2x8x128xf32, #tpu.memory_space<vmem>> -> memref<1x16x2x8x128xf32, #tpu.memory_space<vmem>>
          %swap3A_252 = tpu.memref_squeeze %swap3A_251 : memref<1x16x2x8x128xf32, #tpu.memory_space<vmem>> -> memref<16x2x8x128xf32, #tpu.memory_space<vmem>>
          %swap3A_253 = arith.index_cast %scan3A_219 : i32 to index
          %swap3A_254 = arith.index_cast %swap3A_245 : i32 to index
          %swap3A_255 = arith.index_cast %swap3A_246 : i32 to index
          %swap3A_256 = arith.index_cast %mul3A_244 : i32 to index
          %swap3A_257 = tpu.vector_load %swap3A_252[%swap3A_253, %swap3A_254, %swap3A_255, %swap3A_256] {strides = array<i32>} : memref<16x2x8x128xf32, #tpu.memory_space<vmem>>, vector<16xf32>,
          tpu.vector_store %swap3A_252[%swap3A_253, %swap3A_254, %swap3A_255, %swap3A_256], %gather3A_242 {strides = array<i32>} : memref<16x2x8x128xf32, #tpu.memory_space<vmem>>, vector<16xf32>,
          %add3A_258 = arith.constant 2 : i32
          %add3A_259 = arith.addi %mul3A_222, %add3A_258 : i32
          %broadcast_in_dim3A_260 = vector.broadcast %add3A_259 : i32 to vector<16xi32>
          %gather3A_261 = tpu.vector_load_idx %arg12[%broadcast_in_dim3A_260, %get3A_210] : memref<256x32xf32, #tpu.memory_space<vmem>>[vector<16xi32>, vector<16xi32>], vector<16xf32>,
          %mul3A_262 = arith.constant 16 : i32
          %mul3A_263 = arith.muli %scan3A_206, %mul3A_262 : i32
          %swap3A_264 = arith.constant 0 : i32
          %swap3A_265 = arith.constant 2 : i32
          %swap3A_266 = arith.constant 0 : i32
          %swap3A_267 = arith.constant 0 : i32
          %swap3A_268 = arith.constant 0 : i32
          %swap3A_269 = arith.constant 0 : i32
          %swap3A_270 = tpu.memref_slice %arg18[%scan3A_89, %swap3A_266, %swap3A_267, %swap3A_268, %swap3A_269] : memref<1x16x2x8x128xf32, #tpu.memory_space<vmem>> -> memref<1x16x2x8x128xf32, #tpu.memory_space<vmem>>
          %swap3A_271 = tpu.memref_squeeze %swap3A_270 : memref<1x16x2x8x128xf32, #tpu.memory_space<vmem>> -> memref<16x2x8x128xf32, #tpu.memory_space<vmem>>
          %swap3A_272 = arith.index_cast %scan3A_219 : i32 to index
          %swap3A_273 = arith.index_cast %swap3A_264 : i32 to index
          %swap3A_274 = arith.index_cast %swap3A_265 : i32 to index
          %swap3A_275 = arith.index_cast %mul3A_263 : i32 to index
          %swap3A_276 = tpu.vector_load %swap3A_271[%swap3A_272, %swap3A_273, %swap3A_274, %swap3A_275] {strides = array<i32>} : memref<16x2x8x128xf32, #tpu.memory_space<vmem>>, vector<16xf32>,
          tpu.vector_store %swap3A_271[%swap3A_272, %swap3A_273, %swap3A_274, %swap3A_275], %gather3A_261 {strides = array<i32>} : memref<16x2x8x128xf32, #tpu.memory_space<vmem>>, vector<16xf32>,
          %add3A_277 = arith.constant 3 : i32
          %add3A_278 = arith.addi %mul3A_222, %add3A_277 : i32
          %broadcast_in_dim3A_279 = vector.broadcast %add3A_278 : i32 to vector<16xi32>
          %gather3A_280 = tpu.vector_load_idx %arg12[%broadcast_in_dim3A_279, %get3A_210] : memref<256x32xf32, #tpu.memory_space<vmem>>[vector<16xi32>, vector<16xi32>], vector<16xf32>,
          %mul3A_281 = arith.constant 16 : i32
          %mul3A_282 = arith.muli %scan3A_206, %mul3A_281 : i32
          %swap3A_283 = arith.constant 0 : i32
          %swap3A_284 = arith.constant 3 : i32
          %swap3A_285 = arith.constant 0 : i32
          %swap3A_286 = arith.constant 0 : i32
          %swap3A_287 = arith.constant 0 : i32
          %swap3A_288 = arith.constant 0 : i32
          %swap3A_289 = tpu.memref_slice %arg18[%scan3A_89, %swap3A_285, %swap3A_286, %swap3A_287, %swap3A_288] : memref<1x16x2x8x128xf32, #tpu.memory_space<vmem>> -> memref<1x16x2x8x128xf32, #tpu.memory_space<vmem>>
          %swap3A_290 = tpu.memref_squeeze %swap3A_289 : memref<1x16x2x8x128xf32, #tpu.memory_space<vmem>> -> memref<16x2x8x128xf32, #tpu.memory_space<vmem>>
          %swap3A_291 = arith.index_cast %scan3A_219 : i32 to index
          %swap3A_292 = arith.index_cast %swap3A_283 : i32 to index
          %swap3A_293 = arith.index_cast %swap3A_284 : i32 to index
          %swap3A_294 = arith.index_cast %mul3A_282 : i32 to index
          %swap3A_295 = tpu.vector_load %swap3A_290[%swap3A_291, %swap3A_292, %swap3A_293, %swap3A_294] {strides = array<i32>} : memref<16x2x8x128xf32, #tpu.memory_space<vmem>>, vector<16xf32>,
          tpu.vector_store %swap3A_290[%swap3A_291, %swap3A_292, %swap3A_293, %swap3A_294], %gather3A_280 {strides = array<i32>} : memref<16x2x8x128xf32, #tpu.memory_space<vmem>>, vector<16xf32>,
          %add3A_296 = arith.constant 4 : i32
          %add3A_297 = arith.addi %mul3A_222, %add3A_296 : i32
          %broadcast_in_dim3A_298 = vector.broadcast %add3A_297 : i32 to vector<16xi32>
          %gather3A_299 = tpu.vector_load_idx %arg12[%broadcast_in_dim3A_298, %get3A_210] : memref<256x32xf32, #tpu.memory_space<vmem>>[vector<16xi32>, vector<16xi32>], vector<16xf32>,
          %mul3A_300 = arith.constant 16 : i32
          %mul3A_301 = arith.muli %scan3A_206, %mul3A_300 : i32
          %swap3A_302 = arith.constant 0 : i32
          %swap3A_303 = arith.constant 4 : i32
          %swap3A_304 = arith.constant 0 : i32
          %swap3A_305 = arith.constant 0 : i32
          %swap3A_306 = arith.constant 0 : i32
          %swap3A_307 = arith.constant 0 : i32
          %swap3A_308 = tpu.memref_slice %arg18[%scan3A_89, %swap3A_304, %swap3A_305, %swap3A_306, %swap3A_307] : memref<1x16x2x8x128xf32, #tpu.memory_space<vmem>> -> memref<1x16x2x8x128xf32, #tpu.memory_space<vmem>>
          %swap3A_309 = tpu.memref_squeeze %swap3A_308 : memref<1x16x2x8x128xf32, #tpu.memory_space<vmem>> -> memref<16x2x8x128xf32, #tpu.memory_space<vmem>>
          %swap3A_310 = arith.index_cast %scan3A_219 : i32 to index
          %swap3A_311 = arith.index_cast %swap3A_302 : i32 to index
          %swap3A_312 = arith.index_cast %swap3A_303 : i32 to index
          %swap3A_313 = arith.index_cast %mul3A_301 : i32 to index
          %swap3A_314 = tpu.vector_load %swap3A_309[%swap3A_310, %swap3A_311, %swap3A_312, %swap3A_313] {strides = array<i32>} : memref<16x2x8x128xf32, #tpu.memory_space<vmem>>, vector<16xf32>,
          tpu.vector_store %swap3A_309[%swap3A_310, %swap3A_311, %swap3A_312, %swap3A_313], %gather3A_299 {strides = array<i32>} : memref<16x2x8x128xf32, #tpu.memory_space<vmem>>, vector<16xf32>,
          %add3A_315 = arith.constant 5 : i32
          %add3A_316 = arith.addi %mul3A_222, %add3A_315 : i32
          %broadcast_in_dim3A_317 = vector.broadcast %add3A_316 : i32 to vector<16xi32>
          %gather3A_318 = tpu.vector_load_idx %arg12[%broadcast_in_dim3A_317, %get3A_210] : memref<256x32xf32, #tpu.memory_space<vmem>>[vector<16xi32>, vector<16xi32>], vector<16xf32>,
          %mul3A_319 = arith.constant 16 : i32
          %mul3A_320 = arith.muli %scan3A_206, %mul3A_319 : i32
          %swap3A_321 = arith.constant 0 : i32
          %swap3A_322 = arith.constant 5 : i32
          %swap3A_323 = arith.constant 0 : i32
          %swap3A_324 = arith.constant 0 : i32
          %swap3A_325 = arith.constant 0 : i32
          %swap3A_326 = arith.constant 0 : i32
          %swap3A_327 = tpu.memref_slice %arg18[%scan3A_89, %swap3A_323, %swap3A_324, %swap3A_325, %swap3A_326] : memref<1x16x2x8x128xf32, #tpu.memory_space<vmem>> -> memref<1x16x2x8x128xf32, #tpu.memory_space<vmem>>
          %swap3A_328 = tpu.memref_squeeze %swap3A_327 : memref<1x16x2x8x128xf32, #tpu.memory_space<vmem>> -> memref<16x2x8x128xf32, #tpu.memory_space<vmem>>
          %swap3A_329 = arith.index_cast %scan3A_219 : i32 to index
          %swap3A_330 = arith.index_cast %swap3A_321 : i32 to index
          %swap3A_331 = arith.index_cast %swap3A_322 : i32 to index
          %swap3A_332 = arith.index_cast %mul3A_320 : i32 to index
          %swap3A_333 = tpu.vector_load %swap3A_328[%swap3A_329, %swap3A_330, %swap3A_331, %swap3A_332] {strides = array<i32>} : memref<16x2x8x128xf32, #tpu.memory_space<vmem>>, vector<16xf32>,
          tpu.vector_store %swap3A_328[%swap3A_329, %swap3A_330, %swap3A_331, %swap3A_332], %gather3A_318 {strides = array<i32>} : memref<16x2x8x128xf32, #tpu.memory_space<vmem>>, vector<16xf32>,
          %add3A_334 = arith.constant 6 : i32
          %add3A_335 = arith.addi %mul3A_222, %add3A_334 : i32
          %broadcast_in_dim3A_336 = vector.broadcast %add3A_335 : i32 to vector<16xi32>
          %gather3A_337 = tpu.vector_load_idx %arg12[%broadcast_in_dim3A_336, %get3A_210] : memref<256x32xf32, #tpu.memory_space<vmem>>[vector<16xi32>, vector<16xi32>], vector<16xf32>,
          %mul3A_338 = arith.constant 16 : i32
          %mul3A_339 = arith.muli %scan3A_206, %mul3A_338 : i32
          %swap3A_340 = arith.constant 0 : i32
          %swap3A_341 = arith.constant 6 : i32
          %swap3A_342 = arith.constant 0 : i32
          %swap3A_343 = arith.constant 0 : i32
          %swap3A_344 = arith.constant 0 : i32
          %swap3A_345 = arith.constant 0 : i32
          %swap3A_346 = tpu.memref_slice %arg18[%scan3A_89, %swap3A_342, %swap3A_343, %swap3A_344, %swap3A_345] : memref<1x16x2x8x128xf32, #tpu.memory_space<vmem>> -> memref<1x16x2x8x128xf32, #tpu.memory_space<vmem>>
          %swap3A_347 = tpu.memref_squeeze %swap3A_346 : memref<1x16x2x8x128xf32, #tpu.memory_space<vmem>> -> memref<16x2x8x128xf32, #tpu.memory_space<vmem>>
          %swap3A_348 = arith.index_cast %scan3A_219 : i32 to index
          %swap3A_349 = arith.index_cast %swap3A_340 : i32 to index
          %swap3A_350 = arith.index_cast %swap3A_341 : i32 to index
          %swap3A_351 = arith.index_cast %mul3A_339 : i32 to index
          %swap3A_352 = tpu.vector_load %swap3A_347[%swap3A_348, %swap3A_349, %swap3A_350, %swap3A_351] {strides = array<i32>} : memref<16x2x8x128xf32, #tpu.memory_space<vmem>>, vector<16xf32>,
          tpu.vector_store %swap3A_347[%swap3A_348, %swap3A_349, %swap3A_350, %swap3A_351], %gather3A_337 {strides = array<i32>} : memref<16x2x8x128xf32, #tpu.memory_space<vmem>>, vector<16xf32>,
          %add3A_353 = arith.constant 7 : i32
          %add3A_354 = arith.addi %mul3A_222, %add3A_353 : i32
          %broadcast_in_dim3A_355 = vector.broadcast %add3A_354 : i32 to vector<16xi32>
          %gather3A_356 = tpu.vector_load_idx %arg12[%broadcast_in_dim3A_355, %get3A_210] : memref<256x32xf32, #tpu.memory_space<vmem>>[vector<16xi32>, vector<16xi32>], vector<16xf32>,
          %mul3A_357 = arith.constant 16 : i32
          %mul3A_358 = arith.muli %scan3A_206, %mul3A_357 : i32
          %swap3A_359 = arith.constant 0 : i32
          %swap3A_360 = arith.constant 7 : i32
          %swap3A_361 = arith.constant 0 : i32
          %swap3A_362 = arith.constant 0 : i32
          %swap3A_363 = arith.constant 0 : i32
          %swap3A_364 = arith.constant 0 : i32
          %swap3A_365 = tpu.memref_slice %arg18[%scan3A_89, %swap3A_361, %swap3A_362, %swap3A_363, %swap3A_364] : memref<1x16x2x8x128xf32, #tpu.memory_space<vmem>> -> memref<1x16x2x8x128xf32, #tpu.memory_space<vmem>>
          %swap3A_366 = tpu.memref_squeeze %swap3A_365 : memref<1x16x2x8x128xf32, #tpu.memory_space<vmem>> -> memref<16x2x8x128xf32, #tpu.memory_space<vmem>>
          %swap3A_367 = arith.index_cast %scan3A_219 : i32 to index
          %swap3A_368 = arith.index_cast %swap3A_359 : i32 to index
          %swap3A_369 = arith.index_cast %swap3A_360 : i32 to index
          %swap3A_370 = arith.index_cast %mul3A_358 : i32 to index
          %swap3A_371 = tpu.vector_load %swap3A_366[%swap3A_367, %swap3A_368, %swap3A_369, %swap3A_370] {strides = array<i32>} : memref<16x2x8x128xf32, #tpu.memory_space<vmem>>, vector<16xf32>,
          tpu.vector_store %swap3A_366[%swap3A_367, %swap3A_368, %swap3A_369, %swap3A_370], %gather3A_356 {strides = array<i32>} : memref<16x2x8x128xf32, #tpu.memory_space<vmem>>, vector<16xf32>,
          %add3A_372 = arith.constant 8 : i32
          %add3A_373 = arith.addi %mul3A_222, %add3A_372 : i32
          %broadcast_in_dim3A_374 = vector.broadcast %add3A_373 : i32 to vector<16xi32>
          %gather3A_375 = tpu.vector_load_idx %arg12[%broadcast_in_dim3A_374, %get3A_210] : memref<256x32xf32, #tpu.memory_space<vmem>>[vector<16xi32>, vector<16xi32>], vector<16xf32>,
          %mul3A_376 = arith.constant 16 : i32
          %mul3A_377 = arith.muli %scan3A_206, %mul3A_376 : i32
          %swap3A_378 = arith.constant 1 : i32
          %swap3A_379 = arith.constant 0 : i32
          %swap3A_380 = arith.constant 0 : i32
          %swap3A_381 = arith.constant 0 : i32
          %swap3A_382 = arith.constant 0 : i32
          %swap3A_383 = arith.constant 0 : i32
          %swap3A_384 = tpu.memref_slice %arg18[%scan3A_89, %swap3A_380, %swap3A_381, %swap3A_382, %swap3A_383] : memref<1x16x2x8x128xf32, #tpu.memory_space<vmem>> -> memref<1x16x2x8x128xf32, #tpu.memory_space<vmem>>
          %swap3A_385 = tpu.memref_squeeze %swap3A_384 : memref<1x16x2x8x128xf32, #tpu.memory_space<vmem>> -> memref<16x2x8x128xf32, #tpu.memory_space<vmem>>
          %swap3A_386 = arith.index_cast %scan3A_219 : i32 to index
          %swap3A_387 = arith.index_cast %swap3A_378 : i32 to index
          %swap3A_388 = arith.index_cast %swap3A_379 : i32 to index
          %swap3A_389 = arith.index_cast %mul3A_377 : i32 to index
          %swap3A_390 = tpu.vector_load %swap3A_385[%swap3A_386, %swap3A_387, %swap3A_388, %swap3A_389] {strides = array<i32>} : memref<16x2x8x128xf32, #tpu.memory_space<vmem>>, vector<16xf32>,
          tpu.vector_store %swap3A_385[%swap3A_386, %swap3A_387, %swap3A_388, %swap3A_389], %gather3A_375 {strides = array<i32>} : memref<16x2x8x128xf32, #tpu.memory_space<vmem>>, vector<16xf32>,
          %add3A_391 = arith.constant 9 : i32
          %add3A_392 = arith.addi %mul3A_222, %add3A_391 : i32
          %broadcast_in_dim3A_393 = vector.broadcast %add3A_392 : i32 to vector<16xi32>
          %gather3A_394 = tpu.vector_load_idx %arg12[%broadcast_in_dim3A_393, %get3A_210] : memref<256x32xf32, #tpu.memory_space<vmem>>[vector<16xi32>, vector<16xi32>], vector<16xf32>,
          %mul3A_395 = arith.constant 16 : i32
          %mul3A_396 = arith.muli %scan3A_206, %mul3A_395 : i32
          %swap3A_397 = arith.constant 1 : i32
          %swap3A_398 = arith.constant 1 : i32
          %swap3A_399 = arith.constant 0 : i32
          %swap3A_400 = arith.constant 0 : i32
          %swap3A_401 = arith.constant 0 : i32
          %swap3A_402 = arith.constant 0 : i32
          %swap3A_403 = tpu.memref_slice %arg18[%scan3A_89, %swap3A_399, %swap3A_400, %swap3A_401, %swap3A_402] : memref<1x16x2x8x128xf32, #tpu.memory_space<vmem>> -> memref<1x16x2x8x128xf32, #tpu.memory_space<vmem>>
          %swap3A_404 = tpu.memref_squeeze %swap3A_403 : memref<1x16x2x8x128xf32, #tpu.memory_space<vmem>> -> memref<16x2x8x128xf32, #tpu.memory_space<vmem>>
          %swap3A_405 = arith.index_cast %scan3A_219 : i32 to index
          %swap3A_406 = arith.index_cast %swap3A_397 : i32 to index
          %swap3A_407 = arith.index_cast %swap3A_398 : i32 to index
          %swap3A_408 = arith.index_cast %mul3A_396 : i32 to index
          %swap3A_409 = tpu.vector_load %swap3A_404[%swap3A_405, %swap3A_406, %swap3A_407, %swap3A_408] {strides = array<i32>} : memref<16x2x8x128xf32, #tpu.memory_space<vmem>>, vector<16xf32>,
          tpu.vector_store %swap3A_404[%swap3A_405, %swap3A_406, %swap3A_407, %swap3A_408], %gather3A_394 {strides = array<i32>} : memref<16x2x8x128xf32, #tpu.memory_space<vmem>>, vector<16xf32>,
          %add3A_410 = arith.constant 10 : i32
          %add3A_411 = arith.addi %mul3A_222, %add3A_410 : i32
          %broadcast_in_dim3A_412 = vector.broadcast %add3A_411 : i32 to vector<16xi32>
          %gather3A_413 = tpu.vector_load_idx %arg12[%broadcast_in_dim3A_412, %get3A_210] : memref<256x32xf32, #tpu.memory_space<vmem>>[vector<16xi32>, vector<16xi32>], vector<16xf32>,
          %mul3A_414 = arith.constant 16 : i32
          %mul3A_415 = arith.muli %scan3A_206, %mul3A_414 : i32
          %swap3A_416 = arith.constant 1 : i32
          %swap3A_417 = arith.constant 2 : i32
          %swap3A_418 = arith.constant 0 : i32
          %swap3A_419 = arith.constant 0 : i32
          %swap3A_420 = arith.constant 0 : i32
          %swap3A_421 = arith.constant 0 : i32
          %swap3A_422 = tpu.memref_slice %arg18[%scan3A_89, %swap3A_418, %swap3A_419, %swap3A_420, %swap3A_421] : memref<1x16x2x8x128xf32, #tpu.memory_space<vmem>> -> memref<1x16x2x8x128xf32, #tpu.memory_space<vmem>>
          %swap3A_423 = tpu.memref_squeeze %swap3A_422 : memref<1x16x2x8x128xf32, #tpu.memory_space<vmem>> -> memref<16x2x8x128xf32, #tpu.memory_space<vmem>>
          %swap3A_424 = arith.index_cast %scan3A_219 : i32 to index
          %swap3A_425 = arith.index_cast %swap3A_416 : i32 to index
          %swap3A_426 = arith.index_cast %swap3A_417 : i32 to index
          %swap3A_427 = arith.index_cast %mul3A_415 : i32 to index
          %swap3A_428 = tpu.vector_load %swap3A_423[%swap3A_424, %swap3A_425, %swap3A_426, %swap3A_427] {strides = array<i32>} : memref<16x2x8x128xf32, #tpu.memory_space<vmem>>, vector<16xf32>,
          tpu.vector_store %swap3A_423[%swap3A_424, %swap3A_425, %swap3A_426, %swap3A_427], %gather3A_413 {strides = array<i32>} : memref<16x2x8x128xf32, #tpu.memory_space<vmem>>, vector<16xf32>,
          %add3A_429 = arith.constant 11 : i32
          %add3A_430 = arith.addi %mul3A_222, %add3A_429 : i32
          %broadcast_in_dim3A_431 = vector.broadcast %add3A_430 : i32 to vector<16xi32>
          %gather3A_432 = tpu.vector_load_idx %arg12[%broadcast_in_dim3A_431, %get3A_210] : memref<256x32xf32, #tpu.memory_space<vmem>>[vector<16xi32>, vector<16xi32>], vector<16xf32>,
          %mul3A_433 = arith.constant 16 : i32
          %mul3A_434 = arith.muli %scan3A_206, %mul3A_433 : i32
          %swap3A_435 = arith.constant 1 : i32
          %swap3A_436 = arith.constant 3 : i32
          %swap3A_437 = arith.constant 0 : i32
          %swap3A_438 = arith.constant 0 : i32
          %swap3A_439 = arith.constant 0 : i32
          %swap3A_440 = arith.constant 0 : i32
          %swap3A_441 = tpu.memref_slice %arg18[%scan3A_89, %swap3A_437, %swap3A_438, %swap3A_439, %swap3A_440] : memref<1x16x2x8x128xf32, #tpu.memory_space<vmem>> -> memref<1x16x2x8x128xf32, #tpu.memory_space<vmem>>
          %swap3A_442 = tpu.memref_squeeze %swap3A_441 : memref<1x16x2x8x128xf32, #tpu.memory_space<vmem>> -> memref<16x2x8x128xf32, #tpu.memory_space<vmem>>
          %swap3A_443 = arith.index_cast %scan3A_219 : i32 to index
          %swap3A_444 = arith.index_cast %swap3A_435 : i32 to index
          %swap3A_445 = arith.index_cast %swap3A_436 : i32 to index
          %swap3A_446 = arith.index_cast %mul3A_434 : i32 to index
          %swap3A_447 = tpu.vector_load %swap3A_442[%swap3A_443, %swap3A_444, %swap3A_445, %swap3A_446] {strides = array<i32>} : memref<16x2x8x128xf32, #tpu.memory_space<vmem>>, vector<16xf32>,
          tpu.vector_store %swap3A_442[%swap3A_443, %swap3A_444, %swap3A_445, %swap3A_446], %gather3A_432 {strides = array<i32>} : memref<16x2x8x128xf32, #tpu.memory_space<vmem>>, vector<16xf32>,
          %add3A_448 = arith.constant 12 : i32
          %add3A_449 = arith.addi %mul3A_222, %add3A_448 : i32
          %broadcast_in_dim3A_450 = vector.broadcast %add3A_449 : i32 to vector<16xi32>
          %gather3A_451 = tpu.vector_load_idx %arg12[%broadcast_in_dim3A_450, %get3A_210] : memref<256x32xf32, #tpu.memory_space<vmem>>[vector<16xi32>, vector<16xi32>], vector<16xf32>,
          %mul3A_452 = arith.constant 16 : i32
          %mul3A_453 = arith.muli %scan3A_206, %mul3A_452 : i32
          %swap3A_454 = arith.constant 1 : i32
          %swap3A_455 = arith.constant 4 : i32
          %swap3A_456 = arith.constant 0 : i32
          %swap3A_457 = arith.constant 0 : i32
          %swap3A_458 = arith.constant 0 : i32
          %swap3A_459 = arith.constant 0 : i32
          %swap3A_460 = tpu.memref_slice %arg18[%scan3A_89, %swap3A_456, %swap3A_457, %swap3A_458, %swap3A_459] : memref<1x16x2x8x128xf32, #tpu.memory_space<vmem>> -> memref<1x16x2x8x128xf32, #tpu.memory_space<vmem>>
          %swap3A_461 = tpu.memref_squeeze %swap3A_460 : memref<1x16x2x8x128xf32, #tpu.memory_space<vmem>> -> memref<16x2x8x128xf32, #tpu.memory_space<vmem>>
          %swap3A_462 = arith.index_cast %scan3A_219 : i32 to index
          %swap3A_463 = arith.index_cast %swap3A_454 : i32 to index
          %swap3A_464 = arith.index_cast %swap3A_455 : i32 to index
          %swap3A_465 = arith.index_cast %mul3A_453 : i32 to index
          %swap3A_466 = tpu.vector_load %swap3A_461[%swap3A_462, %swap3A_463, %swap3A_464, %swap3A_465] {strides = array<i32>} : memref<16x2x8x128xf32, #tpu.memory_space<vmem>>, vector<16xf32>,
          tpu.vector_store %swap3A_461[%swap3A_462, %swap3A_463, %swap3A_464, %swap3A_465], %gather3A_451 {strides = array<i32>} : memref<16x2x8x128xf32, #tpu.memory_space<vmem>>, vector<16xf32>,
          %add3A_467 = arith.constant 13 : i32
          %add3A_468 = arith.addi %mul3A_222, %add3A_467 : i32
          %broadcast_in_dim3A_469 = vector.broadcast %add3A_468 : i32 to vector<16xi32>
          %gather3A_470 = tpu.vector_load_idx %arg12[%broadcast_in_dim3A_469, %get3A_210] : memref<256x32xf32, #tpu.memory_space<vmem>>[vector<16xi32>, vector<16xi32>], vector<16xf32>,
          %mul3A_471 = arith.constant 16 : i32
          %mul3A_472 = arith.muli %scan3A_206, %mul3A_471 : i32
          %swap3A_473 = arith.constant 1 : i32
          %swap3A_474 = arith.constant 5 : i32
          %swap3A_475 = arith.constant 0 : i32
          %swap3A_476 = arith.constant 0 : i32
          %swap3A_477 = arith.constant 0 : i32
          %swap3A_478 = arith.constant 0 : i32
          %swap3A_479 = tpu.memref_slice %arg18[%scan3A_89, %swap3A_475, %swap3A_476, %swap3A_477, %swap3A_478] : memref<1x16x2x8x128xf32, #tpu.memory_space<vmem>> -> memref<1x16x2x8x128xf32, #tpu.memory_space<vmem>>
          %swap3A_480 = tpu.memref_squeeze %swap3A_479 : memref<1x16x2x8x128xf32, #tpu.memory_space<vmem>> -> memref<16x2x8x128xf32, #tpu.memory_space<vmem>>
          %swap3A_481 = arith.index_cast %scan3A_219 : i32 to index
          %swap3A_482 = arith.index_cast %swap3A_473 : i32 to index
          %swap3A_483 = arith.index_cast %swap3A_474 : i32 to index
          %swap3A_484 = arith.index_cast %mul3A_472 : i32 to index
          %swap3A_485 = tpu.vector_load %swap3A_480[%swap3A_481, %swap3A_482, %swap3A_483, %swap3A_484] {strides = array<i32>} : memref<16x2x8x128xf32, #tpu.memory_space<vmem>>, vector<16xf32>,
          tpu.vector_store %swap3A_480[%swap3A_481, %swap3A_482, %swap3A_483, %swap3A_484], %gather3A_470 {strides = array<i32>} : memref<16x2x8x128xf32, #tpu.memory_space<vmem>>, vector<16xf32>,
          %add3A_486 = arith.constant 14 : i32
          %add3A_487 = arith.addi %mul3A_222, %add3A_486 : i32
          %broadcast_in_dim3A_488 = vector.broadcast %add3A_487 : i32 to vector<16xi32>
          %gather3A_489 = tpu.vector_load_idx %arg12[%broadcast_in_dim3A_488, %get3A_210] : memref<256x32xf32, #tpu.memory_space<vmem>>[vector<16xi32>, vector<16xi32>], vector<16xf32>,
          %mul3A_490 = arith.constant 16 : i32
          %mul3A_491 = arith.muli %scan3A_206, %mul3A_490 : i32
          %swap3A_492 = arith.constant 1 : i32
          %swap3A_493 = arith.constant 6 : i32
          %swap3A_494 = arith.constant 0 : i32
          %swap3A_495 = arith.constant 0 : i32
          %swap3A_496 = arith.constant 0 : i32
          %swap3A_497 = arith.constant 0 : i32
          %swap3A_498 = tpu.memref_slice %arg18[%scan3A_89, %swap3A_494, %swap3A_495, %swap3A_496, %swap3A_497] : memref<1x16x2x8x128xf32, #tpu.memory_space<vmem>> -> memref<1x16x2x8x128xf32, #tpu.memory_space<vmem>>
          %swap3A_499 = tpu.memref_squeeze %swap3A_498 : memref<1x16x2x8x128xf32, #tpu.memory_space<vmem>> -> memref<16x2x8x128xf32, #tpu.memory_space<vmem>>
          %swap3A_500 = arith.index_cast %scan3A_219 : i32 to index
          %swap3A_501 = arith.index_cast %swap3A_492 : i32 to index
          %swap3A_502 = arith.index_cast %swap3A_493 : i32 to index
          %swap3A_503 = arith.index_cast %mul3A_491 : i32 to index
          %swap3A_504 = tpu.vector_load %swap3A_499[%swap3A_500, %swap3A_501, %swap3A_502, %swap3A_503] {strides = array<i32>} : memref<16x2x8x128xf32, #tpu.memory_space<vmem>>, vector<16xf32>,
          tpu.vector_store %swap3A_499[%swap3A_500, %swap3A_501, %swap3A_502, %swap3A_503], %gather3A_489 {strides = array<i32>} : memref<16x2x8x128xf32, #tpu.memory_space<vmem>>, vector<16xf32>,
          %add3A_505 = arith.constant 15 : i32
          %add3A_506 = arith.addi %mul3A_222, %add3A_505 : i32
          %broadcast_in_dim3A_507 = vector.broadcast %add3A_506 : i32 to vector<16xi32>
          %gather3A_508 = tpu.vector_load_idx %arg12[%broadcast_in_dim3A_507, %get3A_210] : memref<256x32xf32, #tpu.memory_space<vmem>>[vector<16xi32>, vector<16xi32>], vector<16xf32>,
          %mul3A_509 = arith.constant 16 : i32
          %mul3A_510 = arith.muli %scan3A_206, %mul3A_509 : i32
          %swap3A_511 = arith.constant 1 : i32
          %swap3A_512 = arith.constant 7 : i32
          %swap3A_513 = arith.constant 0 : i32
          %swap3A_514 = arith.constant 0 : i32
          %swap3A_515 = arith.constant 0 : i32
          %swap3A_516 = arith.constant 0 : i32
          %swap3A_517 = tpu.memref_slice %arg18[%scan3A_89, %swap3A_513, %swap3A_514, %swap3A_515, %swap3A_516] : memref<1x16x2x8x128xf32, #tpu.memory_space<vmem>> -> memref<1x16x2x8x128xf32, #tpu.memory_space<vmem>>
          %swap3A_518 = tpu.memref_squeeze %swap3A_517 : memref<1x16x2x8x128xf32, #tpu.memory_space<vmem>> -> memref<16x2x8x128xf32, #tpu.memory_space<vmem>>
          %swap3A_519 = arith.index_cast %scan3A_219 : i32 to index
          %swap3A_520 = arith.index_cast %swap3A_511 : i32 to index
          %swap3A_521 = arith.index_cast %swap3A_512 : i32 to index
          %swap3A_522 = arith.index_cast %mul3A_510 : i32 to index
          %swap3A_523 = tpu.vector_load %swap3A_518[%swap3A_519, %swap3A_520, %swap3A_521, %swap3A_522] {strides = array<i32>} : memref<16x2x8x128xf32, #tpu.memory_space<vmem>>, vector<16xf32>,
          tpu.vector_store %swap3A_518[%swap3A_519, %swap3A_520, %swap3A_521, %swap3A_522], %gather3A_508 {strides = array<i32>} : memref<16x2x8x128xf32, #tpu.memory_space<vmem>>, vector<16xf32>,
          %scan3A_524 = arith.constant 0 : i32
          scf.yield %scan3A_524 : i32
        }
        %scan3A_217 = arith.constant 16 : i32
        %scan3A_218 = arith.constant 0 : i32
        scf.yield %scan3A_218 : i32
      }
      %scan3A_155 = arith.constant 8 : i32
      %dma_start3A = arith.constant 0 : i32
      %dma_start3A_156 = arith.constant 0 : i32
      %dma_start3A_157 = arith.constant 0 : i32
      %dma_start3A_158 = arith.constant 0 : i32
      %dma_start3A_159 = tpu.memref_slice %arg18[%scan3A_89, %dma_start3A, %dma_start3A_156, %dma_start3A_157, %dma_start3A_158] : memref<1x16x2x8x128xf32, #tpu.memory_space<vmem>> -> memref<1x16x2x8x128xf32, #tpu.memory_space<vmem>>
      %dma_start3A_160 = tpu.memref_squeeze %dma_start3A_159 : memref<1x16x2x8x128xf32, #tpu.memory_space<vmem>> -> memref<16x2x8x128xf32, #tpu.memory_space<vmem>>
      %dma_start3A_161 = arith.constant 0 : i32
      %dma_start3A_162 = arith.constant 0 : i32
      %dma_start3A_163 = arith.constant 0 : i32
      %dma_start3A_164 = arith.constant 0 : i32
      %dma_start3A_165 = tpu.memref_slice %arg9[%add3A_74, %dma_start3A_161, %dma_start3A_162, %add3A_148, %dma_start3A_163, %dma_start3A_164] : memref<64x16x2x8x8x128xf32, #tpu.memory_space<hbm>> -> memref<1x16x2x1x8x128xf32, #tpu.memory_space<hbm>>
      %dma_start3A_166 = tpu.memref_squeeze %dma_start3A_165 : memref<1x16x2x1x8x128xf32, #tpu.memory_space<hbm>> -> memref<16x2x8x128xf32, #tpu.memory_space<hbm>>
      %dma_start3A_167 = arith.constant 0 : i32
      %dma_start3A_168 = arith.constant 0 : i32
      %dma_start3A_169 = arith.constant 0 : i32
      %dma_start3A_170 = arith.constant 0 : i32
      %dma_start3A_171 = tpu.memref_slice %arg9[%add3A_74, %dma_start3A_167, %dma_start3A_168, %add3A_148, %dma_start3A_169, %dma_start3A_170] : memref<64x16x2x8x8x128xf32, #tpu.memory_space<hbm>> -> memref<1x16x2x1x8x128xf32, #tpu.memory_space<hbm>>
      %dma_start3A_172 = tpu.memref_squeeze %dma_start3A_171 : memref<1x16x2x1x8x128xf32, #tpu.memory_space<hbm>> -> memref<16x2x8x128xf32, #tpu.memory_space<hbm>>
      %dma_start3A_173 = arith.constant 0 : i32
      %dma_start3A_174 = arith.constant 0 : i32
      %dma_start3A_175 = arith.constant 0 : i32
      %dma_start3A_176 = arith.constant 0 : i32
      %dma_start3A_177 = tpu.memref_slice %arg18[%scan3A_89, %dma_start3A_173, %dma_start3A_174, %dma_start3A_175, %dma_start3A_176] : memref<1x16x2x8x128xf32, #tpu.memory_space<vmem>> -> memref<1x16x2x8x128xf32, #tpu.memory_space<vmem>>
      %dma_start3A_178 = tpu.memref_squeeze %dma_start3A_177 : memref<1x16x2x8x128xf32, #tpu.memory_space<vmem>> -> memref<16x2x8x128xf32, #tpu.memory_space<vmem>>
      tpu.enqueue_dma source(%dma_start3A_178 : memref<16x2x8x128xf32, #tpu.memory_space<vmem>>) target(%dma_start3A_172 : memref<16x2x8x128xf32, #tpu.memory_space<hbm>>) target_semaphore(%arg21 : memref<!tpu.dma_semaphore, #tpu.memory_space<semaphore_mem>>)
      %dma_wait3A_179 = arith.constant 0 : i32
      %dma_wait3A_180 = arith.constant 0 : i32
      %dma_wait3A_181 = arith.constant 0 : i32
      %dma_wait3A_182 = arith.constant 0 : i32
      %dma_wait3A_183 = arith.constant 0 : i32
      %dma_wait3A_184 = arith.constant 0 : i32
      %dma_wait3A_185 = tpu.memref_slice %arg18[%scan3A_89, %dma_wait3A_181, %dma_wait3A_182, %dma_wait3A_183, %dma_wait3A_184] : memref<1x16x2x8x128xf32, #tpu.memory_space<vmem>> -> memref<1x16x2x8x128xf32, #tpu.memory_space<vmem>>
      %dma_wait3A_186 = tpu.memref_squeeze %dma_wait3A_185 : memref<1x16x2x8x128xf32, #tpu.memory_space<vmem>> -> memref<16x2x8x128xf32, #tpu.memory_space<vmem>>
      %dma_wait3A_187 = arith.constant 0 : i32
      %dma_wait3A_188 = arith.constant 0 : i32
      %dma_wait3A_189 = arith.constant 0 : i32
      %dma_wait3A_190 = arith.constant 0 : i32
      %dma_wait3A_191 = tpu.memref_slice %arg9[%dma_wait3A_179, %dma_wait3A_187, %dma_wait3A_188, %dma_wait3A_180, %dma_wait3A_189, %dma_wait3A_190] : memref<64x16x2x8x8x128xf32, #tpu.memory_space<hbm>> -> memref<1x16x2x1x8x128xf32, #tpu.memory_space<hbm>>
      %dma_wait3A_192 = tpu.memref_squeeze %dma_wait3A_191 : memref<1x16x2x1x8x128xf32, #tpu.memory_space<hbm>> -> memref<16x2x8x128xf32, #tpu.memory_space<hbm>>
      %dma_wait3A_193 = arith.constant 0 : i32
      %dma_wait3A_194 = arith.constant 0 : i32
      %dma_wait3A_195 = arith.constant 0 : i32
      %dma_wait3A_196 = arith.constant 0 : i32
      %dma_wait3A_197 = tpu.memref_slice %arg18[%scan3A_89, %dma_wait3A_193, %dma_wait3A_194, %dma_wait3A_195, %dma_wait3A_196] : memref<1x16x2x8x128xf32, #tpu.memory_space<vmem>> -> memref<1x16x2x8x128xf32, #tpu.memory_space<vmem>>
      %dma_wait3A_198 = tpu.memref_squeeze %dma_wait3A_197 : memref<1x16x2x8x128xf32, #tpu.memory_space<vmem>> -> memref<16x2x8x128xf32, #tpu.memory_space<vmem>>
      %dma_wait3A_199 = arith.constant 0 : i32
      %dma_wait3A_200 = arith.constant 0 : i32
      %dma_wait3A_201 = arith.constant 0 : i32
      %dma_wait3A_202 = arith.constant 0 : i32
      %dma_wait3A_203 = tpu.memref_slice %arg9[%dma_wait3A_179, %dma_wait3A_199, %dma_wait3A_200, %dma_wait3A_180, %dma_wait3A_201, %dma_wait3A_202] : memref<64x16x2x8x8x128xf32, #tpu.memory_space<hbm>> -> memref<1x16x2x1x8x128xf32, #tpu.memory_space<hbm>>
      %dma_wait3A_204 = tpu.memref_squeeze %dma_wait3A_203 : memref<1x16x2x1x8x128xf32, #tpu.memory_space<hbm>> -> memref<16x2x8x128xf32, #tpu.memory_space<hbm>>
      tpu.wait_dma2 semaphore(%arg21 : memref<!tpu.dma_semaphore, #tpu.memory_space<semaphore_mem>>) src(%dma_wait3A_204 : memref<16x2x8x128xf32, #tpu.memory_space<hbm>>) dst(%dma_wait3A_198 : memref<16x2x8x128xf32, #tpu.memory_space<vmem>>)
      %scan3A_205 = arith.constant 0 : i32
      scf.yield %scan3A_205 : i32
    }
    %scan3A_96 = arith.constant 4 : i32
    %dma_wait3A_97 = arith.constant 0 : i32
    %dma_wait3A_98 = arith.constant 0 : i32
    %dma_wait3A_99 = arith.constant 0 : i32
    %dma_wait3A_100 = arith.constant 0 : i32
    %dma_wait3A_101 = tpu.memref_slice %arg8[%add3A_74, %dma_wait3A_97, %dma_wait3A_98, %dma_wait3A_99, %dma_wait3A_100] : memref<64x2x8x8x128xf32, #tpu.memory_space<hbm>> -> memref<1x2x8x8x128xf32, #tpu.memory_space<hbm>>
    %dma_wait3A_102 = tpu.memref_squeeze %dma_wait3A_101 : memref<1x2x8x8x128xf32, #tpu.memory_space<hbm>> -> memref<2x8x8x128xf32, #tpu.memory_space<hbm>>
    %dma_wait3A_103 = arith.constant 0 : i32
    %dma_wait3A_104 = arith.constant 0 : i32
    %dma_wait3A_105 = arith.constant 0 : i32
    %dma_wait3A_106 = arith.constant 0 : i32
    %dma_wait3A_107 = tpu.memref_slice %arg8[%add3A_74, %dma_wait3A_103, %dma_wait3A_104, %dma_wait3A_105, %dma_wait3A_106] : memref<64x2x8x8x128xf32, #tpu.memory_space<hbm>> -> memref<1x2x8x8x128xf32, #tpu.memory_space<hbm>>
    %dma_wait3A_108 = tpu.memref_squeeze %dma_wait3A_107 : memref<1x2x8x8x128xf32, #tpu.memory_space<hbm>> -> memref<2x8x8x128xf32, #tpu.memory_space<hbm>>
    tpu.wait_dma2 semaphore(%arg19 : memref<!tpu.dma_semaphore, #tpu.memory_space<semaphore_mem>>) src(%dma_wait3A_108 : memref<2x8x8x128xf32, #tpu.memory_space<hbm>>) dst(%arg15 : memref<2x8x8x128xf32, #tpu.memory_space<vmem>>)
    "tpu.region"() ({
      %run_scoped3A = tpu.sem_alloc : memref<!tpu.dma_semaphore, #tpu.memory_space<semaphore_mem>>
      %dma_start3A = arith.constant 0 : i32
      %dma_start3A_145 = arith.constant 0 : i32
      %dma_start3A_146 = arith.constant 0 : i32
      %dma_start3A_147 = arith.constant 0 : i32
      %dma_start3A_148 = tpu.memref_slice %arg8[%add3A_74, %dma_start3A, %dma_start3A_145, %dma_start3A_146, %dma_start3A_147] : memref<64x2x8x8x128xf32, #tpu.memory_space<hbm>> -> memref<1x2x8x8x128xf32, #tpu.memory_space<hbm>>
      %dma_start3A_149 = tpu.memref_squeeze %dma_start3A_148 : memref<1x2x8x8x128xf32, #tpu.memory_space<hbm>> -> memref<2x8x8x128xf32, #tpu.memory_space<hbm>>
      %dma_start3A_150 = arith.constant 0 : i32
      %dma_start3A_151 = arith.constant 0 : i32
      %dma_start3A_152 = arith.constant 0 : i32
      %dma_start3A_153 = arith.constant 0 : i32
      %dma_start3A_154 = tpu.memref_slice %arg8[%add3A_74, %dma_start3A_150, %dma_start3A_151, %dma_start3A_152, %dma_start3A_153] : memref<64x2x8x8x128xf32, #tpu.memory_space<hbm>> -> memref<1x2x8x8x128xf32, #tpu.memory_space<hbm>>
      %dma_start3A_155 = tpu.memref_squeeze %dma_start3A_154 : memref<1x2x8x8x128xf32, #tpu.memory_space<hbm>> -> memref<2x8x8x128xf32, #tpu.memory_space<hbm>>
      tpu.enqueue_dma source(%arg15 : memref<2x8x8x128xf32, #tpu.memory_space<vmem>>) target(%dma_start3A_155 : memref<2x8x8x128xf32, #tpu.memory_space<hbm>>) target_semaphore(%run_scoped3A : memref<!tpu.dma_semaphore, #tpu.memory_space<semaphore_mem>>)
      %dma_wait3A_156 = arith.constant 0 : i32
      %dma_wait3A_157 = arith.constant 0 : i32
      %dma_wait3A_158 = arith.constant 0 : i32
      %dma_wait3A_159 = arith.constant 0 : i32
      %dma_wait3A_160 = tpu.memref_slice %arg8[%add3A_74, %dma_wait3A_156, %dma_wait3A_157, %dma_wait3A_158, %dma_wait3A_159] : memref<64x2x8x8x128xf32, #tpu.memory_space<hbm>> -> memref<1x2x8x8x128xf32, #tpu.memory_space<hbm>>
      %dma_wait3A_161 = tpu.memref_squeeze %dma_wait3A_160 : memref<1x2x8x8x128xf32, #tpu.memory_space<hbm>> -> memref<2x8x8x128xf32, #tpu.memory_space<hbm>>
      %dma_wait3A_162 = arith.constant 0 : i32
      %dma_wait3A_163 = arith.constant 0 : i32
      %dma_wait3A_164 = arith.constant 0 : i32
      %dma_wait3A_165 = arith.constant 0 : i32
      %dma_wait3A_166 = tpu.memref_slice %arg8[%add3A_74, %dma_wait3A_162, %dma_wait3A_163, %dma_wait3A_164, %dma_wait3A_165] : memref<64x2x8x8x128xf32, #tpu.memory_space<hbm>> -> memref<1x2x8x8x128xf32, #tpu.memory_space<hbm>>
      %dma_wait3A_167 = tpu.memref_squeeze %dma_wait3A_166 : memref<1x2x8x8x128xf32, #tpu.memory_space<hbm>> -> memref<2x8x8x128xf32, #tpu.memory_space<hbm>>
      tpu.wait_dma2 semaphore(%run_scoped3A : memref<!tpu.dma_semaphore, #tpu.memory_space<semaphore_mem>>) src(%arg15 : memref<2x8x8x128xf32, #tpu.memory_space<vmem>>) dst(%dma_wait3A_167 : memref<2x8x8x128xf32, #tpu.memory_space<hbm>>)
      tpu.yield
    }) : () -> ()
    "tpu.region"() ({
      %run_scoped3A = tpu.sem_alloc : memref<!tpu.dma_semaphore, #tpu.memory_space<semaphore_mem>>
      %dma_start3A = arith.constant 0 : i32
      %dma_start3A_145 = arith.constant 0 : i32
      %dma_start3A_146 = tpu.memref_slice %arg6[%add3A_74, %dma_start3A, %dma_start3A_145] : memref<64x8x128xi32, #tpu.memory_space<hbm>> -> memref<1x8x128xi32, #tpu.memory_space<hbm>>
      %dma_start3A_147 = tpu.memref_squeeze %dma_start3A_146 : memref<1x8x128xi32, #tpu.memory_space<hbm>> -> memref<8x128xi32, #tpu.memory_space<hbm>>
      %dma_start3A_148 = arith.constant 0 : i32
      %dma_start3A_149 = arith.constant 0 : i32
      %dma_start3A_150 = tpu.memref_slice %arg6[%add3A_74, %dma_start3A_148, %dma_start3A_149] : memref<64x8x128xi32, #tpu.memory_space<hbm>> -> memref<1x8x128xi32, #tpu.memory_space<hbm>>
      %dma_start3A_151 = tpu.memref_squeeze %dma_start3A_150 : memref<1x8x128xi32, #tpu.memory_space<hbm>> -> memref<8x128xi32, #tpu.memory_space<hbm>>
      tpu.enqueue_dma source(%dma_start3A_151 : memref<8x128xi32, #tpu.memory_space<hbm>>) target(%arg13 : memref<8x128xi32, #tpu.memory_space<vmem>>) target_semaphore(%run_scoped3A : memref<!tpu.dma_semaphore, #tpu.memory_space<semaphore_mem>>)
      %dma_wait3A_152 = arith.constant 0 : i32
      %dma_wait3A_153 = arith.constant 0 : i32
      %dma_wait3A_154 = tpu.memref_slice %arg6[%add3A_74, %dma_wait3A_152, %dma_wait3A_153] : memref<64x8x128xi32, #tpu.memory_space<hbm>> -> memref<1x8x128xi32, #tpu.memory_space<hbm>>
      %dma_wait3A_155 = tpu.memref_squeeze %dma_wait3A_154 : memref<1x8x128xi32, #tpu.memory_space<hbm>> -> memref<8x128xi32, #tpu.memory_space<hbm>>
      %dma_wait3A_156 = arith.constant 0 : i32
      %dma_wait3A_157 = arith.constant 0 : i32
      %dma_wait3A_158 = tpu.memref_slice %arg6[%add3A_74, %dma_wait3A_156, %dma_wait3A_157] : memref<64x8x128xi32, #tpu.memory_space<hbm>> -> memref<1x8x128xi32, #tpu.memory_space<hbm>>
      %dma_wait3A_159 = tpu.memref_squeeze %dma_wait3A_158 : memref<1x8x128xi32, #tpu.memory_space<hbm>> -> memref<8x128xi32, #tpu.memory_space<hbm>>
      tpu.wait_dma2 semaphore(%run_scoped3A : memref<!tpu.dma_semaphore, #tpu.memory_space<semaphore_mem>>) src(%dma_wait3A_159 : memref<8x128xi32, #tpu.memory_space<hbm>>) dst(%arg13 : memref<8x128xi32, #tpu.memory_space<vmem>>)
      tpu.yield
    }) : () -> ()
    %scan3A_109 = arith.constant 0 : i32
    %scan3A_110 = arith.constant 0 : i32
    %scan3A_111 = arith.constant 8 : i32
    %scan3A_112 = arith.addi %scan3A_110, %scan3A_111 : i32
    %scan3A_113 = arith.constant 1 : i32
    %scan3A_114 = scf.for %scan3A_145 = %scan3A_110 to %scan3A_112 step %scan3A_113 iter_args(%scan3A_146 = %scan3A_109) -> (i32)  : i32 {
      %get3A = arith.index_cast %scan3A_145 : i32 to index
      %get3A_147 = arith.constant 0 : index
      %get3A_148 = tpu.vector_load %arg13[%get3A, %get3A_147] {strides = array<i32>} : memref<8x128xi32, #tpu.memory_space<vmem>>, vector<16xi32>,
      %shift_right_arithmetic3A = arith.constant 7 : i32
      %shift_right_arithmetic3A_149 = vector.broadcast %shift_right_arithmetic3A : i32 to vector<16xi32>
      %shift_right_arithmetic3A_150 = arith.shrsi %get3A_148, %shift_right_arithmetic3A_149 : vector<16xi32>
      %mul3A_151 = arith.constant 896 : i32
      %mul3A_152 = vector.broadcast %mul3A_151 : i32 to vector<16xi32>
      %mul3A_153 = arith.muli %shift_right_arithmetic3A_150, %mul3A_152 : vector<16xi32>
      %add3A_154 = arith.addi %get3A_148, %mul3A_153 : vector<16xi32>
      %swap3A = arith.index_cast %scan3A_145 : i32 to index
      %swap3A_155 = arith.constant 0 : index
      %swap3A_156 = tpu.vector_load %arg13[%swap3A, %swap3A_155] {strides = array<i32>} : memref<8x128xi32, #tpu.memory_space<vmem>>, vector<16xi32>,
      tpu.vector_store %arg13[%swap3A, %swap3A_155], %add3A_154 {strides = array<i32>} : memref<8x128xi32, #tpu.memory_space<vmem>>, vector<16xi32>,
      %get3A_157 = arith.index_cast %scan3A_145 : i32 to index
      %get3A_158 = arith.constant 16 : index
      %get3A_159 = tpu.vector_load %arg13[%get3A_157, %get3A_158] {strides = array<i32>} : memref<8x128xi32, #tpu.memory_space<vmem>>, vector<16xi32>,
      %shift_right_arithmetic3A_160 = arith.constant 7 : i32
      %shift_right_arithmetic3A_161 = vector.broadcast %shift_right_arithmetic3A_160 : i32 to vector<16xi32>
      %shift_right_arithmetic3A_162 = arith.shrsi %get3A_159, %shift_right_arithmetic3A_161 : vector<16xi32>
      %mul3A_163 = arith.constant 896 : i32
      %mul3A_164 = vector.broadcast %mul3A_163 : i32 to vector<16xi32>
      %mul3A_165 = arith.muli %shift_right_arithmetic3A_162, %mul3A_164 : vector<16xi32>
      %add3A_166 = arith.addi %get3A_159, %mul3A_165 : vector<16xi32>
      %swap3A_167 = arith.index_cast %scan3A_145 : i32 to index
      %swap3A_168 = arith.constant 16 : index
      %swap3A_169 = tpu.vector_load %arg13[%swap3A_167, %swap3A_168] {strides = array<i32>} : memref<8x128xi32, #tpu.memory_space<vmem>>, vector<16xi32>,
      tpu.vector_store %arg13[%swap3A_167, %swap3A_168], %add3A_166 {strides = array<i32>} : memref<8x128xi32, #tpu.memory_space<vmem>>, vector<16xi32>,
      %get3A_170 = arith.index_cast %scan3A_145 : i32 to index
      %get3A_171 = arith.constant 32 : index
      %get3A_172 = tpu.vector_load %arg13[%get3A_170, %get3A_171] {strides = array<i32>} : memref<8x128xi32, #tpu.memory_space<vmem>>, vector<16xi32>,
      %shift_right_arithmetic3A_173 = arith.constant 7 : i32
      %shift_right_arithmetic3A_174 = vector.broadcast %shift_right_arithmetic3A_173 : i32 to vector<16xi32>
      %shift_right_arithmetic3A_175 = arith.shrsi %get3A_172, %shift_right_arithmetic3A_174 : vector<16xi32>
      %mul3A_176 = arith.constant 896 : i32
      %mul3A_177 = vector.broadcast %mul3A_176 : i32 to vector<16xi32>
      %mul3A_178 = arith.muli %shift_right_arithmetic3A_175, %mul3A_177 : vector<16xi32>
      %add3A_179 = arith.addi %get3A_172, %mul3A_178 : vector<16xi32>
      %swap3A_180 = arith.index_cast %scan3A_145 : i32 to index
      %swap3A_181 = arith.constant 32 : index
      %swap3A_182 = tpu.vector_load %arg13[%swap3A_180, %swap3A_181] {strides = array<i32>} : memref<8x128xi32, #tpu.memory_space<vmem>>, vector<16xi32>,
      tpu.vector_store %arg13[%swap3A_180, %swap3A_181], %add3A_179 {strides = array<i32>} : memref<8x128xi32, #tpu.memory_space<vmem>>, vector<16xi32>,
      %get3A_183 = arith.index_cast %scan3A_145 : i32 to index
      %get3A_184 = arith.constant 48 : index
      %get3A_185 = tpu.vector_load %arg13[%get3A_183, %get3A_184] {strides = array<i32>} : memref<8x128xi32, #tpu.memory_space<vmem>>, vector<16xi32>,
      %shift_right_arithmetic3A_186 = arith.constant 7 : i32
      %shift_right_arithmetic3A_187 = vector.broadcast %shift_right_arithmetic3A_186 : i32 to vector<16xi32>
      %shift_right_arithmetic3A_188 = arith.shrsi %get3A_185, %shift_right_arithmetic3A_187 : vector<16xi32>
      %mul3A_189 = arith.constant 896 : i32
      %mul3A_190 = vector.broadcast %mul3A_189 : i32 to vector<16xi32>
      %mul3A_191 = arith.muli %shift_right_arithmetic3A_188, %mul3A_190 : vector<16xi32>
      %add3A_192 = arith.addi %get3A_185, %mul3A_191 : vector<16xi32>
      %swap3A_193 = arith.index_cast %scan3A_145 : i32 to index
      %swap3A_194 = arith.constant 48 : index
      %swap3A_195 = tpu.vector_load %arg13[%swap3A_193, %swap3A_194] {strides = array<i32>} : memref<8x128xi32, #tpu.memory_space<vmem>>, vector<16xi32>,
      tpu.vector_store %arg13[%swap3A_193, %swap3A_194], %add3A_192 {strides = array<i32>} : memref<8x128xi32, #tpu.memory_space<vmem>>, vector<16xi32>,
      %get3A_196 = arith.index_cast %scan3A_145 : i32 to index
      %get3A_197 = arith.constant 64 : index
      %get3A_198 = tpu.vector_load %arg13[%get3A_196, %get3A_197] {strides = array<i32>} : memref<8x128xi32, #tpu.memory_space<vmem>>, vector<16xi32>,
      %shift_right_arithmetic3A_199 = arith.constant 7 : i32
      %shift_right_arithmetic3A_200 = vector.broadcast %shift_right_arithmetic3A_199 : i32 to vector<16xi32>
      %shift_right_arithmetic3A_201 = arith.shrsi %get3A_198, %shift_right_arithmetic3A_200 : vector<16xi32>
      %mul3A_202 = arith.constant 896 : i32
      %mul3A_203 = vector.broadcast %mul3A_202 : i32 to vector<16xi32>
      %mul3A_204 = arith.muli %shift_right_arithmetic3A_201, %mul3A_203 : vector<16xi32>
      %add3A_205 = arith.addi %get3A_198, %mul3A_204 : vector<16xi32>
      %swap3A_206 = arith.index_cast %scan3A_145 : i32 to index
      %swap3A_207 = arith.constant 64 : index
      %swap3A_208 = tpu.vector_load %arg13[%swap3A_206, %swap3A_207] {strides = array<i32>} : memref<8x128xi32, #tpu.memory_space<vmem>>, vector<16xi32>,
      tpu.vector_store %arg13[%swap3A_206, %swap3A_207], %add3A_205 {strides = array<i32>} : memref<8x128xi32, #tpu.memory_space<vmem>>, vector<16xi32>,
      %get3A_209 = arith.index_cast %scan3A_145 : i32 to index
      %get3A_210 = arith.constant 80 : index
      %get3A_211 = tpu.vector_load %arg13[%get3A_209, %get3A_210] {strides = array<i32>} : memref<8x128xi32, #tpu.memory_space<vmem>>, vector<16xi32>,
      %shift_right_arithmetic3A_212 = arith.constant 7 : i32
      %shift_right_arithmetic3A_213 = vector.broadcast %shift_right_arithmetic3A_212 : i32 to vector<16xi32>
      %shift_right_arithmetic3A_214 = arith.shrsi %get3A_211, %shift_right_arithmetic3A_213 : vector<16xi32>
      %mul3A_215 = arith.constant 896 : i32
      %mul3A_216 = vector.broadcast %mul3A_215 : i32 to vector<16xi32>
      %mul3A_217 = arith.muli %shift_right_arithmetic3A_214, %mul3A_216 : vector<16xi32>
      %add3A_218 = arith.addi %get3A_211, %mul3A_217 : vector<16xi32>
      %swap3A_219 = arith.index_cast %scan3A_145 : i32 to index
      %swap3A_220 = arith.constant 80 : index
      %swap3A_221 = tpu.vector_load %arg13[%swap3A_219, %swap3A_220] {strides = array<i32>} : memref<8x128xi32, #tpu.memory_space<vmem>>, vector<16xi32>,
      tpu.vector_store %arg13[%swap3A_219, %swap3A_220], %add3A_218 {strides = array<i32>} : memref<8x128xi32, #tpu.memory_space<vmem>>, vector<16xi32>,
      %get3A_222 = arith.index_cast %scan3A_145 : i32 to index
      %get3A_223 = arith.constant 96 : index
      %get3A_224 = tpu.vector_load %arg13[%get3A_222, %get3A_223] {strides = array<i32>} : memref<8x128xi32, #tpu.memory_space<vmem>>, vector<16xi32>,
      %shift_right_arithmetic3A_225 = arith.constant 7 : i32
      %shift_right_arithmetic3A_226 = vector.broadcast %shift_right_arithmetic3A_225 : i32 to vector<16xi32>
      %shift_right_arithmetic3A_227 = arith.shrsi %get3A_224, %shift_right_arithmetic3A_226 : vector<16xi32>
      %mul3A_228 = arith.constant 896 : i32
      %mul3A_229 = vector.broadcast %mul3A_228 : i32 to vector<16xi32>
      %mul3A_230 = arith.muli %shift_right_arithmetic3A_227, %mul3A_229 : vector<16xi32>
      %add3A_231 = arith.addi %get3A_224, %mul3A_230 : vector<16xi32>
      %swap3A_232 = arith.index_cast %scan3A_145 : i32 to index
      %swap3A_233 = arith.constant 96 : index
      %swap3A_234 = tpu.vector_load %arg13[%swap3A_232, %swap3A_233] {strides = array<i32>} : memref<8x128xi32, #tpu.memory_space<vmem>>, vector<16xi32>,
      tpu.vector_store %arg13[%swap3A_232, %swap3A_233], %add3A_231 {strides = array<i32>} : memref<8x128xi32, #tpu.memory_space<vmem>>, vector<16xi32>,
      %get3A_235 = arith.index_cast %scan3A_145 : i32 to index
      %get3A_236 = arith.constant 112 : index
      %get3A_237 = tpu.vector_load %arg13[%get3A_235, %get3A_236] {strides = array<i32>} : memref<8x128xi32, #tpu.memory_space<vmem>>, vector<16xi32>,
      %shift_right_arithmetic3A_238 = arith.constant 7 : i32
      %shift_right_arithmetic3A_239 = vector.broadcast %shift_right_arithmetic3A_238 : i32 to vector<16xi32>
      %shift_right_arithmetic3A_240 = arith.shrsi %get3A_237, %shift_right_arithmetic3A_239 : vector<16xi32>
      %mul3A_241 = arith.constant 896 : i32
      %mul3A_242 = vector.broadcast %mul3A_241 : i32 to vector<16xi32>
      %mul3A_243 = arith.muli %shift_right_arithmetic3A_240, %mul3A_242 : vector<16xi32>
      %add3A_244 = arith.addi %get3A_237, %mul3A_243 : vector<16xi32>
      %swap3A_245 = arith.index_cast %scan3A_145 : i32 to index
      %swap3A_246 = arith.constant 112 : index
      %swap3A_247 = tpu.vector_load %arg13[%swap3A_245, %swap3A_246] {strides = array<i32>} : memref<8x128xi32, #tpu.memory_space<vmem>>, vector<16xi32>,
      tpu.vector_store %arg13[%swap3A_245, %swap3A_246], %add3A_244 {strides = array<i32>} : memref<8x128xi32, #tpu.memory_space<vmem>>, vector<16xi32>,
      %scan3A_248 = arith.constant 0 : i32
      scf.yield %scan3A_248 : i32
    }
    %scan3A_115 = arith.constant 8 : i32
    %scan3A_116 = arith.constant 0 : i32
    %scan3A_117 = arith.constant 0 : i32
    %scan3A_118 = arith.constant 8 : i32
    %scan3A_119 = arith.addi %scan3A_117, %scan3A_118 : i32
    %scan3A_120 = arith.constant 1 : i32
    %scan3A_121 = scf.for %scan3A_145 = %scan3A_117 to %scan3A_119 step %scan3A_120 iter_args(%scan3A_146 = %scan3A_116) -> (i32)  : i32 {
      %scan3A_147 = arith.constant 0 : i32
      %scan3A_148 = arith.constant 0 : i32
      %scan3A_149 = arith.constant 8 : i32
      %scan3A_150 = arith.addi %scan3A_148, %scan3A_149 : i32
      %scan3A_151 = arith.constant 1 : i32
      %scan3A_152 = scf.for %scan3A_162 = %scan3A_148 to %scan3A_150 step %scan3A_151 iter_args(%scan3A_163 = %scan3A_147) -> (i32)  : i32 {
        %mul3A_164 = arith.constant 128 : i32
        %mul3A_165 = arith.muli %scan3A_162, %mul3A_164 : i32
        %add3A_166 = arith.constant 0 : i32
        %add3A_167 = arith.addi %add3A_166, %mul3A_165 : i32
        %dma_start3A = arith.constant 0 : i32
        %dma_start3A_168 = arith.constant 0 : i32
        %dma_start3A_169 = tpu.memref_slice %arg15[%dma_start3A, %scan3A_145, %scan3A_162, %dma_start3A_168] : memref<2x8x8x128xf32, #tpu.memory_space<vmem>> -> memref<1x1x1x128xf32, #tpu.memory_space<vmem>>
        %dma_start3A_170 = tpu.memref_squeeze %dma_start3A_169 : memref<1x1x1x128xf32, #tpu.memory_space<vmem>> -> memref<128xf32, #tpu.memory_space<vmem>>
        %dma_start3A_171 = arith.constant 0 : i32
        %dma_start3A_172 = tpu.memref_slice %arg13[%scan3A_145, %dma_start3A_171] : memref<8x128xi32, #tpu.memory_space<vmem>> -> memref<1x128xi32, #tpu.memory_space<vmem>>
        %dma_start3A_173 = tpu.memref_squeeze %dma_start3A_172 : memref<1x128xi32, #tpu.memory_space<vmem>> -> memref<128xi32, #tpu.memory_space<vmem>>
        %dma_start3A_174 = tpu.memref_slice %arg2[%add3A_167] : memref<16001024xf32, #tpu.memory_space<hbm>> -> memref<7999616xf32, #tpu.memory_space<hbm>>
        %dma_start3A_175 = arith.constant 0 : i32
        %dma_start3A_176 = tpu.memref_slice %dma_start3A_174[%dma_start3A_175] : memref<7999616xf32, #tpu.memory_space<hbm>> -> memref<7999616xf32, #tpu.memory_space<hbm>>
        tpu.enqueue_indirect_dma source(%dma_start3A_176 : memref<7999616xf32, #tpu.memory_space<hbm>>) target(%dma_start3A_170 : memref<128xf32, #tpu.memory_space<vmem>>) offsets(%dma_start3A_173 : memref<128xi32, #tpu.memory_space<vmem>>) semaphore(%arg19 : memref<!tpu.dma_semaphore, #tpu.memory_space<semaphore_mem>>)
        %scan3A_177 = arith.constant 0 : i32
        scf.yield %scan3A_177 : i32
      }
      %scan3A_153 = arith.constant 8 : i32
      %scan3A_154 = arith.constant 0 : i32
      %scan3A_155 = arith.constant 0 : i32
      %scan3A_156 = arith.constant 8 : i32
      %scan3A_157 = arith.addi %scan3A_155, %scan3A_156 : i32
      %scan3A_158 = arith.constant 1 : i32
      %scan3A_159 = scf.for %scan3A_162 = %scan3A_155 to %scan3A_157 step %scan3A_158 iter_args(%scan3A_163 = %scan3A_154) -> (i32)  : i32 {
        %mul3A_164 = arith.constant 128 : i32
        %mul3A_165 = arith.muli %scan3A_162, %mul3A_164 : i32
        %add3A_166 = arith.constant 8000512 : i32
        %add3A_167 = arith.addi %add3A_166, %mul3A_165 : i32
        %dma_start3A = arith.constant 1 : i32
        %dma_start3A_168 = arith.constant 0 : i32
        %dma_start3A_169 = tpu.memref_slice %arg15[%dma_start3A, %scan3A_145, %scan3A_162, %dma_start3A_168] : memref<2x8x8x128xf32, #tpu.memory_space<vmem>> -> memref<1x1x1x128xf32, #tpu.memory_space<vmem>>
        %dma_start3A_170 = tpu.memref_squeeze %dma_start3A_169 : memref<1x1x1x128xf32, #tpu.memory_space<vmem>> -> memref<128xf32, #tpu.memory_space<vmem>>
        %dma_start3A_171 = arith.constant 0 : i32
        %dma_start3A_172 = tpu.memref_slice %arg13[%scan3A_145, %dma_start3A_171] : memref<8x128xi32, #tpu.memory_space<vmem>> -> memref<1x128xi32, #tpu.memory_space<vmem>>
        %dma_start3A_173 = tpu.memref_squeeze %dma_start3A_172 : memref<1x128xi32, #tpu.memory_space<vmem>> -> memref<128xi32, #tpu.memory_space<vmem>>
        %dma_start3A_174 = tpu.memref_slice %arg2[%add3A_167] : memref<16001024xf32, #tpu.memory_space<hbm>> -> memref<7999616xf32, #tpu.memory_space<hbm>>
        %dma_start3A_175 = arith.constant 0 : i32
        %dma_start3A_176 = tpu.memref_slice %dma_start3A_174[%dma_start3A_175] : memref<7999616xf32, #tpu.memory_space<hbm>> -> memref<7999616xf32, #tpu.memory_space<hbm>>
        tpu.enqueue_indirect_dma source(%dma_start3A_176 : memref<7999616xf32, #tpu.memory_space<hbm>>) target(%dma_start3A_170 : memref<128xf32, #tpu.memory_space<vmem>>) offsets(%dma_start3A_173 : memref<128xi32, #tpu.memory_space<vmem>>) semaphore(%arg19 : memref<!tpu.dma_semaphore, #tpu.memory_space<semaphore_mem>>)
        %scan3A_177 = arith.constant 0 : i32
        scf.yield %scan3A_177 : i32
      }
      %scan3A_160 = arith.constant 8 : i32
      %scan3A_161 = arith.constant 0 : i32
      scf.yield %scan3A_161 : i32
    }
    %scan3A_122 = arith.constant 8 : i32
    %scan3A_123 = arith.constant 0 : i32
    %scan3A_124 = arith.constant 0 : i32
    %scan3A_125 = arith.constant 0 : i32
    %scan3A_126 = arith.constant 4 : i32
    %scan3A_127 = arith.addi %scan3A_125, %scan3A_126 : i32
    %scan3A_128 = arith.constant 1 : i32
    %scan3A_129 = scf.for %scan3A_145 = %scan3A_125 to %scan3A_127 step %scan3A_128 iter_args(%scan3A_146 = %scan3A_124) -> (i32)  : i32 {
      %add3A_147 = arith.constant 4 : i32
      %add3A_148 = arith.addi %add3A_147, %scan3A_145 : i32
      %scan3A_149 = arith.constant 0 : i32
      %scan3A_150 = arith.constant 0 : i32
      %scan3A_151 = arith.constant 8 : i32
      %scan3A_152 = arith.addi %scan3A_150, %scan3A_151 : i32
      %scan3A_153 = arith.constant 1 : i32
      %scan3A_154 = scf.for %scan3A_206 = %scan3A_150 to %scan3A_152 step %scan3A_153 iter_args(%scan3A_207 = %scan3A_149) -> (i32)  : i32 {
        %get3A = arith.index_cast %add3A_148 : i32 to index
        %get3A_208 = arith.index_cast %scan3A_206 : i32 to index
        %get3A_209 = arith.constant 0 : index
        %get3A_210 = tpu.vector_load %arg14[%get3A, %get3A_208, %get3A_209] {strides = array<i32>} : memref<8x8x16xi32, #tpu.memory_space<vmem>>, vector<16xi32>,
        %scan3A_211 = arith.constant 0 : i32
        %scan3A_212 = arith.constant 0 : i32
        %scan3A_213 = arith.constant 16 : i32
        %scan3A_214 = arith.addi %scan3A_212, %scan3A_213 : i32
        %scan3A_215 = arith.constant 1 : i32
        %scan3A_216 = scf.for %scan3A_219 = %scan3A_212 to %scan3A_214 step %scan3A_215 iter_args(%scan3A_220 = %scan3A_211) -> (i32)  : i32 {
          %mul3A_221 = arith.constant 16 : i32
          %mul3A_222 = arith.muli %scan3A_219, %mul3A_221 : i32
          %add3A_223 = arith.constant 0 : i32
          %add3A_224 = arith.addi %mul3A_222, %add3A_223 : i32
          %broadcast_in_dim3A = vector.broadcast %add3A_224 : i32 to vector<16xi32>
          %gather3A = tpu.vector_load_idx %arg12[%broadcast_in_dim3A, %get3A_210] : memref<256x32xf32, #tpu.memory_space<vmem>>[vector<16xi32>, vector<16xi32>], vector<16xf32>,
          %mul3A_225 = arith.constant 16 : i32
          %mul3A_226 = arith.muli %scan3A_206, %mul3A_225 : i32
          %swap3A = arith.constant 0 : i32
          %swap3A_227 = arith.constant 0 : i32
          %swap3A_228 = arith.constant 0 : i32
          %swap3A_229 = arith.constant 0 : i32
          %swap3A_230 = arith.constant 0 : i32
          %swap3A_231 = arith.constant 0 : i32
          %swap3A_232 = tpu.memref_slice %arg18[%scan3A_123, %swap3A_228, %swap3A_229, %swap3A_230, %swap3A_231] : memref<1x16x2x8x128xf32, #tpu.memory_space<vmem>> -> memref<1x16x2x8x128xf32, #tpu.memory_space<vmem>>
          %swap3A_233 = tpu.memref_squeeze %swap3A_232 : memref<1x16x2x8x128xf32, #tpu.memory_space<vmem>> -> memref<16x2x8x128xf32, #tpu.memory_space<vmem>>
          %swap3A_234 = arith.index_cast %scan3A_219 : i32 to index
          %swap3A_235 = arith.index_cast %swap3A : i32 to index
          %swap3A_236 = arith.index_cast %swap3A_227 : i32 to index
          %swap3A_237 = arith.index_cast %mul3A_226 : i32 to index
          %swap3A_238 = tpu.vector_load %swap3A_233[%swap3A_234, %swap3A_235, %swap3A_236, %swap3A_237] {strides = array<i32>} : memref<16x2x8x128xf32, #tpu.memory_space<vmem>>, vector<16xf32>,
          tpu.vector_store %swap3A_233[%swap3A_234, %swap3A_235, %swap3A_236, %swap3A_237], %gather3A {strides = array<i32>} : memref<16x2x8x128xf32, #tpu.memory_space<vmem>>, vector<16xf32>,
          %add3A_239 = arith.constant 1 : i32
          %add3A_240 = arith.addi %mul3A_222, %add3A_239 : i32
          %broadcast_in_dim3A_241 = vector.broadcast %add3A_240 : i32 to vector<16xi32>
          %gather3A_242 = tpu.vector_load_idx %arg12[%broadcast_in_dim3A_241, %get3A_210] : memref<256x32xf32, #tpu.memory_space<vmem>>[vector<16xi32>, vector<16xi32>], vector<16xf32>,
          %mul3A_243 = arith.constant 16 : i32
          %mul3A_244 = arith.muli %scan3A_206, %mul3A_243 : i32
          %swap3A_245 = arith.constant 0 : i32
          %swap3A_246 = arith.constant 1 : i32
          %swap3A_247 = arith.constant 0 : i32
          %swap3A_248 = arith.constant 0 : i32
          %swap3A_249 = arith.constant 0 : i32
          %swap3A_250 = arith.constant 0 : i32
          %swap3A_251 = tpu.memref_slice %arg18[%scan3A_123, %swap3A_247, %swap3A_248, %swap3A_249, %swap3A_250] : memref<1x16x2x8x128xf32, #tpu.memory_space<vmem>> -> memref<1x16x2x8x128xf32, #tpu.memory_space<vmem>>
          %swap3A_252 = tpu.memref_squeeze %swap3A_251 : memref<1x16x2x8x128xf32, #tpu.memory_space<vmem>> -> memref<16x2x8x128xf32, #tpu.memory_space<vmem>>
          %swap3A_253 = arith.index_cast %scan3A_219 : i32 to index
          %swap3A_254 = arith.index_cast %swap3A_245 : i32 to index
          %swap3A_255 = arith.index_cast %swap3A_246 : i32 to index
          %swap3A_256 = arith.index_cast %mul3A_244 : i32 to index
          %swap3A_257 = tpu.vector_load %swap3A_252[%swap3A_253, %swap3A_254, %swap3A_255, %swap3A_256] {strides = array<i32>} : memref<16x2x8x128xf32, #tpu.memory_space<vmem>>, vector<16xf32>,
          tpu.vector_store %swap3A_252[%swap3A_253, %swap3A_254, %swap3A_255, %swap3A_256], %gather3A_242 {strides = array<i32>} : memref<16x2x8x128xf32, #tpu.memory_space<vmem>>, vector<16xf32>,
          %add3A_258 = arith.constant 2 : i32
          %add3A_259 = arith.addi %mul3A_222, %add3A_258 : i32
          %broadcast_in_dim3A_260 = vector.broadcast %add3A_259 : i32 to vector<16xi32>
          %gather3A_261 = tpu.vector_load_idx %arg12[%broadcast_in_dim3A_260, %get3A_210] : memref<256x32xf32, #tpu.memory_space<vmem>>[vector<16xi32>, vector<16xi32>], vector<16xf32>,
          %mul3A_262 = arith.constant 16 : i32
          %mul3A_263 = arith.muli %scan3A_206, %mul3A_262 : i32
          %swap3A_264 = arith.constant 0 : i32
          %swap3A_265 = arith.constant 2 : i32
          %swap3A_266 = arith.constant 0 : i32
          %swap3A_267 = arith.constant 0 : i32
          %swap3A_268 = arith.constant 0 : i32
          %swap3A_269 = arith.constant 0 : i32
          %swap3A_270 = tpu.memref_slice %arg18[%scan3A_123, %swap3A_266, %swap3A_267, %swap3A_268, %swap3A_269] : memref<1x16x2x8x128xf32, #tpu.memory_space<vmem>> -> memref<1x16x2x8x128xf32, #tpu.memory_space<vmem>>
          %swap3A_271 = tpu.memref_squeeze %swap3A_270 : memref<1x16x2x8x128xf32, #tpu.memory_space<vmem>> -> memref<16x2x8x128xf32, #tpu.memory_space<vmem>>
          %swap3A_272 = arith.index_cast %scan3A_219 : i32 to index
          %swap3A_273 = arith.index_cast %swap3A_264 : i32 to index
          %swap3A_274 = arith.index_cast %swap3A_265 : i32 to index
          %swap3A_275 = arith.index_cast %mul3A_263 : i32 to index
          %swap3A_276 = tpu.vector_load %swap3A_271[%swap3A_272, %swap3A_273, %swap3A_274, %swap3A_275] {strides = array<i32>} : memref<16x2x8x128xf32, #tpu.memory_space<vmem>>, vector<16xf32>,
          tpu.vector_store %swap3A_271[%swap3A_272, %swap3A_273, %swap3A_274, %swap3A_275], %gather3A_261 {strides = array<i32>} : memref<16x2x8x128xf32, #tpu.memory_space<vmem>>, vector<16xf32>,
          %add3A_277 = arith.constant 3 : i32
          %add3A_278 = arith.addi %mul3A_222, %add3A_277 : i32
          %broadcast_in_dim3A_279 = vector.broadcast %add3A_278 : i32 to vector<16xi32>
          %gather3A_280 = tpu.vector_load_idx %arg12[%broadcast_in_dim3A_279, %get3A_210] : memref<256x32xf32, #tpu.memory_space<vmem>>[vector<16xi32>, vector<16xi32>], vector<16xf32>,
          %mul3A_281 = arith.constant 16 : i32
          %mul3A_282 = arith.muli %scan3A_206, %mul3A_281 : i32
          %swap3A_283 = arith.constant 0 : i32
          %swap3A_284 = arith.constant 3 : i32
          %swap3A_285 = arith.constant 0 : i32
          %swap3A_286 = arith.constant 0 : i32
          %swap3A_287 = arith.constant 0 : i32
          %swap3A_288 = arith.constant 0 : i32
          %swap3A_289 = tpu.memref_slice %arg18[%scan3A_123, %swap3A_285, %swap3A_286, %swap3A_287, %swap3A_288] : memref<1x16x2x8x128xf32, #tpu.memory_space<vmem>> -> memref<1x16x2x8x128xf32, #tpu.memory_space<vmem>>
          %swap3A_290 = tpu.memref_squeeze %swap3A_289 : memref<1x16x2x8x128xf32, #tpu.memory_space<vmem>> -> memref<16x2x8x128xf32, #tpu.memory_space<vmem>>
          %swap3A_291 = arith.index_cast %scan3A_219 : i32 to index
          %swap3A_292 = arith.index_cast %swap3A_283 : i32 to index
          %swap3A_293 = arith.index_cast %swap3A_284 : i32 to index
          %swap3A_294 = arith.index_cast %mul3A_282 : i32 to index
          %swap3A_295 = tpu.vector_load %swap3A_290[%swap3A_291, %swap3A_292, %swap3A_293, %swap3A_294] {strides = array<i32>} : memref<16x2x8x128xf32, #tpu.memory_space<vmem>>, vector<16xf32>,
          tpu.vector_store %swap3A_290[%swap3A_291, %swap3A_292, %swap3A_293, %swap3A_294], %gather3A_280 {strides = array<i32>} : memref<16x2x8x128xf32, #tpu.memory_space<vmem>>, vector<16xf32>,
          %add3A_296 = arith.constant 4 : i32
          %add3A_297 = arith.addi %mul3A_222, %add3A_296 : i32
          %broadcast_in_dim3A_298 = vector.broadcast %add3A_297 : i32 to vector<16xi32>
          %gather3A_299 = tpu.vector_load_idx %arg12[%broadcast_in_dim3A_298, %get3A_210] : memref<256x32xf32, #tpu.memory_space<vmem>>[vector<16xi32>, vector<16xi32>], vector<16xf32>,
          %mul3A_300 = arith.constant 16 : i32
          %mul3A_301 = arith.muli %scan3A_206, %mul3A_300 : i32
          %swap3A_302 = arith.constant 0 : i32
          %swap3A_303 = arith.constant 4 : i32
          %swap3A_304 = arith.constant 0 : i32
          %swap3A_305 = arith.constant 0 : i32
          %swap3A_306 = arith.constant 0 : i32
          %swap3A_307 = arith.constant 0 : i32
          %swap3A_308 = tpu.memref_slice %arg18[%scan3A_123, %swap3A_304, %swap3A_305, %swap3A_306, %swap3A_307] : memref<1x16x2x8x128xf32, #tpu.memory_space<vmem>> -> memref<1x16x2x8x128xf32, #tpu.memory_space<vmem>>
          %swap3A_309 = tpu.memref_squeeze %swap3A_308 : memref<1x16x2x8x128xf32, #tpu.memory_space<vmem>> -> memref<16x2x8x128xf32, #tpu.memory_space<vmem>>
          %swap3A_310 = arith.index_cast %scan3A_219 : i32 to index
          %swap3A_311 = arith.index_cast %swap3A_302 : i32 to index
          %swap3A_312 = arith.index_cast %swap3A_303 : i32 to index
          %swap3A_313 = arith.index_cast %mul3A_301 : i32 to index
          %swap3A_314 = tpu.vector_load %swap3A_309[%swap3A_310, %swap3A_311, %swap3A_312, %swap3A_313] {strides = array<i32>} : memref<16x2x8x128xf32, #tpu.memory_space<vmem>>, vector<16xf32>,
          tpu.vector_store %swap3A_309[%swap3A_310, %swap3A_311, %swap3A_312, %swap3A_313], %gather3A_299 {strides = array<i32>} : memref<16x2x8x128xf32, #tpu.memory_space<vmem>>, vector<16xf32>,
          %add3A_315 = arith.constant 5 : i32
          %add3A_316 = arith.addi %mul3A_222, %add3A_315 : i32
          %broadcast_in_dim3A_317 = vector.broadcast %add3A_316 : i32 to vector<16xi32>
          %gather3A_318 = tpu.vector_load_idx %arg12[%broadcast_in_dim3A_317, %get3A_210] : memref<256x32xf32, #tpu.memory_space<vmem>>[vector<16xi32>, vector<16xi32>], vector<16xf32>,
          %mul3A_319 = arith.constant 16 : i32
          %mul3A_320 = arith.muli %scan3A_206, %mul3A_319 : i32
          %swap3A_321 = arith.constant 0 : i32
          %swap3A_322 = arith.constant 5 : i32
          %swap3A_323 = arith.constant 0 : i32
          %swap3A_324 = arith.constant 0 : i32
          %swap3A_325 = arith.constant 0 : i32
          %swap3A_326 = arith.constant 0 : i32
          %swap3A_327 = tpu.memref_slice %arg18[%scan3A_123, %swap3A_323, %swap3A_324, %swap3A_325, %swap3A_326] : memref<1x16x2x8x128xf32, #tpu.memory_space<vmem>> -> memref<1x16x2x8x128xf32, #tpu.memory_space<vmem>>
          %swap3A_328 = tpu.memref_squeeze %swap3A_327 : memref<1x16x2x8x128xf32, #tpu.memory_space<vmem>> -> memref<16x2x8x128xf32, #tpu.memory_space<vmem>>
          %swap3A_329 = arith.index_cast %scan3A_219 : i32 to index
          %swap3A_330 = arith.index_cast %swap3A_321 : i32 to index
          %swap3A_331 = arith.index_cast %swap3A_322 : i32 to index
          %swap3A_332 = arith.index_cast %mul3A_320 : i32 to index
          %swap3A_333 = tpu.vector_load %swap3A_328[%swap3A_329, %swap3A_330, %swap3A_331, %swap3A_332] {strides = array<i32>} : memref<16x2x8x128xf32, #tpu.memory_space<vmem>>, vector<16xf32>,
          tpu.vector_store %swap3A_328[%swap3A_329, %swap3A_330, %swap3A_331, %swap3A_332], %gather3A_318 {strides = array<i32>} : memref<16x2x8x128xf32, #tpu.memory_space<vmem>>, vector<16xf32>,
          %add3A_334 = arith.constant 6 : i32
          %add3A_335 = arith.addi %mul3A_222, %add3A_334 : i32
          %broadcast_in_dim3A_336 = vector.broadcast %add3A_335 : i32 to vector<16xi32>
          %gather3A_337 = tpu.vector_load_idx %arg12[%broadcast_in_dim3A_336, %get3A_210] : memref<256x32xf32, #tpu.memory_space<vmem>>[vector<16xi32>, vector<16xi32>], vector<16xf32>,
          %mul3A_338 = arith.constant 16 : i32
          %mul3A_339 = arith.muli %scan3A_206, %mul3A_338 : i32
          %swap3A_340 = arith.constant 0 : i32
          %swap3A_341 = arith.constant 6 : i32
          %swap3A_342 = arith.constant 0 : i32
          %swap3A_343 = arith.constant 0 : i32
          %swap3A_344 = arith.constant 0 : i32
          %swap3A_345 = arith.constant 0 : i32
          %swap3A_346 = tpu.memref_slice %arg18[%scan3A_123, %swap3A_342, %swap3A_343, %swap3A_344, %swap3A_345] : memref<1x16x2x8x128xf32, #tpu.memory_space<vmem>> -> memref<1x16x2x8x128xf32, #tpu.memory_space<vmem>>
          %swap3A_347 = tpu.memref_squeeze %swap3A_346 : memref<1x16x2x8x128xf32, #tpu.memory_space<vmem>> -> memref<16x2x8x128xf32, #tpu.memory_space<vmem>>
          %swap3A_348 = arith.index_cast %scan3A_219 : i32 to index
          %swap3A_349 = arith.index_cast %swap3A_340 : i32 to index
          %swap3A_350 = arith.index_cast %swap3A_341 : i32 to index
          %swap3A_351 = arith.index_cast %mul3A_339 : i32 to index
          %swap3A_352 = tpu.vector_load %swap3A_347[%swap3A_348, %swap3A_349, %swap3A_350, %swap3A_351] {strides = array<i32>} : memref<16x2x8x128xf32, #tpu.memory_space<vmem>>, vector<16xf32>,
          tpu.vector_store %swap3A_347[%swap3A_348, %swap3A_349, %swap3A_350, %swap3A_351], %gather3A_337 {strides = array<i32>} : memref<16x2x8x128xf32, #tpu.memory_space<vmem>>, vector<16xf32>,
          %add3A_353 = arith.constant 7 : i32
          %add3A_354 = arith.addi %mul3A_222, %add3A_353 : i32
          %broadcast_in_dim3A_355 = vector.broadcast %add3A_354 : i32 to vector<16xi32>
          %gather3A_356 = tpu.vector_load_idx %arg12[%broadcast_in_dim3A_355, %get3A_210] : memref<256x32xf32, #tpu.memory_space<vmem>>[vector<16xi32>, vector<16xi32>], vector<16xf32>,
          %mul3A_357 = arith.constant 16 : i32
          %mul3A_358 = arith.muli %scan3A_206, %mul3A_357 : i32
          %swap3A_359 = arith.constant 0 : i32
          %swap3A_360 = arith.constant 7 : i32
          %swap3A_361 = arith.constant 0 : i32
          %swap3A_362 = arith.constant 0 : i32
          %swap3A_363 = arith.constant 0 : i32
          %swap3A_364 = arith.constant 0 : i32
          %swap3A_365 = tpu.memref_slice %arg18[%scan3A_123, %swap3A_361, %swap3A_362, %swap3A_363, %swap3A_364] : memref<1x16x2x8x128xf32, #tpu.memory_space<vmem>> -> memref<1x16x2x8x128xf32, #tpu.memory_space<vmem>>
          %swap3A_366 = tpu.memref_squeeze %swap3A_365 : memref<1x16x2x8x128xf32, #tpu.memory_space<vmem>> -> memref<16x2x8x128xf32, #tpu.memory_space<vmem>>
          %swap3A_367 = arith.index_cast %scan3A_219 : i32 to index
          %swap3A_368 = arith.index_cast %swap3A_359 : i32 to index
          %swap3A_369 = arith.index_cast %swap3A_360 : i32 to index
          %swap3A_370 = arith.index_cast %mul3A_358 : i32 to index
          %swap3A_371 = tpu.vector_load %swap3A_366[%swap3A_367, %swap3A_368, %swap3A_369, %swap3A_370] {strides = array<i32>} : memref<16x2x8x128xf32, #tpu.memory_space<vmem>>, vector<16xf32>,
          tpu.vector_store %swap3A_366[%swap3A_367, %swap3A_368, %swap3A_369, %swap3A_370], %gather3A_356 {strides = array<i32>} : memref<16x2x8x128xf32, #tpu.memory_space<vmem>>, vector<16xf32>,
          %add3A_372 = arith.constant 8 : i32
          %add3A_373 = arith.addi %mul3A_222, %add3A_372 : i32
          %broadcast_in_dim3A_374 = vector.broadcast %add3A_373 : i32 to vector<16xi32>
          %gather3A_375 = tpu.vector_load_idx %arg12[%broadcast_in_dim3A_374, %get3A_210] : memref<256x32xf32, #tpu.memory_space<vmem>>[vector<16xi32>, vector<16xi32>], vector<16xf32>,
          %mul3A_376 = arith.constant 16 : i32
          %mul3A_377 = arith.muli %scan3A_206, %mul3A_376 : i32
          %swap3A_378 = arith.constant 1 : i32
          %swap3A_379 = arith.constant 0 : i32
          %swap3A_380 = arith.constant 0 : i32
          %swap3A_381 = arith.constant 0 : i32
          %swap3A_382 = arith.constant 0 : i32
          %swap3A_383 = arith.constant 0 : i32
          %swap3A_384 = tpu.memref_slice %arg18[%scan3A_123, %swap3A_380, %swap3A_381, %swap3A_382, %swap3A_383] : memref<1x16x2x8x128xf32, #tpu.memory_space<vmem>> -> memref<1x16x2x8x128xf32, #tpu.memory_space<vmem>>
          %swap3A_385 = tpu.memref_squeeze %swap3A_384 : memref<1x16x2x8x128xf32, #tpu.memory_space<vmem>> -> memref<16x2x8x128xf32, #tpu.memory_space<vmem>>
          %swap3A_386 = arith.index_cast %scan3A_219 : i32 to index
          %swap3A_387 = arith.index_cast %swap3A_378 : i32 to index
          %swap3A_388 = arith.index_cast %swap3A_379 : i32 to index
          %swap3A_389 = arith.index_cast %mul3A_377 : i32 to index
          %swap3A_390 = tpu.vector_load %swap3A_385[%swap3A_386, %swap3A_387, %swap3A_388, %swap3A_389] {strides = array<i32>} : memref<16x2x8x128xf32, #tpu.memory_space<vmem>>, vector<16xf32>,
          tpu.vector_store %swap3A_385[%swap3A_386, %swap3A_387, %swap3A_388, %swap3A_389], %gather3A_375 {strides = array<i32>} : memref<16x2x8x128xf32, #tpu.memory_space<vmem>>, vector<16xf32>,
          %add3A_391 = arith.constant 9 : i32
          %add3A_392 = arith.addi %mul3A_222, %add3A_391 : i32
          %broadcast_in_dim3A_393 = vector.broadcast %add3A_392 : i32 to vector<16xi32>
          %gather3A_394 = tpu.vector_load_idx %arg12[%broadcast_in_dim3A_393, %get3A_210] : memref<256x32xf32, #tpu.memory_space<vmem>>[vector<16xi32>, vector<16xi32>], vector<16xf32>,
          %mul3A_395 = arith.constant 16 : i32
          %mul3A_396 = arith.muli %scan3A_206, %mul3A_395 : i32
          %swap3A_397 = arith.constant 1 : i32
          %swap3A_398 = arith.constant 1 : i32
          %swap3A_399 = arith.constant 0 : i32
          %swap3A_400 = arith.constant 0 : i32
          %swap3A_401 = arith.constant 0 : i32
          %swap3A_402 = arith.constant 0 : i32
          %swap3A_403 = tpu.memref_slice %arg18[%scan3A_123, %swap3A_399, %swap3A_400, %swap3A_401, %swap3A_402] : memref<1x16x2x8x128xf32, #tpu.memory_space<vmem>> -> memref<1x16x2x8x128xf32, #tpu.memory_space<vmem>>
          %swap3A_404 = tpu.memref_squeeze %swap3A_403 : memref<1x16x2x8x128xf32, #tpu.memory_space<vmem>> -> memref<16x2x8x128xf32, #tpu.memory_space<vmem>>
          %swap3A_405 = arith.index_cast %scan3A_219 : i32 to index
          %swap3A_406 = arith.index_cast %swap3A_397 : i32 to index
          %swap3A_407 = arith.index_cast %swap3A_398 : i32 to index
          %swap3A_408 = arith.index_cast %mul3A_396 : i32 to index
          %swap3A_409 = tpu.vector_load %swap3A_404[%swap3A_405, %swap3A_406, %swap3A_407, %swap3A_408] {strides = array<i32>} : memref<16x2x8x128xf32, #tpu.memory_space<vmem>>, vector<16xf32>,
          tpu.vector_store %swap3A_404[%swap3A_405, %swap3A_406, %swap3A_407, %swap3A_408], %gather3A_394 {strides = array<i32>} : memref<16x2x8x128xf32, #tpu.memory_space<vmem>>, vector<16xf32>,
          %add3A_410 = arith.constant 10 : i32
          %add3A_411 = arith.addi %mul3A_222, %add3A_410 : i32
          %broadcast_in_dim3A_412 = vector.broadcast %add3A_411 : i32 to vector<16xi32>
          %gather3A_413 = tpu.vector_load_idx %arg12[%broadcast_in_dim3A_412, %get3A_210] : memref<256x32xf32, #tpu.memory_space<vmem>>[vector<16xi32>, vector<16xi32>], vector<16xf32>,
          %mul3A_414 = arith.constant 16 : i32
          %mul3A_415 = arith.muli %scan3A_206, %mul3A_414 : i32
          %swap3A_416 = arith.constant 1 : i32
          %swap3A_417 = arith.constant 2 : i32
          %swap3A_418 = arith.constant 0 : i32
          %swap3A_419 = arith.constant 0 : i32
          %swap3A_420 = arith.constant 0 : i32
          %swap3A_421 = arith.constant 0 : i32
          %swap3A_422 = tpu.memref_slice %arg18[%scan3A_123, %swap3A_418, %swap3A_419, %swap3A_420, %swap3A_421] : memref<1x16x2x8x128xf32, #tpu.memory_space<vmem>> -> memref<1x16x2x8x128xf32, #tpu.memory_space<vmem>>
          %swap3A_423 = tpu.memref_squeeze %swap3A_422 : memref<1x16x2x8x128xf32, #tpu.memory_space<vmem>> -> memref<16x2x8x128xf32, #tpu.memory_space<vmem>>
          %swap3A_424 = arith.index_cast %scan3A_219 : i32 to index
          %swap3A_425 = arith.index_cast %swap3A_416 : i32 to index
          %swap3A_426 = arith.index_cast %swap3A_417 : i32 to index
          %swap3A_427 = arith.index_cast %mul3A_415 : i32 to index
          %swap3A_428 = tpu.vector_load %swap3A_423[%swap3A_424, %swap3A_425, %swap3A_426, %swap3A_427] {strides = array<i32>} : memref<16x2x8x128xf32, #tpu.memory_space<vmem>>, vector<16xf32>,
          tpu.vector_store %swap3A_423[%swap3A_424, %swap3A_425, %swap3A_426, %swap3A_427], %gather3A_413 {strides = array<i32>} : memref<16x2x8x128xf32, #tpu.memory_space<vmem>>, vector<16xf32>,
          %add3A_429 = arith.constant 11 : i32
          %add3A_430 = arith.addi %mul3A_222, %add3A_429 : i32
          %broadcast_in_dim3A_431 = vector.broadcast %add3A_430 : i32 to vector<16xi32>
          %gather3A_432 = tpu.vector_load_idx %arg12[%broadcast_in_dim3A_431, %get3A_210] : memref<256x32xf32, #tpu.memory_space<vmem>>[vector<16xi32>, vector<16xi32>], vector<16xf32>,
          %mul3A_433 = arith.constant 16 : i32
          %mul3A_434 = arith.muli %scan3A_206, %mul3A_433 : i32
          %swap3A_435 = arith.constant 1 : i32
          %swap3A_436 = arith.constant 3 : i32
          %swap3A_437 = arith.constant 0 : i32
          %swap3A_438 = arith.constant 0 : i32
          %swap3A_439 = arith.constant 0 : i32
          %swap3A_440 = arith.constant 0 : i32
          %swap3A_441 = tpu.memref_slice %arg18[%scan3A_123, %swap3A_437, %swap3A_438, %swap3A_439, %swap3A_440] : memref<1x16x2x8x128xf32, #tpu.memory_space<vmem>> -> memref<1x16x2x8x128xf32, #tpu.memory_space<vmem>>
          %swap3A_442 = tpu.memref_squeeze %swap3A_441 : memref<1x16x2x8x128xf32, #tpu.memory_space<vmem>> -> memref<16x2x8x128xf32, #tpu.memory_space<vmem>>
          %swap3A_443 = arith.index_cast %scan3A_219 : i32 to index
          %swap3A_444 = arith.index_cast %swap3A_435 : i32 to index
          %swap3A_445 = arith.index_cast %swap3A_436 : i32 to index
          %swap3A_446 = arith.index_cast %mul3A_434 : i32 to index
          %swap3A_447 = tpu.vector_load %swap3A_442[%swap3A_443, %swap3A_444, %swap3A_445, %swap3A_446] {strides = array<i32>} : memref<16x2x8x128xf32, #tpu.memory_space<vmem>>, vector<16xf32>,
          tpu.vector_store %swap3A_442[%swap3A_443, %swap3A_444, %swap3A_445, %swap3A_446], %gather3A_432 {strides = array<i32>} : memref<16x2x8x128xf32, #tpu.memory_space<vmem>>, vector<16xf32>,
          %add3A_448 = arith.constant 12 : i32
          %add3A_449 = arith.addi %mul3A_222, %add3A_448 : i32
          %broadcast_in_dim3A_450 = vector.broadcast %add3A_449 : i32 to vector<16xi32>
          %gather3A_451 = tpu.vector_load_idx %arg12[%broadcast_in_dim3A_450, %get3A_210] : memref<256x32xf32, #tpu.memory_space<vmem>>[vector<16xi32>, vector<16xi32>], vector<16xf32>,
          %mul3A_452 = arith.constant 16 : i32
          %mul3A_453 = arith.muli %scan3A_206, %mul3A_452 : i32
          %swap3A_454 = arith.constant 1 : i32
          %swap3A_455 = arith.constant 4 : i32
          %swap3A_456 = arith.constant 0 : i32
          %swap3A_457 = arith.constant 0 : i32
          %swap3A_458 = arith.constant 0 : i32
          %swap3A_459 = arith.constant 0 : i32
          %swap3A_460 = tpu.memref_slice %arg18[%scan3A_123, %swap3A_456, %swap3A_457, %swap3A_458, %swap3A_459] : memref<1x16x2x8x128xf32, #tpu.memory_space<vmem>> -> memref<1x16x2x8x128xf32, #tpu.memory_space<vmem>>
          %swap3A_461 = tpu.memref_squeeze %swap3A_460 : memref<1x16x2x8x128xf32, #tpu.memory_space<vmem>> -> memref<16x2x8x128xf32, #tpu.memory_space<vmem>>
          %swap3A_462 = arith.index_cast %scan3A_219 : i32 to index
          %swap3A_463 = arith.index_cast %swap3A_454 : i32 to index
          %swap3A_464 = arith.index_cast %swap3A_455 : i32 to index
          %swap3A_465 = arith.index_cast %mul3A_453 : i32 to index
          %swap3A_466 = tpu.vector_load %swap3A_461[%swap3A_462, %swap3A_463, %swap3A_464, %swap3A_465] {strides = array<i32>} : memref<16x2x8x128xf32, #tpu.memory_space<vmem>>, vector<16xf32>,
          tpu.vector_store %swap3A_461[%swap3A_462, %swap3A_463, %swap3A_464, %swap3A_465], %gather3A_451 {strides = array<i32>} : memref<16x2x8x128xf32, #tpu.memory_space<vmem>>, vector<16xf32>,
          %add3A_467 = arith.constant 13 : i32
          %add3A_468 = arith.addi %mul3A_222, %add3A_467 : i32
          %broadcast_in_dim3A_469 = vector.broadcast %add3A_468 : i32 to vector<16xi32>
          %gather3A_470 = tpu.vector_load_idx %arg12[%broadcast_in_dim3A_469, %get3A_210] : memref<256x32xf32, #tpu.memory_space<vmem>>[vector<16xi32>, vector<16xi32>], vector<16xf32>,
          %mul3A_471 = arith.constant 16 : i32
          %mul3A_472 = arith.muli %scan3A_206, %mul3A_471 : i32
          %swap3A_473 = arith.constant 1 : i32
          %swap3A_474 = arith.constant 5 : i32
          %swap3A_475 = arith.constant 0 : i32
          %swap3A_476 = arith.constant 0 : i32
          %swap3A_477 = arith.constant 0 : i32
          %swap3A_478 = arith.constant 0 : i32
          %swap3A_479 = tpu.memref_slice %arg18[%scan3A_123, %swap3A_475, %swap3A_476, %swap3A_477, %swap3A_478] : memref<1x16x2x8x128xf32, #tpu.memory_space<vmem>> -> memref<1x16x2x8x128xf32, #tpu.memory_space<vmem>>
          %swap3A_480 = tpu.memref_squeeze %swap3A_479 : memref<1x16x2x8x128xf32, #tpu.memory_space<vmem>> -> memref<16x2x8x128xf32, #tpu.memory_space<vmem>>
          %swap3A_481 = arith.index_cast %scan3A_219 : i32 to index
          %swap3A_482 = arith.index_cast %swap3A_473 : i32 to index
          %swap3A_483 = arith.index_cast %swap3A_474 : i32 to index
          %swap3A_484 = arith.index_cast %mul3A_472 : i32 to index
          %swap3A_485 = tpu.vector_load %swap3A_480[%swap3A_481, %swap3A_482, %swap3A_483, %swap3A_484] {strides = array<i32>} : memref<16x2x8x128xf32, #tpu.memory_space<vmem>>, vector<16xf32>,
          tpu.vector_store %swap3A_480[%swap3A_481, %swap3A_482, %swap3A_483, %swap3A_484], %gather3A_470 {strides = array<i32>} : memref<16x2x8x128xf32, #tpu.memory_space<vmem>>, vector<16xf32>,
          %add3A_486 = arith.constant 14 : i32
          %add3A_487 = arith.addi %mul3A_222, %add3A_486 : i32
          %broadcast_in_dim3A_488 = vector.broadcast %add3A_487 : i32 to vector<16xi32>
          %gather3A_489 = tpu.vector_load_idx %arg12[%broadcast_in_dim3A_488, %get3A_210] : memref<256x32xf32, #tpu.memory_space<vmem>>[vector<16xi32>, vector<16xi32>], vector<16xf32>,
          %mul3A_490 = arith.constant 16 : i32
          %mul3A_491 = arith.muli %scan3A_206, %mul3A_490 : i32
          %swap3A_492 = arith.constant 1 : i32
          %swap3A_493 = arith.constant 6 : i32
          %swap3A_494 = arith.constant 0 : i32
          %swap3A_495 = arith.constant 0 : i32
          %swap3A_496 = arith.constant 0 : i32
          %swap3A_497 = arith.constant 0 : i32
          %swap3A_498 = tpu.memref_slice %arg18[%scan3A_123, %swap3A_494, %swap3A_495, %swap3A_496, %swap3A_497] : memref<1x16x2x8x128xf32, #tpu.memory_space<vmem>> -> memref<1x16x2x8x128xf32, #tpu.memory_space<vmem>>
          %swap3A_499 = tpu.memref_squeeze %swap3A_498 : memref<1x16x2x8x128xf32, #tpu.memory_space<vmem>> -> memref<16x2x8x128xf32, #tpu.memory_space<vmem>>
          %swap3A_500 = arith.index_cast %scan3A_219 : i32 to index
          %swap3A_501 = arith.index_cast %swap3A_492 : i32 to index
          %swap3A_502 = arith.index_cast %swap3A_493 : i32 to index
          %swap3A_503 = arith.index_cast %mul3A_491 : i32 to index
          %swap3A_504 = tpu.vector_load %swap3A_499[%swap3A_500, %swap3A_501, %swap3A_502, %swap3A_503] {strides = array<i32>} : memref<16x2x8x128xf32, #tpu.memory_space<vmem>>, vector<16xf32>,
          tpu.vector_store %swap3A_499[%swap3A_500, %swap3A_501, %swap3A_502, %swap3A_503], %gather3A_489 {strides = array<i32>} : memref<16x2x8x128xf32, #tpu.memory_space<vmem>>, vector<16xf32>,
          %add3A_505 = arith.constant 15 : i32
          %add3A_506 = arith.addi %mul3A_222, %add3A_505 : i32
          %broadcast_in_dim3A_507 = vector.broadcast %add3A_506 : i32 to vector<16xi32>
          %gather3A_508 = tpu.vector_load_idx %arg12[%broadcast_in_dim3A_507, %get3A_210] : memref<256x32xf32, #tpu.memory_space<vmem>>[vector<16xi32>, vector<16xi32>], vector<16xf32>,
          %mul3A_509 = arith.constant 16 : i32
          %mul3A_510 = arith.muli %scan3A_206, %mul3A_509 : i32
          %swap3A_511 = arith.constant 1 : i32
          %swap3A_512 = arith.constant 7 : i32
          %swap3A_513 = arith.constant 0 : i32
          %swap3A_514 = arith.constant 0 : i32
          %swap3A_515 = arith.constant 0 : i32
          %swap3A_516 = arith.constant 0 : i32
          %swap3A_517 = tpu.memref_slice %arg18[%scan3A_123, %swap3A_513, %swap3A_514, %swap3A_515, %swap3A_516] : memref<1x16x2x8x128xf32, #tpu.memory_space<vmem>> -> memref<1x16x2x8x128xf32, #tpu.memory_space<vmem>>
          %swap3A_518 = tpu.memref_squeeze %swap3A_517 : memref<1x16x2x8x128xf32, #tpu.memory_space<vmem>> -> memref<16x2x8x128xf32, #tpu.memory_space<vmem>>
          %swap3A_519 = arith.index_cast %scan3A_219 : i32 to index
          %swap3A_520 = arith.index_cast %swap3A_511 : i32 to index
          %swap3A_521 = arith.index_cast %swap3A_512 : i32 to index
          %swap3A_522 = arith.index_cast %mul3A_510 : i32 to index
          %swap3A_523 = tpu.vector_load %swap3A_518[%swap3A_519, %swap3A_520, %swap3A_521, %swap3A_522] {strides = array<i32>} : memref<16x2x8x128xf32, #tpu.memory_space<vmem>>, vector<16xf32>,
          tpu.vector_store %swap3A_518[%swap3A_519, %swap3A_520, %swap3A_521, %swap3A_522], %gather3A_508 {strides = array<i32>} : memref<16x2x8x128xf32, #tpu.memory_space<vmem>>, vector<16xf32>,
          %scan3A_524 = arith.constant 0 : i32
          scf.yield %scan3A_524 : i32
        }
        %scan3A_217 = arith.constant 16 : i32
        %scan3A_218 = arith.constant 0 : i32
        scf.yield %scan3A_218 : i32
      }
      %scan3A_155 = arith.constant 8 : i32
      %dma_start3A = arith.constant 0 : i32
      %dma_start3A_156 = arith.constant 0 : i32
      %dma_start3A_157 = arith.constant 0 : i32
      %dma_start3A_158 = arith.constant 0 : i32
      %dma_start3A_159 = tpu.memref_slice %arg18[%scan3A_123, %dma_start3A, %dma_start3A_156, %dma_start3A_157, %dma_start3A_158] : memref<1x16x2x8x128xf32, #tpu.memory_space<vmem>> -> memref<1x16x2x8x128xf32, #tpu.memory_space<vmem>>
      %dma_start3A_160 = tpu.memref_squeeze %dma_start3A_159 : memref<1x16x2x8x128xf32, #tpu.memory_space<vmem>> -> memref<16x2x8x128xf32, #tpu.memory_space<vmem>>
      %dma_start3A_161 = arith.constant 0 : i32
      %dma_start3A_162 = arith.constant 0 : i32
      %dma_start3A_163 = arith.constant 0 : i32
      %dma_start3A_164 = arith.constant 0 : i32
      %dma_start3A_165 = tpu.memref_slice %arg9[%add3A_74, %dma_start3A_161, %dma_start3A_162, %add3A_148, %dma_start3A_163, %dma_start3A_164] : memref<64x16x2x8x8x128xf32, #tpu.memory_space<hbm>> -> memref<1x16x2x1x8x128xf32, #tpu.memory_space<hbm>>
      %dma_start3A_166 = tpu.memref_squeeze %dma_start3A_165 : memref<1x16x2x1x8x128xf32, #tpu.memory_space<hbm>> -> memref<16x2x8x128xf32, #tpu.memory_space<hbm>>
      %dma_start3A_167 = arith.constant 0 : i32
      %dma_start3A_168 = arith.constant 0 : i32
      %dma_start3A_169 = arith.constant 0 : i32
      %dma_start3A_170 = arith.constant 0 : i32
      %dma_start3A_171 = tpu.memref_slice %arg9[%add3A_74, %dma_start3A_167, %dma_start3A_168, %add3A_148, %dma_start3A_169, %dma_start3A_170] : memref<64x16x2x8x8x128xf32, #tpu.memory_space<hbm>> -> memref<1x16x2x1x8x128xf32, #tpu.memory_space<hbm>>
      %dma_start3A_172 = tpu.memref_squeeze %dma_start3A_171 : memref<1x16x2x1x8x128xf32, #tpu.memory_space<hbm>> -> memref<16x2x8x128xf32, #tpu.memory_space<hbm>>
      %dma_start3A_173 = arith.constant 0 : i32
      %dma_start3A_174 = arith.constant 0 : i32
      %dma_start3A_175 = arith.constant 0 : i32
      %dma_start3A_176 = arith.constant 0 : i32
      %dma_start3A_177 = tpu.memref_slice %arg18[%scan3A_123, %dma_start3A_173, %dma_start3A_174, %dma_start3A_175, %dma_start3A_176] : memref<1x16x2x8x128xf32, #tpu.memory_space<vmem>> -> memref<1x16x2x8x128xf32, #tpu.memory_space<vmem>>
      %dma_start3A_178 = tpu.memref_squeeze %dma_start3A_177 : memref<1x16x2x8x128xf32, #tpu.memory_space<vmem>> -> memref<16x2x8x128xf32, #tpu.memory_space<vmem>>
      tpu.enqueue_dma source(%dma_start3A_178 : memref<16x2x8x128xf32, #tpu.memory_space<vmem>>) target(%dma_start3A_172 : memref<16x2x8x128xf32, #tpu.memory_space<hbm>>) target_semaphore(%arg21 : memref<!tpu.dma_semaphore, #tpu.memory_space<semaphore_mem>>)
      %dma_wait3A_179 = arith.constant 0 : i32
      %dma_wait3A_180 = arith.constant 0 : i32
      %dma_wait3A_181 = arith.constant 0 : i32
      %dma_wait3A_182 = arith.constant 0 : i32
      %dma_wait3A_183 = arith.constant 0 : i32
      %dma_wait3A_184 = arith.constant 0 : i32
      %dma_wait3A_185 = tpu.memref_slice %arg18[%scan3A_123, %dma_wait3A_181, %dma_wait3A_182, %dma_wait3A_183, %dma_wait3A_184] : memref<1x16x2x8x128xf32, #tpu.memory_space<vmem>> -> memref<1x16x2x8x128xf32, #tpu.memory_space<vmem>>
      %dma_wait3A_186 = tpu.memref_squeeze %dma_wait3A_185 : memref<1x16x2x8x128xf32, #tpu.memory_space<vmem>> -> memref<16x2x8x128xf32, #tpu.memory_space<vmem>>
      %dma_wait3A_187 = arith.constant 0 : i32
      %dma_wait3A_188 = arith.constant 0 : i32
      %dma_wait3A_189 = arith.constant 0 : i32
      %dma_wait3A_190 = arith.constant 0 : i32
      %dma_wait3A_191 = tpu.memref_slice %arg9[%dma_wait3A_179, %dma_wait3A_187, %dma_wait3A_188, %dma_wait3A_180, %dma_wait3A_189, %dma_wait3A_190] : memref<64x16x2x8x8x128xf32, #tpu.memory_space<hbm>> -> memref<1x16x2x1x8x128xf32, #tpu.memory_space<hbm>>
      %dma_wait3A_192 = tpu.memref_squeeze %dma_wait3A_191 : memref<1x16x2x1x8x128xf32, #tpu.memory_space<hbm>> -> memref<16x2x8x128xf32, #tpu.memory_space<hbm>>
      %dma_wait3A_193 = arith.constant 0 : i32
      %dma_wait3A_194 = arith.constant 0 : i32
      %dma_wait3A_195 = arith.constant 0 : i32
      %dma_wait3A_196 = arith.constant 0 : i32
      %dma_wait3A_197 = tpu.memref_slice %arg18[%scan3A_123, %dma_wait3A_193, %dma_wait3A_194, %dma_wait3A_195, %dma_wait3A_196] : memref<1x16x2x8x128xf32, #tpu.memory_space<vmem>> -> memref<1x16x2x8x128xf32, #tpu.memory_space<vmem>>
      %dma_wait3A_198 = tpu.memref_squeeze %dma_wait3A_197 : memref<1x16x2x8x128xf32, #tpu.memory_space<vmem>> -> memref<16x2x8x128xf32, #tpu.memory_space<vmem>>
      %dma_wait3A_199 = arith.constant 0 : i32
      %dma_wait3A_200 = arith.constant 0 : i32
      %dma_wait3A_201 = arith.constant 0 : i32
      %dma_wait3A_202 = arith.constant 0 : i32
      %dma_wait3A_203 = tpu.memref_slice %arg9[%dma_wait3A_179, %dma_wait3A_199, %dma_wait3A_200, %dma_wait3A_180, %dma_wait3A_201, %dma_wait3A_202] : memref<64x16x2x8x8x128xf32, #tpu.memory_space<hbm>> -> memref<1x16x2x1x8x128xf32, #tpu.memory_space<hbm>>
      %dma_wait3A_204 = tpu.memref_squeeze %dma_wait3A_203 : memref<1x16x2x1x8x128xf32, #tpu.memory_space<hbm>> -> memref<16x2x8x128xf32, #tpu.memory_space<hbm>>
      tpu.wait_dma2 semaphore(%arg21 : memref<!tpu.dma_semaphore, #tpu.memory_space<semaphore_mem>>) src(%dma_wait3A_204 : memref<16x2x8x128xf32, #tpu.memory_space<hbm>>) dst(%dma_wait3A_198 : memref<16x2x8x128xf32, #tpu.memory_space<vmem>>)
      %scan3A_205 = arith.constant 0 : i32
      scf.yield %scan3A_205 : i32
    }
    %scan3A_130 = arith.constant 4 : i32
    %dma_wait3A_131 = arith.constant 0 : i32
    %dma_wait3A_132 = arith.constant 0 : i32
    %dma_wait3A_133 = arith.constant 0 : i32
    %dma_wait3A_134 = arith.constant 0 : i32
    %dma_wait3A_135 = tpu.memref_slice %arg10[%add3A_74, %dma_wait3A_131, %dma_wait3A_132, %dma_wait3A_133, %dma_wait3A_134] : memref<64x2x8x8x128xf32, #tpu.memory_space<hbm>> -> memref<1x2x8x8x128xf32, #tpu.memory_space<hbm>>
    %dma_wait3A_136 = tpu.memref_squeeze %dma_wait3A_135 : memref<1x2x8x8x128xf32, #tpu.memory_space<hbm>> -> memref<2x8x8x128xf32, #tpu.memory_space<hbm>>
    %dma_wait3A_137 = arith.constant 0 : i32
    %dma_wait3A_138 = arith.constant 0 : i32
    %dma_wait3A_139 = arith.constant 0 : i32
    %dma_wait3A_140 = arith.constant 0 : i32
    %dma_wait3A_141 = tpu.memref_slice %arg10[%add3A_74, %dma_wait3A_137, %dma_wait3A_138, %dma_wait3A_139, %dma_wait3A_140] : memref<64x2x8x8x128xf32, #tpu.memory_space<hbm>> -> memref<1x2x8x8x128xf32, #tpu.memory_space<hbm>>
    %dma_wait3A_142 = tpu.memref_squeeze %dma_wait3A_141 : memref<1x2x8x8x128xf32, #tpu.memory_space<hbm>> -> memref<2x8x8x128xf32, #tpu.memory_space<hbm>>
    tpu.wait_dma2 semaphore(%arg19 : memref<!tpu.dma_semaphore, #tpu.memory_space<semaphore_mem>>) src(%dma_wait3A_142 : memref<2x8x8x128xf32, #tpu.memory_space<hbm>>) dst(%arg15 : memref<2x8x8x128xf32, #tpu.memory_space<vmem>>)
    "tpu.region"() ({
      %run_scoped3A = tpu.sem_alloc : memref<!tpu.dma_semaphore, #tpu.memory_space<semaphore_mem>>
      %dma_start3A = arith.constant 0 : i32
      %dma_start3A_145 = arith.constant 0 : i32
      %dma_start3A_146 = arith.constant 0 : i32
      %dma_start3A_147 = arith.constant 0 : i32
      %dma_start3A_148 = tpu.memref_slice %arg10[%add3A_74, %dma_start3A, %dma_start3A_145, %dma_start3A_146, %dma_start3A_147] : memref<64x2x8x8x128xf32, #tpu.memory_space<hbm>> -> memref<1x2x8x8x128xf32, #tpu.memory_space<hbm>>
      %dma_start3A_149 = tpu.memref_squeeze %dma_start3A_148 : memref<1x2x8x8x128xf32, #tpu.memory_space<hbm>> -> memref<2x8x8x128xf32, #tpu.memory_space<hbm>>
      %dma_start3A_150 = arith.constant 0 : i32
      %dma_start3A_151 = arith.constant 0 : i32
      %dma_start3A_152 = arith.constant 0 : i32
      %dma_start3A_153 = arith.constant 0 : i32
      %dma_start3A_154 = tpu.memref_slice %arg10[%add3A_74, %dma_start3A_150, %dma_start3A_151, %dma_start3A_152, %dma_start3A_153] : memref<64x2x8x8x128xf32, #tpu.memory_space<hbm>> -> memref<1x2x8x8x128xf32, #tpu.memory_space<hbm>>
      %dma_start3A_155 = tpu.memref_squeeze %dma_start3A_154 : memref<1x2x8x8x128xf32, #tpu.memory_space<hbm>> -> memref<2x8x8x128xf32, #tpu.memory_space<hbm>>
      tpu.enqueue_dma source(%arg15 : memref<2x8x8x128xf32, #tpu.memory_space<vmem>>) target(%dma_start3A_155 : memref<2x8x8x128xf32, #tpu.memory_space<hbm>>) target_semaphore(%run_scoped3A : memref<!tpu.dma_semaphore, #tpu.memory_space<semaphore_mem>>)
      %dma_wait3A_156 = arith.constant 0 : i32
      %dma_wait3A_157 = arith.constant 0 : i32
      %dma_wait3A_158 = arith.constant 0 : i32
      %dma_wait3A_159 = arith.constant 0 : i32
      %dma_wait3A_160 = tpu.memref_slice %arg10[%add3A_74, %dma_wait3A_156, %dma_wait3A_157, %dma_wait3A_158, %dma_wait3A_159] : memref<64x2x8x8x128xf32, #tpu.memory_space<hbm>> -> memref<1x2x8x8x128xf32, #tpu.memory_space<hbm>>
      %dma_wait3A_161 = tpu.memref_squeeze %dma_wait3A_160 : memref<1x2x8x8x128xf32, #tpu.memory_space<hbm>> -> memref<2x8x8x128xf32, #tpu.memory_space<hbm>>
      %dma_wait3A_162 = arith.constant 0 : i32
      %dma_wait3A_163 = arith.constant 0 : i32
      %dma_wait3A_164 = arith.constant 0 : i32
      %dma_wait3A_165 = arith.constant 0 : i32
      %dma_wait3A_166 = tpu.memref_slice %arg10[%add3A_74, %dma_wait3A_162, %dma_wait3A_163, %dma_wait3A_164, %dma_wait3A_165] : memref<64x2x8x8x128xf32, #tpu.memory_space<hbm>> -> memref<1x2x8x8x128xf32, #tpu.memory_space<hbm>>
      %dma_wait3A_167 = tpu.memref_squeeze %dma_wait3A_166 : memref<1x2x8x8x128xf32, #tpu.memory_space<hbm>> -> memref<2x8x8x128xf32, #tpu.memory_space<hbm>>
      tpu.wait_dma2 semaphore(%run_scoped3A : memref<!tpu.dma_semaphore, #tpu.memory_space<semaphore_mem>>) src(%arg15 : memref<2x8x8x128xf32, #tpu.memory_space<vmem>>) dst(%dma_wait3A_167 : memref<2x8x8x128xf32, #tpu.memory_space<hbm>>)
      tpu.yield
    }) : () -> ()
    %lt3A = arith.constant 8 : i32
    %lt3A_143 = arith.cmpi slt, %add3A, %lt3A : i32
    %convert_element_type3A = arith.extui %lt3A_143 : i1 to i32
    %cond3A = arith.constant 0 : i32
    %cond3A_144 = arith.cmpi ne, %convert_element_type3A, %cond3A : i32
    scf.if %cond3A_144 {
      "tpu.region"() ({
        %run_scoped3A_317 = tpu.sem_alloc : memref<!tpu.dma_semaphore, #tpu.memory_space<semaphore_mem>>
        %dma_start3A = arith.constant 0 : i32
        %dma_start3A_318 = arith.constant 0 : i32
        %dma_start3A_319 = tpu.memref_slice %arg7[%add3A, %dma_start3A, %dma_start3A_318] : memref<8x1x128xi32, #tpu.memory_space<hbm>> -> memref<1x1x128xi32, #tpu.memory_space<hbm>>
        %dma_start3A_320 = tpu.memref_squeeze %dma_start3A_319 : memref<1x1x128xi32, #tpu.memory_space<hbm>> -> memref<1x128xi32, #tpu.memory_space<hbm>>
        %dma_start3A_321 = arith.constant 0 : i32
        %dma_start3A_322 = arith.constant 0 : i32
        %dma_start3A_323 = tpu.memref_slice %arg7[%add3A, %dma_start3A_321, %dma_start3A_322] : memref<8x1x128xi32, #tpu.memory_space<hbm>> -> memref<1x1x128xi32, #tpu.memory_space<hbm>>
        %dma_start3A_324 = tpu.memref_squeeze %dma_start3A_323 : memref<1x1x128xi32, #tpu.memory_space<hbm>> -> memref<1x128xi32, #tpu.memory_space<hbm>>
        tpu.enqueue_dma source(%dma_start3A_324 : memref<1x128xi32, #tpu.memory_space<hbm>>) target(%arg16 : memref<1x128xi32, #tpu.memory_space<vmem>>) target_semaphore(%run_scoped3A_317 : memref<!tpu.dma_semaphore, #tpu.memory_space<semaphore_mem>>)
        %dma_wait3A_325 = arith.constant 0 : i32
        %dma_wait3A_326 = arith.constant 0 : i32
        %dma_wait3A_327 = tpu.memref_slice %arg7[%add3A, %dma_wait3A_325, %dma_wait3A_326] : memref<8x1x128xi32, #tpu.memory_space<hbm>> -> memref<1x1x128xi32, #tpu.memory_space<hbm>>
        %dma_wait3A_328 = tpu.memref_squeeze %dma_wait3A_327 : memref<1x1x128xi32, #tpu.memory_space<hbm>> -> memref<1x128xi32, #tpu.memory_space<hbm>>
        %dma_wait3A_329 = arith.constant 0 : i32
        %dma_wait3A_330 = arith.constant 0 : i32
        %dma_wait3A_331 = tpu.memref_slice %arg7[%add3A, %dma_wait3A_329, %dma_wait3A_330] : memref<8x1x128xi32, #tpu.memory_space<hbm>> -> memref<1x1x128xi32, #tpu.memory_space<hbm>>
        %dma_wait3A_332 = tpu.memref_squeeze %dma_wait3A_331 : memref<1x1x128xi32, #tpu.memory_space<hbm>> -> memref<1x128xi32, #tpu.memory_space<hbm>>
        tpu.wait_dma2 semaphore(%run_scoped3A_317 : memref<!tpu.dma_semaphore, #tpu.memory_space<semaphore_mem>>) src(%dma_wait3A_332 : memref<1x128xi32, #tpu.memory_space<hbm>>) dst(%arg16 : memref<1x128xi32, #tpu.memory_space<vmem>>)
        tpu.yield
      }) : () -> ()
      %get3A = arith.constant 0 : i32
      %get3A_145 = arith.index_cast %get3A : i32 to index
      %get3A_146 = arith.constant 0 : index
      %get3A_147 = tpu.vector_load %arg16[%get3A_145, %get3A_146] {strides = array<i32>} : memref<1x128xi32, #tpu.memory_space<vmem>>, vector<16xi32>,
      %shift_right_arithmetic3A = arith.constant 7 : i32
      %shift_right_arithmetic3A_148 = vector.broadcast %shift_right_arithmetic3A : i32 to vector<16xi32>
      %shift_right_arithmetic3A_149 = arith.shrsi %get3A_147, %shift_right_arithmetic3A_148 : vector<16xi32>
      %mul3A_150 = arith.constant 896 : i32
      %mul3A_151 = vector.broadcast %mul3A_150 : i32 to vector<16xi32>
      %mul3A_152 = arith.muli %shift_right_arithmetic3A_149, %mul3A_151 : vector<16xi32>
      %add3A_153 = arith.addi %get3A_147, %mul3A_152 : vector<16xi32>
      %swap3A = arith.constant 0 : i32
      %swap3A_154 = arith.index_cast %swap3A : i32 to index
      %swap3A_155 = arith.constant 0 : index
      %swap3A_156 = tpu.vector_load %arg16[%swap3A_154, %swap3A_155] {strides = array<i32>} : memref<1x128xi32, #tpu.memory_space<vmem>>, vector<16xi32>,
      tpu.vector_store %arg16[%swap3A_154, %swap3A_155], %add3A_153 {strides = array<i32>} : memref<1x128xi32, #tpu.memory_space<vmem>>, vector<16xi32>,
      %get3A_157 = arith.constant 0 : i32
      %get3A_158 = arith.index_cast %get3A_157 : i32 to index
      %get3A_159 = arith.constant 16 : index
      %get3A_160 = tpu.vector_load %arg16[%get3A_158, %get3A_159] {strides = array<i32>} : memref<1x128xi32, #tpu.memory_space<vmem>>, vector<16xi32>,
      %shift_right_arithmetic3A_161 = arith.constant 7 : i32
      %shift_right_arithmetic3A_162 = vector.broadcast %shift_right_arithmetic3A_161 : i32 to vector<16xi32>
      %shift_right_arithmetic3A_163 = arith.shrsi %get3A_160, %shift_right_arithmetic3A_162 : vector<16xi32>
      %mul3A_164 = arith.constant 896 : i32
      %mul3A_165 = vector.broadcast %mul3A_164 : i32 to vector<16xi32>
      %mul3A_166 = arith.muli %shift_right_arithmetic3A_163, %mul3A_165 : vector<16xi32>
      %add3A_167 = arith.addi %get3A_160, %mul3A_166 : vector<16xi32>
      %swap3A_168 = arith.constant 0 : i32
      %swap3A_169 = arith.index_cast %swap3A_168 : i32 to index
      %swap3A_170 = arith.constant 16 : index
      %swap3A_171 = tpu.vector_load %arg16[%swap3A_169, %swap3A_170] {strides = array<i32>} : memref<1x128xi32, #tpu.memory_space<vmem>>, vector<16xi32>,
      tpu.vector_store %arg16[%swap3A_169, %swap3A_170], %add3A_167 {strides = array<i32>} : memref<1x128xi32, #tpu.memory_space<vmem>>, vector<16xi32>,
      %get3A_172 = arith.constant 0 : i32
      %get3A_173 = arith.index_cast %get3A_172 : i32 to index
      %get3A_174 = arith.constant 32 : index
      %get3A_175 = tpu.vector_load %arg16[%get3A_173, %get3A_174] {strides = array<i32>} : memref<1x128xi32, #tpu.memory_space<vmem>>, vector<16xi32>,
      %shift_right_arithmetic3A_176 = arith.constant 7 : i32
      %shift_right_arithmetic3A_177 = vector.broadcast %shift_right_arithmetic3A_176 : i32 to vector<16xi32>
      %shift_right_arithmetic3A_178 = arith.shrsi %get3A_175, %shift_right_arithmetic3A_177 : vector<16xi32>
      %mul3A_179 = arith.constant 896 : i32
      %mul3A_180 = vector.broadcast %mul3A_179 : i32 to vector<16xi32>
      %mul3A_181 = arith.muli %shift_right_arithmetic3A_178, %mul3A_180 : vector<16xi32>
      %add3A_182 = arith.addi %get3A_175, %mul3A_181 : vector<16xi32>
      %swap3A_183 = arith.constant 0 : i32
      %swap3A_184 = arith.index_cast %swap3A_183 : i32 to index
      %swap3A_185 = arith.constant 32 : index
      %swap3A_186 = tpu.vector_load %arg16[%swap3A_184, %swap3A_185] {strides = array<i32>} : memref<1x128xi32, #tpu.memory_space<vmem>>, vector<16xi32>,
      tpu.vector_store %arg16[%swap3A_184, %swap3A_185], %add3A_182 {strides = array<i32>} : memref<1x128xi32, #tpu.memory_space<vmem>>, vector<16xi32>,
      %get3A_187 = arith.constant 0 : i32
      %get3A_188 = arith.index_cast %get3A_187 : i32 to index
      %get3A_189 = arith.constant 48 : index
      %get3A_190 = tpu.vector_load %arg16[%get3A_188, %get3A_189] {strides = array<i32>} : memref<1x128xi32, #tpu.memory_space<vmem>>, vector<16xi32>,
      %shift_right_arithmetic3A_191 = arith.constant 7 : i32
      %shift_right_arithmetic3A_192 = vector.broadcast %shift_right_arithmetic3A_191 : i32 to vector<16xi32>
      %shift_right_arithmetic3A_193 = arith.shrsi %get3A_190, %shift_right_arithmetic3A_192 : vector<16xi32>
      %mul3A_194 = arith.constant 896 : i32
      %mul3A_195 = vector.broadcast %mul3A_194 : i32 to vector<16xi32>
      %mul3A_196 = arith.muli %shift_right_arithmetic3A_193, %mul3A_195 : vector<16xi32>
      %add3A_197 = arith.addi %get3A_190, %mul3A_196 : vector<16xi32>
      %swap3A_198 = arith.constant 0 : i32
      %swap3A_199 = arith.index_cast %swap3A_198 : i32 to index
      %swap3A_200 = arith.constant 48 : index
      %swap3A_201 = tpu.vector_load %arg16[%swap3A_199, %swap3A_200] {strides = array<i32>} : memref<1x128xi32, #tpu.memory_space<vmem>>, vector<16xi32>,
      tpu.vector_store %arg16[%swap3A_199, %swap3A_200], %add3A_197 {strides = array<i32>} : memref<1x128xi32, #tpu.memory_space<vmem>>, vector<16xi32>,
      %get3A_202 = arith.constant 0 : i32
      %get3A_203 = arith.index_cast %get3A_202 : i32 to index
      %get3A_204 = arith.constant 64 : index
      %get3A_205 = tpu.vector_load %arg16[%get3A_203, %get3A_204] {strides = array<i32>} : memref<1x128xi32, #tpu.memory_space<vmem>>, vector<16xi32>,
      %shift_right_arithmetic3A_206 = arith.constant 7 : i32
      %shift_right_arithmetic3A_207 = vector.broadcast %shift_right_arithmetic3A_206 : i32 to vector<16xi32>
      %shift_right_arithmetic3A_208 = arith.shrsi %get3A_205, %shift_right_arithmetic3A_207 : vector<16xi32>
      %mul3A_209 = arith.constant 896 : i32
      %mul3A_210 = vector.broadcast %mul3A_209 : i32 to vector<16xi32>
      %mul3A_211 = arith.muli %shift_right_arithmetic3A_208, %mul3A_210 : vector<16xi32>
      %add3A_212 = arith.addi %get3A_205, %mul3A_211 : vector<16xi32>
      %swap3A_213 = arith.constant 0 : i32
      %swap3A_214 = arith.index_cast %swap3A_213 : i32 to index
      %swap3A_215 = arith.constant 64 : index
      %swap3A_216 = tpu.vector_load %arg16[%swap3A_214, %swap3A_215] {strides = array<i32>} : memref<1x128xi32, #tpu.memory_space<vmem>>, vector<16xi32>,
      tpu.vector_store %arg16[%swap3A_214, %swap3A_215], %add3A_212 {strides = array<i32>} : memref<1x128xi32, #tpu.memory_space<vmem>>, vector<16xi32>,
      %get3A_217 = arith.constant 0 : i32
      %get3A_218 = arith.index_cast %get3A_217 : i32 to index
      %get3A_219 = arith.constant 80 : index
      %get3A_220 = tpu.vector_load %arg16[%get3A_218, %get3A_219] {strides = array<i32>} : memref<1x128xi32, #tpu.memory_space<vmem>>, vector<16xi32>,
      %shift_right_arithmetic3A_221 = arith.constant 7 : i32
      %shift_right_arithmetic3A_222 = vector.broadcast %shift_right_arithmetic3A_221 : i32 to vector<16xi32>
      %shift_right_arithmetic3A_223 = arith.shrsi %get3A_220, %shift_right_arithmetic3A_222 : vector<16xi32>
      %mul3A_224 = arith.constant 896 : i32
      %mul3A_225 = vector.broadcast %mul3A_224 : i32 to vector<16xi32>
      %mul3A_226 = arith.muli %shift_right_arithmetic3A_223, %mul3A_225 : vector<16xi32>
      %add3A_227 = arith.addi %get3A_220, %mul3A_226 : vector<16xi32>
      %swap3A_228 = arith.constant 0 : i32
      %swap3A_229 = arith.index_cast %swap3A_228 : i32 to index
      %swap3A_230 = arith.constant 80 : index
      %swap3A_231 = tpu.vector_load %arg16[%swap3A_229, %swap3A_230] {strides = array<i32>} : memref<1x128xi32, #tpu.memory_space<vmem>>, vector<16xi32>,
      tpu.vector_store %arg16[%swap3A_229, %swap3A_230], %add3A_227 {strides = array<i32>} : memref<1x128xi32, #tpu.memory_space<vmem>>, vector<16xi32>,
      %get3A_232 = arith.constant 0 : i32
      %get3A_233 = arith.index_cast %get3A_232 : i32 to index
      %get3A_234 = arith.constant 96 : index
      %get3A_235 = tpu.vector_load %arg16[%get3A_233, %get3A_234] {strides = array<i32>} : memref<1x128xi32, #tpu.memory_space<vmem>>, vector<16xi32>,
      %shift_right_arithmetic3A_236 = arith.constant 7 : i32
      %shift_right_arithmetic3A_237 = vector.broadcast %shift_right_arithmetic3A_236 : i32 to vector<16xi32>
      %shift_right_arithmetic3A_238 = arith.shrsi %get3A_235, %shift_right_arithmetic3A_237 : vector<16xi32>
      %mul3A_239 = arith.constant 896 : i32
      %mul3A_240 = vector.broadcast %mul3A_239 : i32 to vector<16xi32>
      %mul3A_241 = arith.muli %shift_right_arithmetic3A_238, %mul3A_240 : vector<16xi32>
      %add3A_242 = arith.addi %get3A_235, %mul3A_241 : vector<16xi32>
      %swap3A_243 = arith.constant 0 : i32
      %swap3A_244 = arith.index_cast %swap3A_243 : i32 to index
      %swap3A_245 = arith.constant 96 : index
      %swap3A_246 = tpu.vector_load %arg16[%swap3A_244, %swap3A_245] {strides = array<i32>} : memref<1x128xi32, #tpu.memory_space<vmem>>, vector<16xi32>,
      tpu.vector_store %arg16[%swap3A_244, %swap3A_245], %add3A_242 {strides = array<i32>} : memref<1x128xi32, #tpu.memory_space<vmem>>, vector<16xi32>,
      %get3A_247 = arith.constant 0 : i32
      %get3A_248 = arith.index_cast %get3A_247 : i32 to index
      %get3A_249 = arith.constant 112 : index
      %get3A_250 = tpu.vector_load %arg16[%get3A_248, %get3A_249] {strides = array<i32>} : memref<1x128xi32, #tpu.memory_space<vmem>>, vector<16xi32>,
      %shift_right_arithmetic3A_251 = arith.constant 7 : i32
      %shift_right_arithmetic3A_252 = vector.broadcast %shift_right_arithmetic3A_251 : i32 to vector<16xi32>
      %shift_right_arithmetic3A_253 = arith.shrsi %get3A_250, %shift_right_arithmetic3A_252 : vector<16xi32>
      %mul3A_254 = arith.constant 896 : i32
      %mul3A_255 = vector.broadcast %mul3A_254 : i32 to vector<16xi32>
      %mul3A_256 = arith.muli %shift_right_arithmetic3A_253, %mul3A_255 : vector<16xi32>
      %add3A_257 = arith.addi %get3A_250, %mul3A_256 : vector<16xi32>
      %swap3A_258 = arith.constant 0 : i32
      %swap3A_259 = arith.index_cast %swap3A_258 : i32 to index
      %swap3A_260 = arith.constant 112 : index
      %swap3A_261 = tpu.vector_load %arg16[%swap3A_259, %swap3A_260] {strides = array<i32>} : memref<1x128xi32, #tpu.memory_space<vmem>>, vector<16xi32>,
      tpu.vector_store %arg16[%swap3A_259, %swap3A_260], %add3A_257 {strides = array<i32>} : memref<1x128xi32, #tpu.memory_space<vmem>>, vector<16xi32>,
      %scan3A_262 = arith.constant 0 : i32
      %scan3A_263 = arith.constant 0 : i32
      %scan3A_264 = arith.constant 8 : i32
      %scan3A_265 = arith.addi %scan3A_263, %scan3A_264 : i32
      %scan3A_266 = arith.constant 1 : i32
      %scan3A_267 = scf.for %scan3A_317 = %scan3A_263 to %scan3A_265 step %scan3A_266 iter_args(%scan3A_318 = %scan3A_262) -> (i32)  : i32 {
        %mul3A_319 = arith.constant 128 : i32
        %mul3A_320 = arith.muli %scan3A_317, %mul3A_319 : i32
        %add3A_321 = arith.constant 0 : i32
        %add3A_322 = arith.addi %add3A_321, %mul3A_320 : i32
        %dma_start3A = arith.constant 0 : i32
        %dma_start3A_323 = arith.constant 0 : i32
        %dma_start3A_324 = arith.constant 0 : i32
        %dma_start3A_325 = tpu.memref_slice %arg17[%dma_start3A_323, %scan3A_317, %dma_start3A_324] : memref<2x8x128xf32, #tpu.memory_space<vmem>> -> memref<1x1x128xf32, #tpu.memory_space<vmem>>
        %dma_start3A_326 = tpu.memref_squeeze %dma_start3A_325 : memref<1x1x128xf32, #tpu.memory_space<vmem>> -> memref<128xf32, #tpu.memory_space<vmem>>
        %dma_start3A_327 = arith.constant 0 : i32
        %dma_start3A_328 = tpu.memref_slice %arg16[%dma_start3A, %dma_start3A_327] : memref<1x128xi32, #tpu.memory_space<vmem>> -> memref<1x128xi32, #tpu.memory_space<vmem>>
        %dma_start3A_329 = tpu.memref_squeeze %dma_start3A_328 : memref<1x128xi32, #tpu.memory_space<vmem>> -> memref<128xi32, #tpu.memory_space<vmem>>
        %dma_start3A_330 = tpu.memref_slice %arg2[%add3A_322] : memref<16001024xf32, #tpu.memory_space<hbm>> -> memref<7999616xf32, #tpu.memory_space<hbm>>
        %dma_start3A_331 = arith.constant 0 : i32
        %dma_start3A_332 = tpu.memref_slice %dma_start3A_330[%dma_start3A_331] : memref<7999616xf32, #tpu.memory_space<hbm>> -> memref<7999616xf32, #tpu.memory_space<hbm>>
        tpu.enqueue_indirect_dma source(%dma_start3A_332 : memref<7999616xf32, #tpu.memory_space<hbm>>) target(%dma_start3A_326 : memref<128xf32, #tpu.memory_space<vmem>>) offsets(%dma_start3A_329 : memref<128xi32, #tpu.memory_space<vmem>>) semaphore(%arg20 : memref<!tpu.dma_semaphore, #tpu.memory_space<semaphore_mem>>)
        %scan3A_333 = arith.constant 0 : i32
        scf.yield %scan3A_333 : i32
      }
      %scan3A_268 = arith.constant 8 : i32
      %scan3A_269 = arith.constant 0 : i32
      %scan3A_270 = arith.constant 0 : i32
      %scan3A_271 = arith.constant 8 : i32
      %scan3A_272 = arith.addi %scan3A_270, %scan3A_271 : i32
      %scan3A_273 = arith.constant 1 : i32
      %scan3A_274 = scf.for %scan3A_317 = %scan3A_270 to %scan3A_272 step %scan3A_273 iter_args(%scan3A_318 = %scan3A_269) -> (i32)  : i32 {
        %mul3A_319 = arith.constant 128 : i32
        %mul3A_320 = arith.muli %scan3A_317, %mul3A_319 : i32
        %add3A_321 = arith.constant 8000512 : i32
        %add3A_322 = arith.addi %add3A_321, %mul3A_320 : i32
        %dma_start3A = arith.constant 0 : i32
        %dma_start3A_323 = arith.constant 1 : i32
        %dma_start3A_324 = arith.constant 0 : i32
        %dma_start3A_325 = tpu.memref_slice %arg17[%dma_start3A_323, %scan3A_317, %dma_start3A_324] : memref<2x8x128xf32, #tpu.memory_space<vmem>> -> memref<1x1x128xf32, #tpu.memory_space<vmem>>
        %dma_start3A_326 = tpu.memref_squeeze %dma_start3A_325 : memref<1x1x128xf32, #tpu.memory_space<vmem>> -> memref<128xf32, #tpu.memory_space<vmem>>
        %dma_start3A_327 = arith.constant 0 : i32
        %dma_start3A_328 = tpu.memref_slice %arg16[%dma_start3A, %dma_start3A_327] : memref<1x128xi32, #tpu.memory_space<vmem>> -> memref<1x128xi32, #tpu.memory_space<vmem>>
        %dma_start3A_329 = tpu.memref_squeeze %dma_start3A_328 : memref<1x128xi32, #tpu.memory_space<vmem>> -> memref<128xi32, #tpu.memory_space<vmem>>
        %dma_start3A_330 = tpu.memref_slice %arg2[%add3A_322] : memref<16001024xf32, #tpu.memory_space<hbm>> -> memref<7999616xf32, #tpu.memory_space<hbm>>
        %dma_start3A_331 = arith.constant 0 : i32
        %dma_start3A_332 = tpu.memref_slice %dma_start3A_330[%dma_start3A_331] : memref<7999616xf32, #tpu.memory_space<hbm>> -> memref<7999616xf32, #tpu.memory_space<hbm>>
        tpu.enqueue_indirect_dma source(%dma_start3A_332 : memref<7999616xf32, #tpu.memory_space<hbm>>) target(%dma_start3A_326 : memref<128xf32, #tpu.memory_space<vmem>>) offsets(%dma_start3A_329 : memref<128xi32, #tpu.memory_space<vmem>>) semaphore(%arg20 : memref<!tpu.dma_semaphore, #tpu.memory_space<semaphore_mem>>)
        %scan3A_333 = arith.constant 0 : i32
        scf.yield %scan3A_333 : i32
      }
      %scan3A_275 = arith.constant 8 : i32
      %dma_wait3A_276 = arith.constant 0 : i32
      %dma_wait3A_277 = arith.constant 0 : i32
      %dma_wait3A_278 = arith.constant 0 : i32
      %dma_wait3A_279 = arith.constant 0 : i32
      %dma_wait3A_280 = arith.constant 0 : i32
      %dma_wait3A_281 = tpu.memref_slice %arg17[%dma_wait3A_278, %dma_wait3A_279, %dma_wait3A_280] : memref<2x8x128xf32, #tpu.memory_space<vmem>> -> memref<1x8x128xf32, #tpu.memory_space<vmem>>
      %dma_wait3A_282 = tpu.memref_squeeze %dma_wait3A_281 : memref<1x8x128xf32, #tpu.memory_space<vmem>> -> memref<8x128xf32, #tpu.memory_space<vmem>>
      %dma_wait3A_283 = arith.constant 0 : i32
      %dma_wait3A_284 = arith.constant 0 : i32
      %dma_wait3A_285 = tpu.memref_slice %arg11[%dma_wait3A_276, %dma_wait3A_277, %dma_wait3A_283, %dma_wait3A_284] : memref<2x8x8x128xf32, #tpu.memory_space<hbm>> -> memref<1x1x8x128xf32, #tpu.memory_space<hbm>>
      %dma_wait3A_286 = tpu.memref_squeeze %dma_wait3A_285 : memref<1x1x8x128xf32, #tpu.memory_space<hbm>> -> memref<8x128xf32, #tpu.memory_space<hbm>>
      %dma_wait3A_287 = arith.constant 0 : i32
      %dma_wait3A_288 = arith.constant 0 : i32
      %dma_wait3A_289 = tpu.memref_slice %arg17[%dma_wait3A_278, %dma_wait3A_287, %dma_wait3A_288] : memref<2x8x128xf32, #tpu.memory_space<vmem>> -> memref<1x8x128xf32, #tpu.memory_space<vmem>>
      %dma_wait3A_290 = tpu.memref_squeeze %dma_wait3A_289 : memref<1x8x128xf32, #tpu.memory_space<vmem>> -> memref<8x128xf32, #tpu.memory_space<vmem>>
      %dma_wait3A_291 = arith.constant 0 : i32
      %dma_wait3A_292 = arith.constant 0 : i32
      %dma_wait3A_293 = tpu.memref_slice %arg11[%dma_wait3A_276, %dma_wait3A_277, %dma_wait3A_291, %dma_wait3A_292] : memref<2x8x8x128xf32, #tpu.memory_space<hbm>> -> memref<1x1x8x128xf32, #tpu.memory_space<hbm>>
      %dma_wait3A_294 = tpu.memref_squeeze %dma_wait3A_293 : memref<1x1x8x128xf32, #tpu.memory_space<hbm>> -> memref<8x128xf32, #tpu.memory_space<hbm>>
      tpu.wait_dma2 semaphore(%arg20 : memref<!tpu.dma_semaphore, #tpu.memory_space<semaphore_mem>>) src(%dma_wait3A_294 : memref<8x128xf32, #tpu.memory_space<hbm>>) dst(%dma_wait3A_290 : memref<8x128xf32, #tpu.memory_space<vmem>>)
      %dma_wait3A_295 = arith.constant 1 : i32
      %dma_wait3A_296 = arith.constant 0 : i32
      %dma_wait3A_297 = arith.constant 1 : i32
      %dma_wait3A_298 = arith.constant 0 : i32
      %dma_wait3A_299 = arith.constant 0 : i32
      %dma_wait3A_300 = tpu.memref_slice %arg17[%dma_wait3A_297, %dma_wait3A_298, %dma_wait3A_299] : memref<2x8x128xf32, #tpu.memory_space<vmem>> -> memref<1x8x128xf32, #tpu.memory_space<vmem>>
      %dma_wait3A_301 = tpu.memref_squeeze %dma_wait3A_300 : memref<1x8x128xf32, #tpu.memory_space<vmem>> -> memref<8x128xf32, #tpu.memory_space<vmem>>
      %dma_wait3A_302 = arith.constant 0 : i32
      %dma_wait3A_303 = arith.constant 0 : i32
      %dma_wait3A_304 = tpu.memref_slice %arg11[%dma_wait3A_295, %dma_wait3A_296, %dma_wait3A_302, %dma_wait3A_303] : memref<2x8x8x128xf32, #tpu.memory_space<hbm>> -> memref<1x1x8x128xf32, #tpu.memory_space<hbm>>
      %dma_wait3A_305 = tpu.memref_squeeze %dma_wait3A_304 : memref<1x1x8x128xf32, #tpu.memory_space<hbm>> -> memref<8x128xf32, #tpu.memory_space<hbm>>
      %dma_wait3A_306 = arith.constant 0 : i32
      %dma_wait3A_307 = arith.constant 0 : i32
      %dma_wait3A_308 = tpu.memref_slice %arg17[%dma_wait3A_297, %dma_wait3A_306, %dma_wait3A_307] : memref<2x8x128xf32, #tpu.memory_space<vmem>> -> memref<1x8x128xf32, #tpu.memory_space<vmem>>
      %dma_wait3A_309 = tpu.memref_squeeze %dma_wait3A_308 : memref<1x8x128xf32, #tpu.memory_space<vmem>> -> memref<8x128xf32, #tpu.memory_space<vmem>>
      %dma_wait3A_310 = arith.constant 0 : i32
      %dma_wait3A_311 = arith.constant 0 : i32
      %dma_wait3A_312 = tpu.memref_slice %arg11[%dma_wait3A_295, %dma_wait3A_296, %dma_wait3A_310, %dma_wait3A_311] : memref<2x8x8x128xf32, #tpu.memory_space<hbm>> -> memref<1x1x8x128xf32, #tpu.memory_space<hbm>>
      %dma_wait3A_313 = tpu.memref_squeeze %dma_wait3A_312 : memref<1x1x8x128xf32, #tpu.memory_space<hbm>> -> memref<8x128xf32, #tpu.memory_space<hbm>>
      tpu.wait_dma2 semaphore(%arg20 : memref<!tpu.dma_semaphore, #tpu.memory_space<semaphore_mem>>) src(%dma_wait3A_313 : memref<8x128xf32, #tpu.memory_space<hbm>>) dst(%dma_wait3A_309 : memref<8x128xf32, #tpu.memory_space<vmem>>)
      %run_scoped3A = arith.constant 0 : i32
      %run_scoped3A_314 = arith.constant 0 : i32
      "tpu.region"() ({
        %run_scoped3A_317 = tpu.sem_alloc : memref<!tpu.dma_semaphore, #tpu.memory_space<semaphore_mem>>
        %dma_start3A = arith.constant 0 : i32
        %dma_start3A_318 = arith.constant 0 : i32
        %dma_start3A_319 = tpu.memref_slice %arg17[%run_scoped3A, %dma_start3A, %dma_start3A_318] : memref<2x8x128xf32, #tpu.memory_space<vmem>> -> memref<1x8x128xf32, #tpu.memory_space<vmem>>
        %dma_start3A_320 = tpu.memref_squeeze %dma_start3A_319 : memref<1x8x128xf32, #tpu.memory_space<vmem>> -> memref<8x128xf32, #tpu.memory_space<vmem>>
        %dma_start3A_321 = arith.constant 0 : i32
        %dma_start3A_322 = arith.constant 0 : i32
        %dma_start3A_323 = tpu.memref_slice %arg11[%run_scoped3A_314, %add3A, %dma_start3A_321, %dma_start3A_322] : memref<2x8x8x128xf32, #tpu.memory_space<hbm>> -> memref<1x1x8x128xf32, #tpu.memory_space<hbm>>
        %dma_start3A_324 = tpu.memref_squeeze %dma_start3A_323 : memref<1x1x8x128xf32, #tpu.memory_space<hbm>> -> memref<8x128xf32, #tpu.memory_space<hbm>>
        %dma_start3A_325 = arith.constant 0 : i32
        %dma_start3A_326 = arith.constant 0 : i32
        %dma_start3A_327 = tpu.memref_slice %arg11[%run_scoped3A_314, %add3A, %dma_start3A_325, %dma_start3A_326] : memref<2x8x8x128xf32, #tpu.memory_space<hbm>> -> memref<1x1x8x128xf32, #tpu.memory_space<hbm>>
        %dma_start3A_328 = tpu.memref_squeeze %dma_start3A_327 : memref<1x1x8x128xf32, #tpu.memory_space<hbm>> -> memref<8x128xf32, #tpu.memory_space<hbm>>
        %dma_start3A_329 = arith.constant 0 : i32
        %dma_start3A_330 = arith.constant 0 : i32
        %dma_start3A_331 = tpu.memref_slice %arg17[%run_scoped3A, %dma_start3A_329, %dma_start3A_330] : memref<2x8x128xf32, #tpu.memory_space<vmem>> -> memref<1x8x128xf32, #tpu.memory_space<vmem>>
        %dma_start3A_332 = tpu.memref_squeeze %dma_start3A_331 : memref<1x8x128xf32, #tpu.memory_space<vmem>> -> memref<8x128xf32, #tpu.memory_space<vmem>>
        tpu.enqueue_dma source(%dma_start3A_332 : memref<8x128xf32, #tpu.memory_space<vmem>>) target(%dma_start3A_328 : memref<8x128xf32, #tpu.memory_space<hbm>>) target_semaphore(%run_scoped3A_317 : memref<!tpu.dma_semaphore, #tpu.memory_space<semaphore_mem>>)
        %dma_wait3A_333 = arith.constant 0 : i32
        %dma_wait3A_334 = arith.constant 0 : i32
        %dma_wait3A_335 = tpu.memref_slice %arg17[%run_scoped3A, %dma_wait3A_333, %dma_wait3A_334] : memref<2x8x128xf32, #tpu.memory_space<vmem>> -> memref<1x8x128xf32, #tpu.memory_space<vmem>>
        %dma_wait3A_336 = tpu.memref_squeeze %dma_wait3A_335 : memref<1x8x128xf32, #tpu.memory_space<vmem>> -> memref<8x128xf32, #tpu.memory_space<vmem>>
        %dma_wait3A_337 = arith.constant 0 : i32
        %dma_wait3A_338 = arith.constant 0 : i32
        %dma_wait3A_339 = tpu.memref_slice %arg11[%run_scoped3A_314, %add3A, %dma_wait3A_337, %dma_wait3A_338] : memref<2x8x8x128xf32, #tpu.memory_space<hbm>> -> memref<1x1x8x128xf32, #tpu.memory_space<hbm>>
        %dma_wait3A_340 = tpu.memref_squeeze %dma_wait3A_339 : memref<1x1x8x128xf32, #tpu.memory_space<hbm>> -> memref<8x128xf32, #tpu.memory_space<hbm>>
        %dma_wait3A_341 = arith.constant 0 : i32
        %dma_wait3A_342 = arith.constant 0 : i32
        %dma_wait3A_343 = tpu.memref_slice %arg11[%run_scoped3A_314, %add3A, %dma_wait3A_341, %dma_wait3A_342] : memref<2x8x8x128xf32, #tpu.memory_space<hbm>> -> memref<1x1x8x128xf32, #tpu.memory_space<hbm>>
        %dma_wait3A_344 = tpu.memref_squeeze %dma_wait3A_343 : memref<1x1x8x128xf32, #tpu.memory_space<hbm>> -> memref<8x128xf32, #tpu.memory_space<hbm>>
        %dma_wait3A_345 = arith.constant 0 : i32
        %dma_wait3A_346 = arith.constant 0 : i32
        %dma_wait3A_347 = tpu.memref_slice %arg17[%run_scoped3A, %dma_wait3A_345, %dma_wait3A_346] : memref<2x8x128xf32, #tpu.memory_space<vmem>> -> memref<1x8x128xf32, #tpu.memory_space<vmem>>
        %dma_wait3A_348 = tpu.memref_squeeze %dma_wait3A_347 : memref<1x8x128xf32, #tpu.memory_space<vmem>> -> memref<8x128xf32, #tpu.memory_space<vmem>>
        tpu.wait_dma2 semaphore(%run_scoped3A_317 : memref<!tpu.dma_semaphore, #tpu.memory_space<semaphore_mem>>) src(%dma_wait3A_348 : memref<8x128xf32, #tpu.memory_space<vmem>>) dst(%dma_wait3A_344 : memref<8x128xf32, #tpu.memory_space<hbm>>)
        tpu.yield
      }) : () -> ()
      %run_scoped3A_315 = arith.constant 1 : i32
      %run_scoped3A_316 = arith.constant 1 : i32
      "tpu.region"() ({
        %run_scoped3A_317 = tpu.sem_alloc : memref<!tpu.dma_semaphore, #tpu.memory_space<semaphore_mem>>
        %dma_start3A = arith.constant 0 : i32
        %dma_start3A_318 = arith.constant 0 : i32
        %dma_start3A_319 = tpu.memref_slice %arg17[%run_scoped3A_315, %dma_start3A, %dma_start3A_318] : memref<2x8x128xf32, #tpu.memory_space<vmem>> -> memref<1x8x128xf32, #tpu.memory_space<vmem>>
        %dma_start3A_320 = tpu.memref_squeeze %dma_start3A_319 : memref<1x8x128xf32, #tpu.memory_space<vmem>> -> memref<8x128xf32, #tpu.memory_space<vmem>>
        %dma_start3A_321 = arith.constant 0 : i32
        %dma_start3A_322 = arith.constant 0 : i32
        %dma_start3A_323 = tpu.memref_slice %arg11[%run_scoped3A_316, %add3A, %dma_start3A_321, %dma_start3A_322] : memref<2x8x8x128xf32, #tpu.memory_space<hbm>> -> memref<1x1x8x128xf32, #tpu.memory_space<hbm>>
        %dma_start3A_324 = tpu.memref_squeeze %dma_start3A_323 : memref<1x1x8x128xf32, #tpu.memory_space<hbm>> -> memref<8x128xf32, #tpu.memory_space<hbm>>
        %dma_start3A_325 = arith.constant 0 : i32
        %dma_start3A_326 = arith.constant 0 : i32
        %dma_start3A_327 = tpu.memref_slice %arg11[%run_scoped3A_316, %add3A, %dma_start3A_325, %dma_start3A_326] : memref<2x8x8x128xf32, #tpu.memory_space<hbm>> -> memref<1x1x8x128xf32, #tpu.memory_space<hbm>>
        %dma_start3A_328 = tpu.memref_squeeze %dma_start3A_327 : memref<1x1x8x128xf32, #tpu.memory_space<hbm>> -> memref<8x128xf32, #tpu.memory_space<hbm>>
        %dma_start3A_329 = arith.constant 0 : i32
        %dma_start3A_330 = arith.constant 0 : i32
        %dma_start3A_331 = tpu.memref_slice %arg17[%run_scoped3A_315, %dma_start3A_329, %dma_start3A_330] : memref<2x8x128xf32, #tpu.memory_space<vmem>> -> memref<1x8x128xf32, #tpu.memory_space<vmem>>
        %dma_start3A_332 = tpu.memref_squeeze %dma_start3A_331 : memref<1x8x128xf32, #tpu.memory_space<vmem>> -> memref<8x128xf32, #tpu.memory_space<vmem>>
        tpu.enqueue_dma source(%dma_start3A_332 : memref<8x128xf32, #tpu.memory_space<vmem>>) target(%dma_start3A_328 : memref<8x128xf32, #tpu.memory_space<hbm>>) target_semaphore(%run_scoped3A_317 : memref<!tpu.dma_semaphore, #tpu.memory_space<semaphore_mem>>)
        %dma_wait3A_333 = arith.constant 0 : i32
        %dma_wait3A_334 = arith.constant 0 : i32
        %dma_wait3A_335 = tpu.memref_slice %arg17[%run_scoped3A_315, %dma_wait3A_333, %dma_wait3A_334] : memref<2x8x128xf32, #tpu.memory_space<vmem>> -> memref<1x8x128xf32, #tpu.memory_space<vmem>>
        %dma_wait3A_336 = tpu.memref_squeeze %dma_wait3A_335 : memref<1x8x128xf32, #tpu.memory_space<vmem>> -> memref<8x128xf32, #tpu.memory_space<vmem>>
        %dma_wait3A_337 = arith.constant 0 : i32
        %dma_wait3A_338 = arith.constant 0 : i32
        %dma_wait3A_339 = tpu.memref_slice %arg11[%run_scoped3A_316, %add3A, %dma_wait3A_337, %dma_wait3A_338] : memref<2x8x8x128xf32, #tpu.memory_space<hbm>> -> memref<1x1x8x128xf32, #tpu.memory_space<hbm>>
        %dma_wait3A_340 = tpu.memref_squeeze %dma_wait3A_339 : memref<1x1x8x128xf32, #tpu.memory_space<hbm>> -> memref<8x128xf32, #tpu.memory_space<hbm>>
        %dma_wait3A_341 = arith.constant 0 : i32
        %dma_wait3A_342 = arith.constant 0 : i32
        %dma_wait3A_343 = tpu.memref_slice %arg11[%run_scoped3A_316, %add3A, %dma_wait3A_341, %dma_wait3A_342] : memref<2x8x8x128xf32, #tpu.memory_space<hbm>> -> memref<1x1x8x128xf32, #tpu.memory_space<hbm>>
        %dma_wait3A_344 = tpu.memref_squeeze %dma_wait3A_343 : memref<1x1x8x128xf32, #tpu.memory_space<hbm>> -> memref<8x128xf32, #tpu.memory_space<hbm>>
        %dma_wait3A_345 = arith.constant 0 : i32
        %dma_wait3A_346 = arith.constant 0 : i32
        %dma_wait3A_347 = tpu.memref_slice %arg17[%run_scoped3A_315, %dma_wait3A_345, %dma_wait3A_346] : memref<2x8x128xf32, #tpu.memory_space<vmem>> -> memref<1x8x128xf32, #tpu.memory_space<vmem>>
        %dma_wait3A_348 = tpu.memref_squeeze %dma_wait3A_347 : memref<1x8x128xf32, #tpu.memory_space<vmem>> -> memref<8x128xf32, #tpu.memory_space<vmem>>
        tpu.wait_dma2 semaphore(%run_scoped3A_317 : memref<!tpu.dma_semaphore, #tpu.memory_space<semaphore_mem>>) src(%dma_wait3A_348 : memref<8x128xf32, #tpu.memory_space<vmem>>) dst(%dma_wait3A_344 : memref<8x128xf32, #tpu.memory_space<hbm>>)
        tpu.yield
      }) : () -> ()
    } else {
    }
    return
  }
}

#map = affine_map<(d0, d1) -> (0, 0, 0)>
module attributes {stable_mosaic.version = 14 : i64} {
  func.func @_detile_body(%arg0: i32, %arg1: i32, %arg2: memref<2x8x1000000xf32, #tpu.memory_space<hbm>>, %arg3: memref<2x8x128xf32, #tpu.memory_space<hbm>>, %arg4: memref<15626x8x128xf32, #tpu.memory_space<hbm>>, %arg5: memref<8x7936xf32, #tpu.memory_space<vmem>>, %arg6: memref<8x128xf32, #tpu.memory_space<vmem>>, %arg7: memref<!tpu.dma_semaphore, #tpu.memory_space<semaphore_mem>>) attributes {dimension_semantics = [#tpu.dimension_semantics<core_parallel>, #tpu.dimension_semantics<subcore_parallel>], iteration_bounds = array<i64: 2, 16>, scalar_prefetch = 0 : i64, scratch_operands = 3 : i64, tpu.core_type = #tpu.core_type<sc_vector_subcore>, window_params = [{transform_indices = #map}, {transform_indices = #map}, {transform_indices = #map}]} {
    %mul3A = arith.constant 2 : i32
    %mul3A_0 = arith.muli %arg1, %mul3A : i32
    %add3A = arith.addi %mul3A_0, %arg0 : i32
    %scan3A = arith.constant 0 : i32
    %scan3A_1 = arith.constant 0 : i32
    %scan3A_2 = arith.constant 8 : i32
    %scan3A_3 = arith.addi %scan3A_1, %scan3A_2 : i32
    %scan3A_4 = arith.constant 1 : i32
    %scan3A_5 = scf.for %scan3A_9 = %scan3A_1 to %scan3A_3 step %scan3A_4 iter_args(%scan3A_10 = %scan3A) -> (i32)  : i32 {
      %mul3A_11 = arith.constant 32 : i32
      %mul3A_12 = arith.muli %scan3A_9, %mul3A_11 : i32
      %add3A_13 = arith.addi %add3A, %mul3A_12 : i32
      %lt3A_14 = arith.constant 252 : i32
      %lt3A_15 = arith.cmpi slt, %add3A_13, %lt3A_14 : i32
      %convert_element_type3A_16 = arith.extui %lt3A_15 : i1 to i32
      %cond3A_17 = arith.constant 0 : i32
      %cond3A_18 = arith.cmpi ne, %convert_element_type3A_16, %cond3A_17 : i32
      scf.if %cond3A_18 {
        %div3A = arith.constant 126 : i32
        %div3A_20 = arith.divsi %add3A_13, %div3A : i32
        %rem3A = arith.constant 126 : i32
        %rem3A_21 = arith.remsi %add3A_13, %rem3A : i32
        %mul3A_22 = arith.constant 7936 : i32
        %mul3A_23 = arith.muli %rem3A_21, %mul3A_22 : i32
        "tpu.region"() ({
          %run_scoped3A = tpu.sem_alloc : memref<!tpu.dma_semaphore, #tpu.memory_space<semaphore_mem>>
          %dma_start3A = arith.constant 0 : i32
          %dma_start3A_44 = tpu.memref_slice %arg2[%div3A_20, %dma_start3A, %mul3A_23] : memref<2x8x1000000xf32, #tpu.memory_space<hbm>> -> memref<1x8x7936xf32, #tpu.memory_space<hbm>>
          %dma_start3A_45 = tpu.memref_squeeze %dma_start3A_44 : memref<1x8x7936xf32, #tpu.memory_space<hbm>> -> memref<8x7936xf32, #tpu.memory_space<hbm>>
          %dma_start3A_46 = arith.constant 0 : i32
          %dma_start3A_47 = tpu.memref_slice %arg2[%div3A_20, %dma_start3A_46, %mul3A_23] : memref<2x8x1000000xf32, #tpu.memory_space<hbm>> -> memref<1x8x7936xf32, #tpu.memory_space<hbm>>
          %dma_start3A_48 = tpu.memref_squeeze %dma_start3A_47 : memref<1x8x7936xf32, #tpu.memory_space<hbm>> -> memref<8x7936xf32, #tpu.memory_space<hbm>>
          tpu.enqueue_dma source(%dma_start3A_48 : memref<8x7936xf32, #tpu.memory_space<hbm>>) target(%arg5 : memref<8x7936xf32, #tpu.memory_space<vmem>>) target_semaphore(%run_scoped3A : memref<!tpu.dma_semaphore, #tpu.memory_space<semaphore_mem>>)
          %dma_wait3A_49 = arith.constant 0 : i32
          %dma_wait3A_50 = tpu.memref_slice %arg2[%div3A_20, %dma_wait3A_49, %mul3A_23] : memref<2x8x1000000xf32, #tpu.memory_space<hbm>> -> memref<1x8x7936xf32, #tpu.memory_space<hbm>>
          %dma_wait3A_51 = tpu.memref_squeeze %dma_wait3A_50 : memref<1x8x7936xf32, #tpu.memory_space<hbm>> -> memref<8x7936xf32, #tpu.memory_space<hbm>>
          %dma_wait3A_52 = arith.constant 0 : i32
          %dma_wait3A_53 = tpu.memref_slice %arg2[%div3A_20, %dma_wait3A_52, %mul3A_23] : memref<2x8x1000000xf32, #tpu.memory_space<hbm>> -> memref<1x8x7936xf32, #tpu.memory_space<hbm>>
          %dma_wait3A_54 = tpu.memref_squeeze %dma_wait3A_53 : memref<1x8x7936xf32, #tpu.memory_space<hbm>> -> memref<8x7936xf32, #tpu.memory_space<hbm>>
          tpu.wait_dma2 semaphore(%run_scoped3A : memref<!tpu.dma_semaphore, #tpu.memory_space<semaphore_mem>>) src(%dma_wait3A_54 : memref<8x7936xf32, #tpu.memory_space<hbm>>) dst(%arg5 : memref<8x7936xf32, #tpu.memory_space<vmem>>)
          tpu.yield
        }) : () -> ()
        %mul3A_24 = arith.constant 7813 : i32
        %mul3A_25 = arith.muli %div3A_20, %mul3A_24 : i32
        %mul3A_26 = arith.constant 62 : i32
        %mul3A_27 = arith.muli %rem3A_21, %mul3A_26 : i32
        %add3A_28 = arith.addi %mul3A_25, %mul3A_27 : i32
        %scan3A_29 = arith.constant 0 : i32
        %scan3A_30 = arith.constant 0 : i32
        %scan3A_31 = arith.constant 62 : i32
        %scan3A_32 = arith.addi %scan3A_30, %scan3A_31 : i32
        %scan3A_33 = arith.constant 1 : i32
        %scan3A_34 = scf.for %scan3A_44 = %scan3A_30 to %scan3A_32 step %scan3A_33 iter_args(%scan3A_45 = %scan3A_29) -> (i32)  : i32 {
          %mul3A_46 = arith.constant 128 : i32
          %mul3A_47 = arith.muli %scan3A_44, %mul3A_46 : i32
          %add3A_48 = arith.addi %add3A_28, %scan3A_44 : i32
          %dma_start3A = arith.constant 0 : i32
          %dma_start3A_49 = tpu.memref_slice %arg5[%dma_start3A, %mul3A_47] : memref<8x7936xf32, #tpu.memory_space<vmem>> -> memref<8x128xf32, #tpu.memory_space<vmem>>
          %dma_start3A_50 = arith.constant 0 : i32
          %dma_start3A_51 = arith.constant 0 : i32
          %dma_start3A_52 = tpu.memref_slice %arg4[%add3A_48, %dma_start3A_50, %dma_start3A_51] : memref<15626x8x128xf32, #tpu.memory_space<hbm>> -> memref<1x8x128xf32, #tpu.memory_space<hbm>>
          %dma_start3A_53 = tpu.memref_squeeze %dma_start3A_52 : memref<1x8x128xf32, #tpu.memory_space<hbm>> -> memref<8x128xf32, #tpu.memory_space<hbm>>
          %dma_start3A_54 = arith.constant 0 : i32
          %dma_start3A_55 = arith.constant 0 : i32
          %dma_start3A_56 = tpu.memref_slice %arg4[%add3A_48, %dma_start3A_54, %dma_start3A_55] : memref<15626x8x128xf32, #tpu.memory_space<hbm>> -> memref<1x8x128xf32, #tpu.memory_space<hbm>>
          %dma_start3A_57 = tpu.memref_squeeze %dma_start3A_56 : memref<1x8x128xf32, #tpu.memory_space<hbm>> -> memref<8x128xf32, #tpu.memory_space<hbm>>
          %dma_start3A_58 = arith.constant 0 : i32
          %dma_start3A_59 = tpu.memref_slice %arg5[%dma_start3A_58, %mul3A_47] : memref<8x7936xf32, #tpu.memory_space<vmem>> -> memref<8x128xf32, #tpu.memory_space<vmem>>
          tpu.enqueue_dma source(%dma_start3A_59 : memref<8x128xf32, #tpu.memory_space<vmem>>) target(%dma_start3A_57 : memref<8x128xf32, #tpu.memory_space<hbm>>) target_semaphore(%arg7 : memref<!tpu.dma_semaphore, #tpu.memory_space<semaphore_mem>>)
          %scan3A_60 = arith.constant 0 : i32
          scf.yield %scan3A_60 : i32
        }
        %scan3A_35 = arith.constant 62 : i32
        %dma_wait3A = arith.constant 0 : i32
        %dma_wait3A_36 = arith.constant 0 : i32
        %dma_wait3A_37 = arith.constant 0 : i32
        %dma_wait3A_38 = tpu.memref_slice %arg2[%dma_wait3A, %dma_wait3A_36, %dma_wait3A_37] : memref<2x8x1000000xf32, #tpu.memory_space<hbm>> -> memref<1x8x7936xf32, #tpu.memory_space<hbm>>
        %dma_wait3A_39 = tpu.memref_squeeze %dma_wait3A_38 : memref<1x8x7936xf32, #tpu.memory_space<hbm>> -> memref<8x7936xf32, #tpu.memory_space<hbm>>
        %dma_wait3A_40 = arith.constant 0 : i32
        %dma_wait3A_41 = arith.constant 0 : i32
        %dma_wait3A_42 = tpu.memref_slice %arg2[%dma_wait3A, %dma_wait3A_40, %dma_wait3A_41] : memref<2x8x1000000xf32, #tpu.memory_space<hbm>> -> memref<1x8x7936xf32, #tpu.memory_space<hbm>>
        %dma_wait3A_43 = tpu.memref_squeeze %dma_wait3A_42 : memref<1x8x7936xf32, #tpu.memory_space<hbm>> -> memref<8x7936xf32, #tpu.memory_space<hbm>>
        tpu.wait_dma2 semaphore(%arg7 : memref<!tpu.dma_semaphore, #tpu.memory_space<semaphore_mem>>) src(%dma_wait3A_43 : memref<8x7936xf32, #tpu.memory_space<hbm>>) dst(%arg5 : memref<8x7936xf32, #tpu.memory_space<vmem>>)
      } else {
      }
      %scan3A_19 = arith.constant 0 : i32
      scf.yield %scan3A_19 : i32
    }
    %scan3A_6 = arith.constant 8 : i32
    %lt3A = arith.constant 2 : i32
    %lt3A_7 = arith.cmpi slt, %add3A, %lt3A : i32
    %convert_element_type3A = arith.extui %lt3A_7 : i1 to i32
    %cond3A = arith.constant 0 : i32
    %cond3A_8 = arith.cmpi ne, %convert_element_type3A, %cond3A : i32
    scf.if %cond3A_8 {
      "tpu.region"() ({
        %run_scoped3A = tpu.sem_alloc : memref<!tpu.dma_semaphore, #tpu.memory_space<semaphore_mem>>
        %dma_start3A = arith.constant 0 : i32
        %dma_start3A_14 = arith.constant 0 : i32
        %dma_start3A_15 = tpu.memref_slice %arg3[%add3A, %dma_start3A, %dma_start3A_14] : memref<2x8x128xf32, #tpu.memory_space<hbm>> -> memref<1x8x128xf32, #tpu.memory_space<hbm>>
        %dma_start3A_16 = tpu.memref_squeeze %dma_start3A_15 : memref<1x8x128xf32, #tpu.memory_space<hbm>> -> memref<8x128xf32, #tpu.memory_space<hbm>>
        %dma_start3A_17 = arith.constant 0 : i32
        %dma_start3A_18 = arith.constant 0 : i32
        %dma_start3A_19 = tpu.memref_slice %arg3[%add3A, %dma_start3A_17, %dma_start3A_18] : memref<2x8x128xf32, #tpu.memory_space<hbm>> -> memref<1x8x128xf32, #tpu.memory_space<hbm>>
        %dma_start3A_20 = tpu.memref_squeeze %dma_start3A_19 : memref<1x8x128xf32, #tpu.memory_space<hbm>> -> memref<8x128xf32, #tpu.memory_space<hbm>>
        tpu.enqueue_dma source(%dma_start3A_20 : memref<8x128xf32, #tpu.memory_space<hbm>>) target(%arg6 : memref<8x128xf32, #tpu.memory_space<vmem>>) target_semaphore(%run_scoped3A : memref<!tpu.dma_semaphore, #tpu.memory_space<semaphore_mem>>)
        %dma_wait3A = arith.constant 0 : i32
        %dma_wait3A_21 = arith.constant 0 : i32
        %dma_wait3A_22 = tpu.memref_slice %arg3[%add3A, %dma_wait3A, %dma_wait3A_21] : memref<2x8x128xf32, #tpu.memory_space<hbm>> -> memref<1x8x128xf32, #tpu.memory_space<hbm>>
        %dma_wait3A_23 = tpu.memref_squeeze %dma_wait3A_22 : memref<1x8x128xf32, #tpu.memory_space<hbm>> -> memref<8x128xf32, #tpu.memory_space<hbm>>
        %dma_wait3A_24 = arith.constant 0 : i32
        %dma_wait3A_25 = arith.constant 0 : i32
        %dma_wait3A_26 = tpu.memref_slice %arg3[%add3A, %dma_wait3A_24, %dma_wait3A_25] : memref<2x8x128xf32, #tpu.memory_space<hbm>> -> memref<1x8x128xf32, #tpu.memory_space<hbm>>
        %dma_wait3A_27 = tpu.memref_squeeze %dma_wait3A_26 : memref<1x8x128xf32, #tpu.memory_space<hbm>> -> memref<8x128xf32, #tpu.memory_space<hbm>>
        tpu.wait_dma2 semaphore(%run_scoped3A : memref<!tpu.dma_semaphore, #tpu.memory_space<semaphore_mem>>) src(%dma_wait3A_27 : memref<8x128xf32, #tpu.memory_space<hbm>>) dst(%arg6 : memref<8x128xf32, #tpu.memory_space<vmem>>)
        tpu.yield
      }) : () -> ()
      %mul3A_9 = arith.constant 7813 : i32
      %mul3A_10 = arith.muli %add3A, %mul3A_9 : i32
      %add3A_11 = arith.constant 7813 : i32
      %add3A_12 = arith.addi %mul3A_10, %add3A_11 : i32
      %sub3A = arith.constant 1 : i32
      %sub3A_13 = arith.subi %add3A_12, %sub3A : i32
      "tpu.region"() ({
        %run_scoped3A = tpu.sem_alloc : memref<!tpu.dma_semaphore, #tpu.memory_space<semaphore_mem>>
        %dma_start3A = arith.constant 0 : i32
        %dma_start3A_14 = arith.constant 0 : i32
        %dma_start3A_15 = tpu.memref_slice %arg4[%sub3A_13, %dma_start3A, %dma_start3A_14] : memref<15626x8x128xf32, #tpu.memory_space<hbm>> -> memref<1x8x128xf32, #tpu.memory_space<hbm>>
        %dma_start3A_16 = tpu.memref_squeeze %dma_start3A_15 : memref<1x8x128xf32, #tpu.memory_space<hbm>> -> memref<8x128xf32, #tpu.memory_space<hbm>>
        %dma_start3A_17 = arith.constant 0 : i32
        %dma_start3A_18 = arith.constant 0 : i32
        %dma_start3A_19 = tpu.memref_slice %arg4[%sub3A_13, %dma_start3A_17, %dma_start3A_18] : memref<15626x8x128xf32, #tpu.memory_space<hbm>> -> memref<1x8x128xf32, #tpu.memory_space<hbm>>
        %dma_start3A_20 = tpu.memref_squeeze %dma_start3A_19 : memref<1x8x128xf32, #tpu.memory_space<hbm>> -> memref<8x128xf32, #tpu.memory_space<hbm>>
        tpu.enqueue_dma source(%arg6 : memref<8x128xf32, #tpu.memory_space<vmem>>) target(%dma_start3A_20 : memref<8x128xf32, #tpu.memory_space<hbm>>) target_semaphore(%run_scoped3A : memref<!tpu.dma_semaphore, #tpu.memory_space<semaphore_mem>>)
        %dma_wait3A = arith.constant 0 : i32
        %dma_wait3A_21 = arith.constant 0 : i32
        %dma_wait3A_22 = tpu.memref_slice %arg4[%sub3A_13, %dma_wait3A, %dma_wait3A_21] : memref<15626x8x128xf32, #tpu.memory_space<hbm>> -> memref<1x8x128xf32, #tpu.memory_space<hbm>>
        %dma_wait3A_23 = tpu.memref_squeeze %dma_wait3A_22 : memref<1x8x128xf32, #tpu.memory_space<hbm>> -> memref<8x128xf32, #tpu.memory_space<hbm>>
        %dma_wait3A_24 = arith.constant 0 : i32
        %dma_wait3A_25 = arith.constant 0 : i32
        %dma_wait3A_26 = tpu.memref_slice %arg4[%sub3A_13, %dma_wait3A_24, %dma_wait3A_25] : memref<15626x8x128xf32, #tpu.memory_space<hbm>> -> memref<1x8x128xf32, #tpu.memory_space<hbm>>
        %dma_wait3A_27 = tpu.memref_squeeze %dma_wait3A_26 : memref<1x8x128xf32, #tpu.memory_space<hbm>> -> memref<8x128xf32, #tpu.memory_space<hbm>>
        tpu.wait_dma2 semaphore(%run_scoped3A : memref<!tpu.dma_semaphore, #tpu.memory_space<semaphore_mem>>) src(%arg6 : memref<8x128xf32, #tpu.memory_space<vmem>>) dst(%dma_wait3A_27 : memref<8x128xf32, #tpu.memory_space<hbm>>)
        tpu.yield
      }) : () -> ()
    } else {
    }
    return
  }
}

</mosaic_0001>

<sc_bundles>
// kernel: _run.4.cloned.1.call-start
scs
__scs_entry_jumppad:
0x0: {  	(pc) =	sbr.rel $0x88, $3  }
0x1: {  	(tag) =	ssettag $0x0;
	lr =	simm.s32 $0x1  }
0x2: {  	[smem:$0x3F9A] =	sst lr;
	_ =	strace $0xD0000000  }
0x3: {  	_ = 	snop  }
0x4: {  	_ = 	snop  }
0x5: {  	_ = 	snop  }
0x6: {  	_ = 	snop  }
0x7: {  	_ = 	snop  }
__scs_overlays_trampoline_lowered:
0x8: {  	[smem:$0x3FA9] =	sst s0  }
0x9: {  	[smem:$0x3FAA] =	sst s1  }
0xa: {  	[smem:$0x3FAB] =	sst s2  }
0xb: {  	[smem:$0x3FAC] =	sst s3  }
0xc: {  	[smem:$0x3FAD] =	sst s4  }
0xd: {  	[smem:$0x3FAE] =	sst s5  }
0xe: {  	[smem:$0x3FAF] =	sst s6  }
0xf: {  	[smem:$0x3FB0] =	sst s7  }
0x10: {  	[smem:$0x3FB1] =	sst s8  }
0x11: {  	[smem:$0x3FB2] =	sst s9;
	s0 =	simm.s32 @!p0 $0x0  }
0x12: {  	s1 =	sld [smem:$0x3F98];
	s0 =	simm.s32 @p0 $0x1  }
0x13: {  	[smem:$0x3FB3] =	sst s0;
	s0 =	simm.s32 @!p1 $0x0  }
0x14: {  	s2 =	sld [smem:$0x3F97];
	s0 =	simm.s32 @p1 $0x1  }
0x15: {  	[smem:$0x3FB4] =	sst s0;
	s0 =	simm.s32 @!p2 $0x0  }
0x16: {  	s3 =	sld [smem:$0x3FDB];
	s0 =	simm.s32 @p2 $0x1  }
0x17: {  	s4 =	simm.s32 $0x1BF5;
	[smem:$0x3FB6] =	sst s0  }
0x18: {  	s0 =	sld [smem:$0x3F99];
	_ =	swait.ge [sflag:s4], $0x0  }
0x19: {  	s7 =	sld [smem:$0x3F9A]  }
0x1a: {  	s8 =	sadd.s32 $0xFFFFE003, lr  }
0x1b: {  	s9 =	sadd.s32 $0xFFFFFEF7, lr;
	s5 =	simm.s32 $0xFFFFFFFF;
	p2 =	slt.u32 s8, $0xFFFFF086  }
0x1c: {  	p1 =	slt.u32 s9, $0xF7A;
	s5 =	simm.s32 @!p2 $0x0  }
0x1d: {  	s5 =	simm.s32 @p1 $0x1;
	p0 =	seq.s32 s7, s2  }
0x1e: {  	s7 =	smul.u32 @!p0 $0xF7A, s2;
	p2 =	seq.s32 @!p0 s5, $0x0  }
0x1f: {  	s9 =	smul.u32 $0xF7A, s1;
	s8 =	simm.s32 @!p0 $0x1BF5;
	p2 =	por !p2, p0  }
0x20: {  	[sflag:s8] =	ssyncset.s32 @!p0 $0xFFFFF086;
	s6 =	sadd.s32 @!p0 s3, s7;
	s7 =	simm.s32 @!p0 $0x108  }
0x21: {  	s3 =	sadd.s32 s3, s9;
	s6 =	sadd.s32 @!p0 $0x88, s6;
	s7 =	simm.s32 @p2 $0x1082  }
0x22: {  	[simem:s7], [sflag:s8] =	dma.local @!p0 [hbm:s6], $0xF7A  }
0x23: {  	s9 =	sor.u32 $0xD0000000, s2;
	s6 =	simm.s32 $0x108;
	_ =	swait.ge @!p0 [sflag:s8], $0x0  }
0x24: {  	s3 =	sadd.s32 $0x88, s3;
	s6 =	simm.s32 @!p1 $0x1082;
	[sflag:s4] =	ssyncset.s32 $0xFFFFF086  }
0x25: {  	[simem:s6], [sflag:s4] =	dma.local [hbm:s3], $0xF7A  }
0x26: {  	[smem:$0x3F9A] =	sst s1;
	(tag) =	ssettag s2;
	_ =	strace s9  }
0x27: {  	s1 =	sld [smem:$0x3FAA]  }
0x28: {  	s2 =	sld [smem:$0x3FAB]  }
0x29: {  	s4 =	sld [smem:$0x3FAD]  }
0x2a: {  	p0 =	seq.s32 s5, $0x0;
	s5 =	sld [smem:$0x3FAE]  }
0x2b: {  	s6 =	sld [smem:$0x3FAF]  }
0x2c: {  	s7 =	sld [smem:$0x3FB0]  }
0x2d: {  	s3 =	simm.s32 $0x108;
	s8 =	sld [smem:$0x3FB1]  }
0x2e: {  	s3 =	simm.s32 @!p0 $0x1082;
	s9 =	sld [smem:$0x3FB2]  }
0x2f: {  	lr =	sadd.s32 s0, s3;
	s0 =	sld [smem:$0x3FA9]  }
0x30: {  	s3 =	sld [smem:$0x3FAC]  }
0x31: {  	[smem:$0x3FB5] =	sst s10  }
0x32: {  	s10 =	sld [smem:$0x3FB3];
	_ =	sdelay $0x3  }
0x33: {  	p0 =	seq.s32 s10, $0x1;
	s10 =	sld [smem:$0x3FB5];
	_ =	sdelay $0x3  }
0x34: {  	[smem:$0x3FB5] =	sst s10  }
0x35: {  	s10 =	sld [smem:$0x3FB4];
	_ =	sdelay $0x3  }
0x36: {  	p1 =	seq.s32 s10, $0x1;
	s10 =	sld [smem:$0x3FB5];
	_ =	sdelay $0x3  }
0x37: {  	[smem:$0x3FB5] =	sst s10  }
0x38: {  	s10 =	sld [smem:$0x3FB6]  }
0x39: {  	_ = 	snop;
	(pc) =	sbr.ind lr, $3  }
0x3a: {  	_ = 	snop  }
0x3b: {  	_ = 	snop  }
0x3c: {  	p2 =	seq.s32 s10, $0x1;
	s10 =	sld [smem:$0x3FB5]  }
0x3d: {  	_ =	shalt  }
0x3e: {  	_ =	shalt  }
0x3f: {  	_ =	shalt  }
0x40: {  	_ =	shalt  }
0x41: {  	_ =	shalt  }
0x42: {  	_ =	shalt  }
0x43: {  	_ =	shalt  }
0x44: {  	_ =	shalt  }
0x45: {  	_ =	shalt  }
0x46: {  	_ =	shalt  }
0x47: {  	_ =	shalt  }
0x48: {  	_ =	shalt  }
0x49: {  	_ =	shalt  }
0x4a: {  	_ =	shalt  }
0x4b: {  	_ =	shalt  }
0x4c: {  	_ =	shalt  }
0x4d: {  	_ =	shalt  }
0x4e: {  	_ =	shalt  }
0x4f: {  	_ =	shalt  }
0x50: {  	_ =	shalt  }
0x51: {  	_ =	shalt  }
0x52: {  	_ =	shalt  }
0x53: {  	_ =	shalt  }
0x54: {  	_ =	shalt  }
0x55: {  	_ =	shalt  }
0x56: {  	_ =	shalt  }
0x57: {  	_ =	shalt  }
0x58: {  	_ =	shalt  }
0x59: {  	_ =	shalt  }
0x5a: {  	_ =	shalt  }
0x5b: {  	_ =	shalt  }
0x5c: {  	_ =	shalt  }
0x5d: {  	_ =	shalt  }
0x5e: {  	_ =	shalt  }
0x5f: {  	_ =	shalt  }
0x60: {  	_ =	shalt  }
0x61: {  	_ =	shalt  }
0x62: {  	_ =	shalt  }
0x63: {  	_ =	shalt  }
0x64: {  	_ =	shalt  }
0x65: {  	_ =	shalt  }
0x66: {  	_ =	shalt  }
0x67: {  	_ =	shalt  }
0x68: {  	_ =	shalt  }
0x69: {  	_ =	shalt  }
0x6a: {  	_ =	shalt  }
0x6b: {  	_ =	shalt  }
0x6c: {  	_ =	shalt  }
0x6d: {  	_ =	shalt  }
0x6e: {  	_ =	shalt  }
0x6f: {  	_ =	shalt  }
0x70: {  	_ =	shalt  }
0x71: {  	_ =	shalt  }
0x72: {  	_ =	shalt  }
0x73: {  	_ =	shalt  }
0x74: {  	_ =	shalt  }
0x75: {  	_ =	shalt  }
0x76: {  	_ =	shalt  }
0x77: {  	_ =	shalt  }
0x78: {  	_ =	shalt  }
0x79: {  	_ =	shalt  }
0x7a: {  	_ =	shalt  }
0x7b: {  	_ =	shalt  }
0x7c: {  	_ =	shalt  }
0x7d: {  	_ =	shalt  }
0x7e: {  	_ =	shalt  }
0x7f: {  	_ =	shalt  }
0x80: {  	_ =	shalt  }
0x81: {  	_ =	shalt  }
0x82: {  	_ =	shalt  }
0x83: {  	_ =	shalt  }
0x84: {  	_ =	shalt  }
0x85: {  	_ =	shalt  }
0x86: {  	_ =	shalt  }
0x87: {  	_ =	shalt  }
.Lfunc_end0:
.L_simem_size_0:
called_computation_lowered:
.L_overlay_start_0:
0x88: {  	s2 =	sld [smem:$0x3FD9]  }
0x89: {  	s3 =	sld [smem:$0x3FFE];
	_ =	sdelay $0x1  }
0x8a: {  	s1 =	srdreg.scid  }
0x8b: {  	s0 =	sand.u32 $0x1, s1  }
0x8c: {  	s17 =	sshll.u32 s0, $0xA;
	s2 =	sadd.s32 s3, s2  }
0x8d: {  	s2 =	sadd.s32 s2, s17  }
0x8e: {  	[smem:$0x3FC1] =	sst s2  }
0x8f: {  	_ = 	snop  }
0x90: {  	s2 =	sld [smem:$0x3FC9]  }
0x91: {  	s18 =	sld [smem:$0x3FC8];
	(tm) =	ssettm $0x1  }
0x92: {  	s4 =	sld [smem:$0x3FFB];
	_ =	sdelay $0x3  }
0x93: {  	_ =	strace s4  }
0x94: {  	s4 =	sld [smem:$0x3FFC];
	_ =	sdelay $0x3  }
0x95: {  	_ =	strace s4  }
0x96: {  	s4 =	sld [smem:$0x3FFD];
	_ =	sdelay $0x3  }
0x97: {  	_ =	strace s4  }
0x98: {  	_ =	strace $0x8FFFFFFF  }
0x99: {  	s19 =	sld [smem:$0x3FDB];
	_ =	sdelay $0x1  }
0x9a: {  	s5 =	simm.s32 $_scs_section_size  }
0x9b: {  	s6 =	simm.s32 $_size__tile_overlayer_lowered;
	s7 =	simm.s32 $_tile_overlayer_lowered  }
0x9c: {  	s22 =	simm.s32 $0x1BFF;
	s21 =	sshll.u32 s7, $0x1;
	s4 =	sadd.s32 s5, s19  }
0x9d: {  	s8 =	simm.s32 $0x0;
	s20 =	sshll.u32 s6, $0x1;
	s6 =	sadd.s32 s21, s4  }
0x9e: {  	[timem:s8], [sflag:s22] =	dma.local [hbm:s6], s20  }
0x9f: {  	_ =	swait.ge [sflag:s22], s20  }
0xa0: {  	s5 =	ssub.s32 $0x0, s20;
	[sflag:s22] =	ssyncset.done $0x0  }
0xa1: {  	[sflag:s22] =	ssyncadd.s32 s5;
	_ =	sdelay $0x1  }
0xa2: {  	s23 =	simm.s32 $0x1B8B  }
0xa3: {  	_ =	swait.ge [sflag:s23], $0x1  }
0xa4: {  	[sflag:s23] =	ssyncset.done $0x0  }
0xa5: {  	s25 =	simm.s32 $0x1B8E;
	s24 =	sld [smem:$0x3FFE];
	[sflag:s23] =	ssyncadd.s32 $0xFFFFFFFF  }
0xa6: {  	s26 =	simm.s32 $execute0_lowered;
	[smem:$0x3FD2] =	sst s25  }
0xa7: {  	s6 =	sshll.u32 s26, $0x1;
	_ =	strace $0x80000046;
	[dreg:$0x1] =	wrdreg $0xFFFFFFFF  }
0xa8: {  	s28 =	simm.s32 $_size_execute0_lowered;
	s4 =	sadd.s32 s4, s6;
	[dreg:$0x0] =	wrdreg $0x0  }
0xa9: {  	s6 =	sshll.u32 s28, $0x1;
	[dreg:$0x2] =	wrdreg s4  }
0xaa: {  	[dreg:$0x3] =	wrdreg s6  }
0xab: {  	[dreg:$0x4] =	wrdreg $0xC0  }
0xac: {  	_ =	task [dreg:s8], $0x5FFFF  }
0xad: {  	[dreg:$0x1] =	wrdreg $0xFFFFFFFF  }
0xae: {  	[dreg:$0x0] =	wrdreg $0x60  }
0xaf: {  	[dreg:$0x2] =	wrdreg s2  }
0xb0: {  	[dreg:$0x3] =	wrdreg s18  }
0xb1: {  	[dreg:$0x4] =	wrdreg s24  }
0xb2: {  	[dreg:$0x5] =	wrdreg $0x9  }
0xb3: {  	_ =	task.clear_ibuf [dreg:s8], $0x6FFFF;
	_ =	strace $0x90000046  }
0xb4: {  	s29 =	simm.s32 $0x9;
	_ =	strace $0x80000048  }
0xb5: {  	_ =	swait.ge [sflag:s29], $0x1  }
0xb6: {  	[sflag:s29] =	ssyncadd.s32 $0xFFFFFFFF  }
0xb7: {  	_ =	strace $0x90000048  }
0xb8: {  	_ =	sfence  }
0xb9: {  	s30 =	sld [smem:$0x0];
	_ =	sdelay $0x2  }
0xba: {  	s31 =	sshll.u32 s1, $0xD;
	s1 =	sshrl.u32 s1, $0x2  }
0xbb: {  	s3 =	sand.u32 $0x4000, s31;
	s1 =	sadd.s32 s1, s30  }
0xbc: {  	s0 =	sor.u32 s3, s0;
	s1 =	sshll.u32 s1, $0x11  }
0xbd: {  	s0 =	sor.u32 s1, s0  }
0xbe: {  	s0 =	sadd.s32 $0x8F2B, s0  }
0xbf: {  	[sflag:s0] =	ssyncadd.remote.s32 $0x1  }
0xc0: {  	_ =	sfence.sel $0xFFFF  }
0xc1: {  	[dreg:$0x0] =	wrdreg $0xFFFFFFFF;
	(pc) =	sbr.abs _section_cstart, $3  }
0xc2: {  	[dreg:$0x1] =	wrdreg $0xFFFFFFFF  }
0xc3: {  	_ =	task.clear_ibuf [dreg:s8], $0x2FFFF;
	_ =	strace $0x9FFFFFFF  }
0xc4: {  	(tm) =	ssettm $0x7FFFFFFF  }
0xc5: {  	_ =	shalt  }
tec
execute0_lowered:
.L_overlay_start_1:
0x0: {  	(tag) =	ssettag $0x1  }
0x1: {  	s1 =	rddreg [dreg:$0x0]  }
0x2: {  	s6 =	rddreg [dreg:$0x1]  }
0x3: {  	s4 =	rddreg [dreg:$0x2]  }
0x4: {  	s0 =	rddreg [dreg:$0x3];
	s2 =	simm.s32 $0x0;
	s3 =	srdreg.scid  }
0x5: {  	s11 =	stileid.u32;
	s10 =	simm.s32 $0x1;
	s3 =	sand.u32 $0x1, s3  }
0x6: {  	[smem:$0x7FF] =	sst s2;
	s4 =	sadd.s32 $0xE00, s4;
	s7 =	smul.u32 $0x7A1400, s3  }
.Ltmp0:
0x7: {  	p0 =	sne.s32 s11, $0x0;
	s5 =	ssub.s32 $0x2, s3;
	(pc) =	sbr.rel .LBB2_1-.Ltmp0, $4  }
0x8: {  	_ =	strace $0x80000047;
	s9 =	sshll.u32 s3, $0x7;
	s8 =	sshrl.u32 s5, $0x1  }
0x9: {  	s6 =	sadd.s32 s6, s9;
	s9 =	simm.s32 $0x2;
	s7 =	sshrl.u32 s7, $0x3  }
0xa: {  	s8 =	ssub.s32 s5, s8;
	s5 =	sshll.u32 s11, $0x1;
	s7 =	sadd.s32 s4, s7  }
0xb: {  	s11 =	simm.s32 $0x0;
	s8 =	smax.u32 s8, $0x1;
	s7 =	sadd.s32 $0xF4200, s7  }
.LBB2_7:
0xc: {  	s12 =	simm.s32 @!p0 $0x0;
	s13 =	simm.s32 @!p0 $0xF800;
	s14 =	simm.s32 @!p0 $0x2  }
0xd: {  	[tilespmem:s13], [sflag:$0x2] =	stream.linear.gather @!p0 [hbm4b:s6+s12], $0x400, $0x38;
	[tilespmem:$0xFC00] =	vst v63  }
0xe: {  	s11 =	sadd.s32 $0x1, s11;
	_ =	swait.ge @!p0 [sflag:s14], $0x400  }
0xf: {  	p1 =	sne.s32 s11, s8;
	[sflag:s14] =	ssyncset.done @!p0 $0x0  }
.Ltmp1:
0x10: {  	[sflag:s14] =	ssyncadd.s32 @!p0 $0xFFFFFC00;
	(pc) =	sbr.rel @!p1 .LBB2_8-.Ltmp1, $4  }
0x11: {  	[hbm4b:s7+s12] =	stream.linear.scatter @!p0 [tilespmem:s13], [sflag:$0x2], $0x400, $0x38;
	[tilespmem:$0xFC00] =	vst v63  }
0x12: {  	_ =	swait.ge @!p0 [sflag:s14], $0x400  }
0x13: {  	[sflag:s14] =	ssyncset.done @!p0 $0x0  }
0x14: {  	[sflag:s14] =	ssyncadd.s32 @!p0 $0xFFFFFC00  }
.LBB2_1:
.Ltmp2:
0x15: {  	(pc) =	sbr.rel .LBB2_2-.Ltmp2, $2  }
0x16: {  	_ =	sdelay $0x2  }
0x17: {  	s12 =	simm.s32 $0x0  }
.LBB2_6:
0x18: {  	s12 =	sadd.s32 $0x1, s12  }
0x19: {  	p1 =	sne.s32 s12, $0x8  }
.Ltmp3:
0x1a: {  	_ = 	snop;
	(pc) =	sbr.rel @!p1 .LBB2_7-.Ltmp3, $1  }
0x1b: {  	_ =	sdelay $0x3  }
.LBB2_2:
0x1c: {  	s13 =	sshll.u32 s12, $0x5  }
0x1d: {  	s13 =	sor.u32 s5, s13  }
0x1e: {  	p1 =	sgt.u32 s13, $0xFB  }
.Ltmp4:
0x1f: {  	_ = 	snop;
	(pc) =	sbr.rel @p1 .LBB2_6-.Ltmp4, $1  }
0x20: {  	_ =	sdelay $0x3  }
0x21: {  	s14 =	sor.u32 s3, s13  }
0x22: {  	p1 =	slt.u32 s13, $0x7E;
	s15 =	sadd.s32 $0xFFFFFF82, s14  }
0x23: {  	s15 =	smov.u32 @p1 s14  }
0x24: {  	p1 =	sgt.u32 s13, $0x7D;
	s13 =	simm.s32 $0x7A1400;
	s14 =	smul.u32 $0xF800, s15  }
0x25: {  	s13 =	simm.s32 @!p1 $0x0  }
0x26: {  	s15 =	smul.u32 $0x1F00, s15;
	s13 =	sadd.s32 s13, s14;
	s14 =	simm.s32 $0xF4280  }
0x27: {  	s13 =	sshrl.u32 s13, $0x3;
	s14 =	simm.s32 @!p1 $0x0  }
0x28: {  	s31 =	sadd.s32 s1, s13;
	s13 =	simm.s32 $0x0;
	s14 =	sadd.s32 s14, s15  }
0x29: {  	[tilespmem:s13], [sflag:$0x2] =	stream.linear.gather [hbm4b:s31+s13], $0xF800, $0x38;
	[tilespmem:$0xFC00] =	vst v63  }
0x2a: {  	s15 =	sadd.s32 $0x0, s14;
	_ =	swait.ge [sflag:s9], $0xF800  }
0x2b: {  	s15 =	sand.u32 $0x1FFFFF80, s15;
	[sflag:s9] =	ssyncset.done $0x0  }
0x2c: {  	s15 =	sadd.s32 s4, s15;
	[sflag:s9] =	ssyncadd.s32 $0xFFFF0800  }
0x2d: {  	[hbm4b:s15+s2] =	stream.linear.scatter [tilespmem:s13], [sflag:$0x1], $0x400, $0x38;
	[tilespmem:$0xFC00] =	vst v63  }
0x2e: {  	s15 =	simm.s32 $0x80  }
.LBB2_4:
0x2f: {  	p1 =	sne.s32 s15, $0x1E80  }
.Ltmp5:
0x30: {  	_ = 	snop;
	(pc) =	sbr.rel @p1 .LBB2_4-.Ltmp5, $4  }
0x31: {  	s16 =	sadd.s32 s15, s14  }
0x32: {  	s16 =	sand.u32 $0x1FFFFF80, s16  }
0x33: {  	s15 =	sadd.s32 $0x80, s15;
	s13 =	sadd.s32 $0x400, s13;
	s16 =	sadd.s32 s4, s16  }
0x34: {  	[hbm4b:s16+s2] =	stream.linear.scatter [tilespmem:s13], [sflag:$0x1], $0x400, $0x38;
	[tilespmem:$0xFC00] =	vst v63  }
.Ltmp6:
0x35: {  	(pc) =	sbr.rel .LBB2_6-.Ltmp6, $4  }
0x36: {  	_ = 	snop  }
0x37: {  	_ =	swait.ge [sflag:s10], $0xF800  }
0x38: {  	[sflag:s10] =	ssyncset.done $0x0  }
0x39: {  	[sflag:s10] =	ssyncadd.s32 $0xFFFF0800  }
.LBB2_8:
0x3a: {  	_ =	sfence.sel $0x180000  }
0x3b: {  	[bflag:$0x0] =	sbarrier.arrive $0xFFFF  }
0x3c: {  	_ =	strace $0x90000047  }
0x3d: {  	s0 =	sadd.s32 @!p0 $0x100000, s0;
	[bflag:$0x2] =	sbarrier.arrive $0xFFFF  }
0x3e: {  	[sflag:s0] =	ssyncadd.tile.s32 @!p0 $0x1;
	_ =	shalt  }
.Lfunc_end2:
_tile_overlayer_lowered:
.L_overlay_start_2:
0x3f: {  	(tag) =	ssettag $0x2  }
0x40: {  	s0 =	rddreg [dreg:$0x0];
	s2 =	stileid.u32  }
0x41: {  	s1 =	rddreg [dreg:$0x1];
	p0 =	sne.s32 s2, $0x0  }
0x42: {  	s3 =	rddreg [dreg:$0x2];
	[bflag:$0x3] =	sbarrier.arrive $0xFFFF;
	s2 =	simm.s32 @!p0 $0x1C02  }
0x43: {  	[timem:s3], [sflag:s2] =	dma.local @!p0 [hbm:s0], s1  }
0x44: {  	s0 =	simm.s32 @!p0 $0x2  }
0x45: {  	_ =	swait.ge @!p0 [sflag:s0], s1  }
0x46: {  	s1 =	ssub.s32 @!p0 $0x0, s1;
	[sflag:s0] =	ssyncset.done @!p0 $0x0  }
0x47: {  	[sflag:s0] =	ssyncadd.s32 @!p0 s1  }
0x48: {  	[bflag:$0x3] =	sbarrier.arrive $0xFFFF  }
0x49: {  	_ =	shalt  }

// kernel: _run.7.cloned.1.call-start
scs
__scs_entry_jumppad:
0x0: {  	(pc) =	sbr.rel $0x88, $3  }
0x1: {  	(tag) =	ssettag $0x0;
	lr =	simm.s32 $0x1  }
0x2: {  	[smem:$0x3F9A] =	sst lr;
	_ =	strace $0xD0000000  }
0x3: {  	_ = 	snop  }
0x4: {  	_ = 	snop  }
0x5: {  	_ = 	snop  }
0x6: {  	_ = 	snop  }
0x7: {  	_ = 	snop  }
__scs_overlays_trampoline_lowered:
0x8: {  	[smem:$0x3FA9] =	sst s0  }
0x9: {  	[smem:$0x3FAA] =	sst s1  }
0xa: {  	[smem:$0x3FAB] =	sst s2  }
0xb: {  	[smem:$0x3FAC] =	sst s3  }
0xc: {  	[smem:$0x3FAD] =	sst s4  }
0xd: {  	[smem:$0x3FAE] =	sst s5  }
0xe: {  	[smem:$0x3FAF] =	sst s6  }
0xf: {  	[smem:$0x3FB0] =	sst s7  }
0x10: {  	[smem:$0x3FB1] =	sst s8  }
0x11: {  	[smem:$0x3FB2] =	sst s9;
	s0 =	simm.s32 @!p0 $0x0  }
0x12: {  	s1 =	sld [smem:$0x3F98];
	s0 =	simm.s32 @p0 $0x1  }
0x13: {  	[smem:$0x3FB3] =	sst s0;
	s0 =	simm.s32 @!p1 $0x0  }
0x14: {  	s2 =	sld [smem:$0x3F97];
	s0 =	simm.s32 @p1 $0x1  }
0x15: {  	[smem:$0x3FB4] =	sst s0;
	s0 =	simm.s32 @!p2 $0x0  }
0x16: {  	s3 =	sld [smem:$0x3FDB];
	s0 =	simm.s32 @p2 $0x1  }
0x17: {  	s4 =	simm.s32 $0x1BF5;
	[smem:$0x3FB6] =	sst s0  }
0x18: {  	s0 =	sld [smem:$0x3F99];
	_ =	swait.ge [sflag:s4], $0x0  }
0x19: {  	s7 =	sld [smem:$0x3F9A]  }
0x1a: {  	s8 =	sadd.s32 $0xFFFFE003, lr  }
0x1b: {  	s9 =	sadd.s32 $0xFFFFFEF7, lr;
	s5 =	simm.s32 $0xFFFFFFFF;
	p2 =	slt.u32 s8, $0xFFFFF086  }
0x1c: {  	p1 =	slt.u32 s9, $0xF7A;
	s5 =	simm.s32 @!p2 $0x0  }
0x1d: {  	s5 =	simm.s32 @p1 $0x1;
	p0 =	seq.s32 s7, s2  }
0x1e: {  	s7 =	smul.u32 @!p0 $0xF7A, s2;
	p2 =	seq.s32 @!p0 s5, $0x0  }
0x1f: {  	s9 =	smul.u32 $0xF7A, s1;
	s8 =	simm.s32 @!p0 $0x1BF5;
	p2 =	por !p2, p0  }
0x20: {  	[sflag:s8] =	ssyncset.s32 @!p0 $0xFFFFF086;
	s6 =	sadd.s32 @!p0 s3, s7;
	s7 =	simm.s32 @!p0 $0x108  }
0x21: {  	s3 =	sadd.s32 s3, s9;
	s6 =	sadd.s32 @!p0 $0x88, s6;
	s7 =	simm.s32 @p2 $0x1082  }
0x22: {  	[simem:s7], [sflag:s8] =	dma.local @!p0 [hbm:s6], $0xF7A  }
0x23: {  	s9 =	sor.u32 $0xD0000000, s2;
	s6 =	simm.s32 $0x108;
	_ =	swait.ge @!p0 [sflag:s8], $0x0  }
0x24: {  	s3 =	sadd.s32 $0x88, s3;
	s6 =	simm.s32 @!p1 $0x1082;
	[sflag:s4] =	ssyncset.s32 $0xFFFFF086  }
0x25: {  	[simem:s6], [sflag:s4] =	dma.local [hbm:s3], $0xF7A  }
0x26: {  	[smem:$0x3F9A] =	sst s1;
	(tag) =	ssettag s2;
	_ =	strace s9  }
0x27: {  	s1 =	sld [smem:$0x3FAA]  }
0x28: {  	s2 =	sld [smem:$0x3FAB]  }
0x29: {  	s4 =	sld [smem:$0x3FAD]  }
0x2a: {  	p0 =	seq.s32 s5, $0x0;
	s5 =	sld [smem:$0x3FAE]  }
0x2b: {  	s6 =	sld [smem:$0x3FAF]  }
0x2c: {  	s7 =	sld [smem:$0x3FB0]  }
0x2d: {  	s3 =	simm.s32 $0x108;
	s8 =	sld [smem:$0x3FB1]  }
0x2e: {  	s3 =	simm.s32 @!p0 $0x1082;
	s9 =	sld [smem:$0x3FB2]  }
0x2f: {  	lr =	sadd.s32 s0, s3;
	s0 =	sld [smem:$0x3FA9]  }
0x30: {  	s3 =	sld [smem:$0x3FAC]  }
0x31: {  	[smem:$0x3FB5] =	sst s10  }
0x32: {  	s10 =	sld [smem:$0x3FB3];
	_ =	sdelay $0x3  }
0x33: {  	p0 =	seq.s32 s10, $0x1;
	s10 =	sld [smem:$0x3FB5];
	_ =	sdelay $0x3  }
0x34: {  	[smem:$0x3FB5] =	sst s10  }
0x35: {  	s10 =	sld [smem:$0x3FB4];
	_ =	sdelay $0x3  }
0x36: {  	p1 =	seq.s32 s10, $0x1;
	s10 =	sld [smem:$0x3FB5];
	_ =	sdelay $0x3  }
0x37: {  	[smem:$0x3FB5] =	sst s10  }
0x38: {  	s10 =	sld [smem:$0x3FB6]  }
0x39: {  	_ = 	snop;
	(pc) =	sbr.ind lr, $3  }
0x3a: {  	_ = 	snop  }
0x3b: {  	_ = 	snop  }
0x3c: {  	p2 =	seq.s32 s10, $0x1;
	s10 =	sld [smem:$0x3FB5]  }
0x3d: {  	_ =	shalt  }
0x3e: {  	_ =	shalt  }
0x3f: {  	_ =	shalt  }
0x40: {  	_ =	shalt  }
0x41: {  	_ =	shalt  }
0x42: {  	_ =	shalt  }
0x43: {  	_ =	shalt  }
0x44: {  	_ =	shalt  }
0x45: {  	_ =	shalt  }
0x46: {  	_ =	shalt  }
0x47: {  	_ =	shalt  }
0x48: {  	_ =	shalt  }
0x49: {  	_ =	shalt  }
0x4a: {  	_ =	shalt  }
0x4b: {  	_ =	shalt  }
0x4c: {  	_ =	shalt  }
0x4d: {  	_ =	shalt  }
0x4e: {  	_ =	shalt  }
0x4f: {  	_ =	shalt  }
0x50: {  	_ =	shalt  }
0x51: {  	_ =	shalt  }
0x52: {  	_ =	shalt  }
0x53: {  	_ =	shalt  }
0x54: {  	_ =	shalt  }
0x55: {  	_ =	shalt  }
0x56: {  	_ =	shalt  }
0x57: {  	_ =	shalt  }
0x58: {  	_ =	shalt  }
0x59: {  	_ =	shalt  }
0x5a: {  	_ =	shalt  }
0x5b: {  	_ =	shalt  }
0x5c: {  	_ =	shalt  }
0x5d: {  	_ =	shalt  }
0x5e: {  	_ =	shalt  }
0x5f: {  	_ =	shalt  }
0x60: {  	_ =	shalt  }
0x61: {  	_ =	shalt  }
0x62: {  	_ =	shalt  }
0x63: {  	_ =	shalt  }
0x64: {  	_ =	shalt  }
0x65: {  	_ =	shalt  }
0x66: {  	_ =	shalt  }
0x67: {  	_ =	shalt  }
0x68: {  	_ =	shalt  }
0x69: {  	_ =	shalt  }
0x6a: {  	_ =	shalt  }
0x6b: {  	_ =	shalt  }
0x6c: {  	_ =	shalt  }
0x6d: {  	_ =	shalt  }
0x6e: {  	_ =	shalt  }
0x6f: {  	_ =	shalt  }
0x70: {  	_ =	shalt  }
0x71: {  	_ =	shalt  }
0x72: {  	_ =	shalt  }
0x73: {  	_ =	shalt  }
0x74: {  	_ =	shalt  }
0x75: {  	_ =	shalt  }
0x76: {  	_ =	shalt  }
0x77: {  	_ =	shalt  }
0x78: {  	_ =	shalt  }
0x79: {  	_ =	shalt  }
0x7a: {  	_ =	shalt  }
0x7b: {  	_ =	shalt  }
0x7c: {  	_ =	shalt  }
0x7d: {  	_ =	shalt  }
0x7e: {  	_ =	shalt  }
0x7f: {  	_ =	shalt  }
0x80: {  	_ =	shalt  }
0x81: {  	_ =	shalt  }
0x82: {  	_ =	shalt  }
0x83: {  	_ =	shalt  }
0x84: {  	_ =	shalt  }
0x85: {  	_ =	shalt  }
0x86: {  	_ =	shalt  }
0x87: {  	_ =	shalt  }
.Lfunc_end0:
.L_simem_size_0:
called_computation.1_lowered:
.L_overlay_start_0:
0x88: {  	s2 =	sld [smem:$0x3FD9]  }
0x89: {  	s3 =	sld [smem:$0x3FFE];
	_ =	sdelay $0x1  }
0x8a: {  	s1 =	srdreg.scid  }
0x8b: {  	s0 =	sand.u32 $0x1, s1  }
0x8c: {  	s14 =	sshll.u32 s0, $0xA;
	s2 =	sadd.s32 s3, s2  }
0x8d: {  	s2 =	sadd.s32 s2, s14  }
0x8e: {  	[smem:$0x3FC1] =	sst s2  }
0x8f: {  	_ = 	snop  }
0x90: {  	s2 =	sld [smem:$0x3FD0]  }
0x91: {  	s15 =	sld [smem:$0x3FC6]  }
0x92: {  	s4 =	sld [smem:$0x3FC4]  }
0x93: {  	s6 =	simm.s32 $0xA;
	s7 =	simm.s32 $0x10;
	s5 =	sld [smem:$0x3FC3]  }
0x94: {  	[smem:s7], [sflag:s6] =	dma.local [hbm:s2], $0x1  }
0x95: {  	_ =	swait.eq [sflag:s6], $0x1  }
0x96: {  	s16 =	sld [smem:$0x10]  }
0x97: {  	s17 =	sld [smem:$0x11];
	[sflag:s6] =	ssyncset.done $0x0  }
0x98: {  	s8 =	sld [smem:$0x12];
	[sflag:s6] =	ssyncadd.s32 $0xFFFFFFFF  }
0x99: {  	s18 =	sld [smem:$0x13];
	(tm) =	ssettm $0x1  }
0x9a: {  	s9 =	sld [smem:$0x3FFB];
	_ =	sdelay $0x3  }
0x9b: {  	_ =	strace s9  }
0x9c: {  	s9 =	sld [smem:$0x3FFC];
	_ =	sdelay $0x3  }
0x9d: {  	_ =	strace s9  }
0x9e: {  	s9 =	sld [smem:$0x3FFD];
	_ =	sdelay $0x3  }
0x9f: {  	_ =	strace s9  }
0xa0: {  	_ =	strace $0x8FFFFFFF  }
0xa1: {  	s19 =	sld [smem:$0x3FDB];
	_ =	sdelay $0x1  }
0xa2: {  	s10 =	simm.s32 $_scs_section_size  }
0xa3: {  	s11 =	simm.s32 $_size__tile_overlayer_lowered;
	s12 =	simm.s32 $_tile_overlayer_lowered  }
0xa4: {  	s22 =	simm.s32 $0x1BFF;
	s21 =	sshll.u32 s12, $0x1;
	s9 =	sadd.s32 s10, s19  }
0xa5: {  	s13 =	simm.s32 $0x0;
	s20 =	sshll.u32 s11, $0x1;
	s11 =	sadd.s32 s21, s9  }
0xa6: {  	[timem:s13], [sflag:s22] =	dma.local [hbm:s11], s20  }
0xa7: {  	_ =	swait.ge [sflag:s22], s20  }
0xa8: {  	s10 =	ssub.s32 $0x0, s20;
	[sflag:s22] =	ssyncset.done $0x0  }
0xa9: {  	[sflag:s22] =	ssyncadd.s32 s10;
	_ =	sdelay $0x1  }
0xaa: {  	s23 =	simm.s32 $0x1B8B  }
0xab: {  	_ =	swait.ge [sflag:s23], $0x1  }
0xac: {  	[sflag:s23] =	ssyncset.done $0x0  }
0xad: {  	s25 =	simm.s32 $0x1B8E;
	s24 =	sld [smem:$0x3FFE];
	[sflag:s23] =	ssyncadd.s32 $0xFFFFFFFF  }
0xae: {  	s26 =	simm.s32 $execute0_lowered;
	[smem:$0x3FD2] =	sst s25  }
0xaf: {  	s11 =	sshll.u32 s26, $0x1;
	_ =	strace $0x80000049;
	[dreg:$0x1] =	wrdreg $0xFFFFFFFF  }
0xb0: {  	s28 =	simm.s32 $_size_execute0_lowered;
	s9 =	sadd.s32 s9, s11;
	[dreg:$0x0] =	wrdreg $0x0  }
0xb1: {  	s11 =	sshll.u32 s28, $0x1;
	[dreg:$0x2] =	wrdreg s9  }
0xb2: {  	[dreg:$0x3] =	wrdreg s11  }
0xb3: {  	[dreg:$0x4] =	wrdreg $0xC0  }
0xb4: {  	_ =	task [dreg:s13], $0x5FFFF  }
0xb5: {  	[dreg:$0x1] =	wrdreg $0xFFFFFFFF  }
0xb6: {  	[dreg:$0x0] =	wrdreg $0x60  }
0xb7: {  	[dreg:$0x2] =	wrdreg s24  }
0xb8: {  	[dreg:$0x3] =	wrdreg s15  }
0xb9: {  	[dreg:$0x4] =	wrdreg s4  }
0xba: {  	[dreg:$0x5] =	wrdreg s5  }
0xbb: {  	[dreg:$0x6] =	wrdreg s16  }
0xbc: {  	[dreg:$0x7] =	wrdreg s17  }
0xbd: {  	[dreg:$0x8] =	wrdreg s8  }
0xbe: {  	[dreg:$0x9] =	wrdreg s18  }
0xbf: {  	[dreg:$0xa] =	wrdreg $0x9  }
0xc0: {  	_ =	task.clear_ibuf [dreg:s13], $0xBFFFF;
	_ =	strace $0x90000049  }
0xc1: {  	s29 =	simm.s32 $0x9;
	_ =	strace $0x8000004B  }
0xc2: {  	_ =	swait.ge [sflag:s29], $0x1  }
0xc3: {  	[sflag:s29] =	ssyncadd.s32 $0xFFFFFFFF  }
0xc4: {  	_ =	strace $0x9000004B  }
0xc5: {  	_ =	sfence  }
0xc6: {  	s30 =	sld [smem:$0x0];
	_ =	sdelay $0x2  }
0xc7: {  	s31 =	sshll.u32 s1, $0xD;
	s1 =	sshrl.u32 s1, $0x2  }
0xc8: {  	s3 =	sand.u32 $0x4000, s31;
	s1 =	sadd.s32 s1, s30  }
0xc9: {  	s0 =	sor.u32 s3, s0;
	s1 =	sshll.u32 s1, $0x11  }
0xca: {  	s0 =	sor.u32 s1, s0  }
0xcb: {  	s0 =	sadd.s32 $0x8F2B, s0  }
0xcc: {  	[sflag:s0] =	ssyncadd.remote.s32 $0x1  }
0xcd: {  	_ =	sfence.sel $0xFFFF  }
0xce: {  	[dreg:$0x0] =	wrdreg $0xFFFFFFFF;
	(pc) =	sbr.abs _section_cstart, $3  }
0xcf: {  	[dreg:$0x1] =	wrdreg $0xFFFFFFFF  }
0xd0: {  	_ =	task.clear_ibuf [dreg:s13], $0x2FFFF;
	_ =	strace $0x9FFFFFFF  }
0xd1: {  	(tm) =	ssettm $0x7FFFFFFF  }
tec
execute0_lowered:
.L_overlay_start_1:
0x0: {  	(tag) =	ssettag $0x1  }
0x1: {  	s3 =	rddreg [dreg:$0x0]  }
0x2: {  	s0 =	rddreg [dreg:$0x1]  }
0x3: {  	s1 =	rddreg [dreg:$0x2]  }
0x4: {  	s4 =	rddreg [dreg:$0x3]  }
0x5: {  	s5 =	rddreg [dreg:$0x4]  }
0x6: {  	s6 =	rddreg [dreg:$0x5]  }
0x7: {  	s7 =	rddreg [dreg:$0x6]  }
0x8: {  	s9 =	rddreg [dreg:$0x7];
	s2 =	simm.s32 $0x0;
	s8 =	srdreg.scid  }
0x9: {  	s16 =	stileid.u32;
	[smem:$0x7FF] =	sst s2;
	s8 =	sand.u32 $0x1, s8  }
0xa: {  	s10 =	sshll.u32 s16, $0x1;
	s26 =	sadd.s32 $0xE00, s3;
	s18 =	sadd.s32 $0x1E9400, s3  }
0xb: {  	s21 =	sadd.s32 $0xF5080, s3;
	_ =	strace $0x8000004A;
	[dreg:$0xa] =	wrdreg s18  }
0xc: {  	s13 =	sadd.s32 $0x1EA400, s3;
	s17 =	sadd.s32 $0xE30, s3;
	[dreg:$0xc] =	wrdreg s21  }
0xd: {  	s11 =	ssub.s32 $0x2, s8;
	s10 =	sor.u32 s8, s10;
	[dreg:$0x1b] =	wrdreg s17  }
0xe: {  	s18 =	sadd.s32 $0xE40, s3;
	s21 =	sadd.s32 $0xE70, s3;
	[dreg:$0x9] =	wrdreg s26  }
0xf: {  	s19 =	sshrl.u32 s11, $0x1;
	s12 =	sshll.u32 s10, $0x8;
	[dreg:$0x1c] =	wrdreg s18  }
0x10: {  	s22 =	sshll.u32 s10, $0xB;
	[smem:$0x7F6] =	sst s21;
	s20 =	sadd.s32 s0, s12  }
0x11: {  	s23 =	sshll.u32 s10, $0xC;
	s8 =	sadd.s32 s13, s22;
	[dreg:$0xb] =	wrdreg s20  }
0x12: {  	s14 =	sshll.u32 s10, $0x10;
	s15 =	sadd.s32 s5, s23;
	[dreg:$0xd] =	wrdreg s8  }
0x13: {  	s24 =	sshllo.u32 s10, $0x1;
	s12 =	sadd.s32 s1, s12;
	[dreg:$0xe] =	wrdreg s15  }
0x14: {  	s11 =	ssub.s32 s11, s19;
	s19 =	sadd.s32 $0xE50, s3;
	[dreg:$0xf] =	wrdreg s12  }
0x15: {  	s28 =	sshll.u32 s24, $0xA;
	s22 =	sadd.s32 $0xF5090, s3;
	[dreg:$0x1d] =	wrdreg s19  }
0x16: {  	s8 =	sadd.s32 s6, s14;
	s14 =	sadd.s32 s7, s23;
	[smem:$0x7F7] =	sst s22  }
0x17: {  	s25 =	sshll.u32 s24, $0x7;
	s13 =	sadd.s32 s13, s28;
	[dreg:$0x10] =	wrdreg s14  }
0x18: {  	p0 =	sgt.u32 s16, $0x3;
	s0 =	sadd.s32 s0, s25;
	[dreg:$0x11] =	wrdreg s13  }
0x19: {  	s16 =	simm.s32 $0x400;
	s31 =	sadd.s32 s1, s25;
	[dreg:$0x12] =	wrdreg s0  }
0x1a: {  	s17 =	simm.s32 $0x8300;
	s15 =	sadd.s32 $0xE20, s3;
	[dreg:$0x14] =	wrdreg s31  }
0x1b: {  	s18 =	simm.s32 $0x0;
	s20 =	sadd.s32 $0xE60, s3;
	[dreg:$0x1a] =	wrdreg s15  }
0x1c: {  	s29 =	sshll.u32 s24, $0xF;
	s23 =	sadd.s32 $0xF50A0, s3;
	[dreg:$0x1e] =	wrdreg s20  }
0x1d: {  	s12 =	sshll.u32 s24, $0xB;
	s24 =	sadd.s32 $0xF50B0, s3;
	[smem:$0x7F8] =	sst s23  }
0x1e: {  	s1 =	sshll.u32 s10, $0x4;
	s25 =	sadd.s32 $0xF50C0, s3;
	[smem:$0x7F9] =	sst s24  }
0x1f: {  	s28 =	sadd.s32 $0xF50D0, s3;
	s22 =	simm.s32 $0xA400;
	[smem:$0x7FA] =	sst s25  }
0x20: {  	s14 =	sadd.s32 s6, s29;
	s30 =	sadd.s32 s5, s12;
	[smem:$0x7FB] =	sst s28  }
0x21: {  	s6 =	sshll.u32 s10, $0x7;
	s7 =	sadd.s32 s7, s12;
	[dreg:$0x13] =	wrdreg s30  }
0x22: {  	s0 =	sadd.s32 s4, s1;
	s12 =	smax.u32 s11, $0x1;
	[dreg:$0x15] =	wrdreg s7  }
0x23: {  	s13 =	sadd.s32 $0xE10, s3;
	s29 =	sadd.s32 $0xF50E0, s3;
	[dreg:$0x16] =	wrdreg s0  }
0x24: {  	s5 =	simm.s32 $0x8000;
	s15 =	simm.s32 $0x8280;
	[dreg:$0x18] =	wrdreg s12  }
.Ltmp0:
0x25: {  	s11 =	simm.s32 $0x8380;
	[dreg:$0x19] =	wrdreg s13;
	(pc) =	sbr.rel .LBB2_1-.Ltmp0, $4  }
0x26: {  	s4 =	simm.s32 $0xEC80;
	[smem:$0x7FC] =	sst s29;
	s30 =	sadd.s32 $0xF50F0, s3  }
0x27: {  	s10 =	sadd.s32 s9, s6;
	s7 =	simm.s32 $0x80;
	[smem:$0x7FD] =	sst s30  }
0x28: {  	s13 =	simm.s32 $0x8200;
	[dreg:$0x17] =	wrdreg s10;
	s31 =	sadd.s32 $0x400, s10  }
0x29: {  	s9 =	simm.s32 $0x2000;
	s3 =	simm.s32 $0x3;
	[dreg:$0x1f] =	wrdreg s31  }
.LBB2_35:
0x2a: {  	s18 =	sadd.s32 $0x1, s18;
	s6 =	rddreg [dreg:$0x18]  }
0x2b: {  	p1 =	sne.s32 s18, s6  }
.Ltmp1:
0x2c: {  	_ = 	snop;
	(pc) =	sbr.rel @!p1 .LBB2_36-.Ltmp1, $1  }
0x2d: {  	_ =	sdelay $0x3  }
.LBB2_1:
0x2e: {  	[smem:$0x7F5] =	sst s18  }
0x2f: {  	s6 =	rddreg [dreg:$0xa];
	s20 =	simm.s32 $0x4  }
0x30: {  	[tilespmem:s2], [sflag:$0x4] =	stream.linear.gather [hbm4b:s6+s2], $0x8000, $0x38;
	[tilespmem:$0x16C80] =	vst v63  }
0x31: {  	_ =	swait.ge [sflag:s20], $0x8000  }
0x32: {  	[sflag:s20] =	ssyncset.done $0x0  }
0x33: {  	s31 =	rddreg [dreg:$0xb];
	[sflag:s20] =	ssyncadd.s32 $0xFFFF8000  }
0x34: {  	[tilespmem:s5], [sflag:$0x4] =	stream.linear.gather [hbm4b:s31+s2], $0x400, $0x38;
	[tilespmem:$0x16C80] =	vst v63  }
0x35: {  	_ =	swait.ge [sflag:s20], $0x400  }
0x36: {  	[sflag:s20] =	ssyncset.done $0x0  }
0x37: {  	s6 =	simm.s32 $0x0;
	[sflag:s20] =	ssyncadd.s32 $0xFFFFFC00  }
0x38: {  	v6 =	vld [tilespmem:s6+$0x8000]  }
0x39: {  	v5 =	vld [tilespmem:s6+$0x8010]  }
0x3a: {  	v4 =	vld [tilespmem:s6+$0x8020]  }
0x3b: {  	v3 =	vld [tilespmem:s6+$0x8030]  }
0x3c: {  	v2 =	vld [tilespmem:s6+$0x8040]  }
0x3d: {  	v0 =	vld [tilespmem:s6+$0x8050];
	v1 =	vshrl.u32 v6, $0x7  }
0x3e: {  	s20 =	simm.s32 $0x200;
	v8 =	vshrl.u32 v5, $0x7;
	v7 =	vmul.u32 $0x380, v1;
	v1 =	vld [tilespmem:s6+$0x8060]  }
.LBB2_2:
0x3f: {  	p1 =	sne.s32 s20, $0xE00;
	v8 =	vmul.u32 $0x380, v8;
	v9 =	vshrl.u32 v4, $0x7;
	v10 =	vld [tilespmem:s6+$0x8070]  }
0x40: {  	v6 =	vadd.s32 v6, v7;
	v7 =	vmul.u32 $0x380, v9;
	v9 =	vshrl.u32 v3, $0x7  }
0x41: {  	s21 =	sshra.s32 s20, $0x2;
	[tilespmem:s6+$0x8000] =	vst v6;
	v5 =	vadd.s32 v5, v8;
	v8 =	vmul.u32 $0x380, v9;
	v9 =	vshrl.u32 v2, $0x7  }
0x42: {  	v6 =	vld [tilespmem:s21+$0x8000];
	[tilespmem:s6+$0x8010] =	vst v5;
	v4 =	vadd.s32 v4, v7;
	v7 =	vmul.u32 $0x380, v9;
	v9 =	vshrl.u32 v0, $0x7  }
0x43: {  	v5 =	vld [tilespmem:s21+$0x8010];
	[tilespmem:s6+$0x8020] =	vst v4;
	v3 =	vadd.s32 v3, v8;
	v8 =	vmul.u32 $0x380, v9;
	v9 =	vshrl.u32 v1, $0x7  }
.Ltmp2:
0x44: {  	v4 =	vld [tilespmem:s21+$0x8020];
	[tilespmem:s6+$0x8030] =	vst v3;
	v2 =	vadd.s32 v2, v7;
	v7 =	vmul.u32 $0x380, v9;
	v9 =	vshrl.u32 v10, $0x7;
	(pc) =	sbr.rel @p1 .LBB2_2-.Ltmp2, $4  }
0x45: {  	v3 =	vld [tilespmem:s21+$0x8030];
	[tilespmem:s6+$0x8040] =	vst v2;
	v0 =	vadd.s32 v0, v8;
	v8 =	vmul.u32 $0x380, v9  }
0x46: {  	v2 =	vld [tilespmem:s21+$0x8040];
	[tilespmem:s6+$0x8050] =	vst v0;
	v1 =	vadd.s32 v1, v7  }
0x47: {  	v7 =	vshrl.u32 v6, $0x7;
	v0 =	vld [tilespmem:s21+$0x8050];
	[tilespmem:s6+$0x8060] =	vst v1;
	v9 =	vadd.s32 v10, v8  }
0x48: {  	s20 =	sadd.s32 $0x200, s20;
	v7 =	vmul.u32 $0x380, v7;
	v8 =	vshrl.u32 v5, $0x7;
	v1 =	vld [tilespmem:s21+$0x8060];
	[tilespmem:s6+$0x8070] =	vst v9;
	s6 =	smov.u32 s21  }
0x49: {  	v8 =	vmul.u32 $0x380, v8;
	v9 =	vshrl.u32 v4, $0x7;
	v10 =	vld [tilespmem:s6+$0x8070]  }
0x4a: {  	v6 =	vadd.s32 v6, v7;
	v47 =	vmul.u32 $0x380, v9;
	v48 =	vshrl.u32 v3, $0x7  }
0x4b: {  	[tilespmem:s6+$0x8000] =	vst v6;
	v5 =	vadd.s32 v5, v8;
	v49 =	vmul.u32 $0x380, v48;
	v50 =	vshrl.u32 v2, $0x7  }
0x4c: {  	[tilespmem:s6+$0x8010] =	vst v5;
	v51 =	vadd.s32 v4, v47;
	v52 =	vmul.u32 $0x380, v50;
	v53 =	vshrl.u32 v0, $0x7  }
0x4d: {  	[tilespmem:s6+$0x8020] =	vst v51;
	v54 =	vadd.s32 v3, v49;
	v55 =	vmul.u32 $0x380, v53;
	v56 =	vshrl.u32 v1, $0x7  }
0x4e: {  	[tilespmem:s6+$0x8030] =	vst v54;
	v57 =	vadd.s32 v2, v52;
	v58 =	vmul.u32 $0x380, v56;
	v59 =	vshrl.u32 v10, $0x7  }
0x4f: {  	[tilespmem:s6+$0x8040] =	vst v57;
	v60 =	vadd.s32 v0, v55;
	v61 =	vmul.u32 $0x380, v59  }
0x50: {  	[tilespmem:s6+$0x8050] =	vst v60;
	v62 =	vadd.s32 v1, v58  }
0x51: {  	[tilespmem:s6+$0x8060] =	vst v62;
	v63 =	vadd.s32 v10, v61  }
0x52: {  	s20 =	rddreg [dreg:$0x19];
	[tilespmem:s6+$0x8070] =	vst v63  }
0x53: {  	[tilespmem:s22], [sflag:$0x1] =	stream.indirect.gather [hbm4b:s26+s7], $0x1, s5, s7, $0xb8;
	[tilespmem:$0x16C80] =	vst v63  }
0x54: {  	s24 =	simm.s32 $0xA480;
	s21 =	rddreg [dreg:$0x1a]  }
0x55: {  	[tilespmem:s24], [sflag:$0x1] =	stream.indirect.gather [hbm4b:s20+s7], $0x1, s5, s7, $0xb8;
	[tilespmem:$0x16C80] =	vst v63  }
0x56: {  	s25 =	simm.s32 $0xA500;
	s23 =	rddreg [dreg:$0x1c]  }
0x57: {  	[tilespmem:s25], [sflag:$0x1] =	stream.indirect.gather [hbm4b:s21+s7], $0x1, s5, s7, $0xb8;
	[tilespmem:$0x16C80] =	vst v63  }
0x58: {  	s28 =	simm.s32 $0xA580;
	s22 =	rddreg [dreg:$0x1b]  }
0x59: {  	[tilespmem:s28], [sflag:$0x1] =	stream.indirect.gather [hbm4b:s22+s7], $0x1, s5, s7, $0xb8;
	[tilespmem:$0x16C80] =	vst v63  }
0x5a: {  	s29 =	simm.s32 $0xA600;
	s24 =	rddreg [dreg:$0x1d]  }
0x5b: {  	[tilespmem:s29], [sflag:$0x1] =	stream.indirect.gather [hbm4b:s23+s7], $0x1, s5, s7, $0xb8;
	[tilespmem:$0x16C80] =	vst v63  }
0x5c: {  	s30 =	simm.s32 $0xA680;
	s25 =	rddreg [dreg:$0x1e]  }
0x5d: {  	[tilespmem:s30], [sflag:$0x1] =	stream.indirect.gather [hbm4b:s24+s7], $0x1, s5, s7, $0xb8;
	[tilespmem:$0x16C80] =	vst v63  }
0x5e: {  	s31 =	simm.s32 $0xA700;
	s29 =	sld [smem:$0x7F6]  }
0x5f: {  	[tilespmem:s31], [sflag:$0x1] =	stream.indirect.gather [hbm4b:s25+s7], $0x1, s5, s7, $0xb8;
	[tilespmem:$0x16C80] =	vst v63  }
0x60: {  	s0 =	simm.s32 $0xA780  }
0x61: {  	[tilespmem:s0], [sflag:$0x1] =	stream.indirect.gather [hbm4b:s29+s7], $0x1, s5, s7, $0xb8;
	[tilespmem:$0x16C80] =	vst v63  }
0x62: {  	s6 =	rddreg [dreg:$0xc];
	s28 =	simm.s32 $0xC400  }
0x63: {  	[tilespmem:s28], [sflag:$0x1] =	stream.indirect.gather [hbm4b:s6+s7], $0x1, s5, s7, $0xb8;
	[tilespmem:$0x16C80] =	vst v63  }
0x64: {  	s28 =	sld [smem:$0x7F7];
	_ =	sdelay $0x1  }
0x65: {  	s30 =	simm.s32 $0xC480  }
0x66: {  	[tilespmem:s30], [sflag:$0x1] =	stream.indirect.gather [hbm4b:s28+s7], $0x1, s5, s7, $0xb8;
	[tilespmem:$0x16C80] =	vst v63  }
0x67: {  	s30 =	sld [smem:$0x7F8];
	_ =	sdelay $0x1  }
0x68: {  	s31 =	simm.s32 $0xC500  }
0x69: {  	[tilespmem:s31], [sflag:$0x1] =	stream.indirect.gather [hbm4b:s30+s7], $0x1, s5, s7, $0xb8;
	[tilespmem:$0x16C80] =	vst v63  }
0x6a: {  	s31 =	sld [smem:$0x7F9];
	_ =	sdelay $0x1  }
0x6b: {  	s0 =	simm.s32 $0xC580  }
0x6c: {  	[tilespmem:s0], [sflag:$0x1] =	stream.indirect.gather [hbm4b:s31+s7], $0x1, s5, s7, $0xb8;
	[tilespmem:$0x16C80] =	vst v63  }
0x6d: {  	s0 =	sld [smem:$0x7FA];
	_ =	sdelay $0x1  }
0x6e: {  	s12 =	simm.s32 $0xC600;
	s18 =	sld [smem:$0x7FB]  }
0x6f: {  	[tilespmem:s12], [sflag:$0x1] =	stream.indirect.gather [hbm4b:s0+s7], $0x1, s5, s7, $0xb8;
	[tilespmem:$0x16C80] =	vst v63  }
0x70: {  	s1 =	simm.s32 $0xC680;
	s19 =	sld [smem:$0x7FC]  }
0x71: {  	[tilespmem:s1], [sflag:$0x1] =	stream.indirect.gather [hbm4b:s18+s7], $0x1, s5, s7, $0xb8;
	[tilespmem:$0x16C80] =	vst v63  }
0x72: {  	s10 =	simm.s32 $0xC700  }
0x73: {  	[tilespmem:s10], [sflag:$0x1] =	stream.indirect.gather [hbm4b:s19+s7], $0x1, s5, s7, $0xb8;
	[tilespmem:$0x16C80] =	vst v63  }
0x74: {  	s10 =	sld [smem:$0x7FD];
	_ =	sdelay $0x1  }
0x75: {  	s1 =	simm.s32 $0xC780  }
0x76: {  	[tilespmem:s1], [sflag:$0x1] =	stream.indirect.gather [hbm4b:s10+s7], $0x1, s5, s7, $0xb8;
	[tilespmem:$0x16C80] =	vst v63  }
0x77: {  	s12 =	simm.s32 $0x8080;
	s1 =	simm.s32 $0xA800  }
0x78: {  	[tilespmem:s1], [sflag:$0x1] =	stream.indirect.gather [hbm4b:s26+s7], $0x1, s12, s7, $0xb8;
	[tilespmem:$0x16C80] =	vst v63  }
0x79: {  	s1 =	simm.s32 $0xA880  }
0x7a: {  	[tilespmem:s1], [sflag:$0x1] =	stream.indirect.gather [hbm4b:s20+s7], $0x1, s12, s7, $0xb8;
	[tilespmem:$0x16C80] =	vst v63  }
0x7b: {  	s1 =	simm.s32 $0xA900  }
0x7c: {  	[tilespmem:s1], [sflag:$0x1] =	stream.indirect.gather [hbm4b:s21+s7], $0x1, s12, s7, $0xb8;
	[tilespmem:$0x16C80] =	vst v63  }
0x7d: {  	s1 =	simm.s32 $0xA980  }
0x7e: {  	[tilespmem:s1], [sflag:$0x1] =	stream.indirect.gather [hbm4b:s22+s7], $0x1, s12, s7, $0xb8;
	[tilespmem:$0x16C80] =	vst v63  }
0x7f: {  	s1 =	simm.s32 $0xAA00  }
0x80: {  	[tilespmem:s1], [sflag:$0x1] =	stream.indirect.gather [hbm4b:s23+s7], $0x1, s12, s7, $0xb8;
	[tilespmem:$0x16C80] =	vst v63  }
0x81: {  	s1 =	simm.s32 $0xAA80  }
0x82: {  	[tilespmem:s1], [sflag:$0x1] =	stream.indirect.gather [hbm4b:s24+s7], $0x1, s12, s7, $0xb8;
	[tilespmem:$0x16C80] =	vst v63  }
0x83: {  	s1 =	simm.s32 $0xAB00  }
0x84: {  	[tilespmem:s1], [sflag:$0x1] =	stream.indirect.gather [hbm4b:s25+s7], $0x1, s12, s7, $0xb8;
	[tilespmem:$0x16C80] =	vst v63  }
0x85: {  	s1 =	simm.s32 $0xAB80  }
0x86: {  	[tilespmem:s1], [sflag:$0x1] =	stream.indirect.gather [hbm4b:s29+s7], $0x1, s12, s7, $0xb8;
	[tilespmem:$0x16C80] =	vst v63  }
0x87: {  	s1 =	simm.s32 $0xC800  }
0x88: {  	[tilespmem:s1], [sflag:$0x1] =	stream.indirect.gather [hbm4b:s6+s7], $0x1, s12, s7, $0xb8;
	[tilespmem:$0x16C80] =	vst v63  }
0x89: {  	s1 =	simm.s32 $0xC880  }
0x8a: {  	[tilespmem:s1], [sflag:$0x1] =	stream.indirect.gather [hbm4b:s28+s7], $0x1, s12, s7, $0xb8;
	[tilespmem:$0x16C80] =	vst v63  }
0x8b: {  	s1 =	simm.s32 $0xC900  }
0x8c: {  	[tilespmem:s1], [sflag:$0x1] =	stream.indirect.gather [hbm4b:s30+s7], $0x1, s12, s7, $0xb8;
	[tilespmem:$0x16C80] =	vst v63  }
0x8d: {  	s1 =	simm.s32 $0xC980  }
0x8e: {  	[tilespmem:s1], [sflag:$0x1] =	stream.indirect.gather [hbm4b:s31+s7], $0x1, s12, s7, $0xb8;
	[tilespmem:$0x16C80] =	vst v63  }
0x8f: {  	s1 =	simm.s32 $0xCA00  }
0x90: {  	[tilespmem:s1], [sflag:$0x1] =	stream.indirect.gather [hbm4b:s0+s7], $0x1, s12, s7, $0xb8;
	[tilespmem:$0x16C80] =	vst v63  }
0x91: {  	s1 =	simm.s32 $0xCA80  }
0x92: {  	[tilespmem:s1], [sflag:$0x1] =	stream.indirect.gather [hbm4b:s18+s7], $0x1, s12, s7, $0xb8;
	[tilespmem:$0x16C80] =	vst v63  }
0x93: {  	s1 =	simm.s32 $0xCB00  }
0x94: {  	[tilespmem:s1], [sflag:$0x1] =	stream.indirect.gather [hbm4b:s19+s7], $0x1, s12, s7, $0xb8;
	[tilespmem:$0x16C80] =	vst v63  }
0x95: {  	s1 =	simm.s32 $0xCB80  }
0x96: {  	[tilespmem:s1], [sflag:$0x1] =	stream.indirect.gather [hbm4b:s10+s7], $0x1, s12, s7, $0xb8;
	[tilespmem:$0x16C80] =	vst v63  }
0x97: {  	s1 =	simm.s32 $0x8100;
	s12 =	simm.s32 $0xAC00  }
0x98: {  	[tilespmem:s12], [sflag:$0x1] =	stream.indirect.gather [hbm4b:s26+s7], $0x1, s1, s7, $0xb8;
	[tilespmem:$0x16C80] =	vst v63  }
0x99: {  	s12 =	simm.s32 $0xAC80  }
0x9a: {  	[tilespmem:s12], [sflag:$0x1] =	stream.indirect.gather [hbm4b:s20+s7], $0x1, s1, s7, $0xb8;
	[tilespmem:$0x16C80] =	vst v63  }
0x9b: {  	s12 =	simm.s32 $0xAD00  }
0x9c: {  	[tilespmem:s12], [sflag:$0x1] =	stream.indirect.gather [hbm4b:s21+s7], $0x1, s1, s7, $0xb8;
	[tilespmem:$0x16C80] =	vst v63  }
0x9d: {  	s12 =	simm.s32 $0xAD80  }
0x9e: {  	[tilespmem:s12], [sflag:$0x1] =	stream.indirect.gather [hbm4b:s22+s7], $0x1, s1, s7, $0xb8;
	[tilespmem:$0x16C80] =	vst v63  }
0x9f: {  	s12 =	simm.s32 $0xAE00  }
0xa0: {  	[tilespmem:s12], [sflag:$0x1] =	stream.indirect.gather [hbm4b:s23+s7], $0x1, s1, s7, $0xb8;
	[tilespmem:$0x16C80] =	vst v63  }
0xa1: {  	s12 =	simm.s32 $0xAE80  }
0xa2: {  	[tilespmem:s12], [sflag:$0x1] =	stream.indirect.gather [hbm4b:s24+s7], $0x1, s1, s7, $0xb8;
	[tilespmem:$0x16C80] =	vst v63  }
0xa3: {  	s12 =	simm.s32 $0xAF00  }
0xa4: {  	[tilespmem:s12], [sflag:$0x1] =	stream.indirect.gather [hbm4b:s25+s7], $0x1, s1, s7, $0xb8;
	[tilespmem:$0x16C80] =	vst v63  }
0xa5: {  	s12 =	simm.s32 $0xAF80  }
0xa6: {  	[tilespmem:s12], [sflag:$0x1] =	stream.indirect.gather [hbm4b:s29+s7], $0x1, s1, s7, $0xb8;
	[tilespmem:$0x16C80] =	vst v63  }
0xa7: {  	s12 =	simm.s32 $0xCC00  }
0xa8: {  	[tilespmem:s12], [sflag:$0x1] =	stream.indirect.gather [hbm4b:s6+s7], $0x1, s1, s7, $0xb8;
	[tilespmem:$0x16C80] =	vst v63  }
0xa9: {  	s12 =	simm.s32 $0xCC80  }
0xaa: {  	[tilespmem:s12], [sflag:$0x1] =	stream.indirect.gather [hbm4b:s28+s7], $0x1, s1, s7, $0xb8;
	[tilespmem:$0x16C80] =	vst v63  }
0xab: {  	s12 =	simm.s32 $0xCD00  }
0xac: {  	[tilespmem:s12], [sflag:$0x1] =	stream.indirect.gather [hbm4b:s30+s7], $0x1, s1, s7, $0xb8;
	[tilespmem:$0x16C80] =	vst v63  }
0xad: {  	s12 =	simm.s32 $0xCD80  }
0xae: {  	[tilespmem:s12], [sflag:$0x1] =	stream.indirect.gather [hbm4b:s31+s7], $0x1, s1, s7, $0xb8;
	[tilespmem:$0x16C80] =	vst v63  }
0xaf: {  	s12 =	simm.s32 $0xCE00  }
0xb0: {  	[tilespmem:s12], [sflag:$0x1] =	stream.indirect.gather [hbm4b:s0+s7], $0x1, s1, s7, $0xb8;
	[tilespmem:$0x16C80] =	vst v63  }
0xb1: {  	s12 =	simm.s32 $0xCE80  }
0xb2: {  	[tilespmem:s12], [sflag:$0x1] =	stream.indirect.gather [hbm4b:s18+s7], $0x1, s1, s7, $0xb8;
	[tilespmem:$0x16C80] =	vst v63  }
0xb3: {  	s12 =	simm.s32 $0xCF00  }
0xb4: {  	[tilespmem:s12], [sflag:$0x1] =	stream.indirect.gather [hbm4b:s19+s7], $0x1, s1, s7, $0xb8;
	[tilespmem:$0x16C80] =	vst v63  }
0xb5: {  	s12 =	simm.s32 $0xCF80  }
0xb6: {  	[tilespmem:s12], [sflag:$0x1] =	stream.indirect.gather [hbm4b:s10+s7], $0x1, s1, s7, $0xb8;
	[tilespmem:$0x16C80] =	vst v63  }
0xb7: {  	s1 =	simm.s32 $0x8180;
	s12 =	simm.s32 $0xB000  }
0xb8: {  	[tilespmem:s12], [sflag:$0x1] =	stream.indirect.gather [hbm4b:s26+s7], $0x1, s1, s7, $0xb8;
	[tilespmem:$0x16C80] =	vst v63  }
0xb9: {  	s12 =	simm.s32 $0xB080  }
0xba: {  	[tilespmem:s12], [sflag:$0x1] =	stream.indirect.gather [hbm4b:s20+s7], $0x1, s1, s7, $0xb8;
	[tilespmem:$0x16C80] =	vst v63  }
0xbb: {  	s12 =	simm.s32 $0xB100  }
0xbc: {  	[tilespmem:s12], [sflag:$0x1] =	stream.indirect.gather [hbm4b:s21+s7], $0x1, s1, s7, $0xb8;
	[tilespmem:$0x16C80] =	vst v63  }
0xbd: {  	s12 =	simm.s32 $0xB180  }
0xbe: {  	[tilespmem:s12], [sflag:$0x1] =	stream.indirect.gather [hbm4b:s22+s7], $0x1, s1, s7, $0xb8;
	[tilespmem:$0x16C80] =	vst v63  }
0xbf: {  	s12 =	simm.s32 $0xB200  }
0xc0: {  	[tilespmem:s12], [sflag:$0x1] =	stream.indirect.gather [hbm4b:s23+s7], $0x1, s1, s7, $0xb8;
	[tilespmem:$0x16C80] =	vst v63  }
0xc1: {  	s12 =	simm.s32 $0xB280  }
0xc2: {  	[tilespmem:s12], [sflag:$0x1] =	stream.indirect.gather [hbm4b:s24+s7], $0x1, s1, s7, $0xb8;
	[tilespmem:$0x16C80] =	vst v63  }
0xc3: {  	s12 =	simm.s32 $0xB300  }
0xc4: {  	[tilespmem:s12], [sflag:$0x1] =	stream.indirect.gather [hbm4b:s25+s7], $0x1, s1, s7, $0xb8;
	[tilespmem:$0x16C80] =	vst v63  }
0xc5: {  	s12 =	simm.s32 $0xB380  }
0xc6: {  	[tilespmem:s12], [sflag:$0x1] =	stream.indirect.gather [hbm4b:s29+s7], $0x1, s1, s7, $0xb8;
	[tilespmem:$0x16C80] =	vst v63  }
0xc7: {  	s12 =	simm.s32 $0xD000  }
0xc8: {  	[tilespmem:s12], [sflag:$0x1] =	stream.indirect.gather [hbm4b:s6+s7], $0x1, s1, s7, $0xb8;
	[tilespmem:$0x16C80] =	vst v63  }
0xc9: {  	s12 =	simm.s32 $0xD080  }
0xca: {  	[tilespmem:s12], [sflag:$0x1] =	stream.indirect.gather [hbm4b:s28+s7], $0x1, s1, s7, $0xb8;
	[tilespmem:$0x16C80] =	vst v63  }
0xcb: {  	s12 =	simm.s32 $0xD100  }
0xcc: {  	[tilespmem:s12], [sflag:$0x1] =	stream.indirect.gather [hbm4b:s30+s7], $0x1, s1, s7, $0xb8;
	[tilespmem:$0x16C80] =	vst v63  }
0xcd: {  	s12 =	simm.s32 $0xD180  }
0xce: {  	[tilespmem:s12], [sflag:$0x1] =	stream.indirect.gather [hbm4b:s31+s7], $0x1, s1, s7, $0xb8;
	[tilespmem:$0x16C80] =	vst v63  }
0xcf: {  	s12 =	simm.s32 $0xD200  }
0xd0: {  	[tilespmem:s12], [sflag:$0x1] =	stream.indirect.gather [hbm4b:s0+s7], $0x1, s1, s7, $0xb8;
	[tilespmem:$0x16C80] =	vst v63  }
0xd1: {  	s12 =	simm.s32 $0xD280  }
0xd2: {  	[tilespmem:s12], [sflag:$0x1] =	stream.indirect.gather [hbm4b:s18+s7], $0x1, s1, s7, $0xb8;
	[tilespmem:$0x16C80] =	vst v63  }
0xd3: {  	s12 =	simm.s32 $0xD300  }
0xd4: {  	[tilespmem:s12], [sflag:$0x1] =	stream.indirect.gather [hbm4b:s19+s7], $0x1, s1, s7, $0xb8;
	[tilespmem:$0x16C80] =	vst v63  }
0xd5: {  	s12 =	simm.s32 $0xD380  }
0xd6: {  	[tilespmem:s12], [sflag:$0x1] =	stream.indirect.gather [hbm4b:s10+s7], $0x1, s1, s7, $0xb8;
	[tilespmem:$0x16C80] =	vst v63  }
0xd7: {  	s12 =	simm.s32 $0xB400  }
0xd8: {  	[tilespmem:s12], [sflag:$0x1] =	stream.indirect.gather [hbm4b:s26+s7], $0x1, s13, s7, $0xb8;
	[tilespmem:$0x16C80] =	vst v63  }
0xd9: {  	s12 =	simm.s32 $0xB480  }
0xda: {  	[tilespmem:s12], [sflag:$0x1] =	stream.indirect.gather [hbm4b:s20+s7], $0x1, s13, s7, $0xb8;
	[tilespmem:$0x16C80] =	vst v63  }
0xdb: {  	s12 =	simm.s32 $0xB500  }
0xdc: {  	[tilespmem:s12], [sflag:$0x1] =	stream.indirect.gather [hbm4b:s21+s7], $0x1, s13, s7, $0xb8;
	[tilespmem:$0x16C80] =	vst v63  }
0xdd: {  	s12 =	simm.s32 $0xB580  }
0xde: {  	[tilespmem:s12], [sflag:$0x1] =	stream.indirect.gather [hbm4b:s22+s7], $0x1, s13, s7, $0xb8;
	[tilespmem:$0x16C80] =	vst v63  }
0xdf: {  	s12 =	simm.s32 $0xB600  }
0xe0: {  	[tilespmem:s12], [sflag:$0x1] =	stream.indirect.gather [hbm4b:s23+s7], $0x1, s13, s7, $0xb8;
	[tilespmem:$0x16C80] =	vst v63  }
0xe1: {  	s12 =	simm.s32 $0xB680  }
0xe2: {  	[tilespmem:s12], [sflag:$0x1] =	stream.indirect.gather [hbm4b:s24+s7], $0x1, s13, s7, $0xb8;
	[tilespmem:$0x16C80] =	vst v63  }
0xe3: {  	s12 =	simm.s32 $0xB700  }
0xe4: {  	[tilespmem:s12], [sflag:$0x1] =	stream.indirect.gather [hbm4b:s25+s7], $0x1, s13, s7, $0xb8;
	[tilespmem:$0x16C80] =	vst v63  }
0xe5: {  	s12 =	simm.s32 $0xB780  }
0xe6: {  	[tilespmem:s12], [sflag:$0x1] =	stream.indirect.gather [hbm4b:s29+s7], $0x1, s13, s7, $0xb8;
	[tilespmem:$0x16C80] =	vst v63  }
0xe7: {  	s12 =	simm.s32 $0xD400  }
0xe8: {  	[tilespmem:s12], [sflag:$0x1] =	stream.indirect.gather [hbm4b:s6+s7], $0x1, s13, s7, $0xb8;
	[tilespmem:$0x16C80] =	vst v63  }
0xe9: {  	s12 =	simm.s32 $0xD480  }
0xea: {  	[tilespmem:s12], [sflag:$0x1] =	stream.indirect.gather [hbm4b:s28+s7], $0x1, s13, s7, $0xb8;
	[tilespmem:$0x16C80] =	vst v63  }
0xeb: {  	s12 =	simm.s32 $0xD500  }
0xec: {  	[tilespmem:s12], [sflag:$0x1] =	stream.indirect.gather [hbm4b:s30+s7], $0x1, s13, s7, $0xb8;
	[tilespmem:$0x16C80] =	vst v63  }
0xed: {  	s12 =	simm.s32 $0xD580  }
0xee: {  	[tilespmem:s12], [sflag:$0x1] =	stream.indirect.gather [hbm4b:s31+s7], $0x1, s13, s7, $0xb8;
	[tilespmem:$0x16C80] =	vst v63  }
0xef: {  	s12 =	simm.s32 $0xD600  }
0xf0: {  	[tilespmem:s12], [sflag:$0x1] =	stream.indirect.gather [hbm4b:s0+s7], $0x1, s13, s7, $0xb8;
	[tilespmem:$0x16C80] =	vst v63  }
0xf1: {  	s12 =	simm.s32 $0xD680  }
0xf2: {  	[tilespmem:s12], [sflag:$0x1] =	stream.indirect.gather [hbm4b:s18+s7], $0x1, s13, s7, $0xb8;
	[tilespmem:$0x16C80] =	vst v63  }
0xf3: {  	s12 =	simm.s32 $0xD700  }
0xf4: {  	[tilespmem:s12], [sflag:$0x1] =	stream.indirect.gather [hbm4b:s19+s7], $0x1, s13, s7, $0xb8;
	[tilespmem:$0x16C80] =	vst v63  }
0xf5: {  	s12 =	simm.s32 $0xD780  }
0xf6: {  	[tilespmem:s12], [sflag:$0x1] =	stream.indirect.gather [hbm4b:s10+s7], $0x1, s13, s7, $0xb8;
	[tilespmem:$0x16C80] =	vst v63  }
0xf7: {  	s12 =	simm.s32 $0xB800  }
0xf8: {  	[tilespmem:s12], [sflag:$0x1] =	stream.indirect.gather [hbm4b:s26+s7], $0x1, s15, s7, $0xb8;
	[tilespmem:$0x16C80] =	vst v63  }
0xf9: {  	s12 =	simm.s32 $0xB880  }
0xfa: {  	[tilespmem:s12], [sflag:$0x1] =	stream.indirect.gather [hbm4b:s20+s7], $0x1, s15, s7, $0xb8;
	[tilespmem:$0x16C80] =	vst v63  }
0xfb: {  	s12 =	simm.s32 $0xB900  }
0xfc: {  	[tilespmem:s12], [sflag:$0x1] =	stream.indirect.gather [hbm4b:s21+s7], $0x1, s15, s7, $0xb8;
	[tilespmem:$0x16C80] =	vst v63  }
0xfd: {  	s12 =	simm.s32 $0xB980  }
0xfe: {  	[tilespmem:s12], [sflag:$0x1] =	stream.indirect.gather [hbm4b:s22+s7], $0x1, s15, s7, $0xb8;
	[tilespmem:$0x16C80] =	vst v63  }
0xff: {  	s12 =	simm.s32 $0xBA00  }
0x100: {  	[tilespmem:s12], [sflag:$0x1] =	stream.indirect.gather [hbm4b:s23+s7], $0x1, s15, s7, $0xb8;
	[tilespmem:$0x16C80] =	vst v63  }
0x101: {  	s12 =	simm.s32 $0xBA80  }
0x102: {  	[tilespmem:s12], [sflag:$0x1] =	stream.indirect.gather [hbm4b:s24+s7], $0x1, s15, s7, $0xb8;
	[tilespmem:$0x16C80] =	vst v63  }
0x103: {  	s12 =	simm.s32 $0xBB00  }
0x104: {  	[tilespmem:s12], [sflag:$0x1] =	stream.indirect.gather [hbm4b:s25+s7], $0x1, s15, s7, $0xb8;
	[tilespmem:$0x16C80] =	vst v63  }
0x105: {  	s12 =	simm.s32 $0xBB80  }
0x106: {  	[tilespmem:s12], [sflag:$0x1] =	stream.indirect.gather [hbm4b:s29+s7], $0x1, s15, s7, $0xb8;
	[tilespmem:$0x16C80] =	vst v63  }
0x107: {  	s12 =	simm.s32 $0xD800  }
0x108: {  	[tilespmem:s12], [sflag:$0x1] =	stream.indirect.gather [hbm4b:s6+s7], $0x1, s15, s7, $0xb8;
	[tilespmem:$0x16C80] =	vst v63  }
0x109: {  	s12 =	simm.s32 $0xD880  }
0x10a: {  	[tilespmem:s12], [sflag:$0x1] =	stream.indirect.gather [hbm4b:s28+s7], $0x1, s15, s7, $0xb8;
	[tilespmem:$0x16C80] =	vst v63  }
0x10b: {  	s12 =	simm.s32 $0xD900  }
0x10c: {  	[tilespmem:s12], [sflag:$0x1] =	stream.indirect.gather [hbm4b:s30+s7], $0x1, s15, s7, $0xb8;
	[tilespmem:$0x16C80] =	vst v63  }
0x10d: {  	s12 =	simm.s32 $0xD980  }
0x10e: {  	[tilespmem:s12], [sflag:$0x1] =	stream.indirect.gather [hbm4b:s31+s7], $0x1, s15, s7, $0xb8;
	[tilespmem:$0x16C80] =	vst v63  }
0x10f: {  	s12 =	simm.s32 $0xDA00  }
0x110: {  	[tilespmem:s12], [sflag:$0x1] =	stream.indirect.gather [hbm4b:s0+s7], $0x1, s15, s7, $0xb8;
	[tilespmem:$0x16C80] =	vst v63  }
0x111: {  	s12 =	simm.s32 $0xDA80  }
0x112: {  	[tilespmem:s12], [sflag:$0x1] =	stream.indirect.gather [hbm4b:s18+s7], $0x1, s15, s7, $0xb8;
	[tilespmem:$0x16C80] =	vst v63  }
0x113: {  	s12 =	simm.s32 $0xDB00  }
0x114: {  	[tilespmem:s12], [sflag:$0x1] =	stream.indirect.gather [hbm4b:s19+s7], $0x1, s15, s7, $0xb8;
	[tilespmem:$0x16C80] =	vst v63  }
0x115: {  	s12 =	simm.s32 $0xDB80  }
0x116: {  	[tilespmem:s12], [sflag:$0x1] =	stream.indirect.gather [hbm4b:s10+s7], $0x1, s15, s7, $0xb8;
	[tilespmem:$0x16C80] =	vst v63  }
0x117: {  	s12 =	simm.s32 $0xBC00  }
0x118: {  	[tilespmem:s12], [sflag:$0x1] =	stream.indirect.gather [hbm4b:s26+s7], $0x1, s17, s7, $0xb8;
	[tilespmem:$0x16C80] =	vst v63  }
0x119: {  	s12 =	simm.s32 $0xBC80  }
0x11a: {  	[tilespmem:s12], [sflag:$0x1] =	stream.indirect.gather [hbm4b:s20+s7], $0x1, s17, s7, $0xb8;
	[tilespmem:$0x16C80] =	vst v63  }
0x11b: {  	s12 =	simm.s32 $0xBD00  }
0x11c: {  	[tilespmem:s12], [sflag:$0x1] =	stream.indirect.gather [hbm4b:s21+s7], $0x1, s17, s7, $0xb8;
	[tilespmem:$0x16C80] =	vst v63  }
0x11d: {  	s12 =	simm.s32 $0xBD80  }
0x11e: {  	[tilespmem:s12], [sflag:$0x1] =	stream.indirect.gather [hbm4b:s22+s7], $0x1, s17, s7, $0xb8;
	[tilespmem:$0x16C80] =	vst v63  }
0x11f: {  	s12 =	simm.s32 $0xBE00  }
0x120: {  	[tilespmem:s12], [sflag:$0x1] =	stream.indirect.gather [hbm4b:s23+s7], $0x1, s17, s7, $0xb8;
	[tilespmem:$0x16C80] =	vst v63  }
0x121: {  	s12 =	simm.s32 $0xBE80  }
0x122: {  	[tilespmem:s12], [sflag:$0x1] =	stream.indirect.gather [hbm4b:s24+s7], $0x1, s17, s7, $0xb8;
	[tilespmem:$0x16C80] =	vst v63  }
0x123: {  	s12 =	simm.s32 $0xBF00  }
0x124: {  	[tilespmem:s12], [sflag:$0x1] =	stream.indirect.gather [hbm4b:s25+s7], $0x1, s17, s7, $0xb8;
	[tilespmem:$0x16C80] =	vst v63  }
0x125: {  	s12 =	simm.s32 $0xBF80  }
0x126: {  	[tilespmem:s12], [sflag:$0x1] =	stream.indirect.gather [hbm4b:s29+s7], $0x1, s17, s7, $0xb8;
	[tilespmem:$0x16C80] =	vst v63  }
0x127: {  	s12 =	simm.s32 $0xDC00  }
0x128: {  	[tilespmem:s12], [sflag:$0x1] =	stream.indirect.gather [hbm4b:s6+s7], $0x1, s17, s7, $0xb8;
	[tilespmem:$0x16C80] =	vst v63  }
0x129: {  	s12 =	simm.s32 $0xDC80  }
0x12a: {  	[tilespmem:s12], [sflag:$0x1] =	stream.indirect.gather [hbm4b:s28+s7], $0x1, s17, s7, $0xb8;
	[tilespmem:$0x16C80] =	vst v63  }
0x12b: {  	s12 =	simm.s32 $0xDD00  }
0x12c: {  	[tilespmem:s12], [sflag:$0x1] =	stream.indirect.gather [hbm4b:s30+s7], $0x1, s17, s7, $0xb8;
	[tilespmem:$0x16C80] =	vst v63  }
0x12d: {  	s12 =	simm.s32 $0xDD80  }
0x12e: {  	[tilespmem:s12], [sflag:$0x1] =	stream.indirect.gather [hbm4b:s31+s7], $0x1, s17, s7, $0xb8;
	[tilespmem:$0x16C80] =	vst v63  }
0x12f: {  	s12 =	simm.s32 $0xDE00  }
0x130: {  	[tilespmem:s12], [sflag:$0x1] =	stream.indirect.gather [hbm4b:s0+s7], $0x1, s17, s7, $0xb8;
	[tilespmem:$0x16C80] =	vst v63  }
0x131: {  	s12 =	simm.s32 $0xDE80  }
0x132: {  	[tilespmem:s12], [sflag:$0x1] =	stream.indirect.gather [hbm4b:s18+s7], $0x1, s17, s7, $0xb8;
	[tilespmem:$0x16C80] =	vst v63  }
0x133: {  	s12 =	simm.s32 $0xDF00  }
0x134: {  	[tilespmem:s12], [sflag:$0x1] =	stream.indirect.gather [hbm4b:s19+s7], $0x1, s17, s7, $0xb8;
	[tilespmem:$0x16C80] =	vst v63  }
0x135: {  	s12 =	simm.s32 $0xDF80  }
0x136: {  	[tilespmem:s12], [sflag:$0x1] =	stream.indirect.gather [hbm4b:s10+s7], $0x1, s17, s7, $0xb8;
	[tilespmem:$0x16C80] =	vst v63  }
0x137: {  	s12 =	simm.s32 $0xC000  }
0x138: {  	[tilespmem:s12], [sflag:$0x1] =	stream.indirect.gather [hbm4b:s26+s7], $0x1, s11, s7, $0xb8;
	[tilespmem:$0x16C80] =	vst v63  }
0x139: {  	s12 =	simm.s32 $0xC080  }
0x13a: {  	[tilespmem:s12], [sflag:$0x1] =	stream.indirect.gather [hbm4b:s20+s7], $0x1, s11, s7, $0xb8;
	[tilespmem:$0x16C80] =	vst v63  }
0x13b: {  	s20 =	simm.s32 $0xC100  }
0x13c: {  	[tilespmem:s20], [sflag:$0x1] =	stream.indirect.gather [hbm4b:s21+s7], $0x1, s11, s7, $0xb8;
	[tilespmem:$0x16C80] =	vst v63  }
0x13d: {  	s21 =	simm.s32 $0xC180  }
0x13e: {  	[tilespmem:s21], [sflag:$0x1] =	stream.indirect.gather [hbm4b:s22+s7], $0x1, s11, s7, $0xb8;
	[tilespmem:$0x16C80] =	vst v63  }
0x13f: {  	s22 =	simm.s32 $0xC200  }
0x140: {  	[tilespmem:s22], [sflag:$0x1] =	stream.indirect.gather [hbm4b:s23+s7], $0x1, s11, s7, $0xb8;
	[tilespmem:$0x16C80] =	vst v63  }
0x141: {  	s23 =	simm.s32 $0xC280  }
0x142: {  	[tilespmem:s23], [sflag:$0x1] =	stream.indirect.gather [hbm4b:s24+s7], $0x1, s11, s7, $0xb8;
	[tilespmem:$0x16C80] =	vst v63  }
0x143: {  	s24 =	simm.s32 $0xC300  }
0x144: {  	[tilespmem:s24], [sflag:$0x1] =	stream.indirect.gather [hbm4b:s25+s7], $0x1, s11, s7, $0xb8;
	[tilespmem:$0x16C80] =	vst v63  }
0x145: {  	s25 =	simm.s32 $0xC380  }
0x146: {  	[tilespmem:s25], [sflag:$0x1] =	stream.indirect.gather [hbm4b:s29+s7], $0x1, s11, s7, $0xb8;
	[tilespmem:$0x16C80] =	vst v63  }
0x147: {  	s12 =	simm.s32 $0xE000  }
0x148: {  	[tilespmem:s12], [sflag:$0x1] =	stream.indirect.gather [hbm4b:s6+s7], $0x1, s11, s7, $0xb8;
	[tilespmem:$0x16C80] =	vst v63  }
0x149: {  	s20 =	simm.s32 $0xE080  }
0x14a: {  	[tilespmem:s20], [sflag:$0x1] =	stream.indirect.gather [hbm4b:s28+s7], $0x1, s11, s7, $0xb8;
	[tilespmem:$0x16C80] =	vst v63  }
0x14b: {  	s21 =	simm.s32 $0xE100  }
0x14c: {  	[tilespmem:s21], [sflag:$0x1] =	stream.indirect.gather [hbm4b:s30+s7], $0x1, s11, s7, $0xb8;
	[tilespmem:$0x16C80] =	vst v63  }
0x14d: {  	s22 =	simm.s32 $0xE180  }
0x14e: {  	[tilespmem:s22], [sflag:$0x1] =	stream.indirect.gather [hbm4b:s31+s7], $0x1, s11, s7, $0xb8;
	[tilespmem:$0x16C80] =	vst v63  }
0x14f: {  	s23 =	simm.s32 $0xE200  }
0x150: {  	[tilespmem:s23], [sflag:$0x1] =	stream.indirect.gather [hbm4b:s0+s7], $0x1, s11, s7, $0xb8;
	[tilespmem:$0x16C80] =	vst v63  }
0x151: {  	s24 =	simm.s32 $0xE280  }
0x152: {  	[tilespmem:s24], [sflag:$0x1] =	stream.indirect.gather [hbm4b:s18+s7], $0x1, s11, s7, $0xb8;
	[tilespmem:$0x16C80] =	vst v63  }
0x153: {  	s25 =	simm.s32 $0xE300  }
0x154: {  	[tilespmem:s25], [sflag:$0x1] =	stream.indirect.gather [hbm4b:s19+s7], $0x1, s11, s7, $0xb8;
	[tilespmem:$0x16C80] =	vst v63  }
0x155: {  	s29 =	rddreg [dreg:$0xd];
	s28 =	simm.s32 $0xE380  }
0x156: {  	[tilespmem:s28], [sflag:$0x1] =	stream.indirect.gather [hbm4b:s10+s7], $0x1, s11, s7, $0xb8;
	[tilespmem:$0x16C80] =	vst v63  }
0x157: {  	s6 =	simm.s32 $0x0;
	s30 =	simm.s32 $0x8400;
	s31 =	simm.s32 $0x4  }
0x158: {  	[tilespmem:s30], [sflag:$0x4] =	stream.linear.gather [hbm4b:s29+s6], $0x2000, $0x38;
	[tilespmem:$0x16C80] =	vst v63  }
0x159: {  	_ =	swait.ge [sflag:s31], $0x2000  }
0x15a: {  	[sflag:s31] =	ssyncset.done $0x0  }
0x15b: {  	[sflag:s31] =	ssyncadd.s32 $0xFFFFE000  }
.LBB2_4:
0x15c: {  	s20 =	sshll.u32 s6, $0xA  }
0x15d: {  	s20 =	sand.u32 $0x3FFFFC00, s20  }
0x15e: {  	s21 =	sadd.s32 $0x8400, s20  }
0x15f: {  	s20 =	simm.s32 $0xF080;
	v0 =	vmov s21;
	s21 =	simm.s32 $0x0  }
.LBB2_5:
0x160: {  	_ =	sdelay $0x1  }
0x161: {  	s22 =	sshll.u32 s21, $0x7  }
0x162: {  	s22 =	sand.u32 $0x3FFFFF80, s22  }
0x163: {  	v1 =	vld.idx.msk [tilespmem:v0+s22+$0x0 ss:$0x1], $0xffff;
	_ =	sdelay $0x3  }
0x164: {  	s29 =	simm.s32 $0x0  }
0x165: {  	v2 =	vadd.s32 s29, v1;
	_ =	sdelay $0x4  }
0x166: {  	s30 =	simm.s32 $0x80;
	v2 =	vld.idx.msk [tilespmem:v2+s2+$0x0], $0xffff  }
0x167: {  	v3 =	vadd.s32 s30, v1;
	_ =	sdelay $0x3  }
0x168: {  	[tilespmem:s20+$0xFFFFFC00] =	vst v2  }
0x169: {  	s31 =	simm.s32 $0x100;
	v2 =	vld.idx.msk [tilespmem:v3+s2+$0x0], $0xffff  }
0x16a: {  	v3 =	vadd.s32 s31, v1;
	_ =	sdelay $0x3  }
0x16b: {  	[tilespmem:s20+$0xFFFFFC80] =	vst v2  }
0x16c: {  	s0 =	simm.s32 $0x180;
	v2 =	vld.idx.msk [tilespmem:v3+s2+$0x0], $0xffff  }
0x16d: {  	v3 =	vadd.s32 s0, v1;
	_ =	sdelay $0x3  }
0x16e: {  	[tilespmem:s20+$0xFFFFFD00] =	vst v2  }
0x16f: {  	s1 =	simm.s32 $0x200;
	v2 =	vld.idx.msk [tilespmem:v3+s2+$0x0], $0xffff  }
0x170: {  	v3 =	vadd.s32 s1, v1;
	_ =	sdelay $0x3  }
0x171: {  	[tilespmem:s20+$0xFFFFFD80] =	vst v2  }
0x172: {  	s10 =	simm.s32 $0x280;
	v2 =	vld.idx.msk [tilespmem:v3+s2+$0x0], $0xffff  }
0x173: {  	v3 =	vadd.s32 s10, v1;
	_ =	sdelay $0x3  }
0x174: {  	[tilespmem:s20+$0xFFFFFE00] =	vst v2  }
0x175: {  	s12 =	simm.s32 $0x300;
	v2 =	vld.idx.msk [tilespmem:v3+s2+$0x0], $0xffff  }
0x176: {  	v3 =	vadd.s32 s12, v1;
	_ =	sdelay $0x3  }
0x177: {  	[tilespmem:s20+$0xFFFFFE80] =	vst v2  }
0x178: {  	s18 =	simm.s32 $0x380;
	v2 =	vld.idx.msk [tilespmem:v3+s2+$0x0], $0xffff  }
0x179: {  	v3 =	vadd.s32 s18, v1;
	_ =	sdelay $0x3  }
0x17a: {  	[tilespmem:s20+$0xFFFFFF00] =	vst v2  }
0x17b: {  	s19 =	simm.s32 $0x400;
	v2 =	vld.idx.msk [tilespmem:v3+s2+$0x0], $0xffff  }
0x17c: {  	v3 =	vadd.s32 s19, v1;
	_ =	sdelay $0x3  }
0x17d: {  	[tilespmem:s20+$0xFFFFFF80] =	vst v2  }
0x17e: {  	s23 =	simm.s32 $0x480;
	v2 =	vld.idx.msk [tilespmem:v3+s2+$0x0], $0xffff  }
0x17f: {  	v3 =	vadd.s32 s23, v1;
	_ =	sdelay $0x3  }
0x180: {  	[tilespmem:s20+$0x0] =	vst v2  }
0x181: {  	s24 =	simm.s32 $0x500;
	v2 =	vld.idx.msk [tilespmem:v3+s2+$0x0], $0xffff  }
0x182: {  	v3 =	vadd.s32 s24, v1;
	_ =	sdelay $0x3  }
0x183: {  	[tilespmem:s20+$0x80] =	vst v2  }
0x184: {  	s25 =	simm.s32 $0x580;
	v2 =	vld.idx.msk [tilespmem:v3+s2+$0x0], $0xffff  }
0x185: {  	v3 =	vadd.s32 s25, v1;
	_ =	sdelay $0x3  }
0x186: {  	[tilespmem:s20+$0x100] =	vst v2  }
0x187: {  	s28 =	simm.s32 $0x600;
	v2 =	vld.idx.msk [tilespmem:v3+s2+$0x0], $0xffff  }
0x188: {  	v3 =	vadd.s32 s28, v1;
	_ =	sdelay $0x3  }
0x189: {  	[tilespmem:s20+$0x180] =	vst v2  }
0x18a: {  	s29 =	simm.s32 $0x680;
	v2 =	vld.idx.msk [tilespmem:v3+s2+$0x0], $0xffff  }
0x18b: {  	v3 =	vadd.s32 s29, v1;
	_ =	sdelay $0x3  }
0x18c: {  	[tilespmem:s20+$0x200] =	vst v2  }
0x18d: {  	s30 =	simm.s32 $0x700;
	v2 =	vld.idx.msk [tilespmem:v3+s2+$0x0], $0xffff  }
0x18e: {  	v3 =	vadd.s32 s30, v1;
	_ =	sdelay $0x3  }
0x18f: {  	[tilespmem:s20+$0x280] =	vst v2  }
0x190: {  	s31 =	simm.s32 $0x780;
	v2 =	vld.idx.msk [tilespmem:v3+s2+$0x0], $0xffff  }
0x191: {  	v3 =	vadd.s32 s31, v1;
	_ =	sdelay $0x3  }
0x192: {  	[tilespmem:s20+$0x300] =	vst v2  }
0x193: {  	s22 =	simm.s32 $0xF80;
	s23 =	smov.u32 s20;
	s24 =	simm.s32 $0x2F;
	v2 =	vld.idx.msk [tilespmem:v3+s2+$0x0], $0xffff  }
.LBB2_6:
0x194: {  	p1 =	sne.s32 s24, $0xFF;
	s25 =	sadd.s32 $0xFFFFF880, s22  }
0x195: {  	v3 =	vadd.s32 s25, v1;
	_ =	sdelay $0x3  }
0x196: {  	[tilespmem:s23+$0x380] =	vst v2  }
0x197: {  	v2 =	vld.idx.msk [tilespmem:v3+s2+$0x0], $0xffff  }
0x198: {  	s25 =	sadd.s32 $0xFFFFF900, s22  }
0x199: {  	v3 =	vadd.s32 s25, v1;
	_ =	sdelay $0x2  }
0x19a: {  	s23 =	sadd.s32 $0x800, s23  }
0x19b: {  	[tilespmem:s23+$0xFFFFFC00] =	vst v2  }
0x19c: {  	v2 =	vld.idx.msk [tilespmem:v3+s2+$0x0], $0xffff  }
0x19d: {  	s25 =	sadd.s32 $0xFFFFF980, s22  }
0x19e: {  	v3 =	vadd.s32 s25, v1;
	_ =	sdelay $0x3  }
0x19f: {  	[tilespmem:s23+$0xFFFFFC80] =	vst v2  }
0x1a0: {  	v2 =	vld.idx.msk [tilespmem:v3+s2+$0x0], $0xffff  }
0x1a1: {  	s25 =	sadd.s32 $0xFFFFFA00, s22  }
0x1a2: {  	v3 =	vadd.s32 s25, v1;
	_ =	sdelay $0x3  }
0x1a3: {  	[tilespmem:s23+$0xFFFFFD00] =	vst v2  }
0x1a4: {  	v2 =	vld.idx.msk [tilespmem:v3+s2+$0x0], $0xffff  }
0x1a5: {  	s25 =	sadd.s32 $0xFFFFFA80, s22  }
0x1a6: {  	v3 =	vadd.s32 s25, v1;
	_ =	sdelay $0x3  }
0x1a7: {  	[tilespmem:s23+$0xFFFFFD80] =	vst v2  }
0x1a8: {  	v2 =	vld.idx.msk [tilespmem:v3+s2+$0x0], $0xffff  }
0x1a9: {  	s25 =	sadd.s32 $0xFFFFFB00, s22  }
0x1aa: {  	v3 =	vadd.s32 s25, v1;
	_ =	sdelay $0x3  }
0x1ab: {  	[tilespmem:s23+$0xFFFFFE00] =	vst v2  }
0x1ac: {  	v2 =	vld.idx.msk [tilespmem:v3+s2+$0x0], $0xffff  }
0x1ad: {  	s25 =	sadd.s32 $0xFFFFFB80, s22  }
0x1ae: {  	v3 =	vadd.s32 s25, v1;
	_ =	sdelay $0x3  }
0x1af: {  	[tilespmem:s23+$0xFFFFFE80] =	vst v2  }
0x1b0: {  	v2 =	vld.idx.msk [tilespmem:v3+s2+$0x0], $0xffff  }
0x1b1: {  	s25 =	sadd.s32 $0xFFFFFC00, s22  }
0x1b2: {  	v3 =	vadd.s32 s25, v1;
	_ =	sdelay $0x3  }
0x1b3: {  	[tilespmem:s23+$0xFFFFFF00] =	vst v2  }
0x1b4: {  	v2 =	vld.idx.msk [tilespmem:v3+s2+$0x0], $0xffff  }
0x1b5: {  	s25 =	sadd.s32 $0xFFFFFC80, s22  }
0x1b6: {  	v3 =	vadd.s32 s25, v1;
	_ =	sdelay $0x3  }
0x1b7: {  	[tilespmem:s23+$0xFFFFFF80] =	vst v2  }
0x1b8: {  	v2 =	vld.idx.msk [tilespmem:v3+s2+$0x0], $0xffff  }
0x1b9: {  	s25 =	sadd.s32 $0xFFFFFD00, s22  }
0x1ba: {  	v3 =	vadd.s32 s25, v1;
	_ =	sdelay $0x3  }
0x1bb: {  	[tilespmem:s23+$0x0] =	vst v2  }
0x1bc: {  	v2 =	vld.idx.msk [tilespmem:v3+s2+$0x0], $0xffff  }
0x1bd: {  	s25 =	sadd.s32 $0xFFFFFD80, s22  }
0x1be: {  	v3 =	vadd.s32 s25, v1;
	_ =	sdelay $0x3  }
0x1bf: {  	[tilespmem:s23+$0x80] =	vst v2  }
0x1c0: {  	v2 =	vld.idx.msk [tilespmem:v3+s2+$0x0], $0xffff  }
0x1c1: {  	s25 =	sadd.s32 $0xFFFFFE00, s22  }
0x1c2: {  	v3 =	vadd.s32 s25, v1;
	_ =	sdelay $0x3  }
0x1c3: {  	[tilespmem:s23+$0x100] =	vst v2  }
0x1c4: {  	v2 =	vld.idx.msk [tilespmem:v3+s2+$0x0], $0xffff  }
0x1c5: {  	s25 =	sadd.s32 $0xFFFFFE80, s22  }
0x1c6: {  	v3 =	vadd.s32 s25, v1;
	_ =	sdelay $0x3  }
0x1c7: {  	[tilespmem:s23+$0x180] =	vst v2  }
0x1c8: {  	v2 =	vld.idx.msk [tilespmem:v3+s2+$0x0], $0xffff  }
0x1c9: {  	s25 =	sadd.s32 $0xFFFFFF00, s22  }
0x1ca: {  	v3 =	vadd.s32 s25, v1;
	_ =	sdelay $0x3  }
0x1cb: {  	[tilespmem:s23+$0x200] =	vst v2  }
0x1cc: {  	v2 =	vld.idx.msk [tilespmem:v3+s2+$0x0], $0xffff  }
0x1cd: {  	s25 =	sadd.s32 $0xFFFFFF80, s22  }
0x1ce: {  	v3 =	vadd.s32 s25, v1;
	_ =	sdelay $0x3  }
0x1cf: {  	[tilespmem:s23+$0x280] =	vst v2  }
0x1d0: {  	v2 =	vld.idx.msk [tilespmem:v3+s2+$0x0], $0xffff;
	_ =	sdelay $0x1  }
0x1d1: {  	v3 =	vadd.s32 s22, v1  }
.Ltmp3:
0x1d2: {  	(pc) =	sbr.rel @p1 .LBB2_6-.Ltmp3, $3  }
0x1d3: {  	_ =	sdelay $0x1  }
0x1d4: {  	[tilespmem:s23+$0x300] =	vst v2  }
0x1d5: {  	s22 =	sshll.u32 s24, $0x7;
	s24 =	sadd.s32 $0x10, s24;
	v2 =	vld.idx.msk [tilespmem:v3+s2+$0x0], $0xffff  }
0x1d6: {  	s24 =	sadd.s32 $0xFFFFF880, s22  }
0x1d7: {  	v3 =	vadd.s32 s24, v1;
	_ =	sdelay $0x3  }
0x1d8: {  	[tilespmem:s23+$0x380] =	vst v2  }
0x1d9: {  	s29 =	sadd.s32 $0xFFFFF900, s22;
	v2 =	vld.idx.msk [tilespmem:v3+s2+$0x0], $0xffff  }
0x1da: {  	v3 =	vadd.s32 s29, v1;
	_ =	sdelay $0x2  }
0x1db: {  	s23 =	sadd.s32 $0x800, s23  }
0x1dc: {  	[tilespmem:s23+$0xFFFFFC00] =	vst v2  }
0x1dd: {  	s30 =	sadd.s32 $0xFFFFF980, s22;
	v2 =	vld.idx.msk [tilespmem:v3+s2+$0x0], $0xffff  }
0x1de: {  	v3 =	vadd.s32 s30, v1;
	_ =	sdelay $0x3  }
0x1df: {  	[tilespmem:s23+$0xFFFFFC80] =	vst v2  }
0x1e0: {  	s31 =	sadd.s32 $0xFFFFFA00, s22;
	v2 =	vld.idx.msk [tilespmem:v3+s2+$0x0], $0xffff  }
0x1e1: {  	v3 =	vadd.s32 s31, v1;
	_ =	sdelay $0x3  }
0x1e2: {  	[tilespmem:s23+$0xFFFFFD00] =	vst v2  }
0x1e3: {  	s0 =	sadd.s32 $0xFFFFFA80, s22;
	v2 =	vld.idx.msk [tilespmem:v3+s2+$0x0], $0xffff  }
0x1e4: {  	v3 =	vadd.s32 s0, v1;
	_ =	sdelay $0x3  }
0x1e5: {  	[tilespmem:s23+$0xFFFFFD80] =	vst v2  }
0x1e6: {  	s1 =	sadd.s32 $0xFFFFFB00, s22;
	v2 =	vld.idx.msk [tilespmem:v3+s2+$0x0], $0xffff  }
0x1e7: {  	v3 =	vadd.s32 s1, v1;
	_ =	sdelay $0x3  }
0x1e8: {  	[tilespmem:s23+$0xFFFFFE00] =	vst v2  }
0x1e9: {  	s10 =	sadd.s32 $0xFFFFFB80, s22;
	v2 =	vld.idx.msk [tilespmem:v3+s2+$0x0], $0xffff  }
0x1ea: {  	v3 =	vadd.s32 s10, v1;
	_ =	sdelay $0x3  }
0x1eb: {  	[tilespmem:s23+$0xFFFFFE80] =	vst v2  }
0x1ec: {  	s12 =	sadd.s32 $0xFFFFFC00, s22;
	v2 =	vld.idx.msk [tilespmem:v3+s2+$0x0], $0xffff  }
0x1ed: {  	v3 =	vadd.s32 s12, v1;
	_ =	sdelay $0x3  }
0x1ee: {  	[tilespmem:s23+$0xFFFFFF00] =	vst v2  }
0x1ef: {  	s18 =	sadd.s32 $0xFFFFFC80, s22;
	v2 =	vld.idx.msk [tilespmem:v3+s2+$0x0], $0xffff  }
0x1f0: {  	v3 =	vadd.s32 s18, v1;
	_ =	sdelay $0x3  }
0x1f1: {  	[tilespmem:s23+$0xFFFFFF80] =	vst v2  }
0x1f2: {  	s19 =	sadd.s32 $0xFFFFFD00, s22;
	v2 =	vld.idx.msk [tilespmem:v3+s2+$0x0], $0xffff  }
0x1f3: {  	v3 =	vadd.s32 s19, v1;
	_ =	sdelay $0x3  }
0x1f4: {  	[tilespmem:s23+$0x0] =	vst v2  }
0x1f5: {  	s25 =	sadd.s32 $0xFFFFFD80, s22;
	v2 =	vld.idx.msk [tilespmem:v3+s2+$0x0], $0xffff  }
0x1f6: {  	v3 =	vadd.s32 s25, v1;
	_ =	sdelay $0x3  }
0x1f7: {  	[tilespmem:s23+$0x80] =	vst v2  }
0x1f8: {  	s28 =	sadd.s32 $0xFFFFFE00, s22;
	v2 =	vld.idx.msk [tilespmem:v3+s2+$0x0], $0xffff  }
0x1f9: {  	v3 =	vadd.s32 s28, v1;
	_ =	sdelay $0x3  }
0x1fa: {  	[tilespmem:s23+$0x100] =	vst v2  }
0x1fb: {  	s29 =	sadd.s32 $0xFFFFFE80, s22;
	v2 =	vld.idx.msk [tilespmem:v3+s2+$0x0], $0xffff  }
0x1fc: {  	v3 =	vadd.s32 s29, v1;
	_ =	sdelay $0x3  }
0x1fd: {  	[tilespmem:s23+$0x180] =	vst v2  }
0x1fe: {  	s30 =	sadd.s32 $0xFFFFFF00, s22;
	v2 =	vld.idx.msk [tilespmem:v3+s2+$0x0], $0xffff  }
0x1ff: {  	v3 =	vadd.s32 s30, v1;
	_ =	sdelay $0x3  }
0x200: {  	[tilespmem:s23+$0x200] =	vst v2  }
0x201: {  	s31 =	sadd.s32 $0xFFFFFF80, s22;
	v2 =	vld.idx.msk [tilespmem:v3+s2+$0x0], $0xffff  }
0x202: {  	v3 =	vadd.s32 s31, v1;
	_ =	sdelay $0x3  }
0x203: {  	[tilespmem:s23+$0x280] =	vst v2  }
0x204: {  	v2 =	vld.idx.msk [tilespmem:v3+s2+$0x0], $0xffff  }
0x205: {  	v1 =	vadd.s32 s22, v1;
	_ =	sdelay $0x3  }
0x206: {  	s21 =	sadd.s32 $0x1, s21;
	[tilespmem:s23+$0x300] =	vst v2  }
0x207: {  	p1 =	sne.s32 s21, $0x8;
	v1 =	vld.idx.msk [tilespmem:v1+s2+$0x0], $0xffff  }
.Ltmp4:
0x208: {  	_ = 	snop;
	(pc) =	sbr.rel @p1 .LBB2_5-.Ltmp4, $2  }
0x209: {  	_ =	sdelay $0x2  }
0x20a: {  	s20 =	sadd.s32 $0x10, s20;
	[tilespmem:s23+$0x380] =	vst v1  }
0x20b: {  	s20 =	sshll.u32 s6, $0x7;
	s6 =	sadd.s32 $0x1, s6  }
0x20c: {  	p1 =	sne.s32 s6, $0x4  }
.Ltmp5:
0x20d: {  	s20 =	sadd.s32 s20, s8;
	(pc) =	sbr.rel @p1 .LBB2_4-.Ltmp5, $4  }
0x20e: {  	[hbm4b:s20+s16] =	stream.strided.scatter [tilespmem:s4], [sflag:$0x3], $0x8000, s9, s16, $0x38;
	[tilespmem:$0x16C80] =	vst v63  }
0x20f: {  	_ =	swait.ge [sflag:s3], $0x8000  }
0x210: {  	[sflag:s3] =	ssyncset.done $0x0  }
0x211: {  	[sflag:s3] =	ssyncadd.s32 $0xFFFF8000  }
0x212: {  	s0 =	simm.s32 $0x1  }
0x213: {  	_ =	swait.ge [sflag:s0], $0x4000  }
0x214: {  	s6 =	simm.s32 $0x0;
	s22 =	simm.s32 $0xA400;
	[sflag:s0] =	ssyncset.done $0x0  }
0x215: {  	s21 =	simm.s32 $0x4;
	s20 =	rddreg [dreg:$0xe];
	[sflag:s0] =	ssyncadd.s32 $0xFFFFC000  }
0x216: {  	[hbm4b:s20+s6] =	stream.linear.scatter [tilespmem:s22], [sflag:$0x4], $0x4000, $0x38;
	[tilespmem:$0x16C80] =	vst v63  }
0x217: {  	_ =	swait.ge [sflag:s21], $0x4000  }
0x218: {  	[sflag:s21] =	ssyncset.done $0x0  }
0x219: {  	s31 =	rddreg [dreg:$0xf];
	[sflag:s21] =	ssyncadd.s32 $0xFFFFC000  }
0x21a: {  	[tilespmem:s5], [sflag:$0x4] =	stream.linear.gather [hbm4b:s31+s6], $0x400, $0x38;
	[tilespmem:$0x16C80] =	vst v63  }
0x21b: {  	_ =	swait.ge [sflag:s21], $0x400  }
0x21c: {  	[sflag:s21] =	ssyncset.done $0x0  }
0x21d: {  	s6 =	simm.s32 $0x0;
	[sflag:s21] =	ssyncadd.s32 $0xFFFFFC00  }
0x21e: {  	v6 =	vld [tilespmem:s6+$0x8000]  }
0x21f: {  	v5 =	vld [tilespmem:s6+$0x8010]  }
0x220: {  	v4 =	vld [tilespmem:s6+$0x8020]  }
0x221: {  	v3 =	vld [tilespmem:s6+$0x8030]  }
0x222: {  	v2 =	vld [tilespmem:s6+$0x8040]  }
0x223: {  	v0 =	vld [tilespmem:s6+$0x8050];
	v1 =	vshrl.u32 v6, $0x7  }
0x224: {  	s20 =	simm.s32 $0x200;
	v8 =	vshrl.u32 v5, $0x7;
	v7 =	vmul.u32 $0x380, v1;
	v1 =	vld [tilespmem:s6+$0x8060]  }
.LBB2_10:
0x225: {  	p1 =	sne.s32 s20, $0xE00;
	v8 =	vmul.u32 $0x380, v8;
	v9 =	vshrl.u32 v4, $0x7;
	v10 =	vld [tilespmem:s6+$0x8070]  }
0x226: {  	v6 =	vadd.s32 v6, v7;
	v7 =	vmul.u32 $0x380, v9;
	v9 =	vshrl.u32 v3, $0x7  }
0x227: {  	s21 =	sshra.s32 s20, $0x2;
	[tilespmem:s6+$0x8000] =	vst v6;
	v5 =	vadd.s32 v5, v8;
	v8 =	vmul.u32 $0x380, v9;
	v9 =	vshrl.u32 v2, $0x7  }
0x228: {  	v6 =	vld [tilespmem:s21+$0x8000];
	[tilespmem:s6+$0x8010] =	vst v5;
	v4 =	vadd.s32 v4, v7;
	v7 =	vmul.u32 $0x380, v9;
	v9 =	vshrl.u32 v0, $0x7  }
0x229: {  	v5 =	vld [tilespmem:s21+$0x8010];
	[tilespmem:s6+$0x8020] =	vst v4;
	v3 =	vadd.s32 v3, v8;
	v8 =	vmul.u32 $0x380, v9;
	v9 =	vshrl.u32 v1, $0x7  }
.Ltmp6:
0x22a: {  	v4 =	vld [tilespmem:s21+$0x8020];
	[tilespmem:s6+$0x8030] =	vst v3;
	v2 =	vadd.s32 v2, v7;
	v7 =	vmul.u32 $0x380, v9;
	v9 =	vshrl.u32 v10, $0x7;
	(pc) =	sbr.rel @p1 .LBB2_10-.Ltmp6, $4  }
0x22b: {  	v3 =	vld [tilespmem:s21+$0x8030];
	[tilespmem:s6+$0x8040] =	vst v2;
	v0 =	vadd.s32 v0, v8;
	v8 =	vmul.u32 $0x380, v9  }
0x22c: {  	v2 =	vld [tilespmem:s21+$0x8040];
	[tilespmem:s6+$0x8050] =	vst v0;
	v1 =	vadd.s32 v1, v7  }
0x22d: {  	v7 =	vshrl.u32 v6, $0x7;
	v0 =	vld [tilespmem:s21+$0x8050];
	[tilespmem:s6+$0x8060] =	vst v1;
	v9 =	vadd.s32 v10, v8  }
0x22e: {  	s20 =	sadd.s32 $0x200, s20;
	v7 =	vmul.u32 $0x380, v7;
	v8 =	vshrl.u32 v5, $0x7;
	v1 =	vld [tilespmem:s21+$0x8060];
	[tilespmem:s6+$0x8070] =	vst v9;
	s6 =	smov.u32 s21  }
0x22f: {  	v8 =	vmul.u32 $0x380, v8;
	v9 =	vshrl.u32 v4, $0x7;
	v10 =	vld [tilespmem:s6+$0x8070]  }
0x230: {  	v6 =	vadd.s32 v6, v7;
	v47 =	vmul.u32 $0x380, v9;
	v48 =	vshrl.u32 v3, $0x7  }
0x231: {  	[tilespmem:s6+$0x8000] =	vst v6;
	v5 =	vadd.s32 v5, v8;
	v49 =	vmul.u32 $0x380, v48;
	v50 =	vshrl.u32 v2, $0x7  }
0x232: {  	[tilespmem:s6+$0x8010] =	vst v5;
	v51 =	vadd.s32 v4, v47;
	v52 =	vmul.u32 $0x380, v50;
	v53 =	vshrl.u32 v0, $0x7  }
0x233: {  	[tilespmem:s6+$0x8020] =	vst v51;
	v54 =	vadd.s32 v3, v49;
	v55 =	vmul.u32 $0x380, v53;
	v56 =	vshrl.u32 v1, $0x7  }
0x234: {  	[tilespmem:s6+$0x8030] =	vst v54;
	v57 =	vadd.s32 v2, v52;
	v58 =	vmul.u32 $0x380, v56;
	v59 =	vshrl.u32 v10, $0x7  }
0x235: {  	[tilespmem:s6+$0x8040] =	vst v57;
	v60 =	vadd.s32 v0, v55;
	v61 =	vmul.u32 $0x380, v59  }
0x236: {  	[tilespmem:s6+$0x8050] =	vst v60;
	v62 =	vadd.s32 v1, v58  }
0x237: {  	[tilespmem:s6+$0x8060] =	vst v62;
	v63 =	vadd.s32 v10, v61  }
0x238: {  	s20 =	rddreg [dreg:$0x19];
	[tilespmem:s6+$0x8070] =	vst v63  }
0x239: {  	[tilespmem:s22], [sflag:$0x1] =	stream.indirect.gather [hbm4b:s26+s7], $0x1, s5, s7, $0xb8;
	[tilespmem:$0x16C80] =	vst v63  }
0x23a: {  	s24 =	simm.s32 $0xA480;
	s21 =	rddreg [dreg:$0x1a]  }
0x23b: {  	[tilespmem:s24], [sflag:$0x1] =	stream.indirect.gather [hbm4b:s20+s7], $0x1, s5, s7, $0xb8;
	[tilespmem:$0x16C80] =	vst v63  }
0x23c: {  	s25 =	simm.s32 $0xA500;
	s23 =	rddreg [dreg:$0x1c]  }
0x23d: {  	[tilespmem:s25], [sflag:$0x1] =	stream.indirect.gather [hbm4b:s21+s7], $0x1, s5, s7, $0xb8;
	[tilespmem:$0x16C80] =	vst v63  }
0x23e: {  	s28 =	simm.s32 $0xA580;
	s22 =	rddreg [dreg:$0x1b]  }
0x23f: {  	[tilespmem:s28], [sflag:$0x1] =	stream.indirect.gather [hbm4b:s22+s7], $0x1, s5, s7, $0xb8;
	[tilespmem:$0x16C80] =	vst v63  }
0x240: {  	s29 =	simm.s32 $0xA600;
	s24 =	rddreg [dreg:$0x1d]  }
0x241: {  	[tilespmem:s29], [sflag:$0x1] =	stream.indirect.gather [hbm4b:s23+s7], $0x1, s5, s7, $0xb8;
	[tilespmem:$0x16C80] =	vst v63  }
0x242: {  	s30 =	simm.s32 $0xA680;
	s25 =	rddreg [dreg:$0x1e]  }
0x243: {  	[tilespmem:s30], [sflag:$0x1] =	stream.indirect.gather [hbm4b:s24+s7], $0x1, s5, s7, $0xb8;
	[tilespmem:$0x16C80] =	vst v63  }
0x244: {  	s31 =	simm.s32 $0xA700;
	s29 =	sld [smem:$0x7F6]  }
0x245: {  	[tilespmem:s31], [sflag:$0x1] =	stream.indirect.gather [hbm4b:s25+s7], $0x1, s5, s7, $0xb8;
	[tilespmem:$0x16C80] =	vst v63  }
0x246: {  	s0 =	simm.s32 $0xA780  }
0x247: {  	[tilespmem:s0], [sflag:$0x1] =	stream.indirect.gather [hbm4b:s29+s7], $0x1, s5, s7, $0xb8;
	[tilespmem:$0x16C80] =	vst v63  }
0x248: {  	s6 =	rddreg [dreg:$0xc];
	s28 =	simm.s32 $0xC400  }
0x249: {  	[tilespmem:s28], [sflag:$0x1] =	stream.indirect.gather [hbm4b:s6+s7], $0x1, s5, s7, $0xb8;
	[tilespmem:$0x16C80] =	vst v63  }
0x24a: {  	s28 =	sld [smem:$0x7F7];
	_ =	sdelay $0x1  }
0x24b: {  	s30 =	simm.s32 $0xC480  }
0x24c: {  	[tilespmem:s30], [sflag:$0x1] =	stream.indirect.gather [hbm4b:s28+s7], $0x1, s5, s7, $0xb8;
	[tilespmem:$0x16C80] =	vst v63  }
0x24d: {  	s30 =	sld [smem:$0x7F8];
	_ =	sdelay $0x1  }
0x24e: {  	s31 =	simm.s32 $0xC500  }
0x24f: {  	[tilespmem:s31], [sflag:$0x1] =	stream.indirect.gather [hbm4b:s30+s7], $0x1, s5, s7, $0xb8;
	[tilespmem:$0x16C80] =	vst v63  }
0x250: {  	s31 =	sld [smem:$0x7F9];
	_ =	sdelay $0x1  }
0x251: {  	s0 =	simm.s32 $0xC580  }
0x252: {  	[tilespmem:s0], [sflag:$0x1] =	stream.indirect.gather [hbm4b:s31+s7], $0x1, s5, s7, $0xb8;
	[tilespmem:$0x16C80] =	vst v63  }
0x253: {  	s0 =	sld [smem:$0x7FA];
	_ =	sdelay $0x1  }
0x254: {  	s12 =	simm.s32 $0xC600;
	s18 =	sld [smem:$0x7FB]  }
0x255: {  	[tilespmem:s12], [sflag:$0x1] =	stream.indirect.gather [hbm4b:s0+s7], $0x1, s5, s7, $0xb8;
	[tilespmem:$0x16C80] =	vst v63  }
0x256: {  	s1 =	simm.s32 $0xC680;
	s19 =	sld [smem:$0x7FC]  }
0x257: {  	[tilespmem:s1], [sflag:$0x1] =	stream.indirect.gather [hbm4b:s18+s7], $0x1, s5, s7, $0xb8;
	[tilespmem:$0x16C80] =	vst v63  }
0x258: {  	s10 =	simm.s32 $0xC700  }
0x259: {  	[tilespmem:s10], [sflag:$0x1] =	stream.indirect.gather [hbm4b:s19+s7], $0x1, s5, s7, $0xb8;
	[tilespmem:$0x16C80] =	vst v63  }
0x25a: {  	s10 =	sld [smem:$0x7FD];
	_ =	sdelay $0x1  }
0x25b: {  	s1 =	simm.s32 $0xC780  }
0x25c: {  	[tilespmem:s1], [sflag:$0x1] =	stream.indirect.gather [hbm4b:s10+s7], $0x1, s5, s7, $0xb8;
	[tilespmem:$0x16C80] =	vst v63  }
0x25d: {  	s12 =	simm.s32 $0x8080;
	s1 =	simm.s32 $0xA800  }
0x25e: {  	[tilespmem:s1], [sflag:$0x1] =	stream.indirect.gather [hbm4b:s26+s7], $0x1, s12, s7, $0xb8;
	[tilespmem:$0x16C80] =	vst v63  }
0x25f: {  	s1 =	simm.s32 $0xA880  }
0x260: {  	[tilespmem:s1], [sflag:$0x1] =	stream.indirect.gather [hbm4b:s20+s7], $0x1, s12, s7, $0xb8;
	[tilespmem:$0x16C80] =	vst v63  }
0x261: {  	s1 =	simm.s32 $0xA900  }
0x262: {  	[tilespmem:s1], [sflag:$0x1] =	stream.indirect.gather [hbm4b:s21+s7], $0x1, s12, s7, $0xb8;
	[tilespmem:$0x16C80] =	vst v63  }
0x263: {  	s1 =	simm.s32 $0xA980  }
0x264: {  	[tilespmem:s1], [sflag:$0x1] =	stream.indirect.gather [hbm4b:s22+s7], $0x1, s12, s7, $0xb8;
	[tilespmem:$0x16C80] =	vst v63  }
0x265: {  	s1 =	simm.s32 $0xAA00  }
0x266: {  	[tilespmem:s1], [sflag:$0x1] =	stream.indirect.gather [hbm4b:s23+s7], $0x1, s12, s7, $0xb8;
	[tilespmem:$0x16C80] =	vst v63  }
0x267: {  	s1 =	simm.s32 $0xAA80  }
0x268: {  	[tilespmem:s1], [sflag:$0x1] =	stream.indirect.gather [hbm4b:s24+s7], $0x1, s12, s7, $0xb8;
	[tilespmem:$0x16C80] =	vst v63  }
0x269: {  	s1 =	simm.s32 $0xAB00  }
0x26a: {  	[tilespmem:s1], [sflag:$0x1] =	stream.indirect.gather [hbm4b:s25+s7], $0x1, s12, s7, $0xb8;
	[tilespmem:$0x16C80] =	vst v63  }
0x26b: {  	s1 =	simm.s32 $0xAB80  }
0x26c: {  	[tilespmem:s1], [sflag:$0x1] =	stream.indirect.gather [hbm4b:s29+s7], $0x1, s12, s7, $0xb8;
	[tilespmem:$0x16C80] =	vst v63  }
0x26d: {  	s1 =	simm.s32 $0xC800  }
0x26e: {  	[tilespmem:s1], [sflag:$0x1] =	stream.indirect.gather [hbm4b:s6+s7], $0x1, s12, s7, $0xb8;
	[tilespmem:$0x16C80] =	vst v63  }
0x26f: {  	s1 =	simm.s32 $0xC880  }
0x270: {  	[tilespmem:s1], [sflag:$0x1] =	stream.indirect.gather [hbm4b:s28+s7], $0x1, s12, s7, $0xb8;
	[tilespmem:$0x16C80] =	vst v63  }
0x271: {  	s1 =	simm.s32 $0xC900  }
0x272: {  	[tilespmem:s1], [sflag:$0x1] =	stream.indirect.gather [hbm4b:s30+s7], $0x1, s12, s7, $0xb8;
	[tilespmem:$0x16C80] =	vst v63  }
0x273: {  	s1 =	simm.s32 $0xC980  }
0x274: {  	[tilespmem:s1], [sflag:$0x1] =	stream.indirect.gather [hbm4b:s31+s7], $0x1, s12, s7, $0xb8;
	[tilespmem:$0x16C80] =	vst v63  }
0x275: {  	s1 =	simm.s32 $0xCA00  }
0x276: {  	[tilespmem:s1], [sflag:$0x1] =	stream.indirect.gather [hbm4b:s0+s7], $0x1, s12, s7, $0xb8;
	[tilespmem:$0x16C80] =	vst v63  }
0x277: {  	s1 =	simm.s32 $0xCA80  }
0x278: {  	[tilespmem:s1], [sflag:$0x1] =	stream.indirect.gather [hbm4b:s18+s7], $0x1, s12, s7, $0xb8;
	[tilespmem:$0x16C80] =	vst v63  }
0x279: {  	s1 =	simm.s32 $0xCB00  }
0x27a: {  	[tilespmem:s1], [sflag:$0x1] =	stream.indirect.gather [hbm4b:s19+s7], $0x1, s12, s7, $0xb8;
	[tilespmem:$0x16C80] =	vst v63  }
0x27b: {  	s1 =	simm.s32 $0xCB80  }
0x27c: {  	[tilespmem:s1], [sflag:$0x1] =	stream.indirect.gather [hbm4b:s10+s7], $0x1, s12, s7, $0xb8;
	[tilespmem:$0x16C80] =	vst v63  }
0x27d: {  	s1 =	simm.s32 $0x8100;
	s12 =	simm.s32 $0xAC00  }
0x27e: {  	[tilespmem:s12], [sflag:$0x1] =	stream.indirect.gather [hbm4b:s26+s7], $0x1, s1, s7, $0xb8;
	[tilespmem:$0x16C80] =	vst v63  }
0x27f: {  	s12 =	simm.s32 $0xAC80  }
0x280: {  	[tilespmem:s12], [sflag:$0x1] =	stream.indirect.gather [hbm4b:s20+s7], $0x1, s1, s7, $0xb8;
	[tilespmem:$0x16C80] =	vst v63  }
0x281: {  	s12 =	simm.s32 $0xAD00  }
0x282: {  	[tilespmem:s12], [sflag:$0x1] =	stream.indirect.gather [hbm4b:s21+s7], $0x1, s1, s7, $0xb8;
	[tilespmem:$0x16C80] =	vst v63  }
0x283: {  	s12 =	simm.s32 $0xAD80  }
0x284: {  	[tilespmem:s12], [sflag:$0x1] =	stream.indirect.gather [hbm4b:s22+s7], $0x1, s1, s7, $0xb8;
	[tilespmem:$0x16C80] =	vst v63  }
0x285: {  	s12 =	simm.s32 $0xAE00  }
0x286: {  	[tilespmem:s12], [sflag:$0x1] =	stream.indirect.gather [hbm4b:s23+s7], $0x1, s1, s7, $0xb8;
	[tilespmem:$0x16C80] =	vst v63  }
0x287: {  	s12 =	simm.s32 $0xAE80  }
0x288: {  	[tilespmem:s12], [sflag:$0x1] =	stream.indirect.gather [hbm4b:s24+s7], $0x1, s1, s7, $0xb8;
	[tilespmem:$0x16C80] =	vst v63  }
0x289: {  	s12 =	simm.s32 $0xAF00  }
0x28a: {  	[tilespmem:s12], [sflag:$0x1] =	stream.indirect.gather [hbm4b:s25+s7], $0x1, s1, s7, $0xb8;
	[tilespmem:$0x16C80] =	vst v63  }
0x28b: {  	s12 =	simm.s32 $0xAF80  }
0x28c: {  	[tilespmem:s12], [sflag:$0x1] =	stream.indirect.gather [hbm4b:s29+s7], $0x1, s1, s7, $0xb8;
	[tilespmem:$0x16C80] =	vst v63  }
0x28d: {  	s12 =	simm.s32 $0xCC00  }
0x28e: {  	[tilespmem:s12], [sflag:$0x1] =	stream.indirect.gather [hbm4b:s6+s7], $0x1, s1, s7, $0xb8;
	[tilespmem:$0x16C80] =	vst v63  }
0x28f: {  	s12 =	simm.s32 $0xCC80  }
0x290: {  	[tilespmem:s12], [sflag:$0x1] =	stream.indirect.gather [hbm4b:s28+s7], $0x1, s1, s7, $0xb8;
	[tilespmem:$0x16C80] =	vst v63  }
0x291: {  	s12 =	simm.s32 $0xCD00  }
0x292: {  	[tilespmem:s12], [sflag:$0x1] =	stream.indirect.gather [hbm4b:s30+s7], $0x1, s1, s7, $0xb8;
	[tilespmem:$0x16C80] =	vst v63  }
0x293: {  	s12 =	simm.s32 $0xCD80  }
0x294: {  	[tilespmem:s12], [sflag:$0x1] =	stream.indirect.gather [hbm4b:s31+s7], $0x1, s1, s7, $0xb8;
	[tilespmem:$0x16C80] =	vst v63  }
0x295: {  	s12 =	simm.s32 $0xCE00  }
0x296: {  	[tilespmem:s12], [sflag:$0x1] =	stream.indirect.gather [hbm4b:s0+s7], $0x1, s1, s7, $0xb8;
	[tilespmem:$0x16C80] =	vst v63  }
0x297: {  	s12 =	simm.s32 $0xCE80  }
0x298: {  	[tilespmem:s12], [sflag:$0x1] =	stream.indirect.gather [hbm4b:s18+s7], $0x1, s1, s7, $0xb8;
	[tilespmem:$0x16C80] =	vst v63  }
0x299: {  	s12 =	simm.s32 $0xCF00  }
0x29a: {  	[tilespmem:s12], [sflag:$0x1] =	stream.indirect.gather [hbm4b:s19+s7], $0x1, s1, s7, $0xb8;
	[tilespmem:$0x16C80] =	vst v63  }
0x29b: {  	s12 =	simm.s32 $0xCF80  }
0x29c: {  	[tilespmem:s12], [sflag:$0x1] =	stream.indirect.gather [hbm4b:s10+s7], $0x1, s1, s7, $0xb8;
	[tilespmem:$0x16C80] =	vst v63  }
0x29d: {  	s1 =	simm.s32 $0x8180;
	s12 =	simm.s32 $0xB000  }
0x29e: {  	[tilespmem:s12], [sflag:$0x1] =	stream.indirect.gather [hbm4b:s26+s7], $0x1, s1, s7, $0xb8;
	[tilespmem:$0x16C80] =	vst v63  }
0x29f: {  	s12 =	simm.s32 $0xB080  }
0x2a0: {  	[tilespmem:s12], [sflag:$0x1] =	stream.indirect.gather [hbm4b:s20+s7], $0x1, s1, s7, $0xb8;
	[tilespmem:$0x16C80] =	vst v63  }
0x2a1: {  	s12 =	simm.s32 $0xB100  }
0x2a2: {  	[tilespmem:s12], [sflag:$0x1] =	stream.indirect.gather [hbm4b:s21+s7], $0x1, s1, s7, $0xb8;
	[tilespmem:$0x16C80] =	vst v63  }
0x2a3: {  	s12 =	simm.s32 $0xB180  }
0x2a4: {  	[tilespmem:s12], [sflag:$0x1] =	stream.indirect.gather [hbm4b:s22+s7], $0x1, s1, s7, $0xb8;
	[tilespmem:$0x16C80] =	vst v63  }
0x2a5: {  	s12 =	simm.s32 $0xB200  }
0x2a6: {  	[tilespmem:s12], [sflag:$0x1] =	stream.indirect.gather [hbm4b:s23+s7], $0x1, s1, s7, $0xb8;
	[tilespmem:$0x16C80] =	vst v63  }
0x2a7: {  	s12 =	simm.s32 $0xB280  }
0x2a8: {  	[tilespmem:s12], [sflag:$0x1] =	stream.indirect.gather [hbm4b:s24+s7], $0x1, s1, s7, $0xb8;
	[tilespmem:$0x16C80] =	vst v63  }
0x2a9: {  	s12 =	simm.s32 $0xB300  }
0x2aa: {  	[tilespmem:s12], [sflag:$0x1] =	stream.indirect.gather [hbm4b:s25+s7], $0x1, s1, s7, $0xb8;
	[tilespmem:$0x16C80] =	vst v63  }
0x2ab: {  	s12 =	simm.s32 $0xB380  }
0x2ac: {  	[tilespmem:s12], [sflag:$0x1] =	stream.indirect.gather [hbm4b:s29+s7], $0x1, s1, s7, $0xb8;
	[tilespmem:$0x16C80] =	vst v63  }
0x2ad: {  	s12 =	simm.s32 $0xD000  }
0x2ae: {  	[tilespmem:s12], [sflag:$0x1] =	stream.indirect.gather [hbm4b:s6+s7], $0x1, s1, s7, $0xb8;
	[tilespmem:$0x16C80] =	vst v63  }
0x2af: {  	s12 =	simm.s32 $0xD080  }
0x2b0: {  	[tilespmem:s12], [sflag:$0x1] =	stream.indirect.gather [hbm4b:s28+s7], $0x1, s1, s7, $0xb8;
	[tilespmem:$0x16C80] =	vst v63  }
0x2b1: {  	s12 =	simm.s32 $0xD100  }
0x2b2: {  	[tilespmem:s12], [sflag:$0x1] =	stream.indirect.gather [hbm4b:s30+s7], $0x1, s1, s7, $0xb8;
	[tilespmem:$0x16C80] =	vst v63  }
0x2b3: {  	s12 =	simm.s32 $0xD180  }
0x2b4: {  	[tilespmem:s12], [sflag:$0x1] =	stream.indirect.gather [hbm4b:s31+s7], $0x1, s1, s7, $0xb8;
	[tilespmem:$0x16C80] =	vst v63  }
0x2b5: {  	s12 =	simm.s32 $0xD200  }
0x2b6: {  	[tilespmem:s12], [sflag:$0x1] =	stream.indirect.gather [hbm4b:s0+s7], $0x1, s1, s7, $0xb8;
	[tilespmem:$0x16C80] =	vst v63  }
0x2b7: {  	s12 =	simm.s32 $0xD280  }
0x2b8: {  	[tilespmem:s12], [sflag:$0x1] =	stream.indirect.gather [hbm4b:s18+s7], $0x1, s1, s7, $0xb8;
	[tilespmem:$0x16C80] =	vst v63  }
0x2b9: {  	s12 =	simm.s32 $0xD300  }
0x2ba: {  	[tilespmem:s12], [sflag:$0x1] =	stream.indirect.gather [hbm4b:s19+s7], $0x1, s1, s7, $0xb8;
	[tilespmem:$0x16C80] =	vst v63  }
0x2bb: {  	s12 =	simm.s32 $0xD380  }
0x2bc: {  	[tilespmem:s12], [sflag:$0x1] =	stream.indirect.gather [hbm4b:s10+s7], $0x1, s1, s7, $0xb8;
	[tilespmem:$0x16C80] =	vst v63  }
0x2bd: {  	s12 =	simm.s32 $0xB400  }
0x2be: {  	[tilespmem:s12], [sflag:$0x1] =	stream.indirect.gather [hbm4b:s26+s7], $0x1, s13, s7, $0xb8;
	[tilespmem:$0x16C80] =	vst v63  }
0x2bf: {  	s12 =	simm.s32 $0xB480  }
0x2c0: {  	[tilespmem:s12], [sflag:$0x1] =	stream.indirect.gather [hbm4b:s20+s7], $0x1, s13, s7, $0xb8;
	[tilespmem:$0x16C80] =	vst v63  }
0x2c1: {  	s12 =	simm.s32 $0xB500  }
0x2c2: {  	[tilespmem:s12], [sflag:$0x1] =	stream.indirect.gather [hbm4b:s21+s7], $0x1, s13, s7, $0xb8;
	[tilespmem:$0x16C80] =	vst v63  }
0x2c3: {  	s12 =	simm.s32 $0xB580  }
0x2c4: {  	[tilespmem:s12], [sflag:$0x1] =	stream.indirect.gather [hbm4b:s22+s7], $0x1, s13, s7, $0xb8;
	[tilespmem:$0x16C80] =	vst v63  }
0x2c5: {  	s12 =	simm.s32 $0xB600  }
0x2c6: {  	[tilespmem:s12], [sflag:$0x1] =	stream.indirect.gather [hbm4b:s23+s7], $0x1, s13, s7, $0xb8;
	[tilespmem:$0x16C80] =	vst v63  }
0x2c7: {  	s12 =	simm.s32 $0xB680  }
0x2c8: {  	[tilespmem:s12], [sflag:$0x1] =	stream.indirect.gather [hbm4b:s24+s7], $0x1, s13, s7, $0xb8;
	[tilespmem:$0x16C80] =	vst v63  }
0x2c9: {  	s12 =	simm.s32 $0xB700  }
0x2ca: {  	[tilespmem:s12], [sflag:$0x1] =	stream.indirect.gather [hbm4b:s25+s7], $0x1, s13, s7, $0xb8;
	[tilespmem:$0x16C80] =	vst v63  }
0x2cb: {  	s12 =	simm.s32 $0xB780  }
0x2cc: {  	[tilespmem:s12], [sflag:$0x1] =	stream.indirect.gather [hbm4b:s29+s7], $0x1, s13, s7, $0xb8;
	[tilespmem:$0x16C80] =	vst v63  }
0x2cd: {  	s12 =	simm.s32 $0xD400  }
0x2ce: {  	[tilespmem:s12], [sflag:$0x1] =	stream.indirect.gather [hbm4b:s6+s7], $0x1, s13, s7, $0xb8;
	[tilespmem:$0x16C80] =	vst v63  }
0x2cf: {  	s12 =	simm.s32 $0xD480  }
0x2d0: {  	[tilespmem:s12], [sflag:$0x1] =	stream.indirect.gather [hbm4b:s28+s7], $0x1, s13, s7, $0xb8;
	[tilespmem:$0x16C80] =	vst v63  }
0x2d1: {  	s12 =	simm.s32 $0xD500  }
0x2d2: {  	[tilespmem:s12], [sflag:$0x1] =	stream.indirect.gather [hbm4b:s30+s7], $0x1, s13, s7, $0xb8;
	[tilespmem:$0x16C80] =	vst v63  }
0x2d3: {  	s12 =	simm.s32 $0xD580  }
0x2d4: {  	[tilespmem:s12], [sflag:$0x1] =	stream.indirect.gather [hbm4b:s31+s7], $0x1, s13, s7, $0xb8;
	[tilespmem:$0x16C80] =	vst v63  }
0x2d5: {  	s12 =	simm.s32 $0xD600  }
0x2d6: {  	[tilespmem:s12], [sflag:$0x1] =	stream.indirect.gather [hbm4b:s0+s7], $0x1, s13, s7, $0xb8;
	[tilespmem:$0x16C80] =	vst v63  }
0x2d7: {  	s12 =	simm.s32 $0xD680  }
0x2d8: {  	[tilespmem:s12], [sflag:$0x1] =	stream.indirect.gather [hbm4b:s18+s7], $0x1, s13, s7, $0xb8;
	[tilespmem:$0x16C80] =	vst v63  }
0x2d9: {  	s12 =	simm.s32 $0xD700  }
0x2da: {  	[tilespmem:s12], [sflag:$0x1] =	stream.indirect.gather [hbm4b:s19+s7], $0x1, s13, s7, $0xb8;
	[tilespmem:$0x16C80] =	vst v63  }
0x2db: {  	s12 =	simm.s32 $0xD780  }
0x2dc: {  	[tilespmem:s12], [sflag:$0x1] =	stream.indirect.gather [hbm4b:s10+s7], $0x1, s13, s7, $0xb8;
	[tilespmem:$0x16C80] =	vst v63  }
0x2dd: {  	s12 =	simm.s32 $0xB800  }
0x2de: {  	[tilespmem:s12], [sflag:$0x1] =	stream.indirect.gather [hbm4b:s26+s7], $0x1, s15, s7, $0xb8;
	[tilespmem:$0x16C80] =	vst v63  }
0x2df: {  	s12 =	simm.s32 $0xB880  }
0x2e0: {  	[tilespmem:s12], [sflag:$0x1] =	stream.indirect.gather [hbm4b:s20+s7], $0x1, s15, s7, $0xb8;
	[tilespmem:$0x16C80] =	vst v63  }
0x2e1: {  	s12 =	simm.s32 $0xB900  }
0x2e2: {  	[tilespmem:s12], [sflag:$0x1] =	stream.indirect.gather [hbm4b:s21+s7], $0x1, s15, s7, $0xb8;
	[tilespmem:$0x16C80] =	vst v63  }
0x2e3: {  	s12 =	simm.s32 $0xB980  }
0x2e4: {  	[tilespmem:s12], [sflag:$0x1] =	stream.indirect.gather [hbm4b:s22+s7], $0x1, s15, s7, $0xb8;
	[tilespmem:$0x16C80] =	vst v63  }
0x2e5: {  	s12 =	simm.s32 $0xBA00  }
0x2e6: {  	[tilespmem:s12], [sflag:$0x1] =	stream.indirect.gather [hbm4b:s23+s7], $0x1, s15, s7, $0xb8;
	[tilespmem:$0x16C80] =	vst v63  }
0x2e7: {  	s12 =	simm.s32 $0xBA80  }
0x2e8: {  	[tilespmem:s12], [sflag:$0x1] =	stream.indirect.gather [hbm4b:s24+s7], $0x1, s15, s7, $0xb8;
	[tilespmem:$0x16C80] =	vst v63  }
0x2e9: {  	s12 =	simm.s32 $0xBB00  }
0x2ea: {  	[tilespmem:s12], [sflag:$0x1] =	stream.indirect.gather [hbm4b:s25+s7], $0x1, s15, s7, $0xb8;
	[tilespmem:$0x16C80] =	vst v63  }
0x2eb: {  	s12 =	simm.s32 $0xBB80  }
0x2ec: {  	[tilespmem:s12], [sflag:$0x1] =	stream.indirect.gather [hbm4b:s29+s7], $0x1, s15, s7, $0xb8;
	[tilespmem:$0x16C80] =	vst v63  }
0x2ed: {  	s12 =	simm.s32 $0xD800  }
0x2ee: {  	[tilespmem:s12], [sflag:$0x1] =	stream.indirect.gather [hbm4b:s6+s7], $0x1, s15, s7, $0xb8;
	[tilespmem:$0x16C80] =	vst v63  }
0x2ef: {  	s12 =	simm.s32 $0xD880  }
0x2f0: {  	[tilespmem:s12], [sflag:$0x1] =	stream.indirect.gather [hbm4b:s28+s7], $0x1, s15, s7, $0xb8;
	[tilespmem:$0x16C80] =	vst v63  }
0x2f1: {  	s12 =	simm.s32 $0xD900  }
0x2f2: {  	[tilespmem:s12], [sflag:$0x1] =	stream.indirect.gather [hbm4b:s30+s7], $0x1, s15, s7, $0xb8;
	[tilespmem:$0x16C80] =	vst v63  }
0x2f3: {  	s12 =	simm.s32 $0xD980  }
0x2f4: {  	[tilespmem:s12], [sflag:$0x1] =	stream.indirect.gather [hbm4b:s31+s7], $0x1, s15, s7, $0xb8;
	[tilespmem:$0x16C80] =	vst v63  }
0x2f5: {  	s12 =	simm.s32 $0xDA00  }
0x2f6: {  	[tilespmem:s12], [sflag:$0x1] =	stream.indirect.gather [hbm4b:s0+s7], $0x1, s15, s7, $0xb8;
	[tilespmem:$0x16C80] =	vst v63  }
0x2f7: {  	s12 =	simm.s32 $0xDA80  }
0x2f8: {  	[tilespmem:s12], [sflag:$0x1] =	stream.indirect.gather [hbm4b:s18+s7], $0x1, s15, s7, $0xb8;
	[tilespmem:$0x16C80] =	vst v63  }
0x2f9: {  	s12 =	simm.s32 $0xDB00  }
0x2fa: {  	[tilespmem:s12], [sflag:$0x1] =	stream.indirect.gather [hbm4b:s19+s7], $0x1, s15, s7, $0xb8;
	[tilespmem:$0x16C80] =	vst v63  }
0x2fb: {  	s12 =	simm.s32 $0xDB80  }
0x2fc: {  	[tilespmem:s12], [sflag:$0x1] =	stream.indirect.gather [hbm4b:s10+s7], $0x1, s15, s7, $0xb8;
	[tilespmem:$0x16C80] =	vst v63  }
0x2fd: {  	s12 =	simm.s32 $0xBC00  }
0x2fe: {  	[tilespmem:s12], [sflag:$0x1] =	stream.indirect.gather [hbm4b:s26+s7], $0x1, s17, s7, $0xb8;
	[tilespmem:$0x16C80] =	vst v63  }
0x2ff: {  	s12 =	simm.s32 $0xBC80  }
0x300: {  	[tilespmem:s12], [sflag:$0x1] =	stream.indirect.gather [hbm4b:s20+s7], $0x1, s17, s7, $0xb8;
	[tilespmem:$0x16C80] =	vst v63  }
0x301: {  	s12 =	simm.s32 $0xBD00  }
0x302: {  	[tilespmem:s12], [sflag:$0x1] =	stream.indirect.gather [hbm4b:s21+s7], $0x1, s17, s7, $0xb8;
	[tilespmem:$0x16C80] =	vst v63  }
0x303: {  	s12 =	simm.s32 $0xBD80  }
0x304: {  	[tilespmem:s12], [sflag:$0x1] =	stream.indirect.gather [hbm4b:s22+s7], $0x1, s17, s7, $0xb8;
	[tilespmem:$0x16C80] =	vst v63  }
0x305: {  	s12 =	simm.s32 $0xBE00  }
0x306: {  	[tilespmem:s12], [sflag:$0x1] =	stream.indirect.gather [hbm4b:s23+s7], $0x1, s17, s7, $0xb8;
	[tilespmem:$0x16C80] =	vst v63  }
0x307: {  	s12 =	simm.s32 $0xBE80  }
0x308: {  	[tilespmem:s12], [sflag:$0x1] =	stream.indirect.gather [hbm4b:s24+s7], $0x1, s17, s7, $0xb8;
	[tilespmem:$0x16C80] =	vst v63  }
0x309: {  	s12 =	simm.s32 $0xBF00  }
0x30a: {  	[tilespmem:s12], [sflag:$0x1] =	stream.indirect.gather [hbm4b:s25+s7], $0x1, s17, s7, $0xb8;
	[tilespmem:$0x16C80] =	vst v63  }
0x30b: {  	s12 =	simm.s32 $0xBF80  }
0x30c: {  	[tilespmem:s12], [sflag:$0x1] =	stream.indirect.gather [hbm4b:s29+s7], $0x1, s17, s7, $0xb8;
	[tilespmem:$0x16C80] =	vst v63  }
0x30d: {  	s12 =	simm.s32 $0xDC00  }
0x30e: {  	[tilespmem:s12], [sflag:$0x1] =	stream.indirect.gather [hbm4b:s6+s7], $0x1, s17, s7, $0xb8;
	[tilespmem:$0x16C80] =	vst v63  }
0x30f: {  	s12 =	simm.s32 $0xDC80  }
0x310: {  	[tilespmem:s12], [sflag:$0x1] =	stream.indirect.gather [hbm4b:s28+s7], $0x1, s17, s7, $0xb8;
	[tilespmem:$0x16C80] =	vst v63  }
0x311: {  	s12 =	simm.s32 $0xDD00  }
0x312: {  	[tilespmem:s12], [sflag:$0x1] =	stream.indirect.gather [hbm4b:s30+s7], $0x1, s17, s7, $0xb8;
	[tilespmem:$0x16C80] =	vst v63  }
0x313: {  	s12 =	simm.s32 $0xDD80  }
0x314: {  	[tilespmem:s12], [sflag:$0x1] =	stream.indirect.gather [hbm4b:s31+s7], $0x1, s17, s7, $0xb8;
	[tilespmem:$0x16C80] =	vst v63  }
0x315: {  	s12 =	simm.s32 $0xDE00  }
0x316: {  	[tilespmem:s12], [sflag:$0x1] =	stream.indirect.gather [hbm4b:s0+s7], $0x1, s17, s7, $0xb8;
	[tilespmem:$0x16C80] =	vst v63  }
0x317: {  	s12 =	simm.s32 $0xDE80  }
0x318: {  	[tilespmem:s12], [sflag:$0x1] =	stream.indirect.gather [hbm4b:s18+s7], $0x1, s17, s7, $0xb8;
	[tilespmem:$0x16C80] =	vst v63  }
0x319: {  	s12 =	simm.s32 $0xDF00  }
0x31a: {  	[tilespmem:s12], [sflag:$0x1] =	stream.indirect.gather [hbm4b:s19+s7], $0x1, s17, s7, $0xb8;
	[tilespmem:$0x16C80] =	vst v63  }
0x31b: {  	s12 =	simm.s32 $0xDF80  }
0x31c: {  	[tilespmem:s12], [sflag:$0x1] =	stream.indirect.gather [hbm4b:s10+s7], $0x1, s17, s7, $0xb8;
	[tilespmem:$0x16C80] =	vst v63  }
0x31d: {  	s12 =	simm.s32 $0xC000  }
0x31e: {  	[tilespmem:s12], [sflag:$0x1] =	stream.indirect.gather [hbm4b:s26+s7], $0x1, s11, s7, $0xb8;
	[tilespmem:$0x16C80] =	vst v63  }
0x31f: {  	s12 =	simm.s32 $0xC080  }
0x320: {  	[tilespmem:s12], [sflag:$0x1] =	stream.indirect.gather [hbm4b:s20+s7], $0x1, s11, s7, $0xb8;
	[tilespmem:$0x16C80] =	vst v63  }
0x321: {  	s20 =	simm.s32 $0xC100  }
0x322: {  	[tilespmem:s20], [sflag:$0x1] =	stream.indirect.gather [hbm4b:s21+s7], $0x1, s11, s7, $0xb8;
	[tilespmem:$0x16C80] =	vst v63  }
0x323: {  	s26 =	simm.s32 $0xC180  }
0x324: {  	[tilespmem:s26], [sflag:$0x1] =	stream.indirect.gather [hbm4b:s22+s7], $0x1, s11, s7, $0xb8;
	[tilespmem:$0x16C80] =	vst v63  }
0x325: {  	s12 =	simm.s32 $0xC200  }
0x326: {  	[tilespmem:s12], [sflag:$0x1] =	stream.indirect.gather [hbm4b:s23+s7], $0x1, s11, s7, $0xb8;
	[tilespmem:$0x16C80] =	vst v63  }
0x327: {  	s20 =	simm.s32 $0xC280  }
0x328: {  	[tilespmem:s20], [sflag:$0x1] =	stream.indirect.gather [hbm4b:s24+s7], $0x1, s11, s7, $0xb8;
	[tilespmem:$0x16C80] =	vst v63  }
0x329: {  	s21 =	simm.s32 $0xC300  }
0x32a: {  	[tilespmem:s21], [sflag:$0x1] =	stream.indirect.gather [hbm4b:s25+s7], $0x1, s11, s7, $0xb8;
	[tilespmem:$0x16C80] =	vst v63  }
0x32b: {  	s22 =	simm.s32 $0xC380  }
0x32c: {  	[tilespmem:s22], [sflag:$0x1] =	stream.indirect.gather [hbm4b:s29+s7], $0x1, s11, s7, $0xb8;
	[tilespmem:$0x16C80] =	vst v63  }
0x32d: {  	s23 =	simm.s32 $0xE000  }
0x32e: {  	[tilespmem:s23], [sflag:$0x1] =	stream.indirect.gather [hbm4b:s6+s7], $0x1, s11, s7, $0xb8;
	[tilespmem:$0x16C80] =	vst v63  }
0x32f: {  	s24 =	simm.s32 $0xE080  }
0x330: {  	[tilespmem:s24], [sflag:$0x1] =	stream.indirect.gather [hbm4b:s28+s7], $0x1, s11, s7, $0xb8;
	[tilespmem:$0x16C80] =	vst v63  }
0x331: {  	s25 =	simm.s32 $0xE100  }
0x332: {  	[tilespmem:s25], [sflag:$0x1] =	stream.indirect.gather [hbm4b:s30+s7], $0x1, s11, s7, $0xb8;
	[tilespmem:$0x16C80] =	vst v63  }
0x333: {  	s26 =	simm.s32 $0xE180  }
0x334: {  	[tilespmem:s26], [sflag:$0x1] =	stream.indirect.gather [hbm4b:s31+s7], $0x1, s11, s7, $0xb8;
	[tilespmem:$0x16C80] =	vst v63  }
0x335: {  	s28 =	simm.s32 $0xE200  }
0x336: {  	[tilespmem:s28], [sflag:$0x1] =	stream.indirect.gather [hbm4b:s0+s7], $0x1, s11, s7, $0xb8;
	[tilespmem:$0x16C80] =	vst v63  }
0x337: {  	s29 =	simm.s32 $0xE280  }
0x338: {  	[tilespmem:s29], [sflag:$0x1] =	stream.indirect.gather [hbm4b:s18+s7], $0x1, s11, s7, $0xb8;
	[tilespmem:$0x16C80] =	vst v63  }
0x339: {  	s30 =	simm.s32 $0xE300  }
0x33a: {  	[tilespmem:s30], [sflag:$0x1] =	stream.indirect.gather [hbm4b:s19+s7], $0x1, s11, s7, $0xb8;
	[tilespmem:$0x16C80] =	vst v63  }
0x33b: {  	s6 =	simm.s32 $0x0;
	s31 =	simm.s32 $0xE380  }
0x33c: {  	[tilespmem:s31], [sflag:$0x1] =	stream.indirect.gather [hbm4b:s10+s7], $0x1, s11, s7, $0xb8;
	[tilespmem:$0x16C80] =	vst v63  }
.LBB2_12:
0x33d: {  	s20 =	sor.u32 $0x4, s6  }
0x33e: {  	s21 =	sshll.u32 s20, $0xA  }
0x33f: {  	s21 =	sand.u32 $0x3FFFFC00, s21  }
0x340: {  	s21 =	sadd.s32 $0x8400, s21  }
0x341: {  	s24 =	simm.s32 $0xF080;
	s22 =	simm.s32 $0x0;
	v0 =	vmov s21  }
.LBB2_13:
0x342: {  	_ =	sdelay $0x1  }
0x343: {  	s21 =	sshll.u32 s22, $0x7  }
0x344: {  	s21 =	sand.u32 $0x3FFFFF80, s21  }
0x345: {  	v1 =	vld.idx.msk [tilespmem:v0+s21+$0x0 ss:$0x1], $0xffff;
	_ =	sdelay $0x3  }
0x346: {  	s29 =	simm.s32 $0x0  }
0x347: {  	v2 =	vadd.s32 s29, v1;
	_ =	sdelay $0x4  }
0x348: {  	s30 =	simm.s32 $0x80;
	v2 =	vld.idx.msk [tilespmem:v2+s2+$0x0], $0xffff  }
0x349: {  	v3 =	vadd.s32 s30, v1;
	_ =	sdelay $0x3  }
0x34a: {  	[tilespmem:s24+$0xFFFFFC00] =	vst v2  }
0x34b: {  	s31 =	simm.s32 $0x100;
	v2 =	vld.idx.msk [tilespmem:v3+s2+$0x0], $0xffff  }
0x34c: {  	v3 =	vadd.s32 s31, v1;
	_ =	sdelay $0x3  }
0x34d: {  	[tilespmem:s24+$0xFFFFFC80] =	vst v2  }
0x34e: {  	s0 =	simm.s32 $0x180;
	v2 =	vld.idx.msk [tilespmem:v3+s2+$0x0], $0xffff  }
0x34f: {  	v3 =	vadd.s32 s0, v1;
	_ =	sdelay $0x3  }
0x350: {  	[tilespmem:s24+$0xFFFFFD00] =	vst v2  }
0x351: {  	s1 =	simm.s32 $0x200;
	v2 =	vld.idx.msk [tilespmem:v3+s2+$0x0], $0xffff  }
0x352: {  	v3 =	vadd.s32 s1, v1;
	_ =	sdelay $0x3  }
0x353: {  	[tilespmem:s24+$0xFFFFFD80] =	vst v2  }
0x354: {  	s10 =	simm.s32 $0x280;
	v2 =	vld.idx.msk [tilespmem:v3+s2+$0x0], $0xffff  }
0x355: {  	v3 =	vadd.s32 s10, v1;
	_ =	sdelay $0x3  }
0x356: {  	[tilespmem:s24+$0xFFFFFE00] =	vst v2  }
0x357: {  	s12 =	simm.s32 $0x300;
	v2 =	vld.idx.msk [tilespmem:v3+s2+$0x0], $0xffff  }
0x358: {  	v3 =	vadd.s32 s12, v1;
	_ =	sdelay $0x3  }
0x359: {  	[tilespmem:s24+$0xFFFFFE80] =	vst v2  }
0x35a: {  	s18 =	simm.s32 $0x380;
	v2 =	vld.idx.msk [tilespmem:v3+s2+$0x0], $0xffff  }
0x35b: {  	v3 =	vadd.s32 s18, v1;
	_ =	sdelay $0x3  }
0x35c: {  	[tilespmem:s24+$0xFFFFFF00] =	vst v2  }
0x35d: {  	s19 =	simm.s32 $0x400;
	v2 =	vld.idx.msk [tilespmem:v3+s2+$0x0], $0xffff  }
0x35e: {  	v3 =	vadd.s32 s19, v1;
	_ =	sdelay $0x3  }
0x35f: {  	[tilespmem:s24+$0xFFFFFF80] =	vst v2  }
0x360: {  	s23 =	simm.s32 $0x480;
	v2 =	vld.idx.msk [tilespmem:v3+s2+$0x0], $0xffff  }
0x361: {  	v3 =	vadd.s32 s23, v1;
	_ =	sdelay $0x3  }
0x362: {  	[tilespmem:s24+$0x0] =	vst v2  }
0x363: {  	s25 =	simm.s32 $0x500;
	v2 =	vld.idx.msk [tilespmem:v3+s2+$0x0], $0xffff  }
0x364: {  	v3 =	vadd.s32 s25, v1;
	_ =	sdelay $0x3  }
0x365: {  	[tilespmem:s24+$0x80] =	vst v2  }
0x366: {  	s26 =	simm.s32 $0x580;
	v2 =	vld.idx.msk [tilespmem:v3+s2+$0x0], $0xffff  }
0x367: {  	v3 =	vadd.s32 s26, v1;
	_ =	sdelay $0x3  }
0x368: {  	[tilespmem:s24+$0x100] =	vst v2  }
0x369: {  	s28 =	simm.s32 $0x600;
	v2 =	vld.idx.msk [tilespmem:v3+s2+$0x0], $0xffff  }
0x36a: {  	v3 =	vadd.s32 s28, v1;
	_ =	sdelay $0x3  }
0x36b: {  	[tilespmem:s24+$0x180] =	vst v2  }
0x36c: {  	s29 =	simm.s32 $0x680;
	v2 =	vld.idx.msk [tilespmem:v3+s2+$0x0], $0xffff  }
0x36d: {  	v3 =	vadd.s32 s29, v1;
	_ =	sdelay $0x3  }
0x36e: {  	[tilespmem:s24+$0x200] =	vst v2  }
0x36f: {  	s30 =	simm.s32 $0x700;
	v2 =	vld.idx.msk [tilespmem:v3+s2+$0x0], $0xffff  }
0x370: {  	v3 =	vadd.s32 s30, v1;
	_ =	sdelay $0x3  }
0x371: {  	[tilespmem:s24+$0x280] =	vst v2  }
0x372: {  	s31 =	simm.s32 $0x780;
	v2 =	vld.idx.msk [tilespmem:v3+s2+$0x0], $0xffff  }
0x373: {  	v3 =	vadd.s32 s31, v1;
	_ =	sdelay $0x3  }
0x374: {  	[tilespmem:s24+$0x300] =	vst v2  }
0x375: {  	s21 =	smov.u32 s24;
	s23 =	simm.s32 $0xF80;
	s25 =	simm.s32 $0x2F;
	v2 =	vld.idx.msk [tilespmem:v3+s2+$0x0], $0xffff  }
.LBB2_14:
0x376: {  	p1 =	sne.s32 s25, $0xFF;
	s26 =	sadd.s32 $0xFFFFF880, s23  }
0x377: {  	v3 =	vadd.s32 s26, v1;
	_ =	sdelay $0x3  }
0x378: {  	[tilespmem:s21+$0x380] =	vst v2  }
0x379: {  	v2 =	vld.idx.msk [tilespmem:v3+s2+$0x0], $0xffff  }
0x37a: {  	s26 =	sadd.s32 $0xFFFFF900, s23  }
0x37b: {  	v3 =	vadd.s32 s26, v1;
	_ =	sdelay $0x2  }
0x37c: {  	s21 =	sadd.s32 $0x800, s21  }
0x37d: {  	[tilespmem:s21+$0xFFFFFC00] =	vst v2  }
0x37e: {  	v2 =	vld.idx.msk [tilespmem:v3+s2+$0x0], $0xffff  }
0x37f: {  	s26 =	sadd.s32 $0xFFFFF980, s23  }
0x380: {  	v3 =	vadd.s32 s26, v1;
	_ =	sdelay $0x3  }
0x381: {  	[tilespmem:s21+$0xFFFFFC80] =	vst v2  }
0x382: {  	v2 =	vld.idx.msk [tilespmem:v3+s2+$0x0], $0xffff  }
0x383: {  	s26 =	sadd.s32 $0xFFFFFA00, s23  }
0x384: {  	v3 =	vadd.s32 s26, v1;
	_ =	sdelay $0x3  }
0x385: {  	[tilespmem:s21+$0xFFFFFD00] =	vst v2  }
0x386: {  	v2 =	vld.idx.msk [tilespmem:v3+s2+$0x0], $0xffff  }
0x387: {  	s26 =	sadd.s32 $0xFFFFFA80, s23  }
0x388: {  	v3 =	vadd.s32 s26, v1;
	_ =	sdelay $0x3  }
0x389: {  	[tilespmem:s21+$0xFFFFFD80] =	vst v2  }
0x38a: {  	v2 =	vld.idx.msk [tilespmem:v3+s2+$0x0], $0xffff  }
0x38b: {  	s26 =	sadd.s32 $0xFFFFFB00, s23  }
0x38c: {  	v3 =	vadd.s32 s26, v1;
	_ =	sdelay $0x3  }
0x38d: {  	[tilespmem:s21+$0xFFFFFE00] =	vst v2  }
0x38e: {  	v2 =	vld.idx.msk [tilespmem:v3+s2+$0x0], $0xffff  }
0x38f: {  	s26 =	sadd.s32 $0xFFFFFB80, s23  }
0x390: {  	v3 =	vadd.s32 s26, v1;
	_ =	sdelay $0x3  }
0x391: {  	[tilespmem:s21+$0xFFFFFE80] =	vst v2  }
0x392: {  	v2 =	vld.idx.msk [tilespmem:v3+s2+$0x0], $0xffff  }
0x393: {  	s26 =	sadd.s32 $0xFFFFFC00, s23  }
0x394: {  	v3 =	vadd.s32 s26, v1;
	_ =	sdelay $0x3  }
0x395: {  	[tilespmem:s21+$0xFFFFFF00] =	vst v2  }
0x396: {  	v2 =	vld.idx.msk [tilespmem:v3+s2+$0x0], $0xffff  }
0x397: {  	s26 =	sadd.s32 $0xFFFFFC80, s23  }
0x398: {  	v3 =	vadd.s32 s26, v1;
	_ =	sdelay $0x3  }
0x399: {  	[tilespmem:s21+$0xFFFFFF80] =	vst v2  }
0x39a: {  	v2 =	vld.idx.msk [tilespmem:v3+s2+$0x0], $0xffff  }
0x39b: {  	s26 =	sadd.s32 $0xFFFFFD00, s23  }
0x39c: {  	v3 =	vadd.s32 s26, v1;
	_ =	sdelay $0x3  }
0x39d: {  	[tilespmem:s21+$0x0] =	vst v2  }
0x39e: {  	v2 =	vld.idx.msk [tilespmem:v3+s2+$0x0], $0xffff  }
0x39f: {  	s26 =	sadd.s32 $0xFFFFFD80, s23  }
0x3a0: {  	v3 =	vadd.s32 s26, v1;
	_ =	sdelay $0x3  }
0x3a1: {  	[tilespmem:s21+$0x80] =	vst v2  }
0x3a2: {  	v2 =	vld.idx.msk [tilespmem:v3+s2+$0x0], $0xffff  }
0x3a3: {  	s26 =	sadd.s32 $0xFFFFFE00, s23  }
0x3a4: {  	v3 =	vadd.s32 s26, v1;
	_ =	sdelay $0x3  }
0x3a5: {  	[tilespmem:s21+$0x100] =	vst v2  }
0x3a6: {  	v2 =	vld.idx.msk [tilespmem:v3+s2+$0x0], $0xffff  }
0x3a7: {  	s26 =	sadd.s32 $0xFFFFFE80, s23  }
0x3a8: {  	v3 =	vadd.s32 s26, v1;
	_ =	sdelay $0x3  }
0x3a9: {  	[tilespmem:s21+$0x180] =	vst v2  }
0x3aa: {  	v2 =	vld.idx.msk [tilespmem:v3+s2+$0x0], $0xffff  }
0x3ab: {  	s26 =	sadd.s32 $0xFFFFFF00, s23  }
0x3ac: {  	v3 =	vadd.s32 s26, v1;
	_ =	sdelay $0x3  }
0x3ad: {  	[tilespmem:s21+$0x200] =	vst v2  }
0x3ae: {  	v2 =	vld.idx.msk [tilespmem:v3+s2+$0x0], $0xffff  }
0x3af: {  	s26 =	sadd.s32 $0xFFFFFF80, s23  }
0x3b0: {  	v3 =	vadd.s32 s26, v1;
	_ =	sdelay $0x3  }
0x3b1: {  	[tilespmem:s21+$0x280] =	vst v2  }
0x3b2: {  	v2 =	vld.idx.msk [tilespmem:v3+s2+$0x0], $0xffff;
	_ =	sdelay $0x1  }
0x3b3: {  	v3 =	vadd.s32 s23, v1  }
.Ltmp7:
0x3b4: {  	(pc) =	sbr.rel @p1 .LBB2_14-.Ltmp7, $3  }
0x3b5: {  	_ =	sdelay $0x1  }
0x3b6: {  	[tilespmem:s21+$0x300] =	vst v2  }
0x3b7: {  	s23 =	sshll.u32 s25, $0x7;
	s25 =	sadd.s32 $0x10, s25;
	v2 =	vld.idx.msk [tilespmem:v3+s2+$0x0], $0xffff  }
0x3b8: {  	s25 =	sadd.s32 $0xFFFFF880, s23  }
0x3b9: {  	v3 =	vadd.s32 s25, v1;
	_ =	sdelay $0x3  }
0x3ba: {  	[tilespmem:s21+$0x380] =	vst v2  }
0x3bb: {  	s29 =	sadd.s32 $0xFFFFF900, s23;
	v2 =	vld.idx.msk [tilespmem:v3+s2+$0x0], $0xffff  }
0x3bc: {  	v3 =	vadd.s32 s29, v1;
	_ =	sdelay $0x2  }
0x3bd: {  	s21 =	sadd.s32 $0x800, s21  }
0x3be: {  	[tilespmem:s21+$0xFFFFFC00] =	vst v2  }
0x3bf: {  	s30 =	sadd.s32 $0xFFFFF980, s23;
	v2 =	vld.idx.msk [tilespmem:v3+s2+$0x0], $0xffff  }
0x3c0: {  	v3 =	vadd.s32 s30, v1;
	_ =	sdelay $0x3  }
0x3c1: {  	[tilespmem:s21+$0xFFFFFC80] =	vst v2  }
0x3c2: {  	s31 =	sadd.s32 $0xFFFFFA00, s23;
	v2 =	vld.idx.msk [tilespmem:v3+s2+$0x0], $0xffff  }
0x3c3: {  	v3 =	vadd.s32 s31, v1;
	_ =	sdelay $0x3  }
0x3c4: {  	[tilespmem:s21+$0xFFFFFD00] =	vst v2  }
0x3c5: {  	s0 =	sadd.s32 $0xFFFFFA80, s23;
	v2 =	vld.idx.msk [tilespmem:v3+s2+$0x0], $0xffff  }
0x3c6: {  	v3 =	vadd.s32 s0, v1;
	_ =	sdelay $0x3  }
0x3c7: {  	[tilespmem:s21+$0xFFFFFD80] =	vst v2  }
0x3c8: {  	s1 =	sadd.s32 $0xFFFFFB00, s23;
	v2 =	vld.idx.msk [tilespmem:v3+s2+$0x0], $0xffff  }
0x3c9: {  	v3 =	vadd.s32 s1, v1;
	_ =	sdelay $0x3  }
0x3ca: {  	[tilespmem:s21+$0xFFFFFE00] =	vst v2  }
0x3cb: {  	s10 =	sadd.s32 $0xFFFFFB80, s23;
	v2 =	vld.idx.msk [tilespmem:v3+s2+$0x0], $0xffff  }
0x3cc: {  	v3 =	vadd.s32 s10, v1;
	_ =	sdelay $0x3  }
0x3cd: {  	[tilespmem:s21+$0xFFFFFE80] =	vst v2  }
0x3ce: {  	s12 =	sadd.s32 $0xFFFFFC00, s23;
	v2 =	vld.idx.msk [tilespmem:v3+s2+$0x0], $0xffff  }
0x3cf: {  	v3 =	vadd.s32 s12, v1;
	_ =	sdelay $0x3  }
0x3d0: {  	[tilespmem:s21+$0xFFFFFF00] =	vst v2  }
0x3d1: {  	s18 =	sadd.s32 $0xFFFFFC80, s23;
	v2 =	vld.idx.msk [tilespmem:v3+s2+$0x0], $0xffff  }
0x3d2: {  	v3 =	vadd.s32 s18, v1;
	_ =	sdelay $0x3  }
0x3d3: {  	[tilespmem:s21+$0xFFFFFF80] =	vst v2  }
0x3d4: {  	s19 =	sadd.s32 $0xFFFFFD00, s23;
	v2 =	vld.idx.msk [tilespmem:v3+s2+$0x0], $0xffff  }
0x3d5: {  	v3 =	vadd.s32 s19, v1;
	_ =	sdelay $0x3  }
0x3d6: {  	[tilespmem:s21+$0x0] =	vst v2  }
0x3d7: {  	s26 =	sadd.s32 $0xFFFFFD80, s23;
	v2 =	vld.idx.msk [tilespmem:v3+s2+$0x0], $0xffff  }
0x3d8: {  	v3 =	vadd.s32 s26, v1;
	_ =	sdelay $0x3  }
0x3d9: {  	[tilespmem:s21+$0x80] =	vst v2  }
0x3da: {  	s28 =	sadd.s32 $0xFFFFFE00, s23;
	v2 =	vld.idx.msk [tilespmem:v3+s2+$0x0], $0xffff  }
0x3db: {  	v3 =	vadd.s32 s28, v1;
	_ =	sdelay $0x3  }
0x3dc: {  	[tilespmem:s21+$0x100] =	vst v2  }
0x3dd: {  	s29 =	sadd.s32 $0xFFFFFE80, s23;
	v2 =	vld.idx.msk [tilespmem:v3+s2+$0x0], $0xffff  }
0x3de: {  	v3 =	vadd.s32 s29, v1;
	_ =	sdelay $0x3  }
0x3df: {  	[tilespmem:s21+$0x180] =	vst v2  }
0x3e0: {  	s30 =	sadd.s32 $0xFFFFFF00, s23;
	v2 =	vld.idx.msk [tilespmem:v3+s2+$0x0], $0xffff  }
0x3e1: {  	v3 =	vadd.s32 s30, v1;
	_ =	sdelay $0x3  }
0x3e2: {  	[tilespmem:s21+$0x200] =	vst v2  }
0x3e3: {  	s31 =	sadd.s32 $0xFFFFFF80, s23;
	v2 =	vld.idx.msk [tilespmem:v3+s2+$0x0], $0xffff  }
0x3e4: {  	v3 =	vadd.s32 s31, v1;
	_ =	sdelay $0x3  }
0x3e5: {  	[tilespmem:s21+$0x280] =	vst v2  }
0x3e6: {  	v2 =	vld.idx.msk [tilespmem:v3+s2+$0x0], $0xffff  }
0x3e7: {  	v1 =	vadd.s32 s23, v1;
	_ =	sdelay $0x3  }
0x3e8: {  	s22 =	sadd.s32 $0x1, s22;
	[tilespmem:s21+$0x300] =	vst v2  }
0x3e9: {  	p1 =	sne.s32 s22, $0x8;
	v1 =	vld.idx.msk [tilespmem:v1+s2+$0x0], $0xffff  }
.Ltmp8:
0x3ea: {  	_ = 	snop;
	(pc) =	sbr.rel @p1 .LBB2_13-.Ltmp8, $2  }
0x3eb: {  	_ =	sdelay $0x2  }
0x3ec: {  	s24 =	sadd.s32 $0x10, s24;
	[tilespmem:s21+$0x380] =	vst v1  }
0x3ed: {  	s6 =	sadd.s32 $0x1, s6  }
0x3ee: {  	s20 =	sshll.u32 s20, $0x7;
	p1 =	sne.s32 s6, $0x4  }
.Ltmp9:
0x3ef: {  	s20 =	sadd.s32 s20, s8;
	(pc) =	sbr.rel @p1 .LBB2_12-.Ltmp9, $4  }
0x3f0: {  	[hbm4b:s20+s16] =	stream.strided.scatter [tilespmem:s4], [sflag:$0x3], $0x8000, s9, s16, $0x38;
	[tilespmem:$0x16C80] =	vst v63  }
0x3f1: {  	_ =	swait.ge [sflag:s3], $0x8000  }
0x3f2: {  	[sflag:s3] =	ssyncset.done $0x0  }
0x3f3: {  	[sflag:s3] =	ssyncadd.s32 $0xFFFF8000  }
0x3f4: {  	s0 =	simm.s32 $0x1  }
0x3f5: {  	_ =	swait.ge [sflag:s0], $0x4000  }
0x3f6: {  	s6 =	simm.s32 $0x0;
	s22 =	simm.s32 $0xA400;
	[sflag:s0] =	ssyncset.done $0x0  }
0x3f7: {  	s21 =	simm.s32 $0x4;
	s20 =	rddreg [dreg:$0x10];
	[sflag:s0] =	ssyncadd.s32 $0xFFFFC000  }
0x3f8: {  	[hbm4b:s20+s6] =	stream.linear.scatter [tilespmem:s22], [sflag:$0x4], $0x4000, $0x38;
	[tilespmem:$0x16C80] =	vst v63  }
0x3f9: {  	_ =	swait.ge [sflag:s21], $0x4000  }
0x3fa: {  	[sflag:s21] =	ssyncset.done $0x0  }
0x3fb: {  	s31 =	rddreg [dreg:$0x12];
	[sflag:s21] =	ssyncadd.s32 $0xFFFFC000  }
0x3fc: {  	[tilespmem:s5], [sflag:$0x4] =	stream.linear.gather [hbm4b:s31+s6], $0x400, $0x38;
	[tilespmem:$0x16C80] =	vst v63  }
0x3fd: {  	_ =	swait.ge [sflag:s21], $0x400  }
0x3fe: {  	[sflag:s21] =	ssyncset.done $0x0  }
0x3ff: {  	s6 =	simm.s32 $0x0;
	[sflag:s21] =	ssyncadd.s32 $0xFFFFFC00  }
0x400: {  	v6 =	vld [tilespmem:s6+$0x8000]  }
0x401: {  	v5 =	vld [tilespmem:s6+$0x8010]  }
0x402: {  	v4 =	vld [tilespmem:s6+$0x8020]  }
0x403: {  	v3 =	vld [tilespmem:s6+$0x8030]  }
0x404: {  	v2 =	vld [tilespmem:s6+$0x8040]  }
0x405: {  	v0 =	vld [tilespmem:s6+$0x8050];
	v1 =	vshrl.u32 v6, $0x7  }
0x406: {  	s20 =	simm.s32 $0x200;
	v8 =	vshrl.u32 v5, $0x7;
	v7 =	vmul.u32 $0x380, v1;
	v1 =	vld [tilespmem:s6+$0x8060]  }
.LBB2_18:
0x407: {  	p1 =	sne.s32 s20, $0xE00;
	v8 =	vmul.u32 $0x380, v8;
	v9 =	vshrl.u32 v4, $0x7;
	v10 =	vld [tilespmem:s6+$0x8070]  }
0x408: {  	v6 =	vadd.s32 v6, v7;
	v7 =	vmul.u32 $0x380, v9;
	v9 =	vshrl.u32 v3, $0x7  }
0x409: {  	s21 =	sshra.s32 s20, $0x2;
	[tilespmem:s6+$0x8000] =	vst v6;
	v5 =	vadd.s32 v5, v8;
	v8 =	vmul.u32 $0x380, v9;
	v9 =	vshrl.u32 v2, $0x7  }
0x40a: {  	v6 =	vld [tilespmem:s21+$0x8000];
	[tilespmem:s6+$0x8010] =	vst v5;
	v4 =	vadd.s32 v4, v7;
	v7 =	vmul.u32 $0x380, v9;
	v9 =	vshrl.u32 v0, $0x7  }
0x40b: {  	v5 =	vld [tilespmem:s21+$0x8010];
	[tilespmem:s6+$0x8020] =	vst v4;
	v3 =	vadd.s32 v3, v8;
	v8 =	vmul.u32 $0x380, v9;
	v9 =	vshrl.u32 v1, $0x7  }
.Ltmp10:
0x40c: {  	v4 =	vld [tilespmem:s21+$0x8020];
	[tilespmem:s6+$0x8030] =	vst v3;
	v2 =	vadd.s32 v2, v7;
	v7 =	vmul.u32 $0x380, v9;
	v9 =	vshrl.u32 v10, $0x7;
	(pc) =	sbr.rel @p1 .LBB2_18-.Ltmp10, $4  }
0x40d: {  	v3 =	vld [tilespmem:s21+$0x8030];
	[tilespmem:s6+$0x8040] =	vst v2;
	v0 =	vadd.s32 v0, v8;
	v8 =	vmul.u32 $0x380, v9  }
0x40e: {  	v2 =	vld [tilespmem:s21+$0x8040];
	[tilespmem:s6+$0x8050] =	vst v0;
	v1 =	vadd.s32 v1, v7  }
0x40f: {  	v7 =	vshrl.u32 v6, $0x7;
	v0 =	vld [tilespmem:s21+$0x8050];
	[tilespmem:s6+$0x8060] =	vst v1;
	v9 =	vadd.s32 v10, v8  }
0x410: {  	s20 =	sadd.s32 $0x200, s20;
	v7 =	vmul.u32 $0x380, v7;
	v8 =	vshrl.u32 v5, $0x7;
	v1 =	vld [tilespmem:s21+$0x8060];
	[tilespmem:s6+$0x8070] =	vst v9;
	s6 =	smov.u32 s21  }
0x411: {  	v8 =	vmul.u32 $0x380, v8;
	v9 =	vshrl.u32 v4, $0x7;
	v10 =	vld [tilespmem:s6+$0x8070]  }
0x412: {  	v6 =	vadd.s32 v6, v7;
	v47 =	vmul.u32 $0x380, v9;
	v48 =	vshrl.u32 v3, $0x7  }
0x413: {  	[tilespmem:s6+$0x8000] =	vst v6;
	v5 =	vadd.s32 v5, v8;
	v49 =	vmul.u32 $0x380, v48;
	v50 =	vshrl.u32 v2, $0x7  }
0x414: {  	[tilespmem:s6+$0x8010] =	vst v5;
	v51 =	vadd.s32 v4, v47;
	v52 =	vmul.u32 $0x380, v50;
	v53 =	vshrl.u32 v0, $0x7  }
0x415: {  	[tilespmem:s6+$0x8020] =	vst v51;
	v54 =	vadd.s32 v3, v49;
	v55 =	vmul.u32 $0x380, v53;
	v56 =	vshrl.u32 v1, $0x7  }
0x416: {  	[tilespmem:s6+$0x8030] =	vst v54;
	v57 =	vadd.s32 v2, v52;
	v58 =	vmul.u32 $0x380, v56;
	v59 =	vshrl.u32 v10, $0x7  }
0x417: {  	[tilespmem:s6+$0x8040] =	vst v57;
	v60 =	vadd.s32 v0, v55;
	v61 =	vmul.u32 $0x380, v59  }
0x418: {  	[tilespmem:s6+$0x8050] =	vst v60;
	v62 =	vadd.s32 v1, v58  }
0x419: {  	s26 =	rddreg [dreg:$0x9];
	[tilespmem:s6+$0x8060] =	vst v62;
	v63 =	vadd.s32 v10, v61  }
0x41a: {  	s20 =	rddreg [dreg:$0x19];
	[tilespmem:s6+$0x8070] =	vst v63  }
0x41b: {  	[tilespmem:s22], [sflag:$0x1] =	stream.indirect.gather [hbm4b:s26+s7], $0x1, s5, s7, $0xb8;
	[tilespmem:$0x16C80] =	vst v63  }
0x41c: {  	s24 =	simm.s32 $0xA480;
	s21 =	rddreg [dreg:$0x1a]  }
0x41d: {  	[tilespmem:s24], [sflag:$0x1] =	stream.indirect.gather [hbm4b:s20+s7], $0x1, s5, s7, $0xb8;
	[tilespmem:$0x16C80] =	vst v63  }
0x41e: {  	s25 =	simm.s32 $0xA500;
	s23 =	rddreg [dreg:$0x1c]  }
0x41f: {  	[tilespmem:s25], [sflag:$0x1] =	stream.indirect.gather [hbm4b:s21+s7], $0x1, s5, s7, $0xb8;
	[tilespmem:$0x16C80] =	vst v63  }
0x420: {  	s28 =	simm.s32 $0xA580;
	s22 =	rddreg [dreg:$0x1b]  }
0x421: {  	[tilespmem:s28], [sflag:$0x1] =	stream.indirect.gather [hbm4b:s22+s7], $0x1, s5, s7, $0xb8;
	[tilespmem:$0x16C80] =	vst v63  }
0x422: {  	s29 =	simm.s32 $0xA600;
	s24 =	rddreg [dreg:$0x1d]  }
0x423: {  	[tilespmem:s29], [sflag:$0x1] =	stream.indirect.gather [hbm4b:s23+s7], $0x1, s5, s7, $0xb8;
	[tilespmem:$0x16C80] =	vst v63  }
0x424: {  	s30 =	simm.s32 $0xA680;
	s25 =	rddreg [dreg:$0x1e]  }
0x425: {  	[tilespmem:s30], [sflag:$0x1] =	stream.indirect.gather [hbm4b:s24+s7], $0x1, s5, s7, $0xb8;
	[tilespmem:$0x16C80] =	vst v63  }
0x426: {  	s31 =	simm.s32 $0xA700;
	s29 =	sld [smem:$0x7F6]  }
0x427: {  	[tilespmem:s31], [sflag:$0x1] =	stream.indirect.gather [hbm4b:s25+s7], $0x1, s5, s7, $0xb8;
	[tilespmem:$0x16C80] =	vst v63  }
0x428: {  	s0 =	simm.s32 $0xA780  }
0x429: {  	[tilespmem:s0], [sflag:$0x1] =	stream.indirect.gather [hbm4b:s29+s7], $0x1, s5, s7, $0xb8;
	[tilespmem:$0x16C80] =	vst v63  }
0x42a: {  	s6 =	rddreg [dreg:$0xc];
	s28 =	simm.s32 $0xC400  }
0x42b: {  	[tilespmem:s28], [sflag:$0x1] =	stream.indirect.gather [hbm4b:s6+s7], $0x1, s5, s7, $0xb8;
	[tilespmem:$0x16C80] =	vst v63  }
0x42c: {  	s28 =	sld [smem:$0x7F7];
	_ =	sdelay $0x1  }
0x42d: {  	s30 =	simm.s32 $0xC480  }
0x42e: {  	[tilespmem:s30], [sflag:$0x1] =	stream.indirect.gather [hbm4b:s28+s7], $0x1, s5, s7, $0xb8;
	[tilespmem:$0x16C80] =	vst v63  }
0x42f: {  	s30 =	sld [smem:$0x7F8];
	_ =	sdelay $0x1  }
0x430: {  	s31 =	simm.s32 $0xC500  }
0x431: {  	[tilespmem:s31], [sflag:$0x1] =	stream.indirect.gather [hbm4b:s30+s7], $0x1, s5, s7, $0xb8;
	[tilespmem:$0x16C80] =	vst v63  }
0x432: {  	s31 =	sld [smem:$0x7F9];
	_ =	sdelay $0x1  }
0x433: {  	s0 =	simm.s32 $0xC580  }
0x434: {  	[tilespmem:s0], [sflag:$0x1] =	stream.indirect.gather [hbm4b:s31+s7], $0x1, s5, s7, $0xb8;
	[tilespmem:$0x16C80] =	vst v63  }
0x435: {  	s0 =	sld [smem:$0x7FA];
	_ =	sdelay $0x1  }
0x436: {  	s12 =	simm.s32 $0xC600;
	s18 =	sld [smem:$0x7FB]  }
0x437: {  	[tilespmem:s12], [sflag:$0x1] =	stream.indirect.gather [hbm4b:s0+s7], $0x1, s5, s7, $0xb8;
	[tilespmem:$0x16C80] =	vst v63  }
0x438: {  	s1 =	simm.s32 $0xC680;
	s19 =	sld [smem:$0x7FC]  }
0x439: {  	[tilespmem:s1], [sflag:$0x1] =	stream.indirect.gather [hbm4b:s18+s7], $0x1, s5, s7, $0xb8;
	[tilespmem:$0x16C80] =	vst v63  }
0x43a: {  	s10 =	simm.s32 $0xC700  }
0x43b: {  	[tilespmem:s10], [sflag:$0x1] =	stream.indirect.gather [hbm4b:s19+s7], $0x1, s5, s7, $0xb8;
	[tilespmem:$0x16C80] =	vst v63  }
0x43c: {  	s10 =	sld [smem:$0x7FD];
	_ =	sdelay $0x1  }
0x43d: {  	s1 =	simm.s32 $0xC780  }
0x43e: {  	[tilespmem:s1], [sflag:$0x1] =	stream.indirect.gather [hbm4b:s10+s7], $0x1, s5, s7, $0xb8;
	[tilespmem:$0x16C80] =	vst v63  }
0x43f: {  	s12 =	simm.s32 $0x8080;
	s1 =	simm.s32 $0xA800  }
0x440: {  	[tilespmem:s1], [sflag:$0x1] =	stream.indirect.gather [hbm4b:s26+s7], $0x1, s12, s7, $0xb8;
	[tilespmem:$0x16C80] =	vst v63  }
0x441: {  	s1 =	simm.s32 $0xA880  }
0x442: {  	[tilespmem:s1], [sflag:$0x1] =	stream.indirect.gather [hbm4b:s20+s7], $0x1, s12, s7, $0xb8;
	[tilespmem:$0x16C80] =	vst v63  }
0x443: {  	s1 =	simm.s32 $0xA900  }
0x444: {  	[tilespmem:s1], [sflag:$0x1] =	stream.indirect.gather [hbm4b:s21+s7], $0x1, s12, s7, $0xb8;
	[tilespmem:$0x16C80] =	vst v63  }
0x445: {  	s1 =	simm.s32 $0xA980  }
0x446: {  	[tilespmem:s1], [sflag:$0x1] =	stream.indirect.gather [hbm4b:s22+s7], $0x1, s12, s7, $0xb8;
	[tilespmem:$0x16C80] =	vst v63  }
0x447: {  	s1 =	simm.s32 $0xAA00  }
0x448: {  	[tilespmem:s1], [sflag:$0x1] =	stream.indirect.gather [hbm4b:s23+s7], $0x1, s12, s7, $0xb8;
	[tilespmem:$0x16C80] =	vst v63  }
0x449: {  	s1 =	simm.s32 $0xAA80  }
0x44a: {  	[tilespmem:s1], [sflag:$0x1] =	stream.indirect.gather [hbm4b:s24+s7], $0x1, s12, s7, $0xb8;
	[tilespmem:$0x16C80] =	vst v63  }
0x44b: {  	s1 =	simm.s32 $0xAB00  }
0x44c: {  	[tilespmem:s1], [sflag:$0x1] =	stream.indirect.gather [hbm4b:s25+s7], $0x1, s12, s7, $0xb8;
	[tilespmem:$0x16C80] =	vst v63  }
0x44d: {  	s1 =	simm.s32 $0xAB80  }
0x44e: {  	[tilespmem:s1], [sflag:$0x1] =	stream.indirect.gather [hbm4b:s29+s7], $0x1, s12, s7, $0xb8;
	[tilespmem:$0x16C80] =	vst v63  }
0x44f: {  	s1 =	simm.s32 $0xC800  }
0x450: {  	[tilespmem:s1], [sflag:$0x1] =	stream.indirect.gather [hbm4b:s6+s7], $0x1, s12, s7, $0xb8;
	[tilespmem:$0x16C80] =	vst v63  }
0x451: {  	s1 =	simm.s32 $0xC880  }
0x452: {  	[tilespmem:s1], [sflag:$0x1] =	stream.indirect.gather [hbm4b:s28+s7], $0x1, s12, s7, $0xb8;
	[tilespmem:$0x16C80] =	vst v63  }
0x453: {  	s1 =	simm.s32 $0xC900  }
0x454: {  	[tilespmem:s1], [sflag:$0x1] =	stream.indirect.gather [hbm4b:s30+s7], $0x1, s12, s7, $0xb8;
	[tilespmem:$0x16C80] =	vst v63  }
0x455: {  	s1 =	simm.s32 $0xC980  }
0x456: {  	[tilespmem:s1], [sflag:$0x1] =	stream.indirect.gather [hbm4b:s31+s7], $0x1, s12, s7, $0xb8;
	[tilespmem:$0x16C80] =	vst v63  }
0x457: {  	s1 =	simm.s32 $0xCA00  }
0x458: {  	[tilespmem:s1], [sflag:$0x1] =	stream.indirect.gather [hbm4b:s0+s7], $0x1, s12, s7, $0xb8;
	[tilespmem:$0x16C80] =	vst v63  }
0x459: {  	s1 =	simm.s32 $0xCA80  }
0x45a: {  	[tilespmem:s1], [sflag:$0x1] =	stream.indirect.gather [hbm4b:s18+s7], $0x1, s12, s7, $0xb8;
	[tilespmem:$0x16C80] =	vst v63  }
0x45b: {  	s1 =	simm.s32 $0xCB00  }
0x45c: {  	[tilespmem:s1], [sflag:$0x1] =	stream.indirect.gather [hbm4b:s19+s7], $0x1, s12, s7, $0xb8;
	[tilespmem:$0x16C80] =	vst v63  }
0x45d: {  	s1 =	simm.s32 $0xCB80  }
0x45e: {  	[tilespmem:s1], [sflag:$0x1] =	stream.indirect.gather [hbm4b:s10+s7], $0x1, s12, s7, $0xb8;
	[tilespmem:$0x16C80] =	vst v63  }
0x45f: {  	s1 =	simm.s32 $0x8100;
	s12 =	simm.s32 $0xAC00  }
0x460: {  	[tilespmem:s12], [sflag:$0x1] =	stream.indirect.gather [hbm4b:s26+s7], $0x1, s1, s7, $0xb8;
	[tilespmem:$0x16C80] =	vst v63  }
0x461: {  	s12 =	simm.s32 $0xAC80  }
0x462: {  	[tilespmem:s12], [sflag:$0x1] =	stream.indirect.gather [hbm4b:s20+s7], $0x1, s1, s7, $0xb8;
	[tilespmem:$0x16C80] =	vst v63  }
0x463: {  	s12 =	simm.s32 $0xAD00  }
0x464: {  	[tilespmem:s12], [sflag:$0x1] =	stream.indirect.gather [hbm4b:s21+s7], $0x1, s1, s7, $0xb8;
	[tilespmem:$0x16C80] =	vst v63  }
0x465: {  	s12 =	simm.s32 $0xAD80  }
0x466: {  	[tilespmem:s12], [sflag:$0x1] =	stream.indirect.gather [hbm4b:s22+s7], $0x1, s1, s7, $0xb8;
	[tilespmem:$0x16C80] =	vst v63  }
0x467: {  	s12 =	simm.s32 $0xAE00  }
0x468: {  	[tilespmem:s12], [sflag:$0x1] =	stream.indirect.gather [hbm4b:s23+s7], $0x1, s1, s7, $0xb8;
	[tilespmem:$0x16C80] =	vst v63  }
0x469: {  	s12 =	simm.s32 $0xAE80  }
0x46a: {  	[tilespmem:s12], [sflag:$0x1] =	stream.indirect.gather [hbm4b:s24+s7], $0x1, s1, s7, $0xb8;
	[tilespmem:$0x16C80] =	vst v63  }
0x46b: {  	s12 =	simm.s32 $0xAF00  }
0x46c: {  	[tilespmem:s12], [sflag:$0x1] =	stream.indirect.gather [hbm4b:s25+s7], $0x1, s1, s7, $0xb8;
	[tilespmem:$0x16C80] =	vst v63  }
0x46d: {  	s12 =	simm.s32 $0xAF80  }
0x46e: {  	[tilespmem:s12], [sflag:$0x1] =	stream.indirect.gather [hbm4b:s29+s7], $0x1, s1, s7, $0xb8;
	[tilespmem:$0x16C80] =	vst v63  }
0x46f: {  	s12 =	simm.s32 $0xCC00  }
0x470: {  	[tilespmem:s12], [sflag:$0x1] =	stream.indirect.gather [hbm4b:s6+s7], $0x1, s1, s7, $0xb8;
	[tilespmem:$0x16C80] =	vst v63  }
0x471: {  	s12 =	simm.s32 $0xCC80  }
0x472: {  	[tilespmem:s12], [sflag:$0x1] =	stream.indirect.gather [hbm4b:s28+s7], $0x1, s1, s7, $0xb8;
	[tilespmem:$0x16C80] =	vst v63  }
0x473: {  	s12 =	simm.s32 $0xCD00  }
0x474: {  	[tilespmem:s12], [sflag:$0x1] =	stream.indirect.gather [hbm4b:s30+s7], $0x1, s1, s7, $0xb8;
	[tilespmem:$0x16C80] =	vst v63  }
0x475: {  	s12 =	simm.s32 $0xCD80  }
0x476: {  	[tilespmem:s12], [sflag:$0x1] =	stream.indirect.gather [hbm4b:s31+s7], $0x1, s1, s7, $0xb8;
	[tilespmem:$0x16C80] =	vst v63  }
0x477: {  	s12 =	simm.s32 $0xCE00  }
0x478: {  	[tilespmem:s12], [sflag:$0x1] =	stream.indirect.gather [hbm4b:s0+s7], $0x1, s1, s7, $0xb8;
	[tilespmem:$0x16C80] =	vst v63  }
0x479: {  	s12 =	simm.s32 $0xCE80  }
0x47a: {  	[tilespmem:s12], [sflag:$0x1] =	stream.indirect.gather [hbm4b:s18+s7], $0x1, s1, s7, $0xb8;
	[tilespmem:$0x16C80] =	vst v63  }
0x47b: {  	s12 =	simm.s32 $0xCF00  }
0x47c: {  	[tilespmem:s12], [sflag:$0x1] =	stream.indirect.gather [hbm4b:s19+s7], $0x1, s1, s7, $0xb8;
	[tilespmem:$0x16C80] =	vst v63  }
0x47d: {  	s12 =	simm.s32 $0xCF80  }
0x47e: {  	[tilespmem:s12], [sflag:$0x1] =	stream.indirect.gather [hbm4b:s10+s7], $0x1, s1, s7, $0xb8;
	[tilespmem:$0x16C80] =	vst v63  }
0x47f: {  	s1 =	simm.s32 $0x8180;
	s12 =	simm.s32 $0xB000  }
0x480: {  	[tilespmem:s12], [sflag:$0x1] =	stream.indirect.gather [hbm4b:s26+s7], $0x1, s1, s7, $0xb8;
	[tilespmem:$0x16C80] =	vst v63  }
0x481: {  	s12 =	simm.s32 $0xB080  }
0x482: {  	[tilespmem:s12], [sflag:$0x1] =	stream.indirect.gather [hbm4b:s20+s7], $0x1, s1, s7, $0xb8;
	[tilespmem:$0x16C80] =	vst v63  }
0x483: {  	s12 =	simm.s32 $0xB100  }
0x484: {  	[tilespmem:s12], [sflag:$0x1] =	stream.indirect.gather [hbm4b:s21+s7], $0x1, s1, s7, $0xb8;
	[tilespmem:$0x16C80] =	vst v63  }
0x485: {  	s12 =	simm.s32 $0xB180  }
0x486: {  	[tilespmem:s12], [sflag:$0x1] =	stream.indirect.gather [hbm4b:s22+s7], $0x1, s1, s7, $0xb8;
	[tilespmem:$0x16C80] =	vst v63  }
0x487: {  	s12 =	simm.s32 $0xB200  }
0x488: {  	[tilespmem:s12], [sflag:$0x1] =	stream.indirect.gather [hbm4b:s23+s7], $0x1, s1, s7, $0xb8;
	[tilespmem:$0x16C80] =	vst v63  }
0x489: {  	s12 =	simm.s32 $0xB280  }
0x48a: {  	[tilespmem:s12], [sflag:$0x1] =	stream.indirect.gather [hbm4b:s24+s7], $0x1, s1, s7, $0xb8;
	[tilespmem:$0x16C80] =	vst v63  }
0x48b: {  	s12 =	simm.s32 $0xB300  }
0x48c: {  	[tilespmem:s12], [sflag:$0x1] =	stream.indirect.gather [hbm4b:s25+s7], $0x1, s1, s7, $0xb8;
	[tilespmem:$0x16C80] =	vst v63  }
0x48d: {  	s12 =	simm.s32 $0xB380  }
0x48e: {  	[tilespmem:s12], [sflag:$0x1] =	stream.indirect.gather [hbm4b:s29+s7], $0x1, s1, s7, $0xb8;
	[tilespmem:$0x16C80] =	vst v63  }
0x48f: {  	s12 =	simm.s32 $0xD000  }
0x490: {  	[tilespmem:s12], [sflag:$0x1] =	stream.indirect.gather [hbm4b:s6+s7], $0x1, s1, s7, $0xb8;
	[tilespmem:$0x16C80] =	vst v63  }
0x491: {  	s12 =	simm.s32 $0xD080  }
0x492: {  	[tilespmem:s12], [sflag:$0x1] =	stream.indirect.gather [hbm4b:s28+s7], $0x1, s1, s7, $0xb8;
	[tilespmem:$0x16C80] =	vst v63  }
0x493: {  	s12 =	simm.s32 $0xD100  }
0x494: {  	[tilespmem:s12], [sflag:$0x1] =	stream.indirect.gather [hbm4b:s30+s7], $0x1, s1, s7, $0xb8;
	[tilespmem:$0x16C80] =	vst v63  }
0x495: {  	s12 =	simm.s32 $0xD180  }
0x496: {  	[tilespmem:s12], [sflag:$0x1] =	stream.indirect.gather [hbm4b:s31+s7], $0x1, s1, s7, $0xb8;
	[tilespmem:$0x16C80] =	vst v63  }
0x497: {  	s12 =	simm.s32 $0xD200  }
0x498: {  	[tilespmem:s12], [sflag:$0x1] =	stream.indirect.gather [hbm4b:s0+s7], $0x1, s1, s7, $0xb8;
	[tilespmem:$0x16C80] =	vst v63  }
0x499: {  	s12 =	simm.s32 $0xD280  }
0x49a: {  	[tilespmem:s12], [sflag:$0x1] =	stream.indirect.gather [hbm4b:s18+s7], $0x1, s1, s7, $0xb8;
	[tilespmem:$0x16C80] =	vst v63  }
0x49b: {  	s12 =	simm.s32 $0xD300  }
0x49c: {  	[tilespmem:s12], [sflag:$0x1] =	stream.indirect.gather [hbm4b:s19+s7], $0x1, s1, s7, $0xb8;
	[tilespmem:$0x16C80] =	vst v63  }
0x49d: {  	s12 =	simm.s32 $0xD380  }
0x49e: {  	[tilespmem:s12], [sflag:$0x1] =	stream.indirect.gather [hbm4b:s10+s7], $0x1, s1, s7, $0xb8;
	[tilespmem:$0x16C80] =	vst v63  }
0x49f: {  	s12 =	simm.s32 $0xB400  }
0x4a0: {  	[tilespmem:s12], [sflag:$0x1] =	stream.indirect.gather [hbm4b:s26+s7], $0x1, s13, s7, $0xb8;
	[tilespmem:$0x16C80] =	vst v63  }
0x4a1: {  	s12 =	simm.s32 $0xB480  }
0x4a2: {  	[tilespmem:s12], [sflag:$0x1] =	stream.indirect.gather [hbm4b:s20+s7], $0x1, s13, s7, $0xb8;
	[tilespmem:$0x16C80] =	vst v63  }
0x4a3: {  	s12 =	simm.s32 $0xB500  }
0x4a4: {  	[tilespmem:s12], [sflag:$0x1] =	stream.indirect.gather [hbm4b:s21+s7], $0x1, s13, s7, $0xb8;
	[tilespmem:$0x16C80] =	vst v63  }
0x4a5: {  	s12 =	simm.s32 $0xB580  }
0x4a6: {  	[tilespmem:s12], [sflag:$0x1] =	stream.indirect.gather [hbm4b:s22+s7], $0x1, s13, s7, $0xb8;
	[tilespmem:$0x16C80] =	vst v63  }
0x4a7: {  	s12 =	simm.s32 $0xB600  }
0x4a8: {  	[tilespmem:s12], [sflag:$0x1] =	stream.indirect.gather [hbm4b:s23+s7], $0x1, s13, s7, $0xb8;
	[tilespmem:$0x16C80] =	vst v63  }
0x4a9: {  	s12 =	simm.s32 $0xB680  }
0x4aa: {  	[tilespmem:s12], [sflag:$0x1] =	stream.indirect.gather [hbm4b:s24+s7], $0x1, s13, s7, $0xb8;
	[tilespmem:$0x16C80] =	vst v63  }
0x4ab: {  	s12 =	simm.s32 $0xB700  }
0x4ac: {  	[tilespmem:s12], [sflag:$0x1] =	stream.indirect.gather [hbm4b:s25+s7], $0x1, s13, s7, $0xb8;
	[tilespmem:$0x16C80] =	vst v63  }
0x4ad: {  	s12 =	simm.s32 $0xB780  }
0x4ae: {  	[tilespmem:s12], [sflag:$0x1] =	stream.indirect.gather [hbm4b:s29+s7], $0x1, s13, s7, $0xb8;
	[tilespmem:$0x16C80] =	vst v63  }
0x4af: {  	s12 =	simm.s32 $0xD400  }
0x4b0: {  	[tilespmem:s12], [sflag:$0x1] =	stream.indirect.gather [hbm4b:s6+s7], $0x1, s13, s7, $0xb8;
	[tilespmem:$0x16C80] =	vst v63  }
0x4b1: {  	s12 =	simm.s32 $0xD480  }
0x4b2: {  	[tilespmem:s12], [sflag:$0x1] =	stream.indirect.gather [hbm4b:s28+s7], $0x1, s13, s7, $0xb8;
	[tilespmem:$0x16C80] =	vst v63  }
0x4b3: {  	s12 =	simm.s32 $0xD500  }
0x4b4: {  	[tilespmem:s12], [sflag:$0x1] =	stream.indirect.gather [hbm4b:s30+s7], $0x1, s13, s7, $0xb8;
	[tilespmem:$0x16C80] =	vst v63  }
0x4b5: {  	s12 =	simm.s32 $0xD580  }
0x4b6: {  	[tilespmem:s12], [sflag:$0x1] =	stream.indirect.gather [hbm4b:s31+s7], $0x1, s13, s7, $0xb8;
	[tilespmem:$0x16C80] =	vst v63  }
0x4b7: {  	s12 =	simm.s32 $0xD600  }
0x4b8: {  	[tilespmem:s12], [sflag:$0x1] =	stream.indirect.gather [hbm4b:s0+s7], $0x1, s13, s7, $0xb8;
	[tilespmem:$0x16C80] =	vst v63  }
0x4b9: {  	s12 =	simm.s32 $0xD680  }
0x4ba: {  	[tilespmem:s12], [sflag:$0x1] =	stream.indirect.gather [hbm4b:s18+s7], $0x1, s13, s7, $0xb8;
	[tilespmem:$0x16C80] =	vst v63  }
0x4bb: {  	s12 =	simm.s32 $0xD700  }
0x4bc: {  	[tilespmem:s12], [sflag:$0x1] =	stream.indirect.gather [hbm4b:s19+s7], $0x1, s13, s7, $0xb8;
	[tilespmem:$0x16C80] =	vst v63  }
0x4bd: {  	s12 =	simm.s32 $0xD780  }
0x4be: {  	[tilespmem:s12], [sflag:$0x1] =	stream.indirect.gather [hbm4b:s10+s7], $0x1, s13, s7, $0xb8;
	[tilespmem:$0x16C80] =	vst v63  }
0x4bf: {  	s12 =	simm.s32 $0xB800  }
0x4c0: {  	[tilespmem:s12], [sflag:$0x1] =	stream.indirect.gather [hbm4b:s26+s7], $0x1, s15, s7, $0xb8;
	[tilespmem:$0x16C80] =	vst v63  }
0x4c1: {  	s12 =	simm.s32 $0xB880  }
0x4c2: {  	[tilespmem:s12], [sflag:$0x1] =	stream.indirect.gather [hbm4b:s20+s7], $0x1, s15, s7, $0xb8;
	[tilespmem:$0x16C80] =	vst v63  }
0x4c3: {  	s12 =	simm.s32 $0xB900  }
0x4c4: {  	[tilespmem:s12], [sflag:$0x1] =	stream.indirect.gather [hbm4b:s21+s7], $0x1, s15, s7, $0xb8;
	[tilespmem:$0x16C80] =	vst v63  }
0x4c5: {  	s12 =	simm.s32 $0xB980  }
0x4c6: {  	[tilespmem:s12], [sflag:$0x1] =	stream.indirect.gather [hbm4b:s22+s7], $0x1, s15, s7, $0xb8;
	[tilespmem:$0x16C80] =	vst v63  }
0x4c7: {  	s12 =	simm.s32 $0xBA00  }
0x4c8: {  	[tilespmem:s12], [sflag:$0x1] =	stream.indirect.gather [hbm4b:s23+s7], $0x1, s15, s7, $0xb8;
	[tilespmem:$0x16C80] =	vst v63  }
0x4c9: {  	s12 =	simm.s32 $0xBA80  }
0x4ca: {  	[tilespmem:s12], [sflag:$0x1] =	stream.indirect.gather [hbm4b:s24+s7], $0x1, s15, s7, $0xb8;
	[tilespmem:$0x16C80] =	vst v63  }
0x4cb: {  	s12 =	simm.s32 $0xBB00  }
0x4cc: {  	[tilespmem:s12], [sflag:$0x1] =	stream.indirect.gather [hbm4b:s25+s7], $0x1, s15, s7, $0xb8;
	[tilespmem:$0x16C80] =	vst v63  }
0x4cd: {  	s12 =	simm.s32 $0xBB80  }
0x4ce: {  	[tilespmem:s12], [sflag:$0x1] =	stream.indirect.gather [hbm4b:s29+s7], $0x1, s15, s7, $0xb8;
	[tilespmem:$0x16C80] =	vst v63  }
0x4cf: {  	s12 =	simm.s32 $0xD800  }
0x4d0: {  	[tilespmem:s12], [sflag:$0x1] =	stream.indirect.gather [hbm4b:s6+s7], $0x1, s15, s7, $0xb8;
	[tilespmem:$0x16C80] =	vst v63  }
0x4d1: {  	s12 =	simm.s32 $0xD880  }
0x4d2: {  	[tilespmem:s12], [sflag:$0x1] =	stream.indirect.gather [hbm4b:s28+s7], $0x1, s15, s7, $0xb8;
	[tilespmem:$0x16C80] =	vst v63  }
0x4d3: {  	s12 =	simm.s32 $0xD900  }
0x4d4: {  	[tilespmem:s12], [sflag:$0x1] =	stream.indirect.gather [hbm4b:s30+s7], $0x1, s15, s7, $0xb8;
	[tilespmem:$0x16C80] =	vst v63  }
0x4d5: {  	s12 =	simm.s32 $0xD980  }
0x4d6: {  	[tilespmem:s12], [sflag:$0x1] =	stream.indirect.gather [hbm4b:s31+s7], $0x1, s15, s7, $0xb8;
	[tilespmem:$0x16C80] =	vst v63  }
0x4d7: {  	s12 =	simm.s32 $0xDA00  }
0x4d8: {  	[tilespmem:s12], [sflag:$0x1] =	stream.indirect.gather [hbm4b:s0+s7], $0x1, s15, s7, $0xb8;
	[tilespmem:$0x16C80] =	vst v63  }
0x4d9: {  	s12 =	simm.s32 $0xDA80  }
0x4da: {  	[tilespmem:s12], [sflag:$0x1] =	stream.indirect.gather [hbm4b:s18+s7], $0x1, s15, s7, $0xb8;
	[tilespmem:$0x16C80] =	vst v63  }
0x4db: {  	s12 =	simm.s32 $0xDB00  }
0x4dc: {  	[tilespmem:s12], [sflag:$0x1] =	stream.indirect.gather [hbm4b:s19+s7], $0x1, s15, s7, $0xb8;
	[tilespmem:$0x16C80] =	vst v63  }
0x4dd: {  	s12 =	simm.s32 $0xDB80  }
0x4de: {  	[tilespmem:s12], [sflag:$0x1] =	stream.indirect.gather [hbm4b:s10+s7], $0x1, s15, s7, $0xb8;
	[tilespmem:$0x16C80] =	vst v63  }
0x4df: {  	s12 =	simm.s32 $0xBC00  }
0x4e0: {  	[tilespmem:s12], [sflag:$0x1] =	stream.indirect.gather [hbm4b:s26+s7], $0x1, s17, s7, $0xb8;
	[tilespmem:$0x16C80] =	vst v63  }
0x4e1: {  	s12 =	simm.s32 $0xBC80  }
0x4e2: {  	[tilespmem:s12], [sflag:$0x1] =	stream.indirect.gather [hbm4b:s20+s7], $0x1, s17, s7, $0xb8;
	[tilespmem:$0x16C80] =	vst v63  }
0x4e3: {  	s12 =	simm.s32 $0xBD00  }
0x4e4: {  	[tilespmem:s12], [sflag:$0x1] =	stream.indirect.gather [hbm4b:s21+s7], $0x1, s17, s7, $0xb8;
	[tilespmem:$0x16C80] =	vst v63  }
0x4e5: {  	s12 =	simm.s32 $0xBD80  }
0x4e6: {  	[tilespmem:s12], [sflag:$0x1] =	stream.indirect.gather [hbm4b:s22+s7], $0x1, s17, s7, $0xb8;
	[tilespmem:$0x16C80] =	vst v63  }
0x4e7: {  	s12 =	simm.s32 $0xBE00  }
0x4e8: {  	[tilespmem:s12], [sflag:$0x1] =	stream.indirect.gather [hbm4b:s23+s7], $0x1, s17, s7, $0xb8;
	[tilespmem:$0x16C80] =	vst v63  }
0x4e9: {  	s12 =	simm.s32 $0xBE80  }
0x4ea: {  	[tilespmem:s12], [sflag:$0x1] =	stream.indirect.gather [hbm4b:s24+s7], $0x1, s17, s7, $0xb8;
	[tilespmem:$0x16C80] =	vst v63  }
0x4eb: {  	s12 =	simm.s32 $0xBF00  }
0x4ec: {  	[tilespmem:s12], [sflag:$0x1] =	stream.indirect.gather [hbm4b:s25+s7], $0x1, s17, s7, $0xb8;
	[tilespmem:$0x16C80] =	vst v63  }
0x4ed: {  	s12 =	simm.s32 $0xBF80  }
0x4ee: {  	[tilespmem:s12], [sflag:$0x1] =	stream.indirect.gather [hbm4b:s29+s7], $0x1, s17, s7, $0xb8;
	[tilespmem:$0x16C80] =	vst v63  }
0x4ef: {  	s12 =	simm.s32 $0xDC00  }
0x4f0: {  	[tilespmem:s12], [sflag:$0x1] =	stream.indirect.gather [hbm4b:s6+s7], $0x1, s17, s7, $0xb8;
	[tilespmem:$0x16C80] =	vst v63  }
0x4f1: {  	s12 =	simm.s32 $0xDC80  }
0x4f2: {  	[tilespmem:s12], [sflag:$0x1] =	stream.indirect.gather [hbm4b:s28+s7], $0x1, s17, s7, $0xb8;
	[tilespmem:$0x16C80] =	vst v63  }
0x4f3: {  	s12 =	simm.s32 $0xDD00  }
0x4f4: {  	[tilespmem:s12], [sflag:$0x1] =	stream.indirect.gather [hbm4b:s30+s7], $0x1, s17, s7, $0xb8;
	[tilespmem:$0x16C80] =	vst v63  }
0x4f5: {  	s12 =	simm.s32 $0xDD80  }
0x4f6: {  	[tilespmem:s12], [sflag:$0x1] =	stream.indirect.gather [hbm4b:s31+s7], $0x1, s17, s7, $0xb8;
	[tilespmem:$0x16C80] =	vst v63  }
0x4f7: {  	s12 =	simm.s32 $0xDE00  }
0x4f8: {  	[tilespmem:s12], [sflag:$0x1] =	stream.indirect.gather [hbm4b:s0+s7], $0x1, s17, s7, $0xb8;
	[tilespmem:$0x16C80] =	vst v63  }
0x4f9: {  	s12 =	simm.s32 $0xDE80  }
0x4fa: {  	[tilespmem:s12], [sflag:$0x1] =	stream.indirect.gather [hbm4b:s18+s7], $0x1, s17, s7, $0xb8;
	[tilespmem:$0x16C80] =	vst v63  }
0x4fb: {  	s12 =	simm.s32 $0xDF00  }
0x4fc: {  	[tilespmem:s12], [sflag:$0x1] =	stream.indirect.gather [hbm4b:s19+s7], $0x1, s17, s7, $0xb8;
	[tilespmem:$0x16C80] =	vst v63  }
0x4fd: {  	s12 =	simm.s32 $0xDF80  }
0x4fe: {  	[tilespmem:s12], [sflag:$0x1] =	stream.indirect.gather [hbm4b:s10+s7], $0x1, s17, s7, $0xb8;
	[tilespmem:$0x16C80] =	vst v63  }
0x4ff: {  	s12 =	simm.s32 $0xC000  }
0x500: {  	[tilespmem:s12], [sflag:$0x1] =	stream.indirect.gather [hbm4b:s26+s7], $0x1, s11, s7, $0xb8;
	[tilespmem:$0x16C80] =	vst v63  }
0x501: {  	s12 =	simm.s32 $0xC080  }
0x502: {  	[tilespmem:s12], [sflag:$0x1] =	stream.indirect.gather [hbm4b:s20+s7], $0x1, s11, s7, $0xb8;
	[tilespmem:$0x16C80] =	vst v63  }
0x503: {  	s20 =	simm.s32 $0xC100  }
0x504: {  	[tilespmem:s20], [sflag:$0x1] =	stream.indirect.gather [hbm4b:s21+s7], $0x1, s11, s7, $0xb8;
	[tilespmem:$0x16C80] =	vst v63  }
0x505: {  	s21 =	simm.s32 $0xC180  }
0x506: {  	[tilespmem:s21], [sflag:$0x1] =	stream.indirect.gather [hbm4b:s22+s7], $0x1, s11, s7, $0xb8;
	[tilespmem:$0x16C80] =	vst v63  }
0x507: {  	s22 =	simm.s32 $0xC200  }
0x508: {  	[tilespmem:s22], [sflag:$0x1] =	stream.indirect.gather [hbm4b:s23+s7], $0x1, s11, s7, $0xb8;
	[tilespmem:$0x16C80] =	vst v63  }
0x509: {  	s23 =	simm.s32 $0xC280  }
0x50a: {  	[tilespmem:s23], [sflag:$0x1] =	stream.indirect.gather [hbm4b:s24+s7], $0x1, s11, s7, $0xb8;
	[tilespmem:$0x16C80] =	vst v63  }
0x50b: {  	s24 =	simm.s32 $0xC300  }
0x50c: {  	[tilespmem:s24], [sflag:$0x1] =	stream.indirect.gather [hbm4b:s25+s7], $0x1, s11, s7, $0xb8;
	[tilespmem:$0x16C80] =	vst v63  }
0x50d: {  	s25 =	simm.s32 $0xC380  }
0x50e: {  	[tilespmem:s25], [sflag:$0x1] =	stream.indirect.gather [hbm4b:s29+s7], $0x1, s11, s7, $0xb8;
	[tilespmem:$0x16C80] =	vst v63  }
0x50f: {  	s12 =	simm.s32 $0xE000  }
0x510: {  	[tilespmem:s12], [sflag:$0x1] =	stream.indirect.gather [hbm4b:s6+s7], $0x1, s11, s7, $0xb8;
	[tilespmem:$0x16C80] =	vst v63  }
0x511: {  	s20 =	simm.s32 $0xE080  }
0x512: {  	[tilespmem:s20], [sflag:$0x1] =	stream.indirect.gather [hbm4b:s28+s7], $0x1, s11, s7, $0xb8;
	[tilespmem:$0x16C80] =	vst v63  }
0x513: {  	s21 =	simm.s32 $0xE100  }
0x514: {  	[tilespmem:s21], [sflag:$0x1] =	stream.indirect.gather [hbm4b:s30+s7], $0x1, s11, s7, $0xb8;
	[tilespmem:$0x16C80] =	vst v63  }
0x515: {  	s22 =	simm.s32 $0xE180  }
0x516: {  	[tilespmem:s22], [sflag:$0x1] =	stream.indirect.gather [hbm4b:s31+s7], $0x1, s11, s7, $0xb8;
	[tilespmem:$0x16C80] =	vst v63  }
0x517: {  	s23 =	simm.s32 $0xE200  }
0x518: {  	[tilespmem:s23], [sflag:$0x1] =	stream.indirect.gather [hbm4b:s0+s7], $0x1, s11, s7, $0xb8;
	[tilespmem:$0x16C80] =	vst v63  }
0x519: {  	s24 =	simm.s32 $0xE280  }
0x51a: {  	[tilespmem:s24], [sflag:$0x1] =	stream.indirect.gather [hbm4b:s18+s7], $0x1, s11, s7, $0xb8;
	[tilespmem:$0x16C80] =	vst v63  }
0x51b: {  	s25 =	simm.s32 $0xE300  }
0x51c: {  	[tilespmem:s25], [sflag:$0x1] =	stream.indirect.gather [hbm4b:s19+s7], $0x1, s11, s7, $0xb8;
	[tilespmem:$0x16C80] =	vst v63  }
0x51d: {  	s29 =	rddreg [dreg:$0x11];
	s28 =	simm.s32 $0xE380  }
0x51e: {  	[tilespmem:s28], [sflag:$0x1] =	stream.indirect.gather [hbm4b:s10+s7], $0x1, s11, s7, $0xb8;
	[tilespmem:$0x16C80] =	vst v63  }
0x51f: {  	s6 =	simm.s32 $0x0;
	s30 =	simm.s32 $0x8400;
	s31 =	simm.s32 $0x4  }
0x520: {  	[tilespmem:s30], [sflag:$0x4] =	stream.linear.gather [hbm4b:s29+s6], $0x2000, $0x38;
	[tilespmem:$0x16C80] =	vst v63  }
0x521: {  	_ =	swait.ge [sflag:s31], $0x2000  }
0x522: {  	[sflag:s31] =	ssyncset.done $0x0  }
0x523: {  	[sflag:s31] =	ssyncadd.s32 $0xFFFFE000  }
.LBB2_20:
0x524: {  	s20 =	sshll.u32 s6, $0xA  }
0x525: {  	s20 =	sand.u32 $0x3FFFFC00, s20  }
0x526: {  	s21 =	sadd.s32 $0x8400, s20  }
0x527: {  	s20 =	simm.s32 $0xF080;
	v0 =	vmov s21;
	s21 =	simm.s32 $0x0  }
.LBB2_21:
0x528: {  	_ =	sdelay $0x1  }
0x529: {  	s22 =	sshll.u32 s21, $0x7  }
0x52a: {  	s22 =	sand.u32 $0x3FFFFF80, s22  }
0x52b: {  	v1 =	vld.idx.msk [tilespmem:v0+s22+$0x0 ss:$0x1], $0xffff;
	_ =	sdelay $0x3  }
0x52c: {  	s29 =	simm.s32 $0x0  }
0x52d: {  	v2 =	vadd.s32 s29, v1;
	_ =	sdelay $0x4  }
0x52e: {  	s30 =	simm.s32 $0x80;
	v2 =	vld.idx.msk [tilespmem:v2+s2+$0x0], $0xffff  }
0x52f: {  	v3 =	vadd.s32 s30, v1;
	_ =	sdelay $0x3  }
0x530: {  	[tilespmem:s20+$0xFFFFFC00] =	vst v2  }
0x531: {  	s31 =	simm.s32 $0x100;
	v2 =	vld.idx.msk [tilespmem:v3+s2+$0x0], $0xffff  }
0x532: {  	v3 =	vadd.s32 s31, v1;
	_ =	sdelay $0x3  }
0x533: {  	[tilespmem:s20+$0xFFFFFC80] =	vst v2  }
0x534: {  	s0 =	simm.s32 $0x180;
	v2 =	vld.idx.msk [tilespmem:v3+s2+$0x0], $0xffff  }
0x535: {  	v3 =	vadd.s32 s0, v1;
	_ =	sdelay $0x3  }
0x536: {  	[tilespmem:s20+$0xFFFFFD00] =	vst v2  }
0x537: {  	s1 =	simm.s32 $0x200;
	v2 =	vld.idx.msk [tilespmem:v3+s2+$0x0], $0xffff  }
0x538: {  	v3 =	vadd.s32 s1, v1;
	_ =	sdelay $0x3  }
0x539: {  	[tilespmem:s20+$0xFFFFFD80] =	vst v2  }
0x53a: {  	s10 =	simm.s32 $0x280;
	v2 =	vld.idx.msk [tilespmem:v3+s2+$0x0], $0xffff  }
0x53b: {  	v3 =	vadd.s32 s10, v1;
	_ =	sdelay $0x3  }
0x53c: {  	[tilespmem:s20+$0xFFFFFE00] =	vst v2  }
0x53d: {  	s12 =	simm.s32 $0x300;
	v2 =	vld.idx.msk [tilespmem:v3+s2+$0x0], $0xffff  }
0x53e: {  	v3 =	vadd.s32 s12, v1;
	_ =	sdelay $0x3  }
0x53f: {  	[tilespmem:s20+$0xFFFFFE80] =	vst v2  }
0x540: {  	s18 =	simm.s32 $0x380;
	v2 =	vld.idx.msk [tilespmem:v3+s2+$0x0], $0xffff  }
0x541: {  	v3 =	vadd.s32 s18, v1;
	_ =	sdelay $0x3  }
0x542: {  	[tilespmem:s20+$0xFFFFFF00] =	vst v2  }
0x543: {  	s19 =	simm.s32 $0x400;
	v2 =	vld.idx.msk [tilespmem:v3+s2+$0x0], $0xffff  }
0x544: {  	v3 =	vadd.s32 s19, v1;
	_ =	sdelay $0x3  }
0x545: {  	[tilespmem:s20+$0xFFFFFF80] =	vst v2  }
0x546: {  	s23 =	simm.s32 $0x480;
	v2 =	vld.idx.msk [tilespmem:v3+s2+$0x0], $0xffff  }
0x547: {  	v3 =	vadd.s32 s23, v1;
	_ =	sdelay $0x3  }
0x548: {  	[tilespmem:s20+$0x0] =	vst v2  }
0x549: {  	s24 =	simm.s32 $0x500;
	v2 =	vld.idx.msk [tilespmem:v3+s2+$0x0], $0xffff  }
0x54a: {  	v3 =	vadd.s32 s24, v1;
	_ =	sdelay $0x3  }
0x54b: {  	[tilespmem:s20+$0x80] =	vst v2  }
0x54c: {  	s25 =	simm.s32 $0x580;
	v2 =	vld.idx.msk [tilespmem:v3+s2+$0x0], $0xffff  }
0x54d: {  	v3 =	vadd.s32 s25, v1;
	_ =	sdelay $0x3  }
0x54e: {  	[tilespmem:s20+$0x100] =	vst v2  }
0x54f: {  	s28 =	simm.s32 $0x600;
	v2 =	vld.idx.msk [tilespmem:v3+s2+$0x0], $0xffff  }
0x550: {  	v3 =	vadd.s32 s28, v1;
	_ =	sdelay $0x3  }
0x551: {  	[tilespmem:s20+$0x180] =	vst v2  }
0x552: {  	s29 =	simm.s32 $0x680;
	v2 =	vld.idx.msk [tilespmem:v3+s2+$0x0], $0xffff  }
0x553: {  	v3 =	vadd.s32 s29, v1;
	_ =	sdelay $0x3  }
0x554: {  	[tilespmem:s20+$0x200] =	vst v2  }
0x555: {  	s30 =	simm.s32 $0x700;
	v2 =	vld.idx.msk [tilespmem:v3+s2+$0x0], $0xffff  }
0x556: {  	v3 =	vadd.s32 s30, v1;
	_ =	sdelay $0x3  }
0x557: {  	[tilespmem:s20+$0x280] =	vst v2  }
0x558: {  	s31 =	simm.s32 $0x780;
	v2 =	vld.idx.msk [tilespmem:v3+s2+$0x0], $0xffff  }
0x559: {  	v3 =	vadd.s32 s31, v1;
	_ =	sdelay $0x3  }
0x55a: {  	[tilespmem:s20+$0x300] =	vst v2  }
0x55b: {  	s22 =	simm.s32 $0xF80;
	s23 =	smov.u32 s20;
	s24 =	simm.s32 $0x2F;
	v2 =	vld.idx.msk [tilespmem:v3+s2+$0x0], $0xffff  }
.LBB2_22:
0x55c: {  	p1 =	sne.s32 s24, $0xFF;
	s25 =	sadd.s32 $0xFFFFF880, s22  }
0x55d: {  	v3 =	vadd.s32 s25, v1;
	_ =	sdelay $0x3  }
0x55e: {  	[tilespmem:s23+$0x380] =	vst v2  }
0x55f: {  	v2 =	vld.idx.msk [tilespmem:v3+s2+$0x0], $0xffff  }
0x560: {  	s25 =	sadd.s32 $0xFFFFF900, s22  }
0x561: {  	v3 =	vadd.s32 s25, v1;
	_ =	sdelay $0x2  }
0x562: {  	s23 =	sadd.s32 $0x800, s23  }
0x563: {  	[tilespmem:s23+$0xFFFFFC00] =	vst v2  }
0x564: {  	v2 =	vld.idx.msk [tilespmem:v3+s2+$0x0], $0xffff  }
0x565: {  	s25 =	sadd.s32 $0xFFFFF980, s22  }
0x566: {  	v3 =	vadd.s32 s25, v1;
	_ =	sdelay $0x3  }
0x567: {  	[tilespmem:s23+$0xFFFFFC80] =	vst v2  }
0x568: {  	v2 =	vld.idx.msk [tilespmem:v3+s2+$0x0], $0xffff  }
0x569: {  	s25 =	sadd.s32 $0xFFFFFA00, s22  }
0x56a: {  	v3 =	vadd.s32 s25, v1;
	_ =	sdelay $0x3  }
0x56b: {  	[tilespmem:s23+$0xFFFFFD00] =	vst v2  }
0x56c: {  	v2 =	vld.idx.msk [tilespmem:v3+s2+$0x0], $0xffff  }
0x56d: {  	s25 =	sadd.s32 $0xFFFFFA80, s22  }
0x56e: {  	v3 =	vadd.s32 s25, v1;
	_ =	sdelay $0x3  }
0x56f: {  	[tilespmem:s23+$0xFFFFFD80] =	vst v2  }
0x570: {  	v2 =	vld.idx.msk [tilespmem:v3+s2+$0x0], $0xffff  }
0x571: {  	s25 =	sadd.s32 $0xFFFFFB00, s22  }
0x572: {  	v3 =	vadd.s32 s25, v1;
	_ =	sdelay $0x3  }
0x573: {  	[tilespmem:s23+$0xFFFFFE00] =	vst v2  }
0x574: {  	v2 =	vld.idx.msk [tilespmem:v3+s2+$0x0], $0xffff  }
0x575: {  	s25 =	sadd.s32 $0xFFFFFB80, s22  }
0x576: {  	v3 =	vadd.s32 s25, v1;
	_ =	sdelay $0x3  }
0x577: {  	[tilespmem:s23+$0xFFFFFE80] =	vst v2  }
0x578: {  	v2 =	vld.idx.msk [tilespmem:v3+s2+$0x0], $0xffff  }
0x579: {  	s25 =	sadd.s32 $0xFFFFFC00, s22  }
0x57a: {  	v3 =	vadd.s32 s25, v1;
	_ =	sdelay $0x3  }
0x57b: {  	[tilespmem:s23+$0xFFFFFF00] =	vst v2  }
0x57c: {  	v2 =	vld.idx.msk [tilespmem:v3+s2+$0x0], $0xffff  }
0x57d: {  	s25 =	sadd.s32 $0xFFFFFC80, s22  }
0x57e: {  	v3 =	vadd.s32 s25, v1;
	_ =	sdelay $0x3  }
0x57f: {  	[tilespmem:s23+$0xFFFFFF80] =	vst v2  }
0x580: {  	v2 =	vld.idx.msk [tilespmem:v3+s2+$0x0], $0xffff  }
0x581: {  	s25 =	sadd.s32 $0xFFFFFD00, s22  }
0x582: {  	v3 =	vadd.s32 s25, v1;
	_ =	sdelay $0x3  }
0x583: {  	[tilespmem:s23+$0x0] =	vst v2  }
0x584: {  	v2 =	vld.idx.msk [tilespmem:v3+s2+$0x0], $0xffff  }
0x585: {  	s25 =	sadd.s32 $0xFFFFFD80, s22  }
0x586: {  	v3 =	vadd.s32 s25, v1;
	_ =	sdelay $0x3  }
0x587: {  	[tilespmem:s23+$0x80] =	vst v2  }
0x588: {  	v2 =	vld.idx.msk [tilespmem:v3+s2+$0x0], $0xffff  }
0x589: {  	s25 =	sadd.s32 $0xFFFFFE00, s22  }
0x58a: {  	v3 =	vadd.s32 s25, v1;
	_ =	sdelay $0x3  }
0x58b: {  	[tilespmem:s23+$0x100] =	vst v2  }
0x58c: {  	v2 =	vld.idx.msk [tilespmem:v3+s2+$0x0], $0xffff  }
0x58d: {  	s25 =	sadd.s32 $0xFFFFFE80, s22  }
0x58e: {  	v3 =	vadd.s32 s25, v1;
	_ =	sdelay $0x3  }
0x58f: {  	[tilespmem:s23+$0x180] =	vst v2  }
0x590: {  	v2 =	vld.idx.msk [tilespmem:v3+s2+$0x0], $0xffff  }
0x591: {  	s25 =	sadd.s32 $0xFFFFFF00, s22  }
0x592: {  	v3 =	vadd.s32 s25, v1;
	_ =	sdelay $0x3  }
0x593: {  	[tilespmem:s23+$0x200] =	vst v2  }
0x594: {  	v2 =	vld.idx.msk [tilespmem:v3+s2+$0x0], $0xffff  }
0x595: {  	s25 =	sadd.s32 $0xFFFFFF80, s22  }
0x596: {  	v3 =	vadd.s32 s25, v1;
	_ =	sdelay $0x3  }
0x597: {  	[tilespmem:s23+$0x280] =	vst v2  }
0x598: {  	v2 =	vld.idx.msk [tilespmem:v3+s2+$0x0], $0xffff;
	_ =	sdelay $0x1  }
0x599: {  	v3 =	vadd.s32 s22, v1  }
.Ltmp11:
0x59a: {  	(pc) =	sbr.rel @p1 .LBB2_22-.Ltmp11, $3  }
0x59b: {  	_ =	sdelay $0x1  }
0x59c: {  	[tilespmem:s23+$0x300] =	vst v2  }
0x59d: {  	s22 =	sshll.u32 s24, $0x7;
	s24 =	sadd.s32 $0x10, s24;
	v2 =	vld.idx.msk [tilespmem:v3+s2+$0x0], $0xffff  }
0x59e: {  	s24 =	sadd.s32 $0xFFFFF880, s22  }
0x59f: {  	v3 =	vadd.s32 s24, v1;
	_ =	sdelay $0x3  }
0x5a0: {  	[tilespmem:s23+$0x380] =	vst v2  }
0x5a1: {  	s29 =	sadd.s32 $0xFFFFF900, s22;
	v2 =	vld.idx.msk [tilespmem:v3+s2+$0x0], $0xffff  }
0x5a2: {  	v3 =	vadd.s32 s29, v1;
	_ =	sdelay $0x2  }
0x5a3: {  	s23 =	sadd.s32 $0x800, s23  }
0x5a4: {  	[tilespmem:s23+$0xFFFFFC00] =	vst v2  }
0x5a5: {  	s30 =	sadd.s32 $0xFFFFF980, s22;
	v2 =	vld.idx.msk [tilespmem:v3+s2+$0x0], $0xffff  }
0x5a6: {  	v3 =	vadd.s32 s30, v1;
	_ =	sdelay $0x3  }
0x5a7: {  	[tilespmem:s23+$0xFFFFFC80] =	vst v2  }
0x5a8: {  	s31 =	sadd.s32 $0xFFFFFA00, s22;
	v2 =	vld.idx.msk [tilespmem:v3+s2+$0x0], $0xffff  }
0x5a9: {  	v3 =	vadd.s32 s31, v1;
	_ =	sdelay $0x3  }
0x5aa: {  	[tilespmem:s23+$0xFFFFFD00] =	vst v2  }
0x5ab: {  	s0 =	sadd.s32 $0xFFFFFA80, s22;
	v2 =	vld.idx.msk [tilespmem:v3+s2+$0x0], $0xffff  }
0x5ac: {  	v3 =	vadd.s32 s0, v1;
	_ =	sdelay $0x3  }
0x5ad: {  	[tilespmem:s23+$0xFFFFFD80] =	vst v2  }
0x5ae: {  	s1 =	sadd.s32 $0xFFFFFB00, s22;
	v2 =	vld.idx.msk [tilespmem:v3+s2+$0x0], $0xffff  }
0x5af: {  	v3 =	vadd.s32 s1, v1;
	_ =	sdelay $0x3  }
0x5b0: {  	[tilespmem:s23+$0xFFFFFE00] =	vst v2  }
0x5b1: {  	s10 =	sadd.s32 $0xFFFFFB80, s22;
	v2 =	vld.idx.msk [tilespmem:v3+s2+$0x0], $0xffff  }
0x5b2: {  	v3 =	vadd.s32 s10, v1;
	_ =	sdelay $0x3  }
0x5b3: {  	[tilespmem:s23+$0xFFFFFE80] =	vst v2  }
0x5b4: {  	s12 =	sadd.s32 $0xFFFFFC00, s22;
	v2 =	vld.idx.msk [tilespmem:v3+s2+$0x0], $0xffff  }
0x5b5: {  	v3 =	vadd.s32 s12, v1;
	_ =	sdelay $0x3  }
0x5b6: {  	[tilespmem:s23+$0xFFFFFF00] =	vst v2  }
0x5b7: {  	s18 =	sadd.s32 $0xFFFFFC80, s22;
	v2 =	vld.idx.msk [tilespmem:v3+s2+$0x0], $0xffff  }
0x5b8: {  	v3 =	vadd.s32 s18, v1;
	_ =	sdelay $0x3  }
0x5b9: {  	[tilespmem:s23+$0xFFFFFF80] =	vst v2  }
0x5ba: {  	s19 =	sadd.s32 $0xFFFFFD00, s22;
	v2 =	vld.idx.msk [tilespmem:v3+s2+$0x0], $0xffff  }
0x5bb: {  	v3 =	vadd.s32 s19, v1;
	_ =	sdelay $0x3  }
0x5bc: {  	[tilespmem:s23+$0x0] =	vst v2  }
0x5bd: {  	s25 =	sadd.s32 $0xFFFFFD80, s22;
	v2 =	vld.idx.msk [tilespmem:v3+s2+$0x0], $0xffff  }
0x5be: {  	v3 =	vadd.s32 s25, v1;
	_ =	sdelay $0x3  }
0x5bf: {  	[tilespmem:s23+$0x80] =	vst v2  }
0x5c0: {  	s28 =	sadd.s32 $0xFFFFFE00, s22;
	v2 =	vld.idx.msk [tilespmem:v3+s2+$0x0], $0xffff  }
0x5c1: {  	v3 =	vadd.s32 s28, v1;
	_ =	sdelay $0x3  }
0x5c2: {  	[tilespmem:s23+$0x100] =	vst v2  }
0x5c3: {  	s29 =	sadd.s32 $0xFFFFFE80, s22;
	v2 =	vld.idx.msk [tilespmem:v3+s2+$0x0], $0xffff  }
0x5c4: {  	v3 =	vadd.s32 s29, v1;
	_ =	sdelay $0x3  }
0x5c5: {  	[tilespmem:s23+$0x180] =	vst v2  }
0x5c6: {  	s30 =	sadd.s32 $0xFFFFFF00, s22;
	v2 =	vld.idx.msk [tilespmem:v3+s2+$0x0], $0xffff  }
0x5c7: {  	v3 =	vadd.s32 s30, v1;
	_ =	sdelay $0x3  }
0x5c8: {  	[tilespmem:s23+$0x200] =	vst v2  }
0x5c9: {  	s31 =	sadd.s32 $0xFFFFFF80, s22;
	v2 =	vld.idx.msk [tilespmem:v3+s2+$0x0], $0xffff  }
0x5ca: {  	v3 =	vadd.s32 s31, v1;
	_ =	sdelay $0x3  }
0x5cb: {  	[tilespmem:s23+$0x280] =	vst v2  }
0x5cc: {  	v2 =	vld.idx.msk [tilespmem:v3+s2+$0x0], $0xffff  }
0x5cd: {  	v1 =	vadd.s32 s22, v1;
	_ =	sdelay $0x3  }
0x5ce: {  	s21 =	sadd.s32 $0x1, s21;
	[tilespmem:s23+$0x300] =	vst v2  }
0x5cf: {  	p1 =	sne.s32 s21, $0x8;
	v1 =	vld.idx.msk [tilespmem:v1+s2+$0x0], $0xffff  }
.Ltmp12:
0x5d0: {  	_ = 	snop;
	(pc) =	sbr.rel @p1 .LBB2_21-.Ltmp12, $2  }
0x5d1: {  	_ =	sdelay $0x2  }
0x5d2: {  	s20 =	sadd.s32 $0x10, s20;
	[tilespmem:s23+$0x380] =	vst v1  }
0x5d3: {  	s20 =	sshll.u32 s6, $0x7;
	s6 =	sadd.s32 $0x1, s6  }
0x5d4: {  	p1 =	sne.s32 s6, $0x4  }
.Ltmp13:
0x5d5: {  	s20 =	sadd.s32 s20, s14;
	(pc) =	sbr.rel @p1 .LBB2_20-.Ltmp13, $4  }
0x5d6: {  	[hbm4b:s20+s16] =	stream.strided.scatter [tilespmem:s4], [sflag:$0x3], $0x8000, s9, s16, $0x38;
	[tilespmem:$0x16C80] =	vst v63  }
0x5d7: {  	_ =	swait.ge [sflag:s3], $0x8000  }
0x5d8: {  	[sflag:s3] =	ssyncset.done $0x0  }
0x5d9: {  	[sflag:s3] =	ssyncadd.s32 $0xFFFF8000  }
0x5da: {  	s0 =	simm.s32 $0x1  }
0x5db: {  	_ =	swait.ge [sflag:s0], $0x4000  }
0x5dc: {  	s6 =	simm.s32 $0x0;
	s22 =	simm.s32 $0xA400;
	[sflag:s0] =	ssyncset.done $0x0  }
0x5dd: {  	s21 =	simm.s32 $0x4;
	s20 =	rddreg [dreg:$0x13];
	[sflag:s0] =	ssyncadd.s32 $0xFFFFC000  }
0x5de: {  	[hbm4b:s20+s6] =	stream.linear.scatter [tilespmem:s22], [sflag:$0x4], $0x4000, $0x38;
	[tilespmem:$0x16C80] =	vst v63  }
0x5df: {  	_ =	swait.ge [sflag:s21], $0x4000  }
0x5e0: {  	[sflag:s21] =	ssyncset.done $0x0  }
0x5e1: {  	s31 =	rddreg [dreg:$0x14];
	[sflag:s21] =	ssyncadd.s32 $0xFFFFC000  }
0x5e2: {  	[tilespmem:s5], [sflag:$0x4] =	stream.linear.gather [hbm4b:s31+s6], $0x400, $0x38;
	[tilespmem:$0x16C80] =	vst v63  }
0x5e3: {  	_ =	swait.ge [sflag:s21], $0x400  }
0x5e4: {  	[sflag:s21] =	ssyncset.done $0x0  }
0x5e5: {  	s6 =	simm.s32 $0x0;
	[sflag:s21] =	ssyncadd.s32 $0xFFFFFC00  }
0x5e6: {  	v6 =	vld [tilespmem:s6+$0x8000]  }
0x5e7: {  	v5 =	vld [tilespmem:s6+$0x8010]  }
0x5e8: {  	v4 =	vld [tilespmem:s6+$0x8020]  }
0x5e9: {  	v3 =	vld [tilespmem:s6+$0x8030]  }
0x5ea: {  	v2 =	vld [tilespmem:s6+$0x8040]  }
0x5eb: {  	v0 =	vld [tilespmem:s6+$0x8050];
	v1 =	vshrl.u32 v6, $0x7  }
0x5ec: {  	s20 =	simm.s32 $0x200;
	v8 =	vshrl.u32 v5, $0x7;
	v7 =	vmul.u32 $0x380, v1;
	v1 =	vld [tilespmem:s6+$0x8060]  }
.LBB2_26:
0x5ed: {  	p1 =	sne.s32 s20, $0xE00;
	v8 =	vmul.u32 $0x380, v8;
	v9 =	vshrl.u32 v4, $0x7;
	v10 =	vld [tilespmem:s6+$0x8070]  }
0x5ee: {  	v6 =	vadd.s32 v6, v7;
	v7 =	vmul.u32 $0x380, v9;
	v9 =	vshrl.u32 v3, $0x7  }
0x5ef: {  	s21 =	sshra.s32 s20, $0x2;
	[tilespmem:s6+$0x8000] =	vst v6;
	v5 =	vadd.s32 v5, v8;
	v8 =	vmul.u32 $0x380, v9;
	v9 =	vshrl.u32 v2, $0x7  }
0x5f0: {  	v6 =	vld [tilespmem:s21+$0x8000];
	[tilespmem:s6+$0x8010] =	vst v5;
	v4 =	vadd.s32 v4, v7;
	v7 =	vmul.u32 $0x380, v9;
	v9 =	vshrl.u32 v0, $0x7  }
0x5f1: {  	v5 =	vld [tilespmem:s21+$0x8010];
	[tilespmem:s6+$0x8020] =	vst v4;
	v3 =	vadd.s32 v3, v8;
	v8 =	vmul.u32 $0x380, v9;
	v9 =	vshrl.u32 v1, $0x7  }
.Ltmp14:
0x5f2: {  	v4 =	vld [tilespmem:s21+$0x8020];
	[tilespmem:s6+$0x8030] =	vst v3;
	v2 =	vadd.s32 v2, v7;
	v7 =	vmul.u32 $0x380, v9;
	v9 =	vshrl.u32 v10, $0x7;
	(pc) =	sbr.rel @p1 .LBB2_26-.Ltmp14, $4  }
0x5f3: {  	v3 =	vld [tilespmem:s21+$0x8030];
	[tilespmem:s6+$0x8040] =	vst v2;
	v0 =	vadd.s32 v0, v8;
	v8 =	vmul.u32 $0x380, v9  }
0x5f4: {  	v2 =	vld [tilespmem:s21+$0x8040];
	[tilespmem:s6+$0x8050] =	vst v0;
	v1 =	vadd.s32 v1, v7  }
0x5f5: {  	v7 =	vshrl.u32 v6, $0x7;
	v0 =	vld [tilespmem:s21+$0x8050];
	[tilespmem:s6+$0x8060] =	vst v1;
	v9 =	vadd.s32 v10, v8  }
0x5f6: {  	s20 =	sadd.s32 $0x200, s20;
	v7 =	vmul.u32 $0x380, v7;
	v8 =	vshrl.u32 v5, $0x7;
	v1 =	vld [tilespmem:s21+$0x8060];
	[tilespmem:s6+$0x8070] =	vst v9;
	s6 =	smov.u32 s21  }
0x5f7: {  	v8 =	vmul.u32 $0x380, v8;
	v9 =	vshrl.u32 v4, $0x7;
	v10 =	vld [tilespmem:s6+$0x8070]  }
0x5f8: {  	v6 =	vadd.s32 v6, v7;
	v47 =	vmul.u32 $0x380, v9;
	v48 =	vshrl.u32 v3, $0x7  }
0x5f9: {  	[tilespmem:s6+$0x8000] =	vst v6;
	v5 =	vadd.s32 v5, v8;
	v49 =	vmul.u32 $0x380, v48;
	v50 =	vshrl.u32 v2, $0x7  }
0x5fa: {  	[tilespmem:s6+$0x8010] =	vst v5;
	v51 =	vadd.s32 v4, v47;
	v52 =	vmul.u32 $0x380, v50;
	v53 =	vshrl.u32 v0, $0x7  }
0x5fb: {  	[tilespmem:s6+$0x8020] =	vst v51;
	v54 =	vadd.s32 v3, v49;
	v55 =	vmul.u32 $0x380, v53;
	v56 =	vshrl.u32 v1, $0x7  }
0x5fc: {  	[tilespmem:s6+$0x8030] =	vst v54;
	v57 =	vadd.s32 v2, v52;
	v58 =	vmul.u32 $0x380, v56;
	v59 =	vshrl.u32 v10, $0x7  }
0x5fd: {  	[tilespmem:s6+$0x8040] =	vst v57;
	v60 =	vadd.s32 v0, v55;
	v61 =	vmul.u32 $0x380, v59  }
0x5fe: {  	[tilespmem:s6+$0x8050] =	vst v60;
	v62 =	vadd.s32 v1, v58  }
0x5ff: {  	[tilespmem:s6+$0x8060] =	vst v62;
	v63 =	vadd.s32 v10, v61  }
0x600: {  	s20 =	rddreg [dreg:$0x19];
	[tilespmem:s6+$0x8070] =	vst v63  }
0x601: {  	[tilespmem:s22], [sflag:$0x1] =	stream.indirect.gather [hbm4b:s26+s7], $0x1, s5, s7, $0xb8;
	[tilespmem:$0x16C80] =	vst v63  }
0x602: {  	s24 =	simm.s32 $0xA480;
	s21 =	rddreg [dreg:$0x1a]  }
0x603: {  	[tilespmem:s24], [sflag:$0x1] =	stream.indirect.gather [hbm4b:s20+s7], $0x1, s5, s7, $0xb8;
	[tilespmem:$0x16C80] =	vst v63  }
0x604: {  	s25 =	simm.s32 $0xA500;
	s23 =	rddreg [dreg:$0x1c]  }
0x605: {  	[tilespmem:s25], [sflag:$0x1] =	stream.indirect.gather [hbm4b:s21+s7], $0x1, s5, s7, $0xb8;
	[tilespmem:$0x16C80] =	vst v63  }
0x606: {  	s28 =	simm.s32 $0xA580;
	s22 =	rddreg [dreg:$0x1b]  }
0x607: {  	[tilespmem:s28], [sflag:$0x1] =	stream.indirect.gather [hbm4b:s22+s7], $0x1, s5, s7, $0xb8;
	[tilespmem:$0x16C80] =	vst v63  }
0x608: {  	s29 =	simm.s32 $0xA600;
	s24 =	rddreg [dreg:$0x1d]  }
0x609: {  	[tilespmem:s29], [sflag:$0x1] =	stream.indirect.gather [hbm4b:s23+s7], $0x1, s5, s7, $0xb8;
	[tilespmem:$0x16C80] =	vst v63  }
0x60a: {  	s30 =	simm.s32 $0xA680;
	s25 =	rddreg [dreg:$0x1e]  }
0x60b: {  	[tilespmem:s30], [sflag:$0x1] =	stream.indirect.gather [hbm4b:s24+s7], $0x1, s5, s7, $0xb8;
	[tilespmem:$0x16C80] =	vst v63  }
0x60c: {  	s31 =	simm.s32 $0xA700;
	s29 =	sld [smem:$0x7F6]  }
0x60d: {  	[tilespmem:s31], [sflag:$0x1] =	stream.indirect.gather [hbm4b:s25+s7], $0x1, s5, s7, $0xb8;
	[tilespmem:$0x16C80] =	vst v63  }
0x60e: {  	s0 =	simm.s32 $0xA780  }
0x60f: {  	[tilespmem:s0], [sflag:$0x1] =	stream.indirect.gather [hbm4b:s29+s7], $0x1, s5, s7, $0xb8;
	[tilespmem:$0x16C80] =	vst v63  }
0x610: {  	s6 =	rddreg [dreg:$0xc];
	s28 =	simm.s32 $0xC400  }
0x611: {  	[tilespmem:s28], [sflag:$0x1] =	stream.indirect.gather [hbm4b:s6+s7], $0x1, s5, s7, $0xb8;
	[tilespmem:$0x16C80] =	vst v63  }
0x612: {  	s28 =	sld [smem:$0x7F7];
	_ =	sdelay $0x1  }
0x613: {  	s30 =	simm.s32 $0xC480  }
0x614: {  	[tilespmem:s30], [sflag:$0x1] =	stream.indirect.gather [hbm4b:s28+s7], $0x1, s5, s7, $0xb8;
	[tilespmem:$0x16C80] =	vst v63  }
0x615: {  	s30 =	sld [smem:$0x7F8];
	_ =	sdelay $0x1  }
0x616: {  	s31 =	simm.s32 $0xC500  }
0x617: {  	[tilespmem:s31], [sflag:$0x1] =	stream.indirect.gather [hbm4b:s30+s7], $0x1, s5, s7, $0xb8;
	[tilespmem:$0x16C80] =	vst v63  }
0x618: {  	s31 =	sld [smem:$0x7F9];
	_ =	sdelay $0x1  }
0x619: {  	s0 =	simm.s32 $0xC580  }
0x61a: {  	[tilespmem:s0], [sflag:$0x1] =	stream.indirect.gather [hbm4b:s31+s7], $0x1, s5, s7, $0xb8;
	[tilespmem:$0x16C80] =	vst v63  }
0x61b: {  	s0 =	sld [smem:$0x7FA];
	_ =	sdelay $0x1  }
0x61c: {  	s12 =	simm.s32 $0xC600;
	s18 =	sld [smem:$0x7FB]  }
0x61d: {  	[tilespmem:s12], [sflag:$0x1] =	stream.indirect.gather [hbm4b:s0+s7], $0x1, s5, s7, $0xb8;
	[tilespmem:$0x16C80] =	vst v63  }
0x61e: {  	s1 =	simm.s32 $0xC680;
	s19 =	sld [smem:$0x7FC]  }
0x61f: {  	[tilespmem:s1], [sflag:$0x1] =	stream.indirect.gather [hbm4b:s18+s7], $0x1, s5, s7, $0xb8;
	[tilespmem:$0x16C80] =	vst v63  }
0x620: {  	s10 =	simm.s32 $0xC700  }
0x621: {  	[tilespmem:s10], [sflag:$0x1] =	stream.indirect.gather [hbm4b:s19+s7], $0x1, s5, s7, $0xb8;
	[tilespmem:$0x16C80] =	vst v63  }
0x622: {  	s10 =	sld [smem:$0x7FD];
	_ =	sdelay $0x1  }
0x623: {  	s1 =	simm.s32 $0xC780  }
0x624: {  	[tilespmem:s1], [sflag:$0x1] =	stream.indirect.gather [hbm4b:s10+s7], $0x1, s5, s7, $0xb8;
	[tilespmem:$0x16C80] =	vst v63  }
0x625: {  	s12 =	simm.s32 $0x8080;
	s1 =	simm.s32 $0xA800  }
0x626: {  	[tilespmem:s1], [sflag:$0x1] =	stream.indirect.gather [hbm4b:s26+s7], $0x1, s12, s7, $0xb8;
	[tilespmem:$0x16C80] =	vst v63  }
0x627: {  	s1 =	simm.s32 $0xA880  }
0x628: {  	[tilespmem:s1], [sflag:$0x1] =	stream.indirect.gather [hbm4b:s20+s7], $0x1, s12, s7, $0xb8;
	[tilespmem:$0x16C80] =	vst v63  }
0x629: {  	s1 =	simm.s32 $0xA900  }
0x62a: {  	[tilespmem:s1], [sflag:$0x1] =	stream.indirect.gather [hbm4b:s21+s7], $0x1, s12, s7, $0xb8;
	[tilespmem:$0x16C80] =	vst v63  }
0x62b: {  	s1 =	simm.s32 $0xA980  }
0x62c: {  	[tilespmem:s1], [sflag:$0x1] =	stream.indirect.gather [hbm4b:s22+s7], $0x1, s12, s7, $0xb8;
	[tilespmem:$0x16C80] =	vst v63  }
0x62d: {  	s1 =	simm.s32 $0xAA00  }
0x62e: {  	[tilespmem:s1], [sflag:$0x1] =	stream.indirect.gather [hbm4b:s23+s7], $0x1, s12, s7, $0xb8;
	[tilespmem:$0x16C80] =	vst v63  }
0x62f: {  	s1 =	simm.s32 $0xAA80  }
0x630: {  	[tilespmem:s1], [sflag:$0x1] =	stream.indirect.gather [hbm4b:s24+s7], $0x1, s12, s7, $0xb8;
	[tilespmem:$0x16C80] =	vst v63  }
0x631: {  	s1 =	simm.s32 $0xAB00  }
0x632: {  	[tilespmem:s1], [sflag:$0x1] =	stream.indirect.gather [hbm4b:s25+s7], $0x1, s12, s7, $0xb8;
	[tilespmem:$0x16C80] =	vst v63  }
0x633: {  	s1 =	simm.s32 $0xAB80  }
0x634: {  	[tilespmem:s1], [sflag:$0x1] =	stream.indirect.gather [hbm4b:s29+s7], $0x1, s12, s7, $0xb8;
	[tilespmem:$0x16C80] =	vst v63  }
0x635: {  	s1 =	simm.s32 $0xC800  }
0x636: {  	[tilespmem:s1], [sflag:$0x1] =	stream.indirect.gather [hbm4b:s6+s7], $0x1, s12, s7, $0xb8;
	[tilespmem:$0x16C80] =	vst v63  }
0x637: {  	s1 =	simm.s32 $0xC880  }
0x638: {  	[tilespmem:s1], [sflag:$0x1] =	stream.indirect.gather [hbm4b:s28+s7], $0x1, s12, s7, $0xb8;
	[tilespmem:$0x16C80] =	vst v63  }
0x639: {  	s1 =	simm.s32 $0xC900  }
0x63a: {  	[tilespmem:s1], [sflag:$0x1] =	stream.indirect.gather [hbm4b:s30+s7], $0x1, s12, s7, $0xb8;
	[tilespmem:$0x16C80] =	vst v63  }
0x63b: {  	s1 =	simm.s32 $0xC980  }
0x63c: {  	[tilespmem:s1], [sflag:$0x1] =	stream.indirect.gather [hbm4b:s31+s7], $0x1, s12, s7, $0xb8;
	[tilespmem:$0x16C80] =	vst v63  }
0x63d: {  	s1 =	simm.s32 $0xCA00  }
0x63e: {  	[tilespmem:s1], [sflag:$0x1] =	stream.indirect.gather [hbm4b:s0+s7], $0x1, s12, s7, $0xb8;
	[tilespmem:$0x16C80] =	vst v63  }
0x63f: {  	s1 =	simm.s32 $0xCA80  }
0x640: {  	[tilespmem:s1], [sflag:$0x1] =	stream.indirect.gather [hbm4b:s18+s7], $0x1, s12, s7, $0xb8;
	[tilespmem:$0x16C80] =	vst v63  }
0x641: {  	s1 =	simm.s32 $0xCB00  }
0x642: {  	[tilespmem:s1], [sflag:$0x1] =	stream.indirect.gather [hbm4b:s19+s7], $0x1, s12, s7, $0xb8;
	[tilespmem:$0x16C80] =	vst v63  }
0x643: {  	s1 =	simm.s32 $0xCB80  }
0x644: {  	[tilespmem:s1], [sflag:$0x1] =	stream.indirect.gather [hbm4b:s10+s7], $0x1, s12, s7, $0xb8;
	[tilespmem:$0x16C80] =	vst v63  }
0x645: {  	s1 =	simm.s32 $0x8100;
	s12 =	simm.s32 $0xAC00  }
0x646: {  	[tilespmem:s12], [sflag:$0x1] =	stream.indirect.gather [hbm4b:s26+s7], $0x1, s1, s7, $0xb8;
	[tilespmem:$0x16C80] =	vst v63  }
0x647: {  	s12 =	simm.s32 $0xAC80  }
0x648: {  	[tilespmem:s12], [sflag:$0x1] =	stream.indirect.gather [hbm4b:s20+s7], $0x1, s1, s7, $0xb8;
	[tilespmem:$0x16C80] =	vst v63  }
0x649: {  	s12 =	simm.s32 $0xAD00  }
0x64a: {  	[tilespmem:s12], [sflag:$0x1] =	stream.indirect.gather [hbm4b:s21+s7], $0x1, s1, s7, $0xb8;
	[tilespmem:$0x16C80] =	vst v63  }
0x64b: {  	s12 =	simm.s32 $0xAD80  }
0x64c: {  	[tilespmem:s12], [sflag:$0x1] =	stream.indirect.gather [hbm4b:s22+s7], $0x1, s1, s7, $0xb8;
	[tilespmem:$0x16C80] =	vst v63  }
0x64d: {  	s12 =	simm.s32 $0xAE00  }
0x64e: {  	[tilespmem:s12], [sflag:$0x1] =	stream.indirect.gather [hbm4b:s23+s7], $0x1, s1, s7, $0xb8;
	[tilespmem:$0x16C80] =	vst v63  }
0x64f: {  	s12 =	simm.s32 $0xAE80  }
0x650: {  	[tilespmem:s12], [sflag:$0x1] =	stream.indirect.gather [hbm4b:s24+s7], $0x1, s1, s7, $0xb8;
	[tilespmem:$0x16C80] =	vst v63  }
0x651: {  	s12 =	simm.s32 $0xAF00  }
0x652: {  	[tilespmem:s12], [sflag:$0x1] =	stream.indirect.gather [hbm4b:s25+s7], $0x1, s1, s7, $0xb8;
	[tilespmem:$0x16C80] =	vst v63  }
0x653: {  	s12 =	simm.s32 $0xAF80  }
0x654: {  	[tilespmem:s12], [sflag:$0x1] =	stream.indirect.gather [hbm4b:s29+s7], $0x1, s1, s7, $0xb8;
	[tilespmem:$0x16C80] =	vst v63  }
0x655: {  	s12 =	simm.s32 $0xCC00  }
0x656: {  	[tilespmem:s12], [sflag:$0x1] =	stream.indirect.gather [hbm4b:s6+s7], $0x1, s1, s7, $0xb8;
	[tilespmem:$0x16C80] =	vst v63  }
0x657: {  	s12 =	simm.s32 $0xCC80  }
0x658: {  	[tilespmem:s12], [sflag:$0x1] =	stream.indirect.gather [hbm4b:s28+s7], $0x1, s1, s7, $0xb8;
	[tilespmem:$0x16C80] =	vst v63  }
0x659: {  	s12 =	simm.s32 $0xCD00  }
0x65a: {  	[tilespmem:s12], [sflag:$0x1] =	stream.indirect.gather [hbm4b:s30+s7], $0x1, s1, s7, $0xb8;
	[tilespmem:$0x16C80] =	vst v63  }
0x65b: {  	s12 =	simm.s32 $0xCD80  }
0x65c: {  	[tilespmem:s12], [sflag:$0x1] =	stream.indirect.gather [hbm4b:s31+s7], $0x1, s1, s7, $0xb8;
	[tilespmem:$0x16C80] =	vst v63  }
0x65d: {  	s12 =	simm.s32 $0xCE00  }
0x65e: {  	[tilespmem:s12], [sflag:$0x1] =	stream.indirect.gather [hbm4b:s0+s7], $0x1, s1, s7, $0xb8;
	[tilespmem:$0x16C80] =	vst v63  }
0x65f: {  	s12 =	simm.s32 $0xCE80  }
0x660: {  	[tilespmem:s12], [sflag:$0x1] =	stream.indirect.gather [hbm4b:s18+s7], $0x1, s1, s7, $0xb8;
	[tilespmem:$0x16C80] =	vst v63  }
0x661: {  	s12 =	simm.s32 $0xCF00  }
0x662: {  	[tilespmem:s12], [sflag:$0x1] =	stream.indirect.gather [hbm4b:s19+s7], $0x1, s1, s7, $0xb8;
	[tilespmem:$0x16C80] =	vst v63  }
0x663: {  	s12 =	simm.s32 $0xCF80  }
0x664: {  	[tilespmem:s12], [sflag:$0x1] =	stream.indirect.gather [hbm4b:s10+s7], $0x1, s1, s7, $0xb8;
	[tilespmem:$0x16C80] =	vst v63  }
0x665: {  	s1 =	simm.s32 $0x8180;
	s12 =	simm.s32 $0xB000  }
0x666: {  	[tilespmem:s12], [sflag:$0x1] =	stream.indirect.gather [hbm4b:s26+s7], $0x1, s1, s7, $0xb8;
	[tilespmem:$0x16C80] =	vst v63  }
0x667: {  	s12 =	simm.s32 $0xB080  }
0x668: {  	[tilespmem:s12], [sflag:$0x1] =	stream.indirect.gather [hbm4b:s20+s7], $0x1, s1, s7, $0xb8;
	[tilespmem:$0x16C80] =	vst v63  }
0x669: {  	s12 =	simm.s32 $0xB100  }
0x66a: {  	[tilespmem:s12], [sflag:$0x1] =	stream.indirect.gather [hbm4b:s21+s7], $0x1, s1, s7, $0xb8;
	[tilespmem:$0x16C80] =	vst v63  }
0x66b: {  	s12 =	simm.s32 $0xB180  }
0x66c: {  	[tilespmem:s12], [sflag:$0x1] =	stream.indirect.gather [hbm4b:s22+s7], $0x1, s1, s7, $0xb8;
	[tilespmem:$0x16C80] =	vst v63  }
0x66d: {  	s12 =	simm.s32 $0xB200  }
0x66e: {  	[tilespmem:s12], [sflag:$0x1] =	stream.indirect.gather [hbm4b:s23+s7], $0x1, s1, s7, $0xb8;
	[tilespmem:$0x16C80] =	vst v63  }
0x66f: {  	s12 =	simm.s32 $0xB280  }
0x670: {  	[tilespmem:s12], [sflag:$0x1] =	stream.indirect.gather [hbm4b:s24+s7], $0x1, s1, s7, $0xb8;
	[tilespmem:$0x16C80] =	vst v63  }
0x671: {  	s12 =	simm.s32 $0xB300  }
0x672: {  	[tilespmem:s12], [sflag:$0x1] =	stream.indirect.gather [hbm4b:s25+s7], $0x1, s1, s7, $0xb8;
	[tilespmem:$0x16C80] =	vst v63  }
0x673: {  	s12 =	simm.s32 $0xB380  }
0x674: {  	[tilespmem:s12], [sflag:$0x1] =	stream.indirect.gather [hbm4b:s29+s7], $0x1, s1, s7, $0xb8;
	[tilespmem:$0x16C80] =	vst v63  }
0x675: {  	s12 =	simm.s32 $0xD000  }
0x676: {  	[tilespmem:s12], [sflag:$0x1] =	stream.indirect.gather [hbm4b:s6+s7], $0x1, s1, s7, $0xb8;
	[tilespmem:$0x16C80] =	vst v63  }
0x677: {  	s12 =	simm.s32 $0xD080  }
0x678: {  	[tilespmem:s12], [sflag:$0x1] =	stream.indirect.gather [hbm4b:s28+s7], $0x1, s1, s7, $0xb8;
	[tilespmem:$0x16C80] =	vst v63  }
0x679: {  	s12 =	simm.s32 $0xD100  }
0x67a: {  	[tilespmem:s12], [sflag:$0x1] =	stream.indirect.gather [hbm4b:s30+s7], $0x1, s1, s7, $0xb8;
	[tilespmem:$0x16C80] =	vst v63  }
0x67b: {  	s12 =	simm.s32 $0xD180  }
0x67c: {  	[tilespmem:s12], [sflag:$0x1] =	stream.indirect.gather [hbm4b:s31+s7], $0x1, s1, s7, $0xb8;
	[tilespmem:$0x16C80] =	vst v63  }
0x67d: {  	s12 =	simm.s32 $0xD200  }
0x67e: {  	[tilespmem:s12], [sflag:$0x1] =	stream.indirect.gather [hbm4b:s0+s7], $0x1, s1, s7, $0xb8;
	[tilespmem:$0x16C80] =	vst v63  }
0x67f: {  	s12 =	simm.s32 $0xD280  }
0x680: {  	[tilespmem:s12], [sflag:$0x1] =	stream.indirect.gather [hbm4b:s18+s7], $0x1, s1, s7, $0xb8;
	[tilespmem:$0x16C80] =	vst v63  }
0x681: {  	s12 =	simm.s32 $0xD300  }
0x682: {  	[tilespmem:s12], [sflag:$0x1] =	stream.indirect.gather [hbm4b:s19+s7], $0x1, s1, s7, $0xb8;
	[tilespmem:$0x16C80] =	vst v63  }
0x683: {  	s12 =	simm.s32 $0xD380  }
0x684: {  	[tilespmem:s12], [sflag:$0x1] =	stream.indirect.gather [hbm4b:s10+s7], $0x1, s1, s7, $0xb8;
	[tilespmem:$0x16C80] =	vst v63  }
0x685: {  	s12 =	simm.s32 $0xB400  }
0x686: {  	[tilespmem:s12], [sflag:$0x1] =	stream.indirect.gather [hbm4b:s26+s7], $0x1, s13, s7, $0xb8;
	[tilespmem:$0x16C80] =	vst v63  }
0x687: {  	s12 =	simm.s32 $0xB480  }
0x688: {  	[tilespmem:s12], [sflag:$0x1] =	stream.indirect.gather [hbm4b:s20+s7], $0x1, s13, s7, $0xb8;
	[tilespmem:$0x16C80] =	vst v63  }
0x689: {  	s12 =	simm.s32 $0xB500  }
0x68a: {  	[tilespmem:s12], [sflag:$0x1] =	stream.indirect.gather [hbm4b:s21+s7], $0x1, s13, s7, $0xb8;
	[tilespmem:$0x16C80] =	vst v63  }
0x68b: {  	s12 =	simm.s32 $0xB580  }
0x68c: {  	[tilespmem:s12], [sflag:$0x1] =	stream.indirect.gather [hbm4b:s22+s7], $0x1, s13, s7, $0xb8;
	[tilespmem:$0x16C80] =	vst v63  }
0x68d: {  	s12 =	simm.s32 $0xB600  }
0x68e: {  	[tilespmem:s12], [sflag:$0x1] =	stream.indirect.gather [hbm4b:s23+s7], $0x1, s13, s7, $0xb8;
	[tilespmem:$0x16C80] =	vst v63  }
0x68f: {  	s12 =	simm.s32 $0xB680  }
0x690: {  	[tilespmem:s12], [sflag:$0x1] =	stream.indirect.gather [hbm4b:s24+s7], $0x1, s13, s7, $0xb8;
	[tilespmem:$0x16C80] =	vst v63  }
0x691: {  	s12 =	simm.s32 $0xB700  }
0x692: {  	[tilespmem:s12], [sflag:$0x1] =	stream.indirect.gather [hbm4b:s25+s7], $0x1, s13, s7, $0xb8;
	[tilespmem:$0x16C80] =	vst v63  }
0x693: {  	s12 =	simm.s32 $0xB780  }
0x694: {  	[tilespmem:s12], [sflag:$0x1] =	stream.indirect.gather [hbm4b:s29+s7], $0x1, s13, s7, $0xb8;
	[tilespmem:$0x16C80] =	vst v63  }
0x695: {  	s12 =	simm.s32 $0xD400  }
0x696: {  	[tilespmem:s12], [sflag:$0x1] =	stream.indirect.gather [hbm4b:s6+s7], $0x1, s13, s7, $0xb8;
	[tilespmem:$0x16C80] =	vst v63  }
0x697: {  	s12 =	simm.s32 $0xD480  }
0x698: {  	[tilespmem:s12], [sflag:$0x1] =	stream.indirect.gather [hbm4b:s28+s7], $0x1, s13, s7, $0xb8;
	[tilespmem:$0x16C80] =	vst v63  }
0x699: {  	s12 =	simm.s32 $0xD500  }
0x69a: {  	[tilespmem:s12], [sflag:$0x1] =	stream.indirect.gather [hbm4b:s30+s7], $0x1, s13, s7, $0xb8;
	[tilespmem:$0x16C80] =	vst v63  }
0x69b: {  	s12 =	simm.s32 $0xD580  }
0x69c: {  	[tilespmem:s12], [sflag:$0x1] =	stream.indirect.gather [hbm4b:s31+s7], $0x1, s13, s7, $0xb8;
	[tilespmem:$0x16C80] =	vst v63  }
0x69d: {  	s12 =	simm.s32 $0xD600  }
0x69e: {  	[tilespmem:s12], [sflag:$0x1] =	stream.indirect.gather [hbm4b:s0+s7], $0x1, s13, s7, $0xb8;
	[tilespmem:$0x16C80] =	vst v63  }
0x69f: {  	s12 =	simm.s32 $0xD680  }
0x6a0: {  	[tilespmem:s12], [sflag:$0x1] =	stream.indirect.gather [hbm4b:s18+s7], $0x1, s13, s7, $0xb8;
	[tilespmem:$0x16C80] =	vst v63  }
0x6a1: {  	s12 =	simm.s32 $0xD700  }
0x6a2: {  	[tilespmem:s12], [sflag:$0x1] =	stream.indirect.gather [hbm4b:s19+s7], $0x1, s13, s7, $0xb8;
	[tilespmem:$0x16C80] =	vst v63  }
0x6a3: {  	s12 =	simm.s32 $0xD780  }
0x6a4: {  	[tilespmem:s12], [sflag:$0x1] =	stream.indirect.gather [hbm4b:s10+s7], $0x1, s13, s7, $0xb8;
	[tilespmem:$0x16C80] =	vst v63  }
0x6a5: {  	s12 =	simm.s32 $0xB800  }
0x6a6: {  	[tilespmem:s12], [sflag:$0x1] =	stream.indirect.gather [hbm4b:s26+s7], $0x1, s15, s7, $0xb8;
	[tilespmem:$0x16C80] =	vst v63  }
0x6a7: {  	s12 =	simm.s32 $0xB880  }
0x6a8: {  	[tilespmem:s12], [sflag:$0x1] =	stream.indirect.gather [hbm4b:s20+s7], $0x1, s15, s7, $0xb8;
	[tilespmem:$0x16C80] =	vst v63  }
0x6a9: {  	s12 =	simm.s32 $0xB900  }
0x6aa: {  	[tilespmem:s12], [sflag:$0x1] =	stream.indirect.gather [hbm4b:s21+s7], $0x1, s15, s7, $0xb8;
	[tilespmem:$0x16C80] =	vst v63  }
0x6ab: {  	s12 =	simm.s32 $0xB980  }
0x6ac: {  	[tilespmem:s12], [sflag:$0x1] =	stream.indirect.gather [hbm4b:s22+s7], $0x1, s15, s7, $0xb8;
	[tilespmem:$0x16C80] =	vst v63  }
0x6ad: {  	s12 =	simm.s32 $0xBA00  }
0x6ae: {  	[tilespmem:s12], [sflag:$0x1] =	stream.indirect.gather [hbm4b:s23+s7], $0x1, s15, s7, $0xb8;
	[tilespmem:$0x16C80] =	vst v63  }
0x6af: {  	s12 =	simm.s32 $0xBA80  }
0x6b0: {  	[tilespmem:s12], [sflag:$0x1] =	stream.indirect.gather [hbm4b:s24+s7], $0x1, s15, s7, $0xb8;
	[tilespmem:$0x16C80] =	vst v63  }
0x6b1: {  	s12 =	simm.s32 $0xBB00  }
0x6b2: {  	[tilespmem:s12], [sflag:$0x1] =	stream.indirect.gather [hbm4b:s25+s7], $0x1, s15, s7, $0xb8;
	[tilespmem:$0x16C80] =	vst v63  }
0x6b3: {  	s12 =	simm.s32 $0xBB80  }
0x6b4: {  	[tilespmem:s12], [sflag:$0x1] =	stream.indirect.gather [hbm4b:s29+s7], $0x1, s15, s7, $0xb8;
	[tilespmem:$0x16C80] =	vst v63  }
0x6b5: {  	s12 =	simm.s32 $0xD800  }
0x6b6: {  	[tilespmem:s12], [sflag:$0x1] =	stream.indirect.gather [hbm4b:s6+s7], $0x1, s15, s7, $0xb8;
	[tilespmem:$0x16C80] =	vst v63  }
0x6b7: {  	s12 =	simm.s32 $0xD880  }
0x6b8: {  	[tilespmem:s12], [sflag:$0x1] =	stream.indirect.gather [hbm4b:s28+s7], $0x1, s15, s7, $0xb8;
	[tilespmem:$0x16C80] =	vst v63  }
0x6b9: {  	s12 =	simm.s32 $0xD900  }
0x6ba: {  	[tilespmem:s12], [sflag:$0x1] =	stream.indirect.gather [hbm4b:s30+s7], $0x1, s15, s7, $0xb8;
	[tilespmem:$0x16C80] =	vst v63  }
0x6bb: {  	s12 =	simm.s32 $0xD980  }
0x6bc: {  	[tilespmem:s12], [sflag:$0x1] =	stream.indirect.gather [hbm4b:s31+s7], $0x1, s15, s7, $0xb8;
	[tilespmem:$0x16C80] =	vst v63  }
0x6bd: {  	s12 =	simm.s32 $0xDA00  }
0x6be: {  	[tilespmem:s12], [sflag:$0x1] =	stream.indirect.gather [hbm4b:s0+s7], $0x1, s15, s7, $0xb8;
	[tilespmem:$0x16C80] =	vst v63  }
0x6bf: {  	s12 =	simm.s32 $0xDA80  }
0x6c0: {  	[tilespmem:s12], [sflag:$0x1] =	stream.indirect.gather [hbm4b:s18+s7], $0x1, s15, s7, $0xb8;
	[tilespmem:$0x16C80] =	vst v63  }
0x6c1: {  	s12 =	simm.s32 $0xDB00  }
0x6c2: {  	[tilespmem:s12], [sflag:$0x1] =	stream.indirect.gather [hbm4b:s19+s7], $0x1, s15, s7, $0xb8;
	[tilespmem:$0x16C80] =	vst v63  }
0x6c3: {  	s12 =	simm.s32 $0xDB80  }
0x6c4: {  	[tilespmem:s12], [sflag:$0x1] =	stream.indirect.gather [hbm4b:s10+s7], $0x1, s15, s7, $0xb8;
	[tilespmem:$0x16C80] =	vst v63  }
0x6c5: {  	s12 =	simm.s32 $0xBC00  }
0x6c6: {  	[tilespmem:s12], [sflag:$0x1] =	stream.indirect.gather [hbm4b:s26+s7], $0x1, s17, s7, $0xb8;
	[tilespmem:$0x16C80] =	vst v63  }
0x6c7: {  	s12 =	simm.s32 $0xBC80  }
0x6c8: {  	[tilespmem:s12], [sflag:$0x1] =	stream.indirect.gather [hbm4b:s20+s7], $0x1, s17, s7, $0xb8;
	[tilespmem:$0x16C80] =	vst v63  }
0x6c9: {  	s12 =	simm.s32 $0xBD00  }
0x6ca: {  	[tilespmem:s12], [sflag:$0x1] =	stream.indirect.gather [hbm4b:s21+s7], $0x1, s17, s7, $0xb8;
	[tilespmem:$0x16C80] =	vst v63  }
0x6cb: {  	s12 =	simm.s32 $0xBD80  }
0x6cc: {  	[tilespmem:s12], [sflag:$0x1] =	stream.indirect.gather [hbm4b:s22+s7], $0x1, s17, s7, $0xb8;
	[tilespmem:$0x16C80] =	vst v63  }
0x6cd: {  	s12 =	simm.s32 $0xBE00  }
0x6ce: {  	[tilespmem:s12], [sflag:$0x1] =	stream.indirect.gather [hbm4b:s23+s7], $0x1, s17, s7, $0xb8;
	[tilespmem:$0x16C80] =	vst v63  }
0x6cf: {  	s12 =	simm.s32 $0xBE80  }
0x6d0: {  	[tilespmem:s12], [sflag:$0x1] =	stream.indirect.gather [hbm4b:s24+s7], $0x1, s17, s7, $0xb8;
	[tilespmem:$0x16C80] =	vst v63  }
0x6d1: {  	s12 =	simm.s32 $0xBF00  }
0x6d2: {  	[tilespmem:s12], [sflag:$0x1] =	stream.indirect.gather [hbm4b:s25+s7], $0x1, s17, s7, $0xb8;
	[tilespmem:$0x16C80] =	vst v63  }
0x6d3: {  	s12 =	simm.s32 $0xBF80  }
0x6d4: {  	[tilespmem:s12], [sflag:$0x1] =	stream.indirect.gather [hbm4b:s29+s7], $0x1, s17, s7, $0xb8;
	[tilespmem:$0x16C80] =	vst v63  }
0x6d5: {  	s12 =	simm.s32 $0xDC00  }
0x6d6: {  	[tilespmem:s12], [sflag:$0x1] =	stream.indirect.gather [hbm4b:s6+s7], $0x1, s17, s7, $0xb8;
	[tilespmem:$0x16C80] =	vst v63  }
0x6d7: {  	s12 =	simm.s32 $0xDC80  }
0x6d8: {  	[tilespmem:s12], [sflag:$0x1] =	stream.indirect.gather [hbm4b:s28+s7], $0x1, s17, s7, $0xb8;
	[tilespmem:$0x16C80] =	vst v63  }
0x6d9: {  	s12 =	simm.s32 $0xDD00  }
0x6da: {  	[tilespmem:s12], [sflag:$0x1] =	stream.indirect.gather [hbm4b:s30+s7], $0x1, s17, s7, $0xb8;
	[tilespmem:$0x16C80] =	vst v63  }
0x6db: {  	s12 =	simm.s32 $0xDD80  }
0x6dc: {  	[tilespmem:s12], [sflag:$0x1] =	stream.indirect.gather [hbm4b:s31+s7], $0x1, s17, s7, $0xb8;
	[tilespmem:$0x16C80] =	vst v63  }
0x6dd: {  	s12 =	simm.s32 $0xDE00  }
0x6de: {  	[tilespmem:s12], [sflag:$0x1] =	stream.indirect.gather [hbm4b:s0+s7], $0x1, s17, s7, $0xb8;
	[tilespmem:$0x16C80] =	vst v63  }
0x6df: {  	s12 =	simm.s32 $0xDE80  }
0x6e0: {  	[tilespmem:s12], [sflag:$0x1] =	stream.indirect.gather [hbm4b:s18+s7], $0x1, s17, s7, $0xb8;
	[tilespmem:$0x16C80] =	vst v63  }
0x6e1: {  	s12 =	simm.s32 $0xDF00  }
0x6e2: {  	[tilespmem:s12], [sflag:$0x1] =	stream.indirect.gather [hbm4b:s19+s7], $0x1, s17, s7, $0xb8;
	[tilespmem:$0x16C80] =	vst v63  }
0x6e3: {  	s12 =	simm.s32 $0xDF80  }
0x6e4: {  	[tilespmem:s12], [sflag:$0x1] =	stream.indirect.gather [hbm4b:s10+s7], $0x1, s17, s7, $0xb8;
	[tilespmem:$0x16C80] =	vst v63  }
0x6e5: {  	s12 =	simm.s32 $0xC000  }
0x6e6: {  	[tilespmem:s12], [sflag:$0x1] =	stream.indirect.gather [hbm4b:s26+s7], $0x1, s11, s7, $0xb8;
	[tilespmem:$0x16C80] =	vst v63  }
0x6e7: {  	s12 =	simm.s32 $0xC080  }
0x6e8: {  	[tilespmem:s12], [sflag:$0x1] =	stream.indirect.gather [hbm4b:s20+s7], $0x1, s11, s7, $0xb8;
	[tilespmem:$0x16C80] =	vst v63  }
0x6e9: {  	s20 =	simm.s32 $0xC100  }
0x6ea: {  	[tilespmem:s20], [sflag:$0x1] =	stream.indirect.gather [hbm4b:s21+s7], $0x1, s11, s7, $0xb8;
	[tilespmem:$0x16C80] =	vst v63  }
0x6eb: {  	s26 =	simm.s32 $0xC180  }
0x6ec: {  	[tilespmem:s26], [sflag:$0x1] =	stream.indirect.gather [hbm4b:s22+s7], $0x1, s11, s7, $0xb8;
	[tilespmem:$0x16C80] =	vst v63  }
0x6ed: {  	s12 =	simm.s32 $0xC200  }
0x6ee: {  	[tilespmem:s12], [sflag:$0x1] =	stream.indirect.gather [hbm4b:s23+s7], $0x1, s11, s7, $0xb8;
	[tilespmem:$0x16C80] =	vst v63  }
0x6ef: {  	s20 =	simm.s32 $0xC280  }
0x6f0: {  	[tilespmem:s20], [sflag:$0x1] =	stream.indirect.gather [hbm4b:s24+s7], $0x1, s11, s7, $0xb8;
	[tilespmem:$0x16C80] =	vst v63  }
0x6f1: {  	s21 =	simm.s32 $0xC300  }
0x6f2: {  	[tilespmem:s21], [sflag:$0x1] =	stream.indirect.gather [hbm4b:s25+s7], $0x1, s11, s7, $0xb8;
	[tilespmem:$0x16C80] =	vst v63  }
0x6f3: {  	s22 =	simm.s32 $0xC380  }
0x6f4: {  	[tilespmem:s22], [sflag:$0x1] =	stream.indirect.gather [hbm4b:s29+s7], $0x1, s11, s7, $0xb8;
	[tilespmem:$0x16C80] =	vst v63  }
0x6f5: {  	s23 =	simm.s32 $0xE000  }
0x6f6: {  	[tilespmem:s23], [sflag:$0x1] =	stream.indirect.gather [hbm4b:s6+s7], $0x1, s11, s7, $0xb8;
	[tilespmem:$0x16C80] =	vst v63  }
0x6f7: {  	s24 =	simm.s32 $0xE080  }
0x6f8: {  	[tilespmem:s24], [sflag:$0x1] =	stream.indirect.gather [hbm4b:s28+s7], $0x1, s11, s7, $0xb8;
	[tilespmem:$0x16C80] =	vst v63  }
0x6f9: {  	s25 =	simm.s32 $0xE100  }
0x6fa: {  	[tilespmem:s25], [sflag:$0x1] =	stream.indirect.gather [hbm4b:s30+s7], $0x1, s11, s7, $0xb8;
	[tilespmem:$0x16C80] =	vst v63  }
0x6fb: {  	s26 =	simm.s32 $0xE180  }
0x6fc: {  	[tilespmem:s26], [sflag:$0x1] =	stream.indirect.gather [hbm4b:s31+s7], $0x1, s11, s7, $0xb8;
	[tilespmem:$0x16C80] =	vst v63  }
0x6fd: {  	s28 =	simm.s32 $0xE200  }
0x6fe: {  	[tilespmem:s28], [sflag:$0x1] =	stream.indirect.gather [hbm4b:s0+s7], $0x1, s11, s7, $0xb8;
	[tilespmem:$0x16C80] =	vst v63  }
0x6ff: {  	s29 =	simm.s32 $0xE280  }
0x700: {  	[tilespmem:s29], [sflag:$0x1] =	stream.indirect.gather [hbm4b:s18+s7], $0x1, s11, s7, $0xb8;
	[tilespmem:$0x16C80] =	vst v63  }
0x701: {  	s30 =	simm.s32 $0xE300  }
0x702: {  	[tilespmem:s30], [sflag:$0x1] =	stream.indirect.gather [hbm4b:s19+s7], $0x1, s11, s7, $0xb8;
	[tilespmem:$0x16C80] =	vst v63  }
0x703: {  	s6 =	simm.s32 $0x0;
	s31 =	simm.s32 $0xE380  }
0x704: {  	[tilespmem:s31], [sflag:$0x1] =	stream.indirect.gather [hbm4b:s10+s7], $0x1, s11, s7, $0xb8;
	[tilespmem:$0x16C80] =	vst v63  }
.LBB2_28:
0x705: {  	s20 =	sor.u32 $0x4, s6  }
0x706: {  	s21 =	sshll.u32 s20, $0xA  }
0x707: {  	s21 =	sand.u32 $0x3FFFFC00, s21  }
0x708: {  	s22 =	sadd.s32 $0x8400, s21  }
0x709: {  	s21 =	simm.s32 $0xF080;
	v0 =	vmov s22;
	s22 =	simm.s32 $0x0  }
.LBB2_29:
0x70a: {  	_ =	sdelay $0x1  }
0x70b: {  	s23 =	sshll.u32 s22, $0x7  }
0x70c: {  	s23 =	sand.u32 $0x3FFFFF80, s23  }
0x70d: {  	v1 =	vld.idx.msk [tilespmem:v0+s23+$0x0 ss:$0x1], $0xffff;
	_ =	sdelay $0x3  }
0x70e: {  	s29 =	simm.s32 $0x0  }
0x70f: {  	v2 =	vadd.s32 s29, v1;
	_ =	sdelay $0x4  }
0x710: {  	s30 =	simm.s32 $0x80;
	v2 =	vld.idx.msk [tilespmem:v2+s2+$0x0], $0xffff  }
0x711: {  	v3 =	vadd.s32 s30, v1;
	_ =	sdelay $0x3  }
0x712: {  	[tilespmem:s21+$0xFFFFFC00] =	vst v2  }
0x713: {  	s31 =	simm.s32 $0x100;
	v2 =	vld.idx.msk [tilespmem:v3+s2+$0x0], $0xffff  }
0x714: {  	v3 =	vadd.s32 s31, v1;
	_ =	sdelay $0x3  }
0x715: {  	[tilespmem:s21+$0xFFFFFC80] =	vst v2  }
0x716: {  	s0 =	simm.s32 $0x180;
	v2 =	vld.idx.msk [tilespmem:v3+s2+$0x0], $0xffff  }
0x717: {  	v3 =	vadd.s32 s0, v1;
	_ =	sdelay $0x3  }
0x718: {  	[tilespmem:s21+$0xFFFFFD00] =	vst v2  }
0x719: {  	s1 =	simm.s32 $0x200;
	v2 =	vld.idx.msk [tilespmem:v3+s2+$0x0], $0xffff  }
0x71a: {  	v3 =	vadd.s32 s1, v1;
	_ =	sdelay $0x3  }
0x71b: {  	[tilespmem:s21+$0xFFFFFD80] =	vst v2  }
0x71c: {  	s10 =	simm.s32 $0x280;
	v2 =	vld.idx.msk [tilespmem:v3+s2+$0x0], $0xffff  }
0x71d: {  	v3 =	vadd.s32 s10, v1;
	_ =	sdelay $0x3  }
0x71e: {  	[tilespmem:s21+$0xFFFFFE00] =	vst v2  }
0x71f: {  	s12 =	simm.s32 $0x300;
	v2 =	vld.idx.msk [tilespmem:v3+s2+$0x0], $0xffff  }
0x720: {  	v3 =	vadd.s32 s12, v1;
	_ =	sdelay $0x3  }
0x721: {  	[tilespmem:s21+$0xFFFFFE80] =	vst v2  }
0x722: {  	s18 =	simm.s32 $0x380;
	v2 =	vld.idx.msk [tilespmem:v3+s2+$0x0], $0xffff  }
0x723: {  	v3 =	vadd.s32 s18, v1;
	_ =	sdelay $0x3  }
0x724: {  	[tilespmem:s21+$0xFFFFFF00] =	vst v2  }
0x725: {  	s19 =	simm.s32 $0x400;
	v2 =	vld.idx.msk [tilespmem:v3+s2+$0x0], $0xffff  }
0x726: {  	v3 =	vadd.s32 s19, v1;
	_ =	sdelay $0x3  }
0x727: {  	[tilespmem:s21+$0xFFFFFF80] =	vst v2  }
0x728: {  	s24 =	simm.s32 $0x480;
	v2 =	vld.idx.msk [tilespmem:v3+s2+$0x0], $0xffff  }
0x729: {  	v3 =	vadd.s32 s24, v1;
	_ =	sdelay $0x3  }
0x72a: {  	[tilespmem:s21+$0x0] =	vst v2  }
0x72b: {  	s25 =	simm.s32 $0x500;
	v2 =	vld.idx.msk [tilespmem:v3+s2+$0x0], $0xffff  }
0x72c: {  	v3 =	vadd.s32 s25, v1;
	_ =	sdelay $0x3  }
0x72d: {  	[tilespmem:s21+$0x80] =	vst v2  }
0x72e: {  	s26 =	simm.s32 $0x580;
	v2 =	vld.idx.msk [tilespmem:v3+s2+$0x0], $0xffff  }
0x72f: {  	v3 =	vadd.s32 s26, v1;
	_ =	sdelay $0x3  }
0x730: {  	[tilespmem:s21+$0x100] =	vst v2  }
0x731: {  	s28 =	simm.s32 $0x600;
	v2 =	vld.idx.msk [tilespmem:v3+s2+$0x0], $0xffff  }
0x732: {  	v3 =	vadd.s32 s28, v1;
	_ =	sdelay $0x3  }
0x733: {  	[tilespmem:s21+$0x180] =	vst v2  }
0x734: {  	s29 =	simm.s32 $0x680;
	v2 =	vld.idx.msk [tilespmem:v3+s2+$0x0], $0xffff  }
0x735: {  	v3 =	vadd.s32 s29, v1;
	_ =	sdelay $0x3  }
0x736: {  	[tilespmem:s21+$0x200] =	vst v2  }
0x737: {  	s30 =	simm.s32 $0x700;
	v2 =	vld.idx.msk [tilespmem:v3+s2+$0x0], $0xffff  }
0x738: {  	v3 =	vadd.s32 s30, v1;
	_ =	sdelay $0x3  }
0x739: {  	[tilespmem:s21+$0x280] =	vst v2  }
0x73a: {  	s31 =	simm.s32 $0x780;
	v2 =	vld.idx.msk [tilespmem:v3+s2+$0x0], $0xffff  }
0x73b: {  	v3 =	vadd.s32 s31, v1;
	_ =	sdelay $0x3  }
0x73c: {  	[tilespmem:s21+$0x300] =	vst v2  }
0x73d: {  	s23 =	simm.s32 $0xF80;
	s24 =	smov.u32 s21;
	s25 =	simm.s32 $0x2F;
	v2 =	vld.idx.msk [tilespmem:v3+s2+$0x0], $0xffff  }
.LBB2_30:
0x73e: {  	p1 =	sne.s32 s25, $0xFF;
	s26 =	sadd.s32 $0xFFFFF880, s23  }
0x73f: {  	v3 =	vadd.s32 s26, v1;
	_ =	sdelay $0x3  }
0x740: {  	[tilespmem:s24+$0x380] =	vst v2  }
0x741: {  	v2 =	vld.idx.msk [tilespmem:v3+s2+$0x0], $0xffff  }
0x742: {  	s26 =	sadd.s32 $0xFFFFF900, s23  }
0x743: {  	v3 =	vadd.s32 s26, v1;
	_ =	sdelay $0x2  }
0x744: {  	s24 =	sadd.s32 $0x800, s24  }
0x745: {  	[tilespmem:s24+$0xFFFFFC00] =	vst v2  }
0x746: {  	v2 =	vld.idx.msk [tilespmem:v3+s2+$0x0], $0xffff  }
0x747: {  	s26 =	sadd.s32 $0xFFFFF980, s23  }
0x748: {  	v3 =	vadd.s32 s26, v1;
	_ =	sdelay $0x3  }
0x749: {  	[tilespmem:s24+$0xFFFFFC80] =	vst v2  }
0x74a: {  	v2 =	vld.idx.msk [tilespmem:v3+s2+$0x0], $0xffff  }
0x74b: {  	s26 =	sadd.s32 $0xFFFFFA00, s23  }
0x74c: {  	v3 =	vadd.s32 s26, v1;
	_ =	sdelay $0x3  }
0x74d: {  	[tilespmem:s24+$0xFFFFFD00] =	vst v2  }
0x74e: {  	v2 =	vld.idx.msk [tilespmem:v3+s2+$0x0], $0xffff  }
0x74f: {  	s26 =	sadd.s32 $0xFFFFFA80, s23  }
0x750: {  	v3 =	vadd.s32 s26, v1;
	_ =	sdelay $0x3  }
0x751: {  	[tilespmem:s24+$0xFFFFFD80] =	vst v2  }
0x752: {  	v2 =	vld.idx.msk [tilespmem:v3+s2+$0x0], $0xffff  }
0x753: {  	s26 =	sadd.s32 $0xFFFFFB00, s23  }
0x754: {  	v3 =	vadd.s32 s26, v1;
	_ =	sdelay $0x3  }
0x755: {  	[tilespmem:s24+$0xFFFFFE00] =	vst v2  }
0x756: {  	v2 =	vld.idx.msk [tilespmem:v3+s2+$0x0], $0xffff  }
0x757: {  	s26 =	sadd.s32 $0xFFFFFB80, s23  }
0x758: {  	v3 =	vadd.s32 s26, v1;
	_ =	sdelay $0x3  }
0x759: {  	[tilespmem:s24+$0xFFFFFE80] =	vst v2  }
0x75a: {  	v2 =	vld.idx.msk [tilespmem:v3+s2+$0x0], $0xffff  }
0x75b: {  	s26 =	sadd.s32 $0xFFFFFC00, s23  }
0x75c: {  	v3 =	vadd.s32 s26, v1;
	_ =	sdelay $0x3  }
0x75d: {  	[tilespmem:s24+$0xFFFFFF00] =	vst v2  }
0x75e: {  	v2 =	vld.idx.msk [tilespmem:v3+s2+$0x0], $0xffff  }
0x75f: {  	s26 =	sadd.s32 $0xFFFFFC80, s23  }
0x760: {  	v3 =	vadd.s32 s26, v1;
	_ =	sdelay $0x3  }
0x761: {  	[tilespmem:s24+$0xFFFFFF80] =	vst v2  }
0x762: {  	v2 =	vld.idx.msk [tilespmem:v3+s2+$0x0], $0xffff  }
0x763: {  	s26 =	sadd.s32 $0xFFFFFD00, s23  }
0x764: {  	v3 =	vadd.s32 s26, v1;
	_ =	sdelay $0x3  }
0x765: {  	[tilespmem:s24+$0x0] =	vst v2  }
0x766: {  	v2 =	vld.idx.msk [tilespmem:v3+s2+$0x0], $0xffff  }
0x767: {  	s26 =	sadd.s32 $0xFFFFFD80, s23  }
0x768: {  	v3 =	vadd.s32 s26, v1;
	_ =	sdelay $0x3  }
0x769: {  	[tilespmem:s24+$0x80] =	vst v2  }
0x76a: {  	v2 =	vld.idx.msk [tilespmem:v3+s2+$0x0], $0xffff  }
0x76b: {  	s26 =	sadd.s32 $0xFFFFFE00, s23  }
0x76c: {  	v3 =	vadd.s32 s26, v1;
	_ =	sdelay $0x3  }
0x76d: {  	[tilespmem:s24+$0x100] =	vst v2  }
0x76e: {  	v2 =	vld.idx.msk [tilespmem:v3+s2+$0x0], $0xffff  }
0x76f: {  	s26 =	sadd.s32 $0xFFFFFE80, s23  }
0x770: {  	v3 =	vadd.s32 s26, v1;
	_ =	sdelay $0x3  }
0x771: {  	[tilespmem:s24+$0x180] =	vst v2  }
0x772: {  	v2 =	vld.idx.msk [tilespmem:v3+s2+$0x0], $0xffff  }
0x773: {  	s26 =	sadd.s32 $0xFFFFFF00, s23  }
0x774: {  	v3 =	vadd.s32 s26, v1;
	_ =	sdelay $0x3  }
0x775: {  	[tilespmem:s24+$0x200] =	vst v2  }
0x776: {  	v2 =	vld.idx.msk [tilespmem:v3+s2+$0x0], $0xffff  }
0x777: {  	s26 =	sadd.s32 $0xFFFFFF80, s23  }
0x778: {  	v3 =	vadd.s32 s26, v1;
	_ =	sdelay $0x3  }
0x779: {  	[tilespmem:s24+$0x280] =	vst v2  }
0x77a: {  	v2 =	vld.idx.msk [tilespmem:v3+s2+$0x0], $0xffff;
	_ =	sdelay $0x1  }
0x77b: {  	v3 =	vadd.s32 s23, v1  }
.Ltmp15:
0x77c: {  	(pc) =	sbr.rel @p1 .LBB2_30-.Ltmp15, $3  }
0x77d: {  	_ =	sdelay $0x1  }
0x77e: {  	[tilespmem:s24+$0x300] =	vst v2  }
0x77f: {  	s23 =	sshll.u32 s25, $0x7;
	s25 =	sadd.s32 $0x10, s25;
	v2 =	vld.idx.msk [tilespmem:v3+s2+$0x0], $0xffff  }
0x780: {  	s25 =	sadd.s32 $0xFFFFF880, s23  }
0x781: {  	v3 =	vadd.s32 s25, v1;
	_ =	sdelay $0x3  }
0x782: {  	[tilespmem:s24+$0x380] =	vst v2  }
0x783: {  	s29 =	sadd.s32 $0xFFFFF900, s23;
	v2 =	vld.idx.msk [tilespmem:v3+s2+$0x0], $0xffff  }
0x784: {  	v3 =	vadd.s32 s29, v1;
	_ =	sdelay $0x2  }
0x785: {  	s24 =	sadd.s32 $0x800, s24  }
0x786: {  	[tilespmem:s24+$0xFFFFFC00] =	vst v2  }
0x787: {  	s30 =	sadd.s32 $0xFFFFF980, s23;
	v2 =	vld.idx.msk [tilespmem:v3+s2+$0x0], $0xffff  }
0x788: {  	v3 =	vadd.s32 s30, v1;
	_ =	sdelay $0x3  }
0x789: {  	[tilespmem:s24+$0xFFFFFC80] =	vst v2  }
0x78a: {  	s31 =	sadd.s32 $0xFFFFFA00, s23;
	v2 =	vld.idx.msk [tilespmem:v3+s2+$0x0], $0xffff  }
0x78b: {  	v3 =	vadd.s32 s31, v1;
	_ =	sdelay $0x3  }
0x78c: {  	[tilespmem:s24+$0xFFFFFD00] =	vst v2  }
0x78d: {  	s0 =	sadd.s32 $0xFFFFFA80, s23;
	v2 =	vld.idx.msk [tilespmem:v3+s2+$0x0], $0xffff  }
0x78e: {  	v3 =	vadd.s32 s0, v1;
	_ =	sdelay $0x3  }
0x78f: {  	[tilespmem:s24+$0xFFFFFD80] =	vst v2  }
0x790: {  	s1 =	sadd.s32 $0xFFFFFB00, s23;
	v2 =	vld.idx.msk [tilespmem:v3+s2+$0x0], $0xffff  }
0x791: {  	v3 =	vadd.s32 s1, v1;
	_ =	sdelay $0x3  }
0x792: {  	[tilespmem:s24+$0xFFFFFE00] =	vst v2  }
0x793: {  	s10 =	sadd.s32 $0xFFFFFB80, s23;
	v2 =	vld.idx.msk [tilespmem:v3+s2+$0x0], $0xffff  }
0x794: {  	v3 =	vadd.s32 s10, v1;
	_ =	sdelay $0x3  }
0x795: {  	[tilespmem:s24+$0xFFFFFE80] =	vst v2  }
0x796: {  	s12 =	sadd.s32 $0xFFFFFC00, s23;
	v2 =	vld.idx.msk [tilespmem:v3+s2+$0x0], $0xffff  }
0x797: {  	v3 =	vadd.s32 s12, v1;
	_ =	sdelay $0x3  }
0x798: {  	[tilespmem:s24+$0xFFFFFF00] =	vst v2  }
0x799: {  	s18 =	sadd.s32 $0xFFFFFC80, s23;
	v2 =	vld.idx.msk [tilespmem:v3+s2+$0x0], $0xffff  }
0x79a: {  	v3 =	vadd.s32 s18, v1;
	_ =	sdelay $0x3  }
0x79b: {  	[tilespmem:s24+$0xFFFFFF80] =	vst v2  }
0x79c: {  	s19 =	sadd.s32 $0xFFFFFD00, s23;
	v2 =	vld.idx.msk [tilespmem:v3+s2+$0x0], $0xffff  }
0x79d: {  	v3 =	vadd.s32 s19, v1;
	_ =	sdelay $0x3  }
0x79e: {  	[tilespmem:s24+$0x0] =	vst v2  }
0x79f: {  	s26 =	sadd.s32 $0xFFFFFD80, s23;
	v2 =	vld.idx.msk [tilespmem:v3+s2+$0x0], $0xffff  }
0x7a0: {  	v3 =	vadd.s32 s26, v1;
	_ =	sdelay $0x3  }
0x7a1: {  	[tilespmem:s24+$0x80] =	vst v2  }
0x7a2: {  	s28 =	sadd.s32 $0xFFFFFE00, s23;
	v2 =	vld.idx.msk [tilespmem:v3+s2+$0x0], $0xffff  }
0x7a3: {  	v3 =	vadd.s32 s28, v1;
	_ =	sdelay $0x3  }
0x7a4: {  	[tilespmem:s24+$0x100] =	vst v2  }
0x7a5: {  	s29 =	sadd.s32 $0xFFFFFE80, s23;
	v2 =	vld.idx.msk [tilespmem:v3+s2+$0x0], $0xffff  }
0x7a6: {  	v3 =	vadd.s32 s29, v1;
	_ =	sdelay $0x3  }
0x7a7: {  	[tilespmem:s24+$0x180] =	vst v2  }
0x7a8: {  	s30 =	sadd.s32 $0xFFFFFF00, s23;
	v2 =	vld.idx.msk [tilespmem:v3+s2+$0x0], $0xffff  }
0x7a9: {  	v3 =	vadd.s32 s30, v1;
	_ =	sdelay $0x3  }
0x7aa: {  	[tilespmem:s24+$0x200] =	vst v2  }
0x7ab: {  	s31 =	sadd.s32 $0xFFFFFF80, s23;
	v2 =	vld.idx.msk [tilespmem:v3+s2+$0x0], $0xffff  }
0x7ac: {  	v3 =	vadd.s32 s31, v1;
	_ =	sdelay $0x3  }
0x7ad: {  	[tilespmem:s24+$0x280] =	vst v2  }
0x7ae: {  	v2 =	vld.idx.msk [tilespmem:v3+s2+$0x0], $0xffff  }
0x7af: {  	v1 =	vadd.s32 s23, v1;
	_ =	sdelay $0x3  }
0x7b0: {  	s22 =	sadd.s32 $0x1, s22;
	[tilespmem:s24+$0x300] =	vst v2  }
0x7b1: {  	p1 =	sne.s32 s22, $0x8;
	v1 =	vld.idx.msk [tilespmem:v1+s2+$0x0], $0xffff  }
.Ltmp16:
0x7b2: {  	_ = 	snop;
	(pc) =	sbr.rel @p1 .LBB2_29-.Ltmp16, $2  }
0x7b3: {  	_ =	sdelay $0x2  }
0x7b4: {  	s21 =	sadd.s32 $0x10, s21;
	[tilespmem:s24+$0x380] =	vst v1  }
0x7b5: {  	s6 =	sadd.s32 $0x1, s6  }
0x7b6: {  	s20 =	sshll.u32 s20, $0x7;
	p1 =	sne.s32 s6, $0x4  }
.Ltmp17:
0x7b7: {  	s20 =	sadd.s32 s20, s14;
	(pc) =	sbr.rel @p1 .LBB2_28-.Ltmp17, $4  }
0x7b8: {  	[hbm4b:s20+s16] =	stream.strided.scatter [tilespmem:s4], [sflag:$0x3], $0x8000, s9, s16, $0x38;
	[tilespmem:$0x16C80] =	vst v63  }
0x7b9: {  	_ =	swait.ge [sflag:s3], $0x8000  }
0x7ba: {  	[sflag:s3] =	ssyncset.done $0x0  }
0x7bb: {  	[sflag:s3] =	ssyncadd.s32 $0xFFFF8000  }
0x7bc: {  	s0 =	simm.s32 $0x1  }
0x7bd: {  	_ =	swait.ge [sflag:s0], $0x4000  }
0x7be: {  	[sflag:s0] =	ssyncset.done $0x0  }
0x7bf: {  	s22 =	simm.s32 $0xA400;
	s6 =	rddreg [dreg:$0x15];
	[sflag:s0] =	ssyncadd.s32 $0xFFFFC000  }
0x7c0: {  	[hbm4b:s6+s2] =	stream.linear.scatter [tilespmem:s22], [sflag:$0x4], $0x4000, $0x38;
	[tilespmem:$0x16C80] =	vst v63  }
.Ltmp18:
0x7c1: {  	s31 =	simm.s32 $0x4;
	(pc) =	sbr.rel @p0 .LBB2_35-.Ltmp18, $4  }
0x7c2: {  	_ =	swait.ge [sflag:s31], $0x4000  }
0x7c3: {  	s18 =	sld [smem:$0x7F5]  }
0x7c4: {  	[sflag:s31] =	ssyncset.done $0x0  }
0x7c5: {  	s26 =	rddreg [dreg:$0x9];
	[sflag:s31] =	ssyncadd.s32 $0xFFFFC000  }
0x7c6: {  	s6 =	rddreg [dreg:$0x16];
	s1 =	simm.s32 $0xE400;
	s20 =	simm.s32 $0x4  }
0x7c7: {  	[tilespmem:s1], [sflag:$0x4] =	stream.linear.gather [hbm4b:s6+s2], $0x80, $0x38;
	[tilespmem:$0x16C80] =	vst v63  }
0x7c8: {  	_ =	swait.ge [sflag:s20], $0x80  }
0x7c9: {  	[sflag:s20] =	ssyncset.done $0x0  }
0x7ca: {  	[sflag:s20] =	ssyncadd.s32 $0xFFFFFF80  }
0x7cb: {  	v0 =	vld [tilespmem:$0xE400]  }
0x7cc: {  	v1 =	vld [tilespmem:$0xE410]  }
0x7cd: {  	v2 =	vld [tilespmem:$0xE420]  }
0x7ce: {  	v3 =	vld [tilespmem:$0xE430]  }
0x7cf: {  	v4 =	vld [tilespmem:$0xE440]  }
0x7d0: {  	v6 =	vld [tilespmem:$0xE450];
	v5 =	vshrl.u32 v0, $0x7  }
0x7d1: {  	v8 =	vld [tilespmem:$0xE460];
	v7 =	vshrl.u32 v1, $0x7;
	v5 =	vmul.u32 $0x380, v5  }
0x7d2: {  	v10 =	vld [tilespmem:$0xE470];
	v9 =	vshrl.u32 v2, $0x7;
	v7 =	vmul.u32 $0x380, v7  }
0x7d3: {  	v47 =	vshrl.u32 v3, $0x7;
	v46 =	vmul.u32 $0x380, v9;
	v0 =	vadd.s32 v0, v5  }
0x7d4: {  	v50 =	vshrl.u32 v4, $0x7;
	v49 =	vmul.u32 $0x380, v47;
	v48 =	vadd.s32 v1, v7;
	[tilespmem:$0xE400] =	vst v0  }
0x7d5: {  	v53 =	vshrl.u32 v6, $0x7;
	v52 =	vmul.u32 $0x380, v50;
	v51 =	vadd.s32 v2, v46;
	[tilespmem:$0xE410] =	vst v48  }
0x7d6: {  	v56 =	vshrl.u32 v8, $0x7;
	v55 =	vmul.u32 $0x380, v53;
	v54 =	vadd.s32 v3, v49;
	[tilespmem:$0xE420] =	vst v51  }
0x7d7: {  	v59 =	vshrl.u32 v10, $0x7;
	v58 =	vmul.u32 $0x380, v56;
	v57 =	vadd.s32 v4, v52;
	[tilespmem:$0xE430] =	vst v54  }
0x7d8: {  	v61 =	vmul.u32 $0x380, v59;
	v60 =	vadd.s32 v6, v55;
	[tilespmem:$0xE440] =	vst v57  }
0x7d9: {  	v62 =	vadd.s32 v8, v58;
	[tilespmem:$0xE450] =	vst v60  }
0x7da: {  	v63 =	vadd.s32 v10, v61;
	[tilespmem:$0xE460] =	vst v62  }
0x7db: {  	s10 =	simm.s32 $0xE480;
	s31 =	rddreg [dreg:$0x19];
	[tilespmem:$0xE470] =	vst v63  }
0x7dc: {  	[tilespmem:s10], [sflag:$0x2] =	stream.indirect.gather [hbm4b:s26+s7], $0x1, s1, s7, $0xb8;
	[tilespmem:$0x16C80] =	vst v63  }
0x7dd: {  	s0 =	simm.s32 $0xE500;
	s12 =	rddreg [dreg:$0x1a]  }
0x7de: {  	[tilespmem:s0], [sflag:$0x2] =	stream.indirect.gather [hbm4b:s31+s7], $0x1, s1, s7, $0xb8;
	[tilespmem:$0x16C80] =	vst v63  }
0x7df: {  	s19 =	simm.s32 $0xE580;
	s21 =	rddreg [dreg:$0x1b]  }
0x7e0: {  	[tilespmem:s19], [sflag:$0x2] =	stream.indirect.gather [hbm4b:s12+s7], $0x1, s1, s7, $0xb8;
	[tilespmem:$0x16C80] =	vst v63  }
0x7e1: {  	s23 =	simm.s32 $0xE600;
	s24 =	rddreg [dreg:$0x1c]  }
0x7e2: {  	[tilespmem:s23], [sflag:$0x2] =	stream.indirect.gather [hbm4b:s21+s7], $0x1, s1, s7, $0xb8;
	[tilespmem:$0x16C80] =	vst v63  }
0x7e3: {  	s25 =	simm.s32 $0xE680;
	s28 =	rddreg [dreg:$0x1d]  }
0x7e4: {  	[tilespmem:s25], [sflag:$0x2] =	stream.indirect.gather [hbm4b:s24+s7], $0x1, s1, s7, $0xb8;
	[tilespmem:$0x16C80] =	vst v63  }
0x7e5: {  	s29 =	simm.s32 $0xE700;
	s30 =	rddreg [dreg:$0x1e]  }
0x7e6: {  	[tilespmem:s29], [sflag:$0x2] =	stream.indirect.gather [hbm4b:s28+s7], $0x1, s1, s7, $0xb8;
	[tilespmem:$0x16C80] =	vst v63  }
0x7e7: {  	s31 =	simm.s32 $0xE780;
	s0 =	sld [smem:$0x7F6]  }
0x7e8: {  	[tilespmem:s31], [sflag:$0x2] =	stream.indirect.gather [hbm4b:s30+s7], $0x1, s1, s7, $0xb8;
	[tilespmem:$0x16C80] =	vst v63  }
0x7e9: {  	s12 =	simm.s32 $0xE800;
	s19 =	rddreg [dreg:$0xc]  }
0x7ea: {  	[tilespmem:s12], [sflag:$0x2] =	stream.indirect.gather [hbm4b:s0+s7], $0x1, s1, s7, $0xb8;
	[tilespmem:$0x16C80] =	vst v63  }
0x7eb: {  	s21 =	sld [smem:$0x7F7];
	s12 =	simm.s32 $0xE880  }
0x7ec: {  	[tilespmem:s12], [sflag:$0x2] =	stream.indirect.gather [hbm4b:s19+s7], $0x1, s1, s7, $0xb8;
	[tilespmem:$0x16C80] =	vst v63  }
0x7ed: {  	s23 =	simm.s32 $0xE900;
	s24 =	sld [smem:$0x7F8]  }
0x7ee: {  	[tilespmem:s23], [sflag:$0x2] =	stream.indirect.gather [hbm4b:s21+s7], $0x1, s1, s7, $0xb8;
	[tilespmem:$0x16C80] =	vst v63  }
0x7ef: {  	s25 =	simm.s32 $0xE980;
	s28 =	sld [smem:$0x7F9]  }
0x7f0: {  	[tilespmem:s25], [sflag:$0x2] =	stream.indirect.gather [hbm4b:s24+s7], $0x1, s1, s7, $0xb8;
	[tilespmem:$0x16C80] =	vst v63  }
0x7f1: {  	s29 =	simm.s32 $0xEA00;
	s30 =	sld [smem:$0x7FA]  }
0x7f2: {  	[tilespmem:s29], [sflag:$0x2] =	stream.indirect.gather [hbm4b:s28+s7], $0x1, s1, s7, $0xb8;
	[tilespmem:$0x16C80] =	vst v63  }
0x7f3: {  	s31 =	simm.s32 $0xEA80;
	s19 =	sld [smem:$0x7FB]  }
0x7f4: {  	[tilespmem:s31], [sflag:$0x2] =	stream.indirect.gather [hbm4b:s30+s7], $0x1, s1, s7, $0xb8;
	[tilespmem:$0x16C80] =	vst v63  }
0x7f5: {  	s21 =	simm.s32 $0xEB00;
	s23 =	sld [smem:$0x7FC]  }
0x7f6: {  	[tilespmem:s21], [sflag:$0x2] =	stream.indirect.gather [hbm4b:s19+s7], $0x1, s1, s7, $0xb8;
	[tilespmem:$0x16C80] =	vst v63  }
0x7f7: {  	s24 =	simm.s32 $0xEB80;
	s25 =	sld [smem:$0x7FD]  }
0x7f8: {  	[tilespmem:s24], [sflag:$0x2] =	stream.indirect.gather [hbm4b:s23+s7], $0x1, s1, s7, $0xb8;
	[tilespmem:$0x16C80] =	vst v63  }
0x7f9: {  	s28 =	simm.s32 $0xEC00;
	s29 =	simm.s32 $0x2  }
0x7fa: {  	[tilespmem:s28], [sflag:$0x2] =	stream.indirect.gather [hbm4b:s25+s7], $0x1, s1, s7, $0xb8;
	[tilespmem:$0x16C80] =	vst v63  }
0x7fb: {  	_ =	swait.ge [sflag:s29], $0x400  }
0x7fc: {  	[sflag:s29] =	ssyncset.done $0x0  }
0x7fd: {  	[sflag:s29] =	ssyncadd.s32 $0xFFFFFC00  }
0x7fe: {  	_ =	swait.ge [sflag:s29], $0x400  }
0x7ff: {  	[sflag:s29] =	ssyncset.done $0x0  }
0x800: {  	s30 =	rddreg [dreg:$0x17];
	[sflag:s29] =	ssyncadd.s32 $0xFFFFFC00  }
0x801: {  	[hbm4b:s30+s2] =	stream.linear.scatter [tilespmem:s10], [sflag:$0x4], $0x400, $0x38;
	[tilespmem:$0x16C80] =	vst v63  }
0x802: {  	_ =	swait.ge [sflag:s20], $0x400  }
0x803: {  	[sflag:s20] =	ssyncset.done $0x0  }
.Ltmp19:
0x804: {  	s31 =	rddreg [dreg:$0x1f];
	[sflag:s20] =	ssyncadd.s32 $0xFFFFFC00;
	(pc) =	sbr.rel .LBB2_35-.Ltmp19, $4  }
0x805: {  	[hbm4b:s31+s2] =	stream.linear.scatter [tilespmem:s12], [sflag:$0x4], $0x400, $0x38;
	[tilespmem:$0x16C80] =	vst v63  }
0x806: {  	_ =	swait.ge [sflag:s20], $0x400  }
0x807: {  	[sflag:s20] =	ssyncset.done $0x0  }
0x808: {  	[sflag:s20] =	ssyncadd.s32 $0xFFFFFC00  }
.LBB2_36:
0x809: {  	_ =	sfence.sel $0x180000  }
0x80a: {  	[bflag:$0x0] =	sbarrier.arrive $0xFFFF  }
0x80b: {  	_ =	strace $0x9000004A  }
0x80c: {  	s0 =	stileid.u32;
	[bflag:$0x2] =	sbarrier.arrive $0xFFFF  }
0x80d: {  	p0 =	sne.s32 s0, $0x0;
	s0 =	rddreg [dreg:$0x8]  }
0x80e: {  	s0 =	sadd.s32 @!p0 $0x100000, s0  }
0x80f: {  	[sflag:s0] =	ssyncadd.tile.s32 @!p0 $0x1;
	_ =	shalt  }
.Lfunc_end2:
_tile_overlayer_lowered:
.L_overlay_start_2:
0x810: {  	(tag) =	ssettag $0x2  }
0x811: {  	s0 =	rddreg [dreg:$0x0];
	s2 =	stileid.u32  }
0x812: {  	s1 =	rddreg [dreg:$0x1];
	p0 =	sne.s32 s2, $0x0  }
0x813: {  	s3 =	rddreg [dreg:$0x2];
	[bflag:$0x3] =	sbarrier.arrive $0xFFFF;
	s2 =	simm.s32 @!p0 $0x1C04  }
0x814: {  	[timem:s3], [sflag:s2] =	dma.local @!p0 [hbm:s0], s1  }
0x815: {  	s0 =	simm.s32 @!p0 $0x4  }
0x816: {  	_ =	swait.ge @!p0 [sflag:s0], s1  }
0x817: {  	s1 =	ssub.s32 @!p0 $0x0, s1;
	[sflag:s0] =	ssyncset.done @!p0 $0x0  }
0x818: {  	[sflag:s0] =	ssyncadd.s32 @!p0 s1  }
0x819: {  	[bflag:$0x3] =	sbarrier.arrive $0xFFFF  }
0x81a: {  	_ =	shalt  }

</sc_bundles>
